<compile_context>
chip_gen: v7x
topology: tpu7x:2x2x1
jax: 0.10.2.dev20260603
libtpu: 0.0.44.dev20260713+nightly
codegen_flags: <defaults>
</compile_context>

<pallas_src>
import functools

import jax
import jax.numpy as jnp
from jax import lax
from jax.experimental import pallas as pl
from jax.experimental.pallas import tpu as pltpu
from jax.experimental.pallas import tpu_sc as plsc

N = 10000
E = 160000
NTILES = 16
F32 = jnp.float32
I32 = jnp.int32


_BN1 = 2000


def _tc1_body(x_ref, xt_ref, w1_ref, ast_ref, adt_ref, h1_ref, asp_ref, adp_ref):
    xb = x_ref[...]
    h1_ref[0] = jnp.dot(xb, w1_ref[0], precision=lax.Precision.HIGHEST,
                        preferred_element_type=F32)

    @pl.when((pl.program_id(1) == 0) & (pl.program_id(0) % 2 == 0))
    def _():
        xt = xt_ref[...]
        asp_ref[0] = jnp.dot(ast_ref[0], xt, precision=lax.Precision.HIGHEST,
                             preferred_element_type=F32)
        adp_ref[0] = jnp.dot(adt_ref[0], xt, precision=lax.Precision.HIGHEST,
                             preferred_element_type=F32)


def _tc1(x, xt, W1, AsT, AdT):
    nb = N // _BN1
    return pl.pallas_call(
        _tc1_body,
        grid=(4, nb),
        in_specs=[
            pl.BlockSpec((_BN1, 15), lambda h, i: (i, 0)),
            pl.BlockSpec((15, N), lambda h, i: (0, 0)),
            pl.BlockSpec((1, 15, 64), lambda h, i: (h, 0, 0)),
            pl.BlockSpec((1, 2, 15), lambda h, i: (h // 2, 0, 0)),
            pl.BlockSpec((1, 2, 15), lambda h, i: (h // 2, 0, 0)),
        ],
        out_specs=[
            pl.BlockSpec((1, _BN1, 64), lambda h, i: (h, i, 0)),
            pl.BlockSpec((1, 2, N), lambda h, i: (h // 2, 0, 0)),
            pl.BlockSpec((1, 2, N), lambda h, i: (h // 2, 0, 0)),
        ],
        out_shape=[
            jax.ShapeDtypeStruct((4, N, 64), F32),
            jax.ShapeDtypeStruct((2, 2, N), F32),
            jax.ShapeDtypeStruct((2, 2, N), F32),
        ],
    )(x, xt, W1, AsT, AdT)



_KA = 400
_EPT_A = E // NTILES
_NCH_A = _EPT_A // _KA
_ROWS_T = N // NTILES


def _full16(v):
    return jnp.full((16,), v, I32)


def _lrelu(v):
    return jnp.where(v > 0, v, 0.2 * v)


def _zero_rows(ref, nrows, ncols):
    z = jnp.zeros((16,), F32)

    def body(r, _):
        for k in range(ncols // 16):
            ref[r, pl.ds(16 * k, 16)] = z
        return 0

    lax.fori_loop(0, nrows, body, 0)


def _bcast_max(v, tmp16):
    iota = lax.iota(I32, 16)
    for sh in (1, 2, 4, 8):
        tmp16[...] = v
        v = jnp.maximum(v, plsc.load_gather(tmp16, [jnp.bitwise_xor(iota, sh)]))
    return v


def _table_max(tab_ref, row, n, tmp16):

    def body(i, acc):
        return jnp.maximum(acc, tab_ref[row, pl.ds(16 * i, 16)])

    acc = lax.fori_loop(0, n // 16, body, jnp.full((16,), -jnp.inf, F32))
    return _bcast_max(acc, tmp16)


def _sca_body(h1_hbm, asp_hbm, adp_hbm, src_hbm, dst_hbm, srcoff_hbm,
              m_hbm, den_hbm,
              as_t, ad_t, src_c, dst_c, srcoff_c, buf, exb, tmp16, acc_sp,
              den_sp, sem):
    c = lax.axis_index("c")
    s = lax.axis_index("s")

    pltpu.sync_copy(asp_hbm.at[c], as_t)
    pltpu.sync_copy(adp_hbm.at[c], ad_t)

    ebase = s * _EPT_A
    base_r = s * 1000
    iota = lax.iota(I32, 16)

    for j in range(2):
        cj = _lrelu(_table_max(as_t, j, N, tmp16)
                    + _table_max(ad_t, j, N, tmp16))
        rowoff = (2 * c + j) * N

        _zero_rows(buf, _KA, 64)
        _zero_rows(exb, _KA, 8)

        @pl.when(s < 10)
        def _():
            for (o, nr) in ((0, 400), (400, 400), (800, 200)):
                pltpu.sync_copy(buf.at[pl.ds(0, nr)],
                                acc_sp.at[pl.ds(base_r + o, nr)])
                pltpu.sync_copy(exb.at[pl.ds(0, nr)],
                                den_sp.at[pl.ds(base_r + o, nr)])

        plsc.subcore_barrier()

        def chunk(g, _):
            off = ebase + g * _KA
            pltpu.sync_copy(src_hbm.at[pl.ds(off, _KA)], src_c)
            pltpu.sync_copy(dst_hbm.at[pl.ds(off, _KA)], dst_c)
            pltpu.sync_copy(srcoff_hbm.at[pl.ds((2 * c + j) * E + off, _KA)],
                            srcoff_c)

            pltpu.async_copy(h1_hbm.at[srcoff_c], buf, sem).wait()

            def group(i, _):
                srcv = src_c[pl.ds(16 * i, 16)]
                dstv = dst_c[pl.ds(16 * i, 16)]
                rows = iota + 16 * i
                a0 = plsc.load_gather(as_t, [_full16(j), srcv])
                d0 = plsc.load_gather(ad_t, [_full16(j), dstv])
                ex = jnp.exp(_lrelu(a0 + d0) - cj)
                plsc.store_scatter(exb, [rows, _full16(0)], ex)
                for e in range(16):
                    be = 16 * i + e
                    b0 = jnp.full((16,), ex[e])
                    for q in range(4):
                        buf[be, pl.ds(16 * q, 16)] = (
                            buf[be, pl.ds(16 * q, 16)] * b0)
                return 0

            lax.fori_loop(0, _KA // 16, group, 0)

            pltpu.sync_copy(buf, acc_sp.at[dst_c], add=True)
            pltpu.sync_copy(exb, den_sp.at[dst_c], add=True)
            return 0

        lax.fori_loop(0, _NCH_A, chunk, 0)
        plsc.subcore_barrier()

        out_r = rowoff + base_r

        @pl.when(s < 10)
        def _():
            for (o, nr) in ((0, 400), (400, 400), (800, 200)):
                pltpu.sync_copy(acc_sp.at[pl.ds(base_r + o, nr)],
                                buf.at[pl.ds(0, nr)])
                pltpu.sync_copy(buf.at[pl.ds(0, nr)],
                                m_hbm.at[pl.ds(out_r + o, nr)])
                pltpu.sync_copy(den_sp.at[pl.ds(base_r + o, nr)],
                                exb.at[pl.ds(0, nr)])
                pltpu.sync_copy(exb.at[pl.ds(0, nr)],
                                den_hbm.at[pl.ds(out_r + o, nr)])

        plsc.subcore_barrier()


def _sca(h1flat, asp, adp, src, dst, srcoff4):
    mesh = plsc.VectorSubcoreMesh(core_axis_name="c", subcore_axis_name="s", num_cores=2, num_subcores=16)
    f = pl.kernel(
        _sca_body,
        out_type=[
            jax.ShapeDtypeStruct((4 * N, 64), F32),
            jax.ShapeDtypeStruct((4 * N, 8), F32),
        ],
        mesh=mesh,
        compiler_params=pltpu.CompilerParams(needs_layout_passes=False,
                                             use_tc_tiling_on_sc=False),
        scratch_types=[
            pltpu.VMEM((2, N), F32),
            pltpu.VMEM((2, N), F32),
            pltpu.VMEM((_KA,), I32),
            pltpu.VMEM((_KA,), I32),
            pltpu.VMEM((_KA,), I32),
            pltpu.VMEM((_KA, 64), F32),
            pltpu.VMEM((_KA, 8), F32),
            pltpu.VMEM((16,), F32),
            pltpu.VMEM_SHARED((N, 64), F32),
            pltpu.VMEM_SHARED((N, 8), F32),
            pltpu.SemaphoreType.DMA,
        ],
    )
    return f(h1flat, asp, adp, src, dst, srcoff4)



_BN2 = 400


def _tc2_body(m_ref, den_ref, b1_ref, w2_ref, att2_ref, h2_ref, a2_ref):
    b1 = b1_ref[...]
    feats = []
    for h in range(4):
        mh = m_ref[h]
        dh = den_ref[h, :, 0:1]
        denr = jnp.repeat(dh, 64, axis=1)
        o = jnp.where(denr > 0, mh / denr, 0.0) + b1[:, 64 * h:64 * (h + 1)]
        feats.append(jnp.where(o > 0, o, jnp.exp(o) - 1.0))
    hfeat = jnp.concatenate(feats, axis=1)
    h2_ref[...] = jnp.dot(hfeat, w2_ref[...], precision=lax.Precision.HIGHEST,
                          preferred_element_type=F32)
    a2w = jnp.dot(w2_ref[...], att2_ref[...], precision=lax.Precision.HIGHEST,
                  preferred_element_type=F32)
    a2_ref[...] = jnp.dot(hfeat, a2w, precision=lax.Precision.HIGHEST,
                          preferred_element_type=F32)


def _tc2(M, den, b1, W2, attcat2):
    nb = N // _BN2
    return pl.pallas_call(
        _tc2_body,
        grid=(nb,),
        in_specs=[
            pl.BlockSpec((4, _BN2, 64), lambda i: (0, i, 0)),
            pl.BlockSpec((4, _BN2, 8), lambda i: (0, i, 0)),
            pl.BlockSpec((1, 256), lambda i: (0, 0)),
            pl.BlockSpec((256, 64), lambda i: (0, 0)),
            pl.BlockSpec((64, 2), lambda i: (0, 0)),
        ],
        out_specs=[
            pl.BlockSpec((_BN2, 64), lambda i: (i, 0)),
            pl.BlockSpec((_BN2, 2), lambda i: (i, 0)),
        ],
        out_shape=[
            jax.ShapeDtypeStruct((N, 64), F32),
            jax.ShapeDtypeStruct((N, 2), F32),
        ],
    )(M, den, b1, W2, attcat2)



_KB = 1000
_EPT_B = E // 32
_NCH_B = _EPT_B // _KB


def _a2_max(a2_t, col, tmp16):
    def body(i, acc):
        rows = lax.iota(I32, 16) + 16 * i
        return jnp.maximum(acc, plsc.load_gather(a2_t, [rows, _full16(col)]))

    acc = lax.fori_loop(0, N // 16, body, jnp.full((16,), -jnp.inf, F32))
    return _bcast_max(acc, tmp16)


def _zero_flat(ref, n):
    z = jnp.zeros((16,), F32)

    def body(i, _):
        ref[pl.ds(16 * i, 16)] = z
        return 0

    lax.fori_loop(0, n // 16, body, 0)
    if n % 16:
        iota = lax.iota(I32, 16)
        plsc.store_scatter(ref, [iota + (n - 16)], z,
                           mask=iota >= (16 - n % 16))


def _scb_body(a2_hbm, src_hbm, dst_hbm, den2_hbm,
              a2_t, src_c, dst_c, exb, tmp16, den_sp):
    c = lax.axis_index("c")
    s = lax.axis_index("s")
    pltpu.sync_copy(a2_hbm, a2_t)
    c2 = _lrelu(_a2_max(a2_t, 0, tmp16) + _a2_max(a2_t, 1, tmp16))

    _zero_flat(exb, _KB)

    @pl.when(s < 10)
    def _():
        pltpu.sync_copy(exb, den_sp.at[pl.ds(s * 1000, 1000)])

    plsc.subcore_barrier()

    wid = s * 2 + c
    ebase = wid * _EPT_B

    def chunk(g, _):
        off = ebase + g * _KB
        pltpu.sync_copy(src_hbm.at[pl.ds(off, _KB)], src_c)
        pltpu.sync_copy(dst_hbm.at[pl.ds(off, _KB)], dst_c)

        def group(i, _):
            srcv = src_c[pl.ds(16 * i, 16)]
            dstv = dst_c[pl.ds(16 * i, 16)]
            av = plsc.load_gather(a2_t, [srcv, _full16(0)])
            dv = plsc.load_gather(a2_t, [dstv, _full16(1)])
            exb[pl.ds(16 * i, 16)] = jnp.exp(_lrelu(av + dv) - c2)
            return 0

        lax.fori_loop(0, _KB // 16, group, 0)
        iota = lax.iota(I32, 16)
        rows = iota + (_KB - 16)
        srcv = plsc.load_gather(src_c, [rows])
        dstv = plsc.load_gather(dst_c, [rows])
        av = plsc.load_gather(a2_t, [srcv, _full16(0)])
        dv = plsc.load_gather(a2_t, [dstv, _full16(1)])
        plsc.store_scatter(exb, [rows], jnp.exp(_lrelu(av + dv) - c2),
                           mask=iota >= 8)
        pltpu.sync_copy(exb, den_sp.at[dst_c], add=True)
        return 0

    lax.fori_loop(0, _NCH_B, chunk, 0)
    plsc.subcore_barrier()

    @pl.when(s < 10)
    def _():
        pltpu.sync_copy(den_sp.at[pl.ds(s * 1000, 1000)], exb)
        pltpu.sync_copy(exb, den2_hbm.at[pl.ds(c * N + s * 1000, 1000)])


def _scb(a2, src, dst):
    mesh = plsc.VectorSubcoreMesh(core_axis_name="c", subcore_axis_name="s", num_cores=2, num_subcores=16)
    f = pl.kernel(
        _scb_body,
        out_type=jax.ShapeDtypeStruct((2 * N,), F32),
        mesh=mesh,
        compiler_params=pltpu.CompilerParams(needs_layout_passes=False,
                                             use_tc_tiling_on_sc=False),
        scratch_types=[
            pltpu.VMEM((N, 2), F32),
            pltpu.VMEM((_KB,), I32),
            pltpu.VMEM((_KB,), I32),
            pltpu.VMEM((_KB,), F32),
            pltpu.VMEM((16,), F32),
            pltpu.VMEM_SHARED((N,), F32),
        ],
    )
    return f(a2, src, dst)


def _scc_body(a2_hbm, den2_hbm, src_hbm, dst_hbm, w_hbm,
              a2_t, den2_t, dpart, src_c, dst_c, cb, tmp16, w_sp):
    c = lax.axis_index("c")
    s = lax.axis_index("s")
    pltpu.sync_copy(a2_hbm, a2_t)
    c2 = _lrelu(_a2_max(a2_t, 0, tmp16) + _a2_max(a2_t, 1, tmp16))

    pltpu.sync_copy(den2_hbm.at[pl.ds(0, N)], den2_t)
    pltpu.sync_copy(den2_hbm.at[pl.ds(N, N)], dpart)

    def addp(i, _):
        sl = pl.ds(16 * i, 16)
        den2_t[sl] = den2_t[sl] + dpart[sl]
        return 0

    lax.fori_loop(0, N // 16, addp, 0)

    _zero_flat(cb, _KB)

    @pl.when(s < 10)
    def _():
        pltpu.sync_copy(cb, w_sp.at[pl.ds(s * 1000, 1000)])

    plsc.subcore_barrier()

    wid = s * 2 + c
    ebase = wid * _EPT_B

    def chunk(g, _):
        off = ebase + g * _KB
        pltpu.sync_copy(src_hbm.at[pl.ds(off, _KB)], src_c)
        pltpu.sync_copy(dst_hbm.at[pl.ds(off, _KB)], dst_c)

        def group(i, _):
            srcv = src_c[pl.ds(16 * i, 16)]
            dstv = dst_c[pl.ds(16 * i, 16)]
            av = plsc.load_gather(a2_t, [srcv, _full16(0)])
            dv = plsc.load_gather(a2_t, [dstv, _full16(1)])
            ex = jnp.exp(_lrelu(av + dv) - c2)
            den = plsc.load_gather(den2_t, [dstv])
            cb[pl.ds(16 * i, 16)] = ex / den
            return 0

        lax.fori_loop(0, _KB // 16, group, 0)
        iota = lax.iota(I32, 16)
        rows = iota + (_KB - 16)
        srcv = plsc.load_gather(src_c, [rows])
        dstv = plsc.load_gather(dst_c, [rows])
        av = plsc.load_gather(a2_t, [srcv, _full16(0)])
        dv = plsc.load_gather(a2_t, [dstv, _full16(1)])
        ex = jnp.exp(_lrelu(av + dv) - c2)
        den = plsc.load_gather(den2_t, [dstv])
        plsc.store_scatter(cb, [rows], ex / den, mask=iota >= 8)
        pltpu.sync_copy(cb, w_sp.at[src_c], add=True)
        return 0

    lax.fori_loop(0, _NCH_B, chunk, 0)
    plsc.subcore_barrier()

    @pl.when(s < 10)
    def _():
        pltpu.sync_copy(w_sp.at[pl.ds(s * 1000, 1000)], cb)
        pltpu.sync_copy(cb, w_hbm.at[pl.ds(c * N + s * 1000, 1000)])


def _scc(a2, den2, src, dst):
    mesh = plsc.VectorSubcoreMesh(core_axis_name="c", subcore_axis_name="s", num_cores=2, num_subcores=16)
    f = pl.kernel(
        _scc_body,
        out_type=jax.ShapeDtypeStruct((2 * N,), F32),
        mesh=mesh,
        compiler_params=pltpu.CompilerParams(needs_layout_passes=False,
                                             use_tc_tiling_on_sc=False),
        scratch_types=[
            pltpu.VMEM((N, 2), F32),
            pltpu.VMEM((N,), F32),
            pltpu.VMEM((N,), F32),
            pltpu.VMEM((_KB,), I32),
            pltpu.VMEM((_KB,), I32),
            pltpu.VMEM((_KB,), F32),
            pltpu.VMEM((16,), F32),
            pltpu.VMEM_SHARED((N,), F32),
        ],
    )
    return f(a2, den2, src, dst)




def _tc3_body(h2_ref, w_ref, b2_ref, sp_ref, wa_ref, ba_ref, wb_ref, bb_ref,
              wc_ref, bc_ref, o_ref):
    w = (w_ref[0:1, :] + w_ref[1:2, :])
    ge = jnp.dot(w, h2_ref[...], precision=lax.Precision.HIGHEST,
                 preferred_element_type=F32) / float(N) + b2_ref[...]
    cc = jnp.concatenate([ge, sp_ref[...]], axis=1)
    m = jnp.dot(cc, wa_ref[...], precision=lax.Precision.HIGHEST,
                preferred_element_type=F32) + ba_ref[...]
    m = jnp.maximum(m, 0.0)
    m = jnp.dot(m, wb_ref[...], precision=lax.Precision.HIGHEST,
                preferred_element_type=F32) + bb_ref[...]
    m = jnp.maximum(m, 0.0)
    o = jnp.dot(m, wc_ref[...], precision=lax.Precision.HIGHEST,
                preferred_element_type=F32) + bc_ref[...]
    o_ref[...] = 1.0 / (1.0 + jnp.exp(-o))


def _tc3(h2, wpart, b2, sp, Wa, ba, Wb, bb, Wc, bc):
    return pl.pallas_call(
        _tc3_body,
        out_shape=jax.ShapeDtypeStruct((1, 1), F32),
    )(h2, wpart, b2, sp, Wa, ba, Wb, bb, Wc, bc)






def kernel(x, edge_index, species, W1, att_src1, att_dst1, b1, W2, att_src2,
           att_dst2, b2, species_table, Wa, ba, Wb, bb, Wc, bc):
    src = edge_index[0]
    dst = edge_index[1]

    As1 = jnp.einsum("khc,hc->kh", W1.reshape(15, 4, 64), att_src1)
    Ad1 = jnp.einsum("khc,hc->kh", W1.reshape(15, 4, 64), att_dst1)
    AsT = As1.T.reshape(2, 2, 15)
    AdT = Ad1.T.reshape(2, 2, 15)

    W1h = W1.reshape(15, 4, 64).transpose(1, 0, 2)
    h1p, asp, adp = _tc1(x, x.T, W1h, AsT, AdT)

    srcoff4 = (src[None, :]
               + (jnp.arange(4, dtype=I32) * N)[:, None]).reshape(4 * E)
    Mflat, denflat = _sca(h1p.reshape(4 * N, 64), asp, adp, src, dst, srcoff4)
    M = Mflat.reshape(4, N, 64)
    den = denflat.reshape(4, N, 8)

    attcat2 = jnp.stack([att_src2[0], att_dst2[0]], axis=1)
    h2, a2 = _tc2(M, den, b1.reshape(1, 256), W2, attcat2)

    den2 = _scb(a2, src, dst)
    wflat = _scc(a2, den2, src, dst)

    sp = species_table[species][None, :]
    out = _tc3(h2, wflat.reshape(2, N), b2.reshape(1, 64), sp,
               Wa, ba.reshape(1, 128), Wb, bb.reshape(1, 64), Wc,
               bc.reshape(1, 1))
    return out.reshape(1)

# --- scband reference (transcript-rebuilt; emitter-appended) ---
"""Pipeline reference for scband-meta-mlp-15238543966334 (READ-ONLY COPY).

The authoritative reference and input builder live on the scoring server;
editing this copy changes nothing except your own understanding.
"""

import jax, jax.numpy as jnp
import numpy as np

N_NODES = 10000
N_EDGES = 160000
N_SPECIES = 1000


def gat_conv(x, src, dst, W, att_src, att_dst, bias, heads, out_ch):
    N = x.shape[0]
    h = (x @ W).reshape(N, heads, out_ch)
    a_s = (h * att_src[None, :, :]).sum(-1)
    a_d = (h * att_dst[None, :, :]).sum(-1)
    alpha = jax.nn.leaky_relu(a_s[src] + a_d[dst], negative_slope=0.2)
    amax = jax.ops.segment_max(alpha, dst, num_segments=N)
    amax = jnp.where(jnp.isfinite(amax), amax, 0.0)
    ex = jnp.exp(alpha - amax[dst])
    denom = jax.ops.segment_sum(ex, dst, num_segments=N)
    coef = ex / (denom[dst] + 1e-16)
    out = jax.ops.segment_sum(h[src] * coef[:, :, None], dst, num_segments=N)
    return out.reshape(N, heads * out_ch) + bias


def setup_inputs(seed: int = 0):
    key = jax.random.key(seed)
    ks = jax.random.split(key, 16)
    x = jax.random.normal(ks[0], (N_NODES, 15), dtype=jnp.float32)
    edge_index = jax.random.randint(ks[1], (2, N_EDGES), 0, N_NODES, dtype=jnp.int32)
    W1 = jax.random.normal(ks[2], (15, 4 * 64), dtype=jnp.float32) * 0.25
    att_src1 = jax.random.normal(ks[3], (4, 64), dtype=jnp.float32) * 0.1
    att_dst1 = jax.random.normal(ks[4], (4, 64), dtype=jnp.float32) * 0.1
    b1 = jnp.zeros((4 * 64,), dtype=jnp.float32)
    W2 = jax.random.normal(ks[5], (256, 64), dtype=jnp.float32) * 0.0625
    att_src2 = jax.random.normal(ks[6], (1, 64), dtype=jnp.float32) * 0.1
    att_dst2 = jax.random.normal(ks[7], (1, 64), dtype=jnp.float32) * 0.1
    b2 = jnp.zeros((64,), dtype=jnp.float32)
    species_table = jax.random.normal(ks[8], (N_SPECIES, 32), dtype=jnp.float32) * 0.1
    Wa = jax.random.normal(ks[9], (96, 128), dtype=jnp.float32) * 0.1
    ba = jnp.zeros((128,), dtype=jnp.float32)
    Wb = jax.random.normal(ks[10], (128, 64), dtype=jnp.float32) * 0.1
    bb = jnp.zeros((64,), dtype=jnp.float32)
    Wc = jax.random.normal(ks[11], (64, 1), dtype=jnp.float32) * 0.1
    bc = jnp.zeros((1,), dtype=jnp.float32)
    return {"x": x, "edge_index": edge_index, "species": 3,
            "W1": W1, "att_src1": att_src1, "att_dst1": att_dst1, "b1": b1,
            "W2": W2, "att_src2": att_src2, "att_dst2": att_dst2, "b2": b2,
            "species_table": species_table,
            "Wa": Wa, "ba": ba, "Wb": Wb, "bb": bb, "Wc": Wc, "bc": bc}


def reference(x, edge_index, species, W1, att_src1, att_dst1, b1, W2, att_src2, att_dst2, b2, species_table, Wa, ba, Wb, bb, Wc, bc):
    src = edge_index[0]
    dst = edge_index[1]
    h = jax.nn.elu(gat_conv(x, src, dst, W1, att_src1, att_dst1, b1, 4, 64))
    # dropout is identity in eval mode
    h = gat_conv(h, src, dst, W2, att_src2, att_dst2, b2, 1, 64)
    graph_emb = h.mean(axis=0)
    sp = species_table[species]
    c = jnp.concatenate([graph_emb, sp], axis=-1)
    m = jax.nn.relu(c @ Wa + ba)
    m = jax.nn.relu(m @ Wb + bb)
    return jax.nn.sigmoid(m @ Wc + bc)

if __name__ == "__main__":
    import jax
    _d = setup_inputs()
    print(jax.jit(kernel)(*tuple(_d.values())))

</pallas_src>

<mosaic_0001>
#map = affine_map<(d0, d1) -> (0, 0)>
#map1 = affine_map<(d0, d1) -> (0, 0, 0)>
#map2 = affine_map<(d0, d1) -> (0)>
module attributes {stable_mosaic.version = 14 : i64} {
  func.func @_sca_body(%arg0: i32, %arg1: i32, %arg2: memref<40000x64xf32, #tpu.memory_space<hbm>>, %arg3: memref<2x2x10000xf32, #tpu.memory_space<hbm>>, %arg4: memref<2x2x10000xf32, #tpu.memory_space<hbm>>, %arg5: memref<160000xi32, #tpu.memory_space<hbm>>, %arg6: memref<160000xi32, #tpu.memory_space<hbm>>, %arg7: memref<640000xi32, #tpu.memory_space<hbm>>, %arg8: memref<40000x64xf32, #tpu.memory_space<hbm>>, %arg9: memref<40000x8xf32, #tpu.memory_space<hbm>>, %arg10: memref<2x10000xf32, #tpu.memory_space<vmem>>, %arg11: memref<2x10000xf32, #tpu.memory_space<vmem>>, %arg12: memref<400xi32, #tpu.memory_space<vmem>>, %arg13: memref<400xi32, #tpu.memory_space<vmem>>, %arg14: memref<400xi32, #tpu.memory_space<vmem>>, %arg15: memref<400x64xf32, #tpu.memory_space<vmem>>, %arg16: memref<400x8xf32, #tpu.memory_space<vmem>>, %arg17: memref<16xf32, #tpu.memory_space<vmem>>, %arg18: memref<10000x64xf32, #tpu.memory_space<vmem_shared>>, %arg19: memref<10000x8xf32, #tpu.memory_space<vmem_shared>>, %arg20: memref<!tpu.dma_semaphore, #tpu.memory_space<semaphore_mem>>) attributes {dimension_semantics = [#tpu.dimension_semantics<core_parallel>, #tpu.dimension_semantics<subcore_parallel>], iteration_bounds = array<i64: 2, 16>, scalar_prefetch = 0 : i64, scratch_operands = 11 : i64, tpu.core_type = #tpu.core_type<sc_vector_subcore>, window_params = [{transform_indices = #map}, {transform_indices = #map1}, {transform_indices = #map1}, {transform_indices = #map2}, {transform_indices = #map2}, {transform_indices = #map2}, {transform_indices = #map}, {transform_indices = #map}]} {
    "tpu.region"() ({
      %run_scoped3A = tpu.sem_alloc : memref<!tpu.dma_semaphore, #tpu.memory_space<semaphore_mem>>
      %dma_start3A = arith.constant 0 : i32
      %dma_start3A_244 = arith.constant 0 : i32
      %dma_start3A_245 = tpu.memref_slice %arg3[%arg0, %dma_start3A, %dma_start3A_244] : memref<2x2x10000xf32, #tpu.memory_space<hbm>> -> memref<1x2x10000xf32, #tpu.memory_space<hbm>>
      %dma_start3A_246 = tpu.memref_squeeze %dma_start3A_245 : memref<1x2x10000xf32, #tpu.memory_space<hbm>> -> memref<2x10000xf32, #tpu.memory_space<hbm>>
      %dma_start3A_247 = arith.constant 0 : i32
      %dma_start3A_248 = arith.constant 0 : i32
      %dma_start3A_249 = tpu.memref_slice %arg3[%arg0, %dma_start3A_247, %dma_start3A_248] : memref<2x2x10000xf32, #tpu.memory_space<hbm>> -> memref<1x2x10000xf32, #tpu.memory_space<hbm>>
      %dma_start3A_250 = tpu.memref_squeeze %dma_start3A_249 : memref<1x2x10000xf32, #tpu.memory_space<hbm>> -> memref<2x10000xf32, #tpu.memory_space<hbm>>
      tpu.enqueue_dma source(%dma_start3A_250 : memref<2x10000xf32, #tpu.memory_space<hbm>>) target(%arg10 : memref<2x10000xf32, #tpu.memory_space<vmem>>) target_semaphore(%run_scoped3A : memref<!tpu.dma_semaphore, #tpu.memory_space<semaphore_mem>>)
      %dma_wait3A = arith.constant 0 : i32
      %dma_wait3A_251 = arith.constant 0 : i32
      %dma_wait3A_252 = tpu.memref_slice %arg3[%arg0, %dma_wait3A, %dma_wait3A_251] : memref<2x2x10000xf32, #tpu.memory_space<hbm>> -> memref<1x2x10000xf32, #tpu.memory_space<hbm>>
      %dma_wait3A_253 = tpu.memref_squeeze %dma_wait3A_252 : memref<1x2x10000xf32, #tpu.memory_space<hbm>> -> memref<2x10000xf32, #tpu.memory_space<hbm>>
      %dma_wait3A_254 = arith.constant 0 : i32
      %dma_wait3A_255 = arith.constant 0 : i32
      %dma_wait3A_256 = tpu.memref_slice %arg3[%arg0, %dma_wait3A_254, %dma_wait3A_255] : memref<2x2x10000xf32, #tpu.memory_space<hbm>> -> memref<1x2x10000xf32, #tpu.memory_space<hbm>>
      %dma_wait3A_257 = tpu.memref_squeeze %dma_wait3A_256 : memref<1x2x10000xf32, #tpu.memory_space<hbm>> -> memref<2x10000xf32, #tpu.memory_space<hbm>>
      tpu.wait_dma2 semaphore(%run_scoped3A : memref<!tpu.dma_semaphore, #tpu.memory_space<semaphore_mem>>) src(%dma_wait3A_257 : memref<2x10000xf32, #tpu.memory_space<hbm>>) dst(%arg10 : memref<2x10000xf32, #tpu.memory_space<vmem>>)
      tpu.yield
    }) : () -> ()
    "tpu.region"() ({
      %run_scoped3A = tpu.sem_alloc : memref<!tpu.dma_semaphore, #tpu.memory_space<semaphore_mem>>
      %dma_start3A = arith.constant 0 : i32
      %dma_start3A_244 = arith.constant 0 : i32
      %dma_start3A_245 = tpu.memref_slice %arg4[%arg0, %dma_start3A, %dma_start3A_244] : memref<2x2x10000xf32, #tpu.memory_space<hbm>> -> memref<1x2x10000xf32, #tpu.memory_space<hbm>>
      %dma_start3A_246 = tpu.memref_squeeze %dma_start3A_245 : memref<1x2x10000xf32, #tpu.memory_space<hbm>> -> memref<2x10000xf32, #tpu.memory_space<hbm>>
      %dma_start3A_247 = arith.constant 0 : i32
      %dma_start3A_248 = arith.constant 0 : i32
      %dma_start3A_249 = tpu.memref_slice %arg4[%arg0, %dma_start3A_247, %dma_start3A_248] : memref<2x2x10000xf32, #tpu.memory_space<hbm>> -> memref<1x2x10000xf32, #tpu.memory_space<hbm>>
      %dma_start3A_250 = tpu.memref_squeeze %dma_start3A_249 : memref<1x2x10000xf32, #tpu.memory_space<hbm>> -> memref<2x10000xf32, #tpu.memory_space<hbm>>
      tpu.enqueue_dma source(%dma_start3A_250 : memref<2x10000xf32, #tpu.memory_space<hbm>>) target(%arg11 : memref<2x10000xf32, #tpu.memory_space<vmem>>) target_semaphore(%run_scoped3A : memref<!tpu.dma_semaphore, #tpu.memory_space<semaphore_mem>>)
      %dma_wait3A = arith.constant 0 : i32
      %dma_wait3A_251 = arith.constant 0 : i32
      %dma_wait3A_252 = tpu.memref_slice %arg4[%arg0, %dma_wait3A, %dma_wait3A_251] : memref<2x2x10000xf32, #tpu.memory_space<hbm>> -> memref<1x2x10000xf32, #tpu.memory_space<hbm>>
      %dma_wait3A_253 = tpu.memref_squeeze %dma_wait3A_252 : memref<1x2x10000xf32, #tpu.memory_space<hbm>> -> memref<2x10000xf32, #tpu.memory_space<hbm>>
      %dma_wait3A_254 = arith.constant 0 : i32
      %dma_wait3A_255 = arith.constant 0 : i32
      %dma_wait3A_256 = tpu.memref_slice %arg4[%arg0, %dma_wait3A_254, %dma_wait3A_255] : memref<2x2x10000xf32, #tpu.memory_space<hbm>> -> memref<1x2x10000xf32, #tpu.memory_space<hbm>>
      %dma_wait3A_257 = tpu.memref_squeeze %dma_wait3A_256 : memref<1x2x10000xf32, #tpu.memory_space<hbm>> -> memref<2x10000xf32, #tpu.memory_space<hbm>>
      tpu.wait_dma2 semaphore(%run_scoped3A : memref<!tpu.dma_semaphore, #tpu.memory_space<semaphore_mem>>) src(%dma_wait3A_257 : memref<2x10000xf32, #tpu.memory_space<hbm>>) dst(%arg11 : memref<2x10000xf32, #tpu.memory_space<vmem>>)
      tpu.yield
    }) : () -> ()
    %mul3A = arith.constant 10000 : i32
    %mul3A_0 = arith.muli %arg1, %mul3A : i32
    %mul3A_1 = arith.constant 1000 : i32
    %mul3A_2 = arith.muli %arg1, %mul3A_1 : i32
    %iota3A = tpu.iota {dimensions = array<i32: 0>} : vector<16xi32>
    %broadcast_in_dim3A = arith.constant 0xFF800000 : f32
    %broadcast_in_dim3A_3 = vector.broadcast %broadcast_in_dim3A : f32 to vector<16xf32>
    %scan3A = arith.constant 0 : i32
    %scan3A_4 = arith.constant 625 : i32
    %scan3A_5 = arith.addi %scan3A, %scan3A_4 : i32
    %scan3A_6 = arith.constant 1 : i32
    %scan3A_7 = scf.for %scan3A_244 = %scan3A to %scan3A_5 step %scan3A_6 iter_args(%scan3A_245 = %broadcast_in_dim3A_3) -> (vector<16xf32>)  : i32 {
      %mul3A_246 = arith.constant 16 : i32
      %mul3A_247 = arith.muli %mul3A_246, %scan3A_244 : i32
      %get3A = arith.constant 0 : i32
      %get3A_248 = arith.index_cast %get3A : i32 to index
      %get3A_249 = arith.index_cast %mul3A_247 : i32 to index
      %get3A_250 = tpu.vector_load %arg10[%get3A_248, %get3A_249] {strides = array<i32>} : memref<2x10000xf32, #tpu.memory_space<vmem>>, vector<16xf32>,
      %max3A_251 = arith.maximumf %scan3A_245, %get3A_250 : vector<16xf32>
      scf.yield %max3A_251 : vector<16xf32>
    }
    %scan3A_8 = arith.constant 625 : i32
    %iota3A_9 = tpu.iota {dimensions = array<i32: 0>} : vector<16xi32>
    %swap3A = arith.constant 0 : index
    %swap3A_10 = tpu.vector_load %arg17[%swap3A] {strides = array<i32>} : memref<16xf32, #tpu.memory_space<vmem>>, vector<16xf32>,
    tpu.vector_store %arg17[%swap3A], %scan3A_7 {strides = array<i32>} : memref<16xf32, #tpu.memory_space<vmem>>, vector<16xf32>,
    %xor3A = arith.constant 1 : i32
    %xor3A_11 = vector.broadcast %xor3A : i32 to vector<16xi32>
    %xor3A_12 = arith.xori %iota3A_9, %xor3A_11 : vector<16xi32>
    %gather3A = tpu.vector_load_idx %arg17[%xor3A_12] : memref<16xf32, #tpu.memory_space<vmem>>[vector<16xi32>], vector<16xf32>,
    %max3A = arith.maximumf %scan3A_7, %gather3A : vector<16xf32>
    %swap3A_13 = arith.constant 0 : index
    %swap3A_14 = tpu.vector_load %arg17[%swap3A_13] {strides = array<i32>} : memref<16xf32, #tpu.memory_space<vmem>>, vector<16xf32>,
    tpu.vector_store %arg17[%swap3A_13], %max3A {strides = array<i32>} : memref<16xf32, #tpu.memory_space<vmem>>, vector<16xf32>,
    %xor3A_15 = arith.constant 2 : i32
    %xor3A_16 = vector.broadcast %xor3A_15 : i32 to vector<16xi32>
    %xor3A_17 = arith.xori %iota3A_9, %xor3A_16 : vector<16xi32>
    %gather3A_18 = tpu.vector_load_idx %arg17[%xor3A_17] : memref<16xf32, #tpu.memory_space<vmem>>[vector<16xi32>], vector<16xf32>,
    %max3A_19 = arith.maximumf %max3A, %gather3A_18 : vector<16xf32>
    %swap3A_20 = arith.constant 0 : index
    %swap3A_21 = tpu.vector_load %arg17[%swap3A_20] {strides = array<i32>} : memref<16xf32, #tpu.memory_space<vmem>>, vector<16xf32>,
    tpu.vector_store %arg17[%swap3A_20], %max3A_19 {strides = array<i32>} : memref<16xf32, #tpu.memory_space<vmem>>, vector<16xf32>,
    %xor3A_22 = arith.constant 4 : i32
    %xor3A_23 = vector.broadcast %xor3A_22 : i32 to vector<16xi32>
    %xor3A_24 = arith.xori %iota3A_9, %xor3A_23 : vector<16xi32>
    %gather3A_25 = tpu.vector_load_idx %arg17[%xor3A_24] : memref<16xf32, #tpu.memory_space<vmem>>[vector<16xi32>], vector<16xf32>,
    %max3A_26 = arith.maximumf %max3A_19, %gather3A_25 : vector<16xf32>
    %swap3A_27 = arith.constant 0 : index
    %swap3A_28 = tpu.vector_load %arg17[%swap3A_27] {strides = array<i32>} : memref<16xf32, #tpu.memory_space<vmem>>, vector<16xf32>,
    tpu.vector_store %arg17[%swap3A_27], %max3A_26 {strides = array<i32>} : memref<16xf32, #tpu.memory_space<vmem>>, vector<16xf32>,
    %xor3A_29 = arith.constant 8 : i32
    %xor3A_30 = vector.broadcast %xor3A_29 : i32 to vector<16xi32>
    %xor3A_31 = arith.xori %iota3A_9, %xor3A_30 : vector<16xi32>
    %gather3A_32 = tpu.vector_load_idx %arg17[%xor3A_31] : memref<16xf32, #tpu.memory_space<vmem>>[vector<16xi32>], vector<16xf32>,
    %max3A_33 = arith.maximumf %max3A_26, %gather3A_32 : vector<16xf32>
    %broadcast_in_dim3A_34 = arith.constant 0xFF800000 : f32
    %broadcast_in_dim3A_35 = vector.broadcast %broadcast_in_dim3A_34 : f32 to vector<16xf32>
    %scan3A_36 = arith.constant 0 : i32
    %scan3A_37 = arith.constant 625 : i32
    %scan3A_38 = arith.addi %scan3A_36, %scan3A_37 : i32
    %scan3A_39 = arith.constant 1 : i32
    %scan3A_40 = scf.for %scan3A_244 = %scan3A_36 to %scan3A_38 step %scan3A_39 iter_args(%scan3A_245 = %broadcast_in_dim3A_35) -> (vector<16xf32>)  : i32 {
      %mul3A_246 = arith.constant 16 : i32
      %mul3A_247 = arith.muli %mul3A_246, %scan3A_244 : i32
      %get3A = arith.constant 0 : i32
      %get3A_248 = arith.index_cast %get3A : i32 to index
      %get3A_249 = arith.index_cast %mul3A_247 : i32 to index
      %get3A_250 = tpu.vector_load %arg11[%get3A_248, %get3A_249] {strides = array<i32>} : memref<2x10000xf32, #tpu.memory_space<vmem>>, vector<16xf32>,
      %max3A_251 = arith.maximumf %scan3A_245, %get3A_250 : vector<16xf32>
      scf.yield %max3A_251 : vector<16xf32>
    }
    %scan3A_41 = arith.constant 625 : i32
    %iota3A_42 = tpu.iota {dimensions = array<i32: 0>} : vector<16xi32>
    %swap3A_43 = arith.constant 0 : index
    %swap3A_44 = tpu.vector_load %arg17[%swap3A_43] {strides = array<i32>} : memref<16xf32, #tpu.memory_space<vmem>>, vector<16xf32>,
    tpu.vector_store %arg17[%swap3A_43], %scan3A_40 {strides = array<i32>} : memref<16xf32, #tpu.memory_space<vmem>>, vector<16xf32>,
    %xor3A_45 = arith.constant 1 : i32
    %xor3A_46 = vector.broadcast %xor3A_45 : i32 to vector<16xi32>
    %xor3A_47 = arith.xori %iota3A_42, %xor3A_46 : vector<16xi32>
    %gather3A_48 = tpu.vector_load_idx %arg17[%xor3A_47] : memref<16xf32, #tpu.memory_space<vmem>>[vector<16xi32>], vector<16xf32>,
    %max3A_49 = arith.maximumf %scan3A_40, %gather3A_48 : vector<16xf32>
    %swap3A_50 = arith.constant 0 : index
    %swap3A_51 = tpu.vector_load %arg17[%swap3A_50] {strides = array<i32>} : memref<16xf32, #tpu.memory_space<vmem>>, vector<16xf32>,
    tpu.vector_store %arg17[%swap3A_50], %max3A_49 {strides = array<i32>} : memref<16xf32, #tpu.memory_space<vmem>>, vector<16xf32>,
    %xor3A_52 = arith.constant 2 : i32
    %xor3A_53 = vector.broadcast %xor3A_52 : i32 to vector<16xi32>
    %xor3A_54 = arith.xori %iota3A_42, %xor3A_53 : vector<16xi32>
    %gather3A_55 = tpu.vector_load_idx %arg17[%xor3A_54] : memref<16xf32, #tpu.memory_space<vmem>>[vector<16xi32>], vector<16xf32>,
    %max3A_56 = arith.maximumf %max3A_49, %gather3A_55 : vector<16xf32>
    %swap3A_57 = arith.constant 0 : index
    %swap3A_58 = tpu.vector_load %arg17[%swap3A_57] {strides = array<i32>} : memref<16xf32, #tpu.memory_space<vmem>>, vector<16xf32>,
    tpu.vector_store %arg17[%swap3A_57], %max3A_56 {strides = array<i32>} : memref<16xf32, #tpu.memory_space<vmem>>, vector<16xf32>,
    %xor3A_59 = arith.constant 4 : i32
    %xor3A_60 = vector.broadcast %xor3A_59 : i32 to vector<16xi32>
    %xor3A_61 = arith.xori %iota3A_42, %xor3A_60 : vector<16xi32>
    %gather3A_62 = tpu.vector_load_idx %arg17[%xor3A_61] : memref<16xf32, #tpu.memory_space<vmem>>[vector<16xi32>], vector<16xf32>,
    %max3A_63 = arith.maximumf %max3A_56, %gather3A_62 : vector<16xf32>
    %swap3A_64 = arith.constant 0 : index
    %swap3A_65 = tpu.vector_load %arg17[%swap3A_64] {strides = array<i32>} : memref<16xf32, #tpu.memory_space<vmem>>, vector<16xf32>,
    tpu.vector_store %arg17[%swap3A_64], %max3A_63 {strides = array<i32>} : memref<16xf32, #tpu.memory_space<vmem>>, vector<16xf32>,
    %xor3A_66 = arith.constant 8 : i32
    %xor3A_67 = vector.broadcast %xor3A_66 : i32 to vector<16xi32>
    %xor3A_68 = arith.xori %iota3A_42, %xor3A_67 : vector<16xi32>
    %gather3A_69 = tpu.vector_load_idx %arg17[%xor3A_68] : memref<16xf32, #tpu.memory_space<vmem>>[vector<16xi32>], vector<16xf32>,
    %max3A_70 = arith.maximumf %max3A_63, %gather3A_69 : vector<16xf32>
    %add3A = arith.addf %max3A_33, %max3A_70 : vector<16xf32>
    %gt3A = arith.constant 0.000000e+00 : f32
    %gt3A_71 = vector.broadcast %gt3A : f32 to vector<16xf32>
    %gt3A_72 = arith.cmpf ogt, %add3A, %gt3A_71 : vector<16xf32>
    %mul3A_73 = arith.constant 2.000000e-01 : f32
    %mul3A_74 = vector.broadcast %mul3A_73 : f32 to vector<16xf32>
    %mul3A_75 = arith.mulf %mul3A_74, %add3A : vector<16xf32>
    %select_n3A = arith.select %gt3A_72, %add3A, %mul3A_75 : vector<16xi1>, vector<16xf32>
    %mul3A_76 = arith.constant 2 : i32
    %mul3A_77 = arith.muli %mul3A_76, %arg0 : i32
    %add3A_78 = arith.constant 0 : i32
    %add3A_79 = arith.addi %mul3A_77, %add3A_78 : i32
    %mul3A_80 = arith.constant 10000 : i32
    %mul3A_81 = arith.muli %add3A_79, %mul3A_80 : i32
    %broadcast_in_dim3A_82 = arith.constant 0.000000e+00 : f32
    %broadcast_in_dim3A_83 = vector.broadcast %broadcast_in_dim3A_82 : f32 to vector<16xf32>
    %scan3A_84 = arith.constant 0 : i32
    %scan3A_85 = arith.constant 0 : i32
    %scan3A_86 = arith.constant 400 : i32
    %scan3A_87 = arith.addi %scan3A_85, %scan3A_86 : i32
    %scan3A_88 = arith.constant 1 : i32
    %scan3A_89 = scf.for %scan3A_244 = %scan3A_85 to %scan3A_87 step %scan3A_88 iter_args(%scan3A_245 = %scan3A_84) -> (i32)  : i32 {
      %swap3A_246 = arith.index_cast %scan3A_244 : i32 to index
      %swap3A_247 = arith.constant 0 : index
      %swap3A_248 = tpu.vector_load %arg15[%swap3A_246, %swap3A_247] {strides = array<i32>} : memref<400x64xf32, #tpu.memory_space<vmem>>, vector<16xf32>,
      tpu.vector_store %arg15[%swap3A_246, %swap3A_247], %broadcast_in_dim3A_83 {strides = array<i32>} : memref<400x64xf32, #tpu.memory_space<vmem>>, vector<16xf32>,
      %swap3A_249 = arith.index_cast %scan3A_244 : i32 to index
      %swap3A_250 = arith.constant 16 : index
      %swap3A_251 = tpu.vector_load %arg15[%swap3A_249, %swap3A_250] {strides = array<i32>} : memref<400x64xf32, #tpu.memory_space<vmem>>, vector<16xf32>,
      tpu.vector_store %arg15[%swap3A_249, %swap3A_250], %broadcast_in_dim3A_83 {strides = array<i32>} : memref<400x64xf32, #tpu.memory_space<vmem>>, vector<16xf32>,
      %swap3A_252 = arith.index_cast %scan3A_244 : i32 to index
      %swap3A_253 = arith.constant 32 : index
      %swap3A_254 = tpu.vector_load %arg15[%swap3A_252, %swap3A_253] {strides = array<i32>} : memref<400x64xf32, #tpu.memory_space<vmem>>, vector<16xf32>,
      tpu.vector_store %arg15[%swap3A_252, %swap3A_253], %broadcast_in_dim3A_83 {strides = array<i32>} : memref<400x64xf32, #tpu.memory_space<vmem>>, vector<16xf32>,
      %swap3A_255 = arith.index_cast %scan3A_244 : i32 to index
      %swap3A_256 = arith.constant 48 : index
      %swap3A_257 = tpu.vector_load %arg15[%swap3A_255, %swap3A_256] {strides = array<i32>} : memref<400x64xf32, #tpu.memory_space<vmem>>, vector<16xf32>,
      tpu.vector_store %arg15[%swap3A_255, %swap3A_256], %broadcast_in_dim3A_83 {strides = array<i32>} : memref<400x64xf32, #tpu.memory_space<vmem>>, vector<16xf32>,
      %scan3A_258 = arith.constant 0 : i32
      scf.yield %scan3A_258 : i32
    }
    %scan3A_90 = arith.constant 400 : i32
    %broadcast_in_dim3A_91 = arith.constant 0.000000e+00 : f32
    %broadcast_in_dim3A_92 = vector.broadcast %broadcast_in_dim3A_91 : f32 to vector<16xf32>
    %scan3A_93 = arith.constant 0 : i32
    %scan3A_94 = arith.constant 0 : i32
    %scan3A_95 = arith.constant 400 : i32
    %scan3A_96 = arith.addi %scan3A_94, %scan3A_95 : i32
    %scan3A_97 = arith.constant 1 : i32
    %scan3A_98 = scf.for %scan3A_244 = %scan3A_94 to %scan3A_96 step %scan3A_97 iter_args(%scan3A_245 = %scan3A_93) -> (i32)  : i32 {
      %scan3A_246 = arith.constant 0 : i32
      scf.yield %scan3A_246 : i32
    }
    %scan3A_99 = arith.constant 400 : i32
    %lt3A = arith.constant 10 : i32
    %lt3A_100 = arith.cmpi slt, %arg1, %lt3A : i32
    %convert_element_type3A = arith.extui %lt3A_100 : i1 to i32
    %cond3A = arith.constant 0 : i32
    %cond3A_101 = arith.cmpi ne, %convert_element_type3A, %cond3A : i32
    scf.if %cond3A_101 {
      %add3A_244 = arith.constant 0 : i32
      %add3A_245 = arith.addi %mul3A_2, %add3A_244 : i32
      "tpu.region"() ({
        %run_scoped3A = tpu.sem_alloc : memref<!tpu.dma_semaphore, #tpu.memory_space<semaphore_mem>>
        %dma_start3A = arith.constant 0 : i32
        %dma_start3A_256 = arith.constant 0 : i32
        %dma_start3A_257 = tpu.memref_slice %arg15[%dma_start3A, %dma_start3A_256] : memref<400x64xf32, #tpu.memory_space<vmem>> -> memref<400x64xf32, #tpu.memory_space<vmem>>
        %dma_start3A_258 = arith.constant 0 : i32
        %dma_start3A_259 = tpu.memref_slice %arg18[%add3A_245, %dma_start3A_258] : memref<10000x64xf32, #tpu.memory_space<vmem_shared>> -> memref<400x64xf32, #tpu.memory_space<vmem_shared>>
        %dma_start3A_260 = arith.constant 0 : i32
        %dma_start3A_261 = tpu.memref_slice %arg18[%add3A_245, %dma_start3A_260] : memref<10000x64xf32, #tpu.memory_space<vmem_shared>> -> memref<400x64xf32, #tpu.memory_space<vmem_shared>>
        %dma_start3A_262 = arith.constant 0 : i32
        %dma_start3A_263 = arith.constant 0 : i32
        %dma_start3A_264 = tpu.memref_slice %arg15[%dma_start3A_262, %dma_start3A_263] : memref<400x64xf32, #tpu.memory_space<vmem>> -> memref<400x64xf32, #tpu.memory_space<vmem>>
        tpu.enqueue_dma source(%dma_start3A_264 : memref<400x64xf32, #tpu.memory_space<vmem>>) target(%dma_start3A_261 : memref<400x64xf32, #tpu.memory_space<vmem_shared>>) target_semaphore(%run_scoped3A : memref<!tpu.dma_semaphore, #tpu.memory_space<semaphore_mem>>)
        %dma_wait3A = arith.constant 0 : i32
        %dma_wait3A_265 = arith.constant 0 : i32
        %dma_wait3A_266 = tpu.memref_slice %arg15[%dma_wait3A, %dma_wait3A_265] : memref<400x64xf32, #tpu.memory_space<vmem>> -> memref<400x64xf32, #tpu.memory_space<vmem>>
        %dma_wait3A_267 = arith.constant 0 : i32
        %dma_wait3A_268 = tpu.memref_slice %arg18[%add3A_245, %dma_wait3A_267] : memref<10000x64xf32, #tpu.memory_space<vmem_shared>> -> memref<400x64xf32, #tpu.memory_space<vmem_shared>>
        %dma_wait3A_269 = arith.constant 0 : i32
        %dma_wait3A_270 = tpu.memref_slice %arg18[%add3A_245, %dma_wait3A_269] : memref<10000x64xf32, #tpu.memory_space<vmem_shared>> -> memref<400x64xf32, #tpu.memory_space<vmem_shared>>
        %dma_wait3A_271 = arith.constant 0 : i32
        %dma_wait3A_272 = arith.constant 0 : i32
        %dma_wait3A_273 = tpu.memref_slice %arg15[%dma_wait3A_271, %dma_wait3A_272] : memref<400x64xf32, #tpu.memory_space<vmem>> -> memref<400x64xf32, #tpu.memory_space<vmem>>
        tpu.wait_dma2 semaphore(%run_scoped3A : memref<!tpu.dma_semaphore, #tpu.memory_space<semaphore_mem>>) src(%dma_wait3A_273 : memref<400x64xf32, #tpu.memory_space<vmem>>) dst(%dma_wait3A_270 : memref<400x64xf32, #tpu.memory_space<vmem_shared>>)
        tpu.yield
      }) : () -> ()
      %add3A_246 = arith.constant 0 : i32
      %add3A_247 = arith.addi %mul3A_2, %add3A_246 : i32
      "tpu.region"() ({
        %run_scoped3A = tpu.sem_alloc : memref<!tpu.dma_semaphore, #tpu.memory_space<semaphore_mem>>
        %dma_start3A = arith.constant 0 : i32
        %dma_start3A_256 = arith.constant 0 : i32
        %dma_start3A_257 = tpu.memref_slice %arg16[%dma_start3A, %dma_start3A_256] : memref<400x8xf32, #tpu.memory_space<vmem>> -> memref<400x8xf32, #tpu.memory_space<vmem>>
        %dma_start3A_258 = arith.constant 0 : i32
        %dma_start3A_259 = tpu.memref_slice %arg19[%add3A_247, %dma_start3A_258] : memref<10000x8xf32, #tpu.memory_space<vmem_shared>> -> memref<400x8xf32, #tpu.memory_space<vmem_shared>>
        %dma_start3A_260 = arith.constant 0 : i32
        %dma_start3A_261 = tpu.memref_slice %arg19[%add3A_247, %dma_start3A_260] : memref<10000x8xf32, #tpu.memory_space<vmem_shared>> -> memref<400x8xf32, #tpu.memory_space<vmem_shared>>
        %dma_start3A_262 = arith.constant 0 : i32
        %dma_start3A_263 = arith.constant 0 : i32
        %dma_start3A_264 = tpu.memref_slice %arg16[%dma_start3A_262, %dma_start3A_263] : memref<400x8xf32, #tpu.memory_space<vmem>> -> memref<400x8xf32, #tpu.memory_space<vmem>>
        tpu.enqueue_dma source(%dma_start3A_264 : memref<400x8xf32, #tpu.memory_space<vmem>>) target(%dma_start3A_261 : memref<400x8xf32, #tpu.memory_space<vmem_shared>>) target_semaphore(%run_scoped3A : memref<!tpu.dma_semaphore, #tpu.memory_space<semaphore_mem>>)
        %dma_wait3A = arith.constant 0 : i32
        %dma_wait3A_265 = arith.constant 0 : i32
        %dma_wait3A_266 = tpu.memref_slice %arg16[%dma_wait3A, %dma_wait3A_265] : memref<400x8xf32, #tpu.memory_space<vmem>> -> memref<400x8xf32, #tpu.memory_space<vmem>>
        %dma_wait3A_267 = arith.constant 0 : i32
        %dma_wait3A_268 = tpu.memref_slice %arg19[%add3A_247, %dma_wait3A_267] : memref<10000x8xf32, #tpu.memory_space<vmem_shared>> -> memref<400x8xf32, #tpu.memory_space<vmem_shared>>
        %dma_wait3A_269 = arith.constant 0 : i32
        %dma_wait3A_270 = tpu.memref_slice %arg19[%add3A_247, %dma_wait3A_269] : memref<10000x8xf32, #tpu.memory_space<vmem_shared>> -> memref<400x8xf32, #tpu.memory_space<vmem_shared>>
        %dma_wait3A_271 = arith.constant 0 : i32
        %dma_wait3A_272 = arith.constant 0 : i32
        %dma_wait3A_273 = tpu.memref_slice %arg16[%dma_wait3A_271, %dma_wait3A_272] : memref<400x8xf32, #tpu.memory_space<vmem>> -> memref<400x8xf32, #tpu.memory_space<vmem>>
        tpu.wait_dma2 semaphore(%run_scoped3A : memref<!tpu.dma_semaphore, #tpu.memory_space<semaphore_mem>>) src(%dma_wait3A_273 : memref<400x8xf32, #tpu.memory_space<vmem>>) dst(%dma_wait3A_270 : memref<400x8xf32, #tpu.memory_space<vmem_shared>>)
        tpu.yield
      }) : () -> ()
      %add3A_248 = arith.constant 400 : i32
      %add3A_249 = arith.addi %mul3A_2, %add3A_248 : i32
      "tpu.region"() ({
        %run_scoped3A = tpu.sem_alloc : memref<!tpu.dma_semaphore, #tpu.memory_space<semaphore_mem>>
        %dma_start3A = arith.constant 0 : i32
        %dma_start3A_256 = arith.constant 0 : i32
        %dma_start3A_257 = tpu.memref_slice %arg15[%dma_start3A, %dma_start3A_256] : memref<400x64xf32, #tpu.memory_space<vmem>> -> memref<400x64xf32, #tpu.memory_space<vmem>>
        %dma_start3A_258 = arith.constant 0 : i32
        %dma_start3A_259 = tpu.memref_slice %arg18[%add3A_249, %dma_start3A_258] : memref<10000x64xf32, #tpu.memory_space<vmem_shared>> -> memref<400x64xf32, #tpu.memory_space<vmem_shared>>
        %dma_start3A_260 = arith.constant 0 : i32
        %dma_start3A_261 = tpu.memref_slice %arg18[%add3A_249, %dma_start3A_260] : memref<10000x64xf32, #tpu.memory_space<vmem_shared>> -> memref<400x64xf32, #tpu.memory_space<vmem_shared>>
        %dma_start3A_262 = arith.constant 0 : i32
        %dma_start3A_263 = arith.constant 0 : i32
        %dma_start3A_264 = tpu.memref_slice %arg15[%dma_start3A_262, %dma_start3A_263] : memref<400x64xf32, #tpu.memory_space<vmem>> -> memref<400x64xf32, #tpu.memory_space<vmem>>
        tpu.enqueue_dma source(%dma_start3A_264 : memref<400x64xf32, #tpu.memory_space<vmem>>) target(%dma_start3A_261 : memref<400x64xf32, #tpu.memory_space<vmem_shared>>) target_semaphore(%run_scoped3A : memref<!tpu.dma_semaphore, #tpu.memory_space<semaphore_mem>>)
        %dma_wait3A = arith.constant 0 : i32
        %dma_wait3A_265 = arith.constant 0 : i32
        %dma_wait3A_266 = tpu.memref_slice %arg15[%dma_wait3A, %dma_wait3A_265] : memref<400x64xf32, #tpu.memory_space<vmem>> -> memref<400x64xf32, #tpu.memory_space<vmem>>
        %dma_wait3A_267 = arith.constant 0 : i32
        %dma_wait3A_268 = tpu.memref_slice %arg18[%add3A_249, %dma_wait3A_267] : memref<10000x64xf32, #tpu.memory_space<vmem_shared>> -> memref<400x64xf32, #tpu.memory_space<vmem_shared>>
        %dma_wait3A_269 = arith.constant 0 : i32
        %dma_wait3A_270 = tpu.memref_slice %arg18[%add3A_249, %dma_wait3A_269] : memref<10000x64xf32, #tpu.memory_space<vmem_shared>> -> memref<400x64xf32, #tpu.memory_space<vmem_shared>>
        %dma_wait3A_271 = arith.constant 0 : i32
        %dma_wait3A_272 = arith.constant 0 : i32
        %dma_wait3A_273 = tpu.memref_slice %arg15[%dma_wait3A_271, %dma_wait3A_272] : memref<400x64xf32, #tpu.memory_space<vmem>> -> memref<400x64xf32, #tpu.memory_space<vmem>>
        tpu.wait_dma2 semaphore(%run_scoped3A : memref<!tpu.dma_semaphore, #tpu.memory_space<semaphore_mem>>) src(%dma_wait3A_273 : memref<400x64xf32, #tpu.memory_space<vmem>>) dst(%dma_wait3A_270 : memref<400x64xf32, #tpu.memory_space<vmem_shared>>)
        tpu.yield
      }) : () -> ()
      %add3A_250 = arith.constant 400 : i32
      %add3A_251 = arith.addi %mul3A_2, %add3A_250 : i32
      "tpu.region"() ({
        %run_scoped3A = tpu.sem_alloc : memref<!tpu.dma_semaphore, #tpu.memory_space<semaphore_mem>>
        %dma_start3A = arith.constant 0 : i32
        %dma_start3A_256 = arith.constant 0 : i32
        %dma_start3A_257 = tpu.memref_slice %arg16[%dma_start3A, %dma_start3A_256] : memref<400x8xf32, #tpu.memory_space<vmem>> -> memref<400x8xf32, #tpu.memory_space<vmem>>
        %dma_start3A_258 = arith.constant 0 : i32
        %dma_start3A_259 = tpu.memref_slice %arg19[%add3A_251, %dma_start3A_258] : memref<10000x8xf32, #tpu.memory_space<vmem_shared>> -> memref<400x8xf32, #tpu.memory_space<vmem_shared>>
        %dma_start3A_260 = arith.constant 0 : i32
        %dma_start3A_261 = tpu.memref_slice %arg19[%add3A_251, %dma_start3A_260] : memref<10000x8xf32, #tpu.memory_space<vmem_shared>> -> memref<400x8xf32, #tpu.memory_space<vmem_shared>>
        %dma_start3A_262 = arith.constant 0 : i32
        %dma_start3A_263 = arith.constant 0 : i32
        %dma_start3A_264 = tpu.memref_slice %arg16[%dma_start3A_262, %dma_start3A_263] : memref<400x8xf32, #tpu.memory_space<vmem>> -> memref<400x8xf32, #tpu.memory_space<vmem>>
        tpu.enqueue_dma source(%dma_start3A_264 : memref<400x8xf32, #tpu.memory_space<vmem>>) target(%dma_start3A_261 : memref<400x8xf32, #tpu.memory_space<vmem_shared>>) target_semaphore(%run_scoped3A : memref<!tpu.dma_semaphore, #tpu.memory_space<semaphore_mem>>)
        %dma_wait3A = arith.constant 0 : i32
        %dma_wait3A_265 = arith.constant 0 : i32
        %dma_wait3A_266 = tpu.memref_slice %arg16[%dma_wait3A, %dma_wait3A_265] : memref<400x8xf32, #tpu.memory_space<vmem>> -> memref<400x8xf32, #tpu.memory_space<vmem>>
        %dma_wait3A_267 = arith.constant 0 : i32
        %dma_wait3A_268 = tpu.memref_slice %arg19[%add3A_251, %dma_wait3A_267] : memref<10000x8xf32, #tpu.memory_space<vmem_shared>> -> memref<400x8xf32, #tpu.memory_space<vmem_shared>>
        %dma_wait3A_269 = arith.constant 0 : i32
        %dma_wait3A_270 = tpu.memref_slice %arg19[%add3A_251, %dma_wait3A_269] : memref<10000x8xf32, #tpu.memory_space<vmem_shared>> -> memref<400x8xf32, #tpu.memory_space<vmem_shared>>
        %dma_wait3A_271 = arith.constant 0 : i32
        %dma_wait3A_272 = arith.constant 0 : i32
        %dma_wait3A_273 = tpu.memref_slice %arg16[%dma_wait3A_271, %dma_wait3A_272] : memref<400x8xf32, #tpu.memory_space<vmem>> -> memref<400x8xf32, #tpu.memory_space<vmem>>
        tpu.wait_dma2 semaphore(%run_scoped3A : memref<!tpu.dma_semaphore, #tpu.memory_space<semaphore_mem>>) src(%dma_wait3A_273 : memref<400x8xf32, #tpu.memory_space<vmem>>) dst(%dma_wait3A_270 : memref<400x8xf32, #tpu.memory_space<vmem_shared>>)
        tpu.yield
      }) : () -> ()
      %add3A_252 = arith.constant 800 : i32
      %add3A_253 = arith.addi %mul3A_2, %add3A_252 : i32
      "tpu.region"() ({
        %run_scoped3A = tpu.sem_alloc : memref<!tpu.dma_semaphore, #tpu.memory_space<semaphore_mem>>
        %dma_start3A = arith.constant 0 : i32
        %dma_start3A_256 = arith.constant 0 : i32
        %dma_start3A_257 = tpu.memref_slice %arg15[%dma_start3A, %dma_start3A_256] : memref<400x64xf32, #tpu.memory_space<vmem>> -> memref<200x64xf32, #tpu.memory_space<vmem>>
        %dma_start3A_258 = arith.constant 0 : i32
        %dma_start3A_259 = tpu.memref_slice %arg18[%add3A_253, %dma_start3A_258] : memref<10000x64xf32, #tpu.memory_space<vmem_shared>> -> memref<200x64xf32, #tpu.memory_space<vmem_shared>>
        %dma_start3A_260 = arith.constant 0 : i32
        %dma_start3A_261 = tpu.memref_slice %arg18[%add3A_253, %dma_start3A_260] : memref<10000x64xf32, #tpu.memory_space<vmem_shared>> -> memref<200x64xf32, #tpu.memory_space<vmem_shared>>
        %dma_start3A_262 = arith.constant 0 : i32
        %dma_start3A_263 = arith.constant 0 : i32
        %dma_start3A_264 = tpu.memref_slice %arg15[%dma_start3A_262, %dma_start3A_263] : memref<400x64xf32, #tpu.memory_space<vmem>> -> memref<200x64xf32, #tpu.memory_space<vmem>>
        tpu.enqueue_dma source(%dma_start3A_264 : memref<200x64xf32, #tpu.memory_space<vmem>>) target(%dma_start3A_261 : memref<200x64xf32, #tpu.memory_space<vmem_shared>>) target_semaphore(%run_scoped3A : memref<!tpu.dma_semaphore, #tpu.memory_space<semaphore_mem>>)
        %dma_wait3A = arith.constant 0 : i32
        %dma_wait3A_265 = arith.constant 0 : i32
        %dma_wait3A_266 = tpu.memref_slice %arg15[%dma_wait3A, %dma_wait3A_265] : memref<400x64xf32, #tpu.memory_space<vmem>> -> memref<200x64xf32, #tpu.memory_space<vmem>>
        %dma_wait3A_267 = arith.constant 0 : i32
        %dma_wait3A_268 = tpu.memref_slice %arg18[%add3A_253, %dma_wait3A_267] : memref<10000x64xf32, #tpu.memory_space<vmem_shared>> -> memref<200x64xf32, #tpu.memory_space<vmem_shared>>
        %dma_wait3A_269 = arith.constant 0 : i32
        %dma_wait3A_270 = tpu.memref_slice %arg18[%add3A_253, %dma_wait3A_269] : memref<10000x64xf32, #tpu.memory_space<vmem_shared>> -> memref<200x64xf32, #tpu.memory_space<vmem_shared>>
        %dma_wait3A_271 = arith.constant 0 : i32
        %dma_wait3A_272 = arith.constant 0 : i32
        %dma_wait3A_273 = tpu.memref_slice %arg15[%dma_wait3A_271, %dma_wait3A_272] : memref<400x64xf32, #tpu.memory_space<vmem>> -> memref<200x64xf32, #tpu.memory_space<vmem>>
        tpu.wait_dma2 semaphore(%run_scoped3A : memref<!tpu.dma_semaphore, #tpu.memory_space<semaphore_mem>>) src(%dma_wait3A_273 : memref<200x64xf32, #tpu.memory_space<vmem>>) dst(%dma_wait3A_270 : memref<200x64xf32, #tpu.memory_space<vmem_shared>>)
        tpu.yield
      }) : () -> ()
      %add3A_254 = arith.constant 800 : i32
      %add3A_255 = arith.addi %mul3A_2, %add3A_254 : i32
      "tpu.region"() ({
        %run_scoped3A = tpu.sem_alloc : memref<!tpu.dma_semaphore, #tpu.memory_space<semaphore_mem>>
        %dma_start3A = arith.constant 0 : i32
        %dma_start3A_256 = arith.constant 0 : i32
        %dma_start3A_257 = tpu.memref_slice %arg16[%dma_start3A, %dma_start3A_256] : memref<400x8xf32, #tpu.memory_space<vmem>> -> memref<200x8xf32, #tpu.memory_space<vmem>>
        %dma_start3A_258 = arith.constant 0 : i32
        %dma_start3A_259 = tpu.memref_slice %arg19[%add3A_255, %dma_start3A_258] : memref<10000x8xf32, #tpu.memory_space<vmem_shared>> -> memref<200x8xf32, #tpu.memory_space<vmem_shared>>
        %dma_start3A_260 = arith.constant 0 : i32
        %dma_start3A_261 = tpu.memref_slice %arg19[%add3A_255, %dma_start3A_260] : memref<10000x8xf32, #tpu.memory_space<vmem_shared>> -> memref<200x8xf32, #tpu.memory_space<vmem_shared>>
        %dma_start3A_262 = arith.constant 0 : i32
        %dma_start3A_263 = arith.constant 0 : i32
        %dma_start3A_264 = tpu.memref_slice %arg16[%dma_start3A_262, %dma_start3A_263] : memref<400x8xf32, #tpu.memory_space<vmem>> -> memref<200x8xf32, #tpu.memory_space<vmem>>
        tpu.enqueue_dma source(%dma_start3A_264 : memref<200x8xf32, #tpu.memory_space<vmem>>) target(%dma_start3A_261 : memref<200x8xf32, #tpu.memory_space<vmem_shared>>) target_semaphore(%run_scoped3A : memref<!tpu.dma_semaphore, #tpu.memory_space<semaphore_mem>>)
        %dma_wait3A = arith.constant 0 : i32
        %dma_wait3A_265 = arith.constant 0 : i32
        %dma_wait3A_266 = tpu.memref_slice %arg16[%dma_wait3A, %dma_wait3A_265] : memref<400x8xf32, #tpu.memory_space<vmem>> -> memref<200x8xf32, #tpu.memory_space<vmem>>
        %dma_wait3A_267 = arith.constant 0 : i32
        %dma_wait3A_268 = tpu.memref_slice %arg19[%add3A_255, %dma_wait3A_267] : memref<10000x8xf32, #tpu.memory_space<vmem_shared>> -> memref<200x8xf32, #tpu.memory_space<vmem_shared>>
        %dma_wait3A_269 = arith.constant 0 : i32
        %dma_wait3A_270 = tpu.memref_slice %arg19[%add3A_255, %dma_wait3A_269] : memref<10000x8xf32, #tpu.memory_space<vmem_shared>> -> memref<200x8xf32, #tpu.memory_space<vmem_shared>>
        %dma_wait3A_271 = arith.constant 0 : i32
        %dma_wait3A_272 = arith.constant 0 : i32
        %dma_wait3A_273 = tpu.memref_slice %arg16[%dma_wait3A_271, %dma_wait3A_272] : memref<400x8xf32, #tpu.memory_space<vmem>> -> memref<200x8xf32, #tpu.memory_space<vmem>>
        tpu.wait_dma2 semaphore(%run_scoped3A : memref<!tpu.dma_semaphore, #tpu.memory_space<semaphore_mem>>) src(%dma_wait3A_273 : memref<200x8xf32, #tpu.memory_space<vmem>>) dst(%dma_wait3A_270 : memref<200x8xf32, #tpu.memory_space<vmem_shared>>)
        tpu.yield
      }) : () -> ()
    } else {
    }
    %barrier3A = arith.constant 0 : index
    tpu.barrier barrier_id(%barrier3A)
    %scan3A_102 = arith.constant 0 : i32
    %scan3A_103 = arith.constant 0 : i32
    %scan3A_104 = arith.constant 25 : i32
    %scan3A_105 = arith.addi %scan3A_103, %scan3A_104 : i32
    %scan3A_106 = arith.constant 1 : i32
    %scan3A_107 = scf.for %scan3A_244 = %scan3A_103 to %scan3A_105 step %scan3A_106 iter_args(%scan3A_245 = %scan3A_102) -> (i32)  : i32 {
      %mul3A_246 = arith.constant 400 : i32
      %mul3A_247 = arith.muli %scan3A_244, %mul3A_246 : i32
      %add3A_248 = arith.addi %mul3A_0, %mul3A_247 : i32
      "tpu.region"() ({
        %run_scoped3A = tpu.sem_alloc : memref<!tpu.dma_semaphore, #tpu.memory_space<semaphore_mem>>
        %dma_start3A_268 = tpu.memref_slice %arg5[%add3A_248] : memref<160000xi32, #tpu.memory_space<hbm>> -> memref<400xi32, #tpu.memory_space<hbm>>
        %dma_start3A_269 = tpu.memref_slice %arg5[%add3A_248] : memref<160000xi32, #tpu.memory_space<hbm>> -> memref<400xi32, #tpu.memory_space<hbm>>
        tpu.enqueue_dma source(%dma_start3A_269 : memref<400xi32, #tpu.memory_space<hbm>>) target(%arg12 : memref<400xi32, #tpu.memory_space<vmem>>) target_semaphore(%run_scoped3A : memref<!tpu.dma_semaphore, #tpu.memory_space<semaphore_mem>>)
        %dma_wait3A_270 = tpu.memref_slice %arg5[%add3A_248] : memref<160000xi32, #tpu.memory_space<hbm>> -> memref<400xi32, #tpu.memory_space<hbm>>
        %dma_wait3A_271 = tpu.memref_slice %arg5[%add3A_248] : memref<160000xi32, #tpu.memory_space<hbm>> -> memref<400xi32, #tpu.memory_space<hbm>>
        tpu.wait_dma2 semaphore(%run_scoped3A : memref<!tpu.dma_semaphore, #tpu.memory_space<semaphore_mem>>) src(%dma_wait3A_271 : memref<400xi32, #tpu.memory_space<hbm>>) dst(%arg12 : memref<400xi32, #tpu.memory_space<vmem>>)
        tpu.yield
      }) : () -> ()
      "tpu.region"() ({
        %run_scoped3A = tpu.sem_alloc : memref<!tpu.dma_semaphore, #tpu.memory_space<semaphore_mem>>
        %dma_start3A_268 = tpu.memref_slice %arg6[%add3A_248] : memref<160000xi32, #tpu.memory_space<hbm>> -> memref<400xi32, #tpu.memory_space<hbm>>
        %dma_start3A_269 = tpu.memref_slice %arg6[%add3A_248] : memref<160000xi32, #tpu.memory_space<hbm>> -> memref<400xi32, #tpu.memory_space<hbm>>
        tpu.enqueue_dma source(%dma_start3A_269 : memref<400xi32, #tpu.memory_space<hbm>>) target(%arg13 : memref<400xi32, #tpu.memory_space<vmem>>) target_semaphore(%run_scoped3A : memref<!tpu.dma_semaphore, #tpu.memory_space<semaphore_mem>>)
        %dma_wait3A_270 = tpu.memref_slice %arg6[%add3A_248] : memref<160000xi32, #tpu.memory_space<hbm>> -> memref<400xi32, #tpu.memory_space<hbm>>
        %dma_wait3A_271 = tpu.memref_slice %arg6[%add3A_248] : memref<160000xi32, #tpu.memory_space<hbm>> -> memref<400xi32, #tpu.memory_space<hbm>>
        tpu.wait_dma2 semaphore(%run_scoped3A : memref<!tpu.dma_semaphore, #tpu.memory_space<semaphore_mem>>) src(%dma_wait3A_271 : memref<400xi32, #tpu.memory_space<hbm>>) dst(%arg13 : memref<400xi32, #tpu.memory_space<vmem>>)
        tpu.yield
      }) : () -> ()
      %mul3A_249 = arith.constant 2 : i32
      %mul3A_250 = arith.muli %mul3A_249, %arg0 : i32
      %add3A_251 = arith.constant 0 : i32
      %add3A_252 = arith.addi %mul3A_250, %add3A_251 : i32
      %mul3A_253 = arith.constant 160000 : i32
      %mul3A_254 = arith.muli %add3A_252, %mul3A_253 : i32
      %add3A_255 = arith.addi %mul3A_254, %add3A_248 : i32
      "tpu.region"() ({
        %run_scoped3A = tpu.sem_alloc : memref<!tpu.dma_semaphore, #tpu.memory_space<semaphore_mem>>
        %dma_start3A_268 = tpu.memref_slice %arg7[%add3A_255] : memref<640000xi32, #tpu.memory_space<hbm>> -> memref<400xi32, #tpu.memory_space<hbm>>
        %dma_start3A_269 = tpu.memref_slice %arg7[%add3A_255] : memref<640000xi32, #tpu.memory_space<hbm>> -> memref<400xi32, #tpu.memory_space<hbm>>
        tpu.enqueue_dma source(%dma_start3A_269 : memref<400xi32, #tpu.memory_space<hbm>>) target(%arg14 : memref<400xi32, #tpu.memory_space<vmem>>) target_semaphore(%run_scoped3A : memref<!tpu.dma_semaphore, #tpu.memory_space<semaphore_mem>>)
        %dma_wait3A_270 = tpu.memref_slice %arg7[%add3A_255] : memref<640000xi32, #tpu.memory_space<hbm>> -> memref<400xi32, #tpu.memory_space<hbm>>
        %dma_wait3A_271 = tpu.memref_slice %arg7[%add3A_255] : memref<640000xi32, #tpu.memory_space<hbm>> -> memref<400xi32, #tpu.memory_space<hbm>>
        tpu.wait_dma2 semaphore(%run_scoped3A : memref<!tpu.dma_semaphore, #tpu.memory_space<semaphore_mem>>) src(%dma_wait3A_271 : memref<400xi32, #tpu.memory_space<hbm>>) dst(%arg14 : memref<400xi32, #tpu.memory_space<vmem>>)
        tpu.yield
      }) : () -> ()
      %dma_start3A = arith.constant 0 : i32
      %dma_start3A_256 = arith.constant 0 : i32
      %dma_start3A_257 = tpu.memref_slice %arg2[%dma_start3A, %dma_start3A_256] : memref<40000x64xf32, #tpu.memory_space<hbm>> -> memref<40000x64xf32, #tpu.memory_space<hbm>>
      tpu.enqueue_indirect_dma source(%dma_start3A_257 : memref<40000x64xf32, #tpu.memory_space<hbm>>) target(%arg15 : memref<400x64xf32, #tpu.memory_space<vmem>>) offsets(%arg14 : memref<400xi32, #tpu.memory_space<vmem>>) semaphore(%arg20 : memref<!tpu.dma_semaphore, #tpu.memory_space<semaphore_mem>>)
      %dma_wait3A = arith.constant 0 : i32
      %dma_wait3A_258 = arith.constant 0 : i32
      %dma_wait3A_259 = tpu.memref_slice %arg2[%dma_wait3A, %dma_wait3A_258] : memref<40000x64xf32, #tpu.memory_space<hbm>> -> memref<40000x64xf32, #tpu.memory_space<hbm>>
      tpu.wait_indirect_dma semaphore(%arg20 : memref<!tpu.dma_semaphore, #tpu.memory_space<semaphore_mem>>) src(%dma_wait3A_259 : memref<40000x64xf32, #tpu.memory_space<hbm>>) dst(%arg15 : memref<400x64xf32, #tpu.memory_space<vmem>>)
      %scan3A_260 = arith.constant 0 : i32
      %scan3A_261 = arith.constant 0 : i32
      %scan3A_262 = arith.constant 25 : i32
      %scan3A_263 = arith.addi %scan3A_261, %scan3A_262 : i32
      %scan3A_264 = arith.constant 1 : i32
      %scan3A_265 = scf.for %scan3A_268 = %scan3A_261 to %scan3A_263 step %scan3A_264 iter_args(%scan3A_269 = %scan3A_260) -> (i32)  : i32 {
        %mul3A_270 = arith.constant 16 : i32
        %mul3A_271 = arith.muli %mul3A_270, %scan3A_268 : i32
        %get3A = arith.index_cast %mul3A_271 : i32 to index
        %get3A_272 = tpu.vector_load %arg12[%get3A] {strides = array<i32>} : memref<400xi32, #tpu.memory_space<vmem>>, vector<16xi32>,
        %mul3A_273 = arith.constant 16 : i32
        %mul3A_274 = arith.muli %mul3A_273, %scan3A_268 : i32
        %get3A_275 = arith.index_cast %mul3A_274 : i32 to index
        %get3A_276 = tpu.vector_load %arg13[%get3A_275] {strides = array<i32>} : memref<400xi32, #tpu.memory_space<vmem>>, vector<16xi32>,
        %mul3A_277 = arith.constant 16 : i32
        %mul3A_278 = arith.muli %mul3A_277, %scan3A_268 : i32
        %add3A_279 = vector.broadcast %mul3A_278 : i32 to vector<16xi32>
        %add3A_280 = arith.addi %iota3A, %add3A_279 : vector<16xi32>
        %broadcast_in_dim3A_281 = arith.constant 0 : i32
        %broadcast_in_dim3A_282 = vector.broadcast %broadcast_in_dim3A_281 : i32 to vector<16xi32>
        %gather3A_283 = tpu.vector_load_idx %arg10[%broadcast_in_dim3A_282, %get3A_272] : memref<2x10000xf32, #tpu.memory_space<vmem>>[vector<16xi32>, vector<16xi32>], vector<16xf32>,
        %broadcast_in_dim3A_284 = arith.constant 0 : i32
        %broadcast_in_dim3A_285 = vector.broadcast %broadcast_in_dim3A_284 : i32 to vector<16xi32>
        %gather3A_286 = tpu.vector_load_idx %arg11[%broadcast_in_dim3A_285, %get3A_276] : memref<2x10000xf32, #tpu.memory_space<vmem>>[vector<16xi32>, vector<16xi32>], vector<16xf32>,
        %add3A_287 = arith.addf %gather3A_283, %gather3A_286 : vector<16xf32>
        %gt3A_288 = arith.constant 0.000000e+00 : f32
        %gt3A_289 = vector.broadcast %gt3A_288 : f32 to vector<16xf32>
        %gt3A_290 = arith.cmpf ogt, %add3A_287, %gt3A_289 : vector<16xf32>
        %mul3A_291 = arith.constant 2.000000e-01 : f32
        %mul3A_292 = vector.broadcast %mul3A_291 : f32 to vector<16xf32>
        %mul3A_293 = arith.mulf %mul3A_292, %add3A_287 : vector<16xf32>
        %select_n3A_294 = arith.select %gt3A_290, %add3A_287, %mul3A_293 : vector<16xi1>, vector<16xf32>
        %sub3A = arith.subf %select_n3A_294, %select_n3A : vector<16xf32>
        %exp3A = math.exp %sub3A : vector<16xf32>
        %broadcast_in_dim3A_295 = arith.constant 0 : i32
        %broadcast_in_dim3A_296 = vector.broadcast %broadcast_in_dim3A_295 : i32 to vector<16xi32>
        tpu.vector_store_idx %arg16[%add3A_280, %broadcast_in_dim3A_296], %exp3A : memref<400x8xf32, #tpu.memory_space<vmem>>[vector<16xi32>, vector<16xi32>], vector<16xf32>,
        %mul3A_297 = arith.constant 16 : i32
        %mul3A_298 = arith.muli %mul3A_297, %scan3A_268 : i32
        %add3A_299 = arith.constant 0 : i32
        %add3A_300 = arith.addi %mul3A_298, %add3A_299 : i32
        %slice3A = vector.extract_strided_slice %exp3A {offsets = [0], sizes = [1], strides = [1]} : vector<16xf32> to vector<1xf32>
        %squeeze3A = vector.extract %slice3A[0] : f32 from vector<1xf32>
        %broadcast_in_dim3A_301 = vector.broadcast %squeeze3A : f32 to vector<16xf32>
        %get3A_302 = arith.index_cast %add3A_300 : i32 to index
        %get3A_303 = arith.constant 0 : index
        %get3A_304 = tpu.vector_load %arg15[%get3A_302, %get3A_303] {strides = array<i32>} : memref<400x64xf32, #tpu.memory_space<vmem>>, vector<16xf32>,
        %mul3A_305 = arith.mulf %get3A_304, %broadcast_in_dim3A_301 : vector<16xf32>
        %swap3A_306 = arith.index_cast %add3A_300 : i32 to index
        %swap3A_307 = arith.constant 0 : index
        %swap3A_308 = tpu.vector_load %arg15[%swap3A_306, %swap3A_307] {strides = array<i32>} : memref<400x64xf32, #tpu.memory_space<vmem>>, vector<16xf32>,
        tpu.vector_store %arg15[%swap3A_306, %swap3A_307], %mul3A_305 {strides = array<i32>} : memref<400x64xf32, #tpu.memory_space<vmem>>, vector<16xf32>,
        %get3A_309 = arith.index_cast %add3A_300 : i32 to index
        %get3A_310 = arith.constant 16 : index
        %get3A_311 = tpu.vector_load %arg15[%get3A_309, %get3A_310] {strides = array<i32>} : memref<400x64xf32, #tpu.memory_space<vmem>>, vector<16xf32>,
        %mul3A_312 = arith.mulf %get3A_311, %broadcast_in_dim3A_301 : vector<16xf32>
        %swap3A_313 = arith.index_cast %add3A_300 : i32 to index
        %swap3A_314 = arith.constant 16 : index
        %swap3A_315 = tpu.vector_load %arg15[%swap3A_313, %swap3A_314] {strides = array<i32>} : memref<400x64xf32, #tpu.memory_space<vmem>>, vector<16xf32>,
        tpu.vector_store %arg15[%swap3A_313, %swap3A_314], %mul3A_312 {strides = array<i32>} : memref<400x64xf32, #tpu.memory_space<vmem>>, vector<16xf32>,
        %get3A_316 = arith.index_cast %add3A_300 : i32 to index
        %get3A_317 = arith.constant 32 : index
        %get3A_318 = tpu.vector_load %arg15[%get3A_316, %get3A_317] {strides = array<i32>} : memref<400x64xf32, #tpu.memory_space<vmem>>, vector<16xf32>,
        %mul3A_319 = arith.mulf %get3A_318, %broadcast_in_dim3A_301 : vector<16xf32>
        %swap3A_320 = arith.index_cast %add3A_300 : i32 to index
        %swap3A_321 = arith.constant 32 : index
        %swap3A_322 = tpu.vector_load %arg15[%swap3A_320, %swap3A_321] {strides = array<i32>} : memref<400x64xf32, #tpu.memory_space<vmem>>, vector<16xf32>,
        tpu.vector_store %arg15[%swap3A_320, %swap3A_321], %mul3A_319 {strides = array<i32>} : memref<400x64xf32, #tpu.memory_space<vmem>>, vector<16xf32>,
        %get3A_323 = arith.index_cast %add3A_300 : i32 to index
        %get3A_324 = arith.constant 48 : index
        %get3A_325 = tpu.vector_load %arg15[%get3A_323, %get3A_324] {strides = array<i32>} : memref<400x64xf32, #tpu.memory_space<vmem>>, vector<16xf32>,
        %mul3A_326 = arith.mulf %get3A_325, %broadcast_in_dim3A_301 : vector<16xf32>
        %swap3A_327 = arith.index_cast %add3A_300 : i32 to index
        %swap3A_328 = arith.constant 48 : index
        %swap3A_329 = tpu.vector_load %arg15[%swap3A_327, %swap3A_328] {strides = array<i32>} : memref<400x64xf32, #tpu.memory_space<vmem>>, vector<16xf32>,
        tpu.vector_store %arg15[%swap3A_327, %swap3A_328], %mul3A_326 {strides = array<i32>} : memref<400x64xf32, #tpu.memory_space<vmem>>, vector<16xf32>,
        %mul3A_330 = arith.constant 16 : i32
        %mul3A_331 = arith.muli %mul3A_330, %scan3A_268 : i32
        %add3A_332 = arith.constant 1 : i32
        %add3A_333 = arith.addi %mul3A_331, %add3A_332 : i32
        %slice3A_334 = vector.extract_strided_slice %exp3A {offsets = [1], sizes = [1], strides = [1]} : vector<16xf32> to vector<1xf32>
        %squeeze3A_335 = vector.extract %slice3A_334[0] : f32 from vector<1xf32>
        %broadcast_in_dim3A_336 = vector.broadcast %squeeze3A_335 : f32 to vector<16xf32>
        %get3A_337 = arith.index_cast %add3A_333 : i32 to index
        %get3A_338 = arith.constant 0 : index
        %get3A_339 = tpu.vector_load %arg15[%get3A_337, %get3A_338] {strides = array<i32>} : memref<400x64xf32, #tpu.memory_space<vmem>>, vector<16xf32>,
        %mul3A_340 = arith.mulf %get3A_339, %broadcast_in_dim3A_336 : vector<16xf32>
        %swap3A_341 = arith.index_cast %add3A_333 : i32 to index
        %swap3A_342 = arith.constant 0 : index
        %swap3A_343 = tpu.vector_load %arg15[%swap3A_341, %swap3A_342] {strides = array<i32>} : memref<400x64xf32, #tpu.memory_space<vmem>>, vector<16xf32>,
        tpu.vector_store %arg15[%swap3A_341, %swap3A_342], %mul3A_340 {strides = array<i32>} : memref<400x64xf32, #tpu.memory_space<vmem>>, vector<16xf32>,
        %get3A_344 = arith.index_cast %add3A_333 : i32 to index
        %get3A_345 = arith.constant 16 : index
        %get3A_346 = tpu.vector_load %arg15[%get3A_344, %get3A_345] {strides = array<i32>} : memref<400x64xf32, #tpu.memory_space<vmem>>, vector<16xf32>,
        %mul3A_347 = arith.mulf %get3A_346, %broadcast_in_dim3A_336 : vector<16xf32>
        %swap3A_348 = arith.index_cast %add3A_333 : i32 to index
        %swap3A_349 = arith.constant 16 : index
        %swap3A_350 = tpu.vector_load %arg15[%swap3A_348, %swap3A_349] {strides = array<i32>} : memref<400x64xf32, #tpu.memory_space<vmem>>, vector<16xf32>,
        tpu.vector_store %arg15[%swap3A_348, %swap3A_349], %mul3A_347 {strides = array<i32>} : memref<400x64xf32, #tpu.memory_space<vmem>>, vector<16xf32>,
        %get3A_351 = arith.index_cast %add3A_333 : i32 to index
        %get3A_352 = arith.constant 32 : index
        %get3A_353 = tpu.vector_load %arg15[%get3A_351, %get3A_352] {strides = array<i32>} : memref<400x64xf32, #tpu.memory_space<vmem>>, vector<16xf32>,
        %mul3A_354 = arith.mulf %get3A_353, %broadcast_in_dim3A_336 : vector<16xf32>
        %swap3A_355 = arith.index_cast %add3A_333 : i32 to index
        %swap3A_356 = arith.constant 32 : index
        %swap3A_357 = tpu.vector_load %arg15[%swap3A_355, %swap3A_356] {strides = array<i32>} : memref<400x64xf32, #tpu.memory_space<vmem>>, vector<16xf32>,
        tpu.vector_store %arg15[%swap3A_355, %swap3A_356], %mul3A_354 {strides = array<i32>} : memref<400x64xf32, #tpu.memory_space<vmem>>, vector<16xf32>,
        %get3A_358 = arith.index_cast %add3A_333 : i32 to index
        %get3A_359 = arith.constant 48 : index
        %get3A_360 = tpu.vector_load %arg15[%get3A_358, %get3A_359] {strides = array<i32>} : memref<400x64xf32, #tpu.memory_space<vmem>>, vector<16xf32>,
        %mul3A_361 = arith.mulf %get3A_360, %broadcast_in_dim3A_336 : vector<16xf32>
        %swap3A_362 = arith.index_cast %add3A_333 : i32 to index
        %swap3A_363 = arith.constant 48 : index
        %swap3A_364 = tpu.vector_load %arg15[%swap3A_362, %swap3A_363] {strides = array<i32>} : memref<400x64xf32, #tpu.memory_space<vmem>>, vector<16xf32>,
        tpu.vector_store %arg15[%swap3A_362, %swap3A_363], %mul3A_361 {strides = array<i32>} : memref<400x64xf32, #tpu.memory_space<vmem>>, vector<16xf32>,
        %mul3A_365 = arith.constant 16 : i32
        %mul3A_366 = arith.muli %mul3A_365, %scan3A_268 : i32
        %add3A_367 = arith.constant 2 : i32
        %add3A_368 = arith.addi %mul3A_366, %add3A_367 : i32
        %slice3A_369 = vector.extract_strided_slice %exp3A {offsets = [2], sizes = [1], strides = [1]} : vector<16xf32> to vector<1xf32>
        %squeeze3A_370 = vector.extract %slice3A_369[0] : f32 from vector<1xf32>
        %broadcast_in_dim3A_371 = vector.broadcast %squeeze3A_370 : f32 to vector<16xf32>
        %get3A_372 = arith.index_cast %add3A_368 : i32 to index
        %get3A_373 = arith.constant 0 : index
        %get3A_374 = tpu.vector_load %arg15[%get3A_372, %get3A_373] {strides = array<i32>} : memref<400x64xf32, #tpu.memory_space<vmem>>, vector<16xf32>,
        %mul3A_375 = arith.mulf %get3A_374, %broadcast_in_dim3A_371 : vector<16xf32>
        %swap3A_376 = arith.index_cast %add3A_368 : i32 to index
        %swap3A_377 = arith.constant 0 : index
        %swap3A_378 = tpu.vector_load %arg15[%swap3A_376, %swap3A_377] {strides = array<i32>} : memref<400x64xf32, #tpu.memory_space<vmem>>, vector<16xf32>,
        tpu.vector_store %arg15[%swap3A_376, %swap3A_377], %mul3A_375 {strides = array<i32>} : memref<400x64xf32, #tpu.memory_space<vmem>>, vector<16xf32>,
        %get3A_379 = arith.index_cast %add3A_368 : i32 to index
        %get3A_380 = arith.constant 16 : index
        %get3A_381 = tpu.vector_load %arg15[%get3A_379, %get3A_380] {strides = array<i32>} : memref<400x64xf32, #tpu.memory_space<vmem>>, vector<16xf32>,
        %mul3A_382 = arith.mulf %get3A_381, %broadcast_in_dim3A_371 : vector<16xf32>
        %swap3A_383 = arith.index_cast %add3A_368 : i32 to index
        %swap3A_384 = arith.constant 16 : index
        %swap3A_385 = tpu.vector_load %arg15[%swap3A_383, %swap3A_384] {strides = array<i32>} : memref<400x64xf32, #tpu.memory_space<vmem>>, vector<16xf32>,
        tpu.vector_store %arg15[%swap3A_383, %swap3A_384], %mul3A_382 {strides = array<i32>} : memref<400x64xf32, #tpu.memory_space<vmem>>, vector<16xf32>,
        %get3A_386 = arith.index_cast %add3A_368 : i32 to index
        %get3A_387 = arith.constant 32 : index
        %get3A_388 = tpu.vector_load %arg15[%get3A_386, %get3A_387] {strides = array<i32>} : memref<400x64xf32, #tpu.memory_space<vmem>>, vector<16xf32>,
        %mul3A_389 = arith.mulf %get3A_388, %broadcast_in_dim3A_371 : vector<16xf32>
        %swap3A_390 = arith.index_cast %add3A_368 : i32 to index
        %swap3A_391 = arith.constant 32 : index
        %swap3A_392 = tpu.vector_load %arg15[%swap3A_390, %swap3A_391] {strides = array<i32>} : memref<400x64xf32, #tpu.memory_space<vmem>>, vector<16xf32>,
        tpu.vector_store %arg15[%swap3A_390, %swap3A_391], %mul3A_389 {strides = array<i32>} : memref<400x64xf32, #tpu.memory_space<vmem>>, vector<16xf32>,
        %get3A_393 = arith.index_cast %add3A_368 : i32 to index
        %get3A_394 = arith.constant 48 : index
        %get3A_395 = tpu.vector_load %arg15[%get3A_393, %get3A_394] {strides = array<i32>} : memref<400x64xf32, #tpu.memory_space<vmem>>, vector<16xf32>,
        %mul3A_396 = arith.mulf %get3A_395, %broadcast_in_dim3A_371 : vector<16xf32>
        %swap3A_397 = arith.index_cast %add3A_368 : i32 to index
        %swap3A_398 = arith.constant 48 : index
        %swap3A_399 = tpu.vector_load %arg15[%swap3A_397, %swap3A_398] {strides = array<i32>} : memref<400x64xf32, #tpu.memory_space<vmem>>, vector<16xf32>,
        tpu.vector_store %arg15[%swap3A_397, %swap3A_398], %mul3A_396 {strides = array<i32>} : memref<400x64xf32, #tpu.memory_space<vmem>>, vector<16xf32>,
        %mul3A_400 = arith.constant 16 : i32
        %mul3A_401 = arith.muli %mul3A_400, %scan3A_268 : i32
        %add3A_402 = arith.constant 3 : i32
        %add3A_403 = arith.addi %mul3A_401, %add3A_402 : i32
        %slice3A_404 = vector.extract_strided_slice %exp3A {offsets = [3], sizes = [1], strides = [1]} : vector<16xf32> to vector<1xf32>
        %squeeze3A_405 = vector.extract %slice3A_404[0] : f32 from vector<1xf32>
        %broadcast_in_dim3A_406 = vector.broadcast %squeeze3A_405 : f32 to vector<16xf32>
        %get3A_407 = arith.index_cast %add3A_403 : i32 to index
        %get3A_408 = arith.constant 0 : index
        %get3A_409 = tpu.vector_load %arg15[%get3A_407, %get3A_408] {strides = array<i32>} : memref<400x64xf32, #tpu.memory_space<vmem>>, vector<16xf32>,
        %mul3A_410 = arith.mulf %get3A_409, %broadcast_in_dim3A_406 : vector<16xf32>
        %swap3A_411 = arith.index_cast %add3A_403 : i32 to index
        %swap3A_412 = arith.constant 0 : index
        %swap3A_413 = tpu.vector_load %arg15[%swap3A_411, %swap3A_412] {strides = array<i32>} : memref<400x64xf32, #tpu.memory_space<vmem>>, vector<16xf32>,
        tpu.vector_store %arg15[%swap3A_411, %swap3A_412], %mul3A_410 {strides = array<i32>} : memref<400x64xf32, #tpu.memory_space<vmem>>, vector<16xf32>,
        %get3A_414 = arith.index_cast %add3A_403 : i32 to index
        %get3A_415 = arith.constant 16 : index
        %get3A_416 = tpu.vector_load %arg15[%get3A_414, %get3A_415] {strides = array<i32>} : memref<400x64xf32, #tpu.memory_space<vmem>>, vector<16xf32>,
        %mul3A_417 = arith.mulf %get3A_416, %broadcast_in_dim3A_406 : vector<16xf32>
        %swap3A_418 = arith.index_cast %add3A_403 : i32 to index
        %swap3A_419 = arith.constant 16 : index
        %swap3A_420 = tpu.vector_load %arg15[%swap3A_418, %swap3A_419] {strides = array<i32>} : memref<400x64xf32, #tpu.memory_space<vmem>>, vector<16xf32>,
        tpu.vector_store %arg15[%swap3A_418, %swap3A_419], %mul3A_417 {strides = array<i32>} : memref<400x64xf32, #tpu.memory_space<vmem>>, vector<16xf32>,
        %get3A_421 = arith.index_cast %add3A_403 : i32 to index
        %get3A_422 = arith.constant 32 : index
        %get3A_423 = tpu.vector_load %arg15[%get3A_421, %get3A_422] {strides = array<i32>} : memref<400x64xf32, #tpu.memory_space<vmem>>, vector<16xf32>,
        %mul3A_424 = arith.mulf %get3A_423, %broadcast_in_dim3A_406 : vector<16xf32>
        %swap3A_425 = arith.index_cast %add3A_403 : i32 to index
        %swap3A_426 = arith.constant 32 : index
        %swap3A_427 = tpu.vector_load %arg15[%swap3A_425, %swap3A_426] {strides = array<i32>} : memref<400x64xf32, #tpu.memory_space<vmem>>, vector<16xf32>,
        tpu.vector_store %arg15[%swap3A_425, %swap3A_426], %mul3A_424 {strides = array<i32>} : memref<400x64xf32, #tpu.memory_space<vmem>>, vector<16xf32>,
        %get3A_428 = arith.index_cast %add3A_403 : i32 to index
        %get3A_429 = arith.constant 48 : index
        %get3A_430 = tpu.vector_load %arg15[%get3A_428, %get3A_429] {strides = array<i32>} : memref<400x64xf32, #tpu.memory_space<vmem>>, vector<16xf32>,
        %mul3A_431 = arith.mulf %get3A_430, %broadcast_in_dim3A_406 : vector<16xf32>
        %swap3A_432 = arith.index_cast %add3A_403 : i32 to index
        %swap3A_433 = arith.constant 48 : index
        %swap3A_434 = tpu.vector_load %arg15[%swap3A_432, %swap3A_433] {strides = array<i32>} : memref<400x64xf32, #tpu.memory_space<vmem>>, vector<16xf32>,
        tpu.vector_store %arg15[%swap3A_432, %swap3A_433], %mul3A_431 {strides = array<i32>} : memref<400x64xf32, #tpu.memory_space<vmem>>, vector<16xf32>,
        %mul3A_435 = arith.constant 16 : i32
        %mul3A_436 = arith.muli %mul3A_435, %scan3A_268 : i32
        %add3A_437 = arith.constant 4 : i32
        %add3A_438 = arith.addi %mul3A_436, %add3A_437 : i32
        %slice3A_439 = vector.extract_strided_slice %exp3A {offsets = [4], sizes = [1], strides = [1]} : vector<16xf32> to vector<1xf32>
        %squeeze3A_440 = vector.extract %slice3A_439[0] : f32 from vector<1xf32>
        %broadcast_in_dim3A_441 = vector.broadcast %squeeze3A_440 : f32 to vector<16xf32>
        %get3A_442 = arith.index_cast %add3A_438 : i32 to index
        %get3A_443 = arith.constant 0 : index
        %get3A_444 = tpu.vector_load %arg15[%get3A_442, %get3A_443] {strides = array<i32>} : memref<400x64xf32, #tpu.memory_space<vmem>>, vector<16xf32>,
        %mul3A_445 = arith.mulf %get3A_444, %broadcast_in_dim3A_441 : vector<16xf32>
        %swap3A_446 = arith.index_cast %add3A_438 : i32 to index
        %swap3A_447 = arith.constant 0 : index
        %swap3A_448 = tpu.vector_load %arg15[%swap3A_446, %swap3A_447] {strides = array<i32>} : memref<400x64xf32, #tpu.memory_space<vmem>>, vector<16xf32>,
        tpu.vector_store %arg15[%swap3A_446, %swap3A_447], %mul3A_445 {strides = array<i32>} : memref<400x64xf32, #tpu.memory_space<vmem>>, vector<16xf32>,
        %get3A_449 = arith.index_cast %add3A_438 : i32 to index
        %get3A_450 = arith.constant 16 : index
        %get3A_451 = tpu.vector_load %arg15[%get3A_449, %get3A_450] {strides = array<i32>} : memref<400x64xf32, #tpu.memory_space<vmem>>, vector<16xf32>,
        %mul3A_452 = arith.mulf %get3A_451, %broadcast_in_dim3A_441 : vector<16xf32>
        %swap3A_453 = arith.index_cast %add3A_438 : i32 to index
        %swap3A_454 = arith.constant 16 : index
        %swap3A_455 = tpu.vector_load %arg15[%swap3A_453, %swap3A_454] {strides = array<i32>} : memref<400x64xf32, #tpu.memory_space<vmem>>, vector<16xf32>,
        tpu.vector_store %arg15[%swap3A_453, %swap3A_454], %mul3A_452 {strides = array<i32>} : memref<400x64xf32, #tpu.memory_space<vmem>>, vector<16xf32>,
        %get3A_456 = arith.index_cast %add3A_438 : i32 to index
        %get3A_457 = arith.constant 32 : index
        %get3A_458 = tpu.vector_load %arg15[%get3A_456, %get3A_457] {strides = array<i32>} : memref<400x64xf32, #tpu.memory_space<vmem>>, vector<16xf32>,
        %mul3A_459 = arith.mulf %get3A_458, %broadcast_in_dim3A_441 : vector<16xf32>
        %swap3A_460 = arith.index_cast %add3A_438 : i32 to index
        %swap3A_461 = arith.constant 32 : index
        %swap3A_462 = tpu.vector_load %arg15[%swap3A_460, %swap3A_461] {strides = array<i32>} : memref<400x64xf32, #tpu.memory_space<vmem>>, vector<16xf32>,
        tpu.vector_store %arg15[%swap3A_460, %swap3A_461], %mul3A_459 {strides = array<i32>} : memref<400x64xf32, #tpu.memory_space<vmem>>, vector<16xf32>,
        %get3A_463 = arith.index_cast %add3A_438 : i32 to index
        %get3A_464 = arith.constant 48 : index
        %get3A_465 = tpu.vector_load %arg15[%get3A_463, %get3A_464] {strides = array<i32>} : memref<400x64xf32, #tpu.memory_space<vmem>>, vector<16xf32>,
        %mul3A_466 = arith.mulf %get3A_465, %broadcast_in_dim3A_441 : vector<16xf32>
        %swap3A_467 = arith.index_cast %add3A_438 : i32 to index
        %swap3A_468 = arith.constant 48 : index
        %swap3A_469 = tpu.vector_load %arg15[%swap3A_467, %swap3A_468] {strides = array<i32>} : memref<400x64xf32, #tpu.memory_space<vmem>>, vector<16xf32>,
        tpu.vector_store %arg15[%swap3A_467, %swap3A_468], %mul3A_466 {strides = array<i32>} : memref<400x64xf32, #tpu.memory_space<vmem>>, vector<16xf32>,
        %mul3A_470 = arith.constant 16 : i32
        %mul3A_471 = arith.muli %mul3A_470, %scan3A_268 : i32
        %add3A_472 = arith.constant 5 : i32
        %add3A_473 = arith.addi %mul3A_471, %add3A_472 : i32
        %slice3A_474 = vector.extract_strided_slice %exp3A {offsets = [5], sizes = [1], strides = [1]} : vector<16xf32> to vector<1xf32>
        %squeeze3A_475 = vector.extract %slice3A_474[0] : f32 from vector<1xf32>
        %broadcast_in_dim3A_476 = vector.broadcast %squeeze3A_475 : f32 to vector<16xf32>
        %get3A_477 = arith.index_cast %add3A_473 : i32 to index
        %get3A_478 = arith.constant 0 : index
        %get3A_479 = tpu.vector_load %arg15[%get3A_477, %get3A_478] {strides = array<i32>} : memref<400x64xf32, #tpu.memory_space<vmem>>, vector<16xf32>,
        %mul3A_480 = arith.mulf %get3A_479, %broadcast_in_dim3A_476 : vector<16xf32>
        %swap3A_481 = arith.index_cast %add3A_473 : i32 to index
        %swap3A_482 = arith.constant 0 : index
        %swap3A_483 = tpu.vector_load %arg15[%swap3A_481, %swap3A_482] {strides = array<i32>} : memref<400x64xf32, #tpu.memory_space<vmem>>, vector<16xf32>,
        tpu.vector_store %arg15[%swap3A_481, %swap3A_482], %mul3A_480 {strides = array<i32>} : memref<400x64xf32, #tpu.memory_space<vmem>>, vector<16xf32>,
        %get3A_484 = arith.index_cast %add3A_473 : i32 to index
        %get3A_485 = arith.constant 16 : index
        %get3A_486 = tpu.vector_load %arg15[%get3A_484, %get3A_485] {strides = array<i32>} : memref<400x64xf32, #tpu.memory_space<vmem>>, vector<16xf32>,
        %mul3A_487 = arith.mulf %get3A_486, %broadcast_in_dim3A_476 : vector<16xf32>
        %swap3A_488 = arith.index_cast %add3A_473 : i32 to index
        %swap3A_489 = arith.constant 16 : index
        %swap3A_490 = tpu.vector_load %arg15[%swap3A_488, %swap3A_489] {strides = array<i32>} : memref<400x64xf32, #tpu.memory_space<vmem>>, vector<16xf32>,
        tpu.vector_store %arg15[%swap3A_488, %swap3A_489], %mul3A_487 {strides = array<i32>} : memref<400x64xf32, #tpu.memory_space<vmem>>, vector<16xf32>,
        %get3A_491 = arith.index_cast %add3A_473 : i32 to index
        %get3A_492 = arith.constant 32 : index
        %get3A_493 = tpu.vector_load %arg15[%get3A_491, %get3A_492] {strides = array<i32>} : memref<400x64xf32, #tpu.memory_space<vmem>>, vector<16xf32>,
        %mul3A_494 = arith.mulf %get3A_493, %broadcast_in_dim3A_476 : vector<16xf32>
        %swap3A_495 = arith.index_cast %add3A_473 : i32 to index
        %swap3A_496 = arith.constant 32 : index
        %swap3A_497 = tpu.vector_load %arg15[%swap3A_495, %swap3A_496] {strides = array<i32>} : memref<400x64xf32, #tpu.memory_space<vmem>>, vector<16xf32>,
        tpu.vector_store %arg15[%swap3A_495, %swap3A_496], %mul3A_494 {strides = array<i32>} : memref<400x64xf32, #tpu.memory_space<vmem>>, vector<16xf32>,
        %get3A_498 = arith.index_cast %add3A_473 : i32 to index
        %get3A_499 = arith.constant 48 : index
        %get3A_500 = tpu.vector_load %arg15[%get3A_498, %get3A_499] {strides = array<i32>} : memref<400x64xf32, #tpu.memory_space<vmem>>, vector<16xf32>,
        %mul3A_501 = arith.mulf %get3A_500, %broadcast_in_dim3A_476 : vector<16xf32>
        %swap3A_502 = arith.index_cast %add3A_473 : i32 to index
        %swap3A_503 = arith.constant 48 : index
        %swap3A_504 = tpu.vector_load %arg15[%swap3A_502, %swap3A_503] {strides = array<i32>} : memref<400x64xf32, #tpu.memory_space<vmem>>, vector<16xf32>,
        tpu.vector_store %arg15[%swap3A_502, %swap3A_503], %mul3A_501 {strides = array<i32>} : memref<400x64xf32, #tpu.memory_space<vmem>>, vector<16xf32>,
        %mul3A_505 = arith.constant 16 : i32
        %mul3A_506 = arith.muli %mul3A_505, %scan3A_268 : i32
        %add3A_507 = arith.constant 6 : i32
        %add3A_508 = arith.addi %mul3A_506, %add3A_507 : i32
        %slice3A_509 = vector.extract_strided_slice %exp3A {offsets = [6], sizes = [1], strides = [1]} : vector<16xf32> to vector<1xf32>
        %squeeze3A_510 = vector.extract %slice3A_509[0] : f32 from vector<1xf32>
        %broadcast_in_dim3A_511 = vector.broadcast %squeeze3A_510 : f32 to vector<16xf32>
        %get3A_512 = arith.index_cast %add3A_508 : i32 to index
        %get3A_513 = arith.constant 0 : index
        %get3A_514 = tpu.vector_load %arg15[%get3A_512, %get3A_513] {strides = array<i32>} : memref<400x64xf32, #tpu.memory_space<vmem>>, vector<16xf32>,
        %mul3A_515 = arith.mulf %get3A_514, %broadcast_in_dim3A_511 : vector<16xf32>
        %swap3A_516 = arith.index_cast %add3A_508 : i32 to index
        %swap3A_517 = arith.constant 0 : index
        %swap3A_518 = tpu.vector_load %arg15[%swap3A_516, %swap3A_517] {strides = array<i32>} : memref<400x64xf32, #tpu.memory_space<vmem>>, vector<16xf32>,
        tpu.vector_store %arg15[%swap3A_516, %swap3A_517], %mul3A_515 {strides = array<i32>} : memref<400x64xf32, #tpu.memory_space<vmem>>, vector<16xf32>,
        %get3A_519 = arith.index_cast %add3A_508 : i32 to index
        %get3A_520 = arith.constant 16 : index
        %get3A_521 = tpu.vector_load %arg15[%get3A_519, %get3A_520] {strides = array<i32>} : memref<400x64xf32, #tpu.memory_space<vmem>>, vector<16xf32>,
        %mul3A_522 = arith.mulf %get3A_521, %broadcast_in_dim3A_511 : vector<16xf32>
        %swap3A_523 = arith.index_cast %add3A_508 : i32 to index
        %swap3A_524 = arith.constant 16 : index
        %swap3A_525 = tpu.vector_load %arg15[%swap3A_523, %swap3A_524] {strides = array<i32>} : memref<400x64xf32, #tpu.memory_space<vmem>>, vector<16xf32>,
        tpu.vector_store %arg15[%swap3A_523, %swap3A_524], %mul3A_522 {strides = array<i32>} : memref<400x64xf32, #tpu.memory_space<vmem>>, vector<16xf32>,
        %get3A_526 = arith.index_cast %add3A_508 : i32 to index
        %get3A_527 = arith.constant 32 : index
        %get3A_528 = tpu.vector_load %arg15[%get3A_526, %get3A_527] {strides = array<i32>} : memref<400x64xf32, #tpu.memory_space<vmem>>, vector<16xf32>,
        %mul3A_529 = arith.mulf %get3A_528, %broadcast_in_dim3A_511 : vector<16xf32>
        %swap3A_530 = arith.index_cast %add3A_508 : i32 to index
        %swap3A_531 = arith.constant 32 : index
        %swap3A_532 = tpu.vector_load %arg15[%swap3A_530, %swap3A_531] {strides = array<i32>} : memref<400x64xf32, #tpu.memory_space<vmem>>, vector<16xf32>,
        tpu.vector_store %arg15[%swap3A_530, %swap3A_531], %mul3A_529 {strides = array<i32>} : memref<400x64xf32, #tpu.memory_space<vmem>>, vector<16xf32>,
        %get3A_533 = arith.index_cast %add3A_508 : i32 to index
        %get3A_534 = arith.constant 48 : index
        %get3A_535 = tpu.vector_load %arg15[%get3A_533, %get3A_534] {strides = array<i32>} : memref<400x64xf32, #tpu.memory_space<vmem>>, vector<16xf32>,
        %mul3A_536 = arith.mulf %get3A_535, %broadcast_in_dim3A_511 : vector<16xf32>
        %swap3A_537 = arith.index_cast %add3A_508 : i32 to index
        %swap3A_538 = arith.constant 48 : index
        %swap3A_539 = tpu.vector_load %arg15[%swap3A_537, %swap3A_538] {strides = array<i32>} : memref<400x64xf32, #tpu.memory_space<vmem>>, vector<16xf32>,
        tpu.vector_store %arg15[%swap3A_537, %swap3A_538], %mul3A_536 {strides = array<i32>} : memref<400x64xf32, #tpu.memory_space<vmem>>, vector<16xf32>,
        %mul3A_540 = arith.constant 16 : i32
        %mul3A_541 = arith.muli %mul3A_540, %scan3A_268 : i32
        %add3A_542 = arith.constant 7 : i32
        %add3A_543 = arith.addi %mul3A_541, %add3A_542 : i32
        %slice3A_544 = vector.extract_strided_slice %exp3A {offsets = [7], sizes = [1], strides = [1]} : vector<16xf32> to vector<1xf32>
        %squeeze3A_545 = vector.extract %slice3A_544[0] : f32 from vector<1xf32>
        %broadcast_in_dim3A_546 = vector.broadcast %squeeze3A_545 : f32 to vector<16xf32>
        %get3A_547 = arith.index_cast %add3A_543 : i32 to index
        %get3A_548 = arith.constant 0 : index
        %get3A_549 = tpu.vector_load %arg15[%get3A_547, %get3A_548] {strides = array<i32>} : memref<400x64xf32, #tpu.memory_space<vmem>>, vector<16xf32>,
        %mul3A_550 = arith.mulf %get3A_549, %broadcast_in_dim3A_546 : vector<16xf32>
        %swap3A_551 = arith.index_cast %add3A_543 : i32 to index
        %swap3A_552 = arith.constant 0 : index
        %swap3A_553 = tpu.vector_load %arg15[%swap3A_551, %swap3A_552] {strides = array<i32>} : memref<400x64xf32, #tpu.memory_space<vmem>>, vector<16xf32>,
        tpu.vector_store %arg15[%swap3A_551, %swap3A_552], %mul3A_550 {strides = array<i32>} : memref<400x64xf32, #tpu.memory_space<vmem>>, vector<16xf32>,
        %get3A_554 = arith.index_cast %add3A_543 : i32 to index
        %get3A_555 = arith.constant 16 : index
        %get3A_556 = tpu.vector_load %arg15[%get3A_554, %get3A_555] {strides = array<i32>} : memref<400x64xf32, #tpu.memory_space<vmem>>, vector<16xf32>,
        %mul3A_557 = arith.mulf %get3A_556, %broadcast_in_dim3A_546 : vector<16xf32>
        %swap3A_558 = arith.index_cast %add3A_543 : i32 to index
        %swap3A_559 = arith.constant 16 : index
        %swap3A_560 = tpu.vector_load %arg15[%swap3A_558, %swap3A_559] {strides = array<i32>} : memref<400x64xf32, #tpu.memory_space<vmem>>, vector<16xf32>,
        tpu.vector_store %arg15[%swap3A_558, %swap3A_559], %mul3A_557 {strides = array<i32>} : memref<400x64xf32, #tpu.memory_space<vmem>>, vector<16xf32>,
        %get3A_561 = arith.index_cast %add3A_543 : i32 to index
        %get3A_562 = arith.constant 32 : index
        %get3A_563 = tpu.vector_load %arg15[%get3A_561, %get3A_562] {strides = array<i32>} : memref<400x64xf32, #tpu.memory_space<vmem>>, vector<16xf32>,
        %mul3A_564 = arith.mulf %get3A_563, %broadcast_in_dim3A_546 : vector<16xf32>
        %swap3A_565 = arith.index_cast %add3A_543 : i32 to index
        %swap3A_566 = arith.constant 32 : index
        %swap3A_567 = tpu.vector_load %arg15[%swap3A_565, %swap3A_566] {strides = array<i32>} : memref<400x64xf32, #tpu.memory_space<vmem>>, vector<16xf32>,
        tpu.vector_store %arg15[%swap3A_565, %swap3A_566], %mul3A_564 {strides = array<i32>} : memref<400x64xf32, #tpu.memory_space<vmem>>, vector<16xf32>,
        %get3A_568 = arith.index_cast %add3A_543 : i32 to index
        %get3A_569 = arith.constant 48 : index
        %get3A_570 = tpu.vector_load %arg15[%get3A_568, %get3A_569] {strides = array<i32>} : memref<400x64xf32, #tpu.memory_space<vmem>>, vector<16xf32>,
        %mul3A_571 = arith.mulf %get3A_570, %broadcast_in_dim3A_546 : vector<16xf32>
        %swap3A_572 = arith.index_cast %add3A_543 : i32 to index
        %swap3A_573 = arith.constant 48 : index
        %swap3A_574 = tpu.vector_load %arg15[%swap3A_572, %swap3A_573] {strides = array<i32>} : memref<400x64xf32, #tpu.memory_space<vmem>>, vector<16xf32>,
        tpu.vector_store %arg15[%swap3A_572, %swap3A_573], %mul3A_571 {strides = array<i32>} : memref<400x64xf32, #tpu.memory_space<vmem>>, vector<16xf32>,
        %mul3A_575 = arith.constant 16 : i32
        %mul3A_576 = arith.muli %mul3A_575, %scan3A_268 : i32
        %add3A_577 = arith.constant 8 : i32
        %add3A_578 = arith.addi %mul3A_576, %add3A_577 : i32
        %slice3A_579 = vector.extract_strided_slice %exp3A {offsets = [8], sizes = [1], strides = [1]} : vector<16xf32> to vector<1xf32>
        %squeeze3A_580 = vector.extract %slice3A_579[0] : f32 from vector<1xf32>
        %broadcast_in_dim3A_581 = vector.broadcast %squeeze3A_580 : f32 to vector<16xf32>
        %get3A_582 = arith.index_cast %add3A_578 : i32 to index
        %get3A_583 = arith.constant 0 : index
        %get3A_584 = tpu.vector_load %arg15[%get3A_582, %get3A_583] {strides = array<i32>} : memref<400x64xf32, #tpu.memory_space<vmem>>, vector<16xf32>,
        %mul3A_585 = arith.mulf %get3A_584, %broadcast_in_dim3A_581 : vector<16xf32>
        %swap3A_586 = arith.index_cast %add3A_578 : i32 to index
        %swap3A_587 = arith.constant 0 : index
        %swap3A_588 = tpu.vector_load %arg15[%swap3A_586, %swap3A_587] {strides = array<i32>} : memref<400x64xf32, #tpu.memory_space<vmem>>, vector<16xf32>,
        tpu.vector_store %arg15[%swap3A_586, %swap3A_587], %mul3A_585 {strides = array<i32>} : memref<400x64xf32, #tpu.memory_space<vmem>>, vector<16xf32>,
        %get3A_589 = arith.index_cast %add3A_578 : i32 to index
        %get3A_590 = arith.constant 16 : index
        %get3A_591 = tpu.vector_load %arg15[%get3A_589, %get3A_590] {strides = array<i32>} : memref<400x64xf32, #tpu.memory_space<vmem>>, vector<16xf32>,
        %mul3A_592 = arith.mulf %get3A_591, %broadcast_in_dim3A_581 : vector<16xf32>
        %swap3A_593 = arith.index_cast %add3A_578 : i32 to index
        %swap3A_594 = arith.constant 16 : index
        %swap3A_595 = tpu.vector_load %arg15[%swap3A_593, %swap3A_594] {strides = array<i32>} : memref<400x64xf32, #tpu.memory_space<vmem>>, vector<16xf32>,
        tpu.vector_store %arg15[%swap3A_593, %swap3A_594], %mul3A_592 {strides = array<i32>} : memref<400x64xf32, #tpu.memory_space<vmem>>, vector<16xf32>,
        %get3A_596 = arith.index_cast %add3A_578 : i32 to index
        %get3A_597 = arith.constant 32 : index
        %get3A_598 = tpu.vector_load %arg15[%get3A_596, %get3A_597] {strides = array<i32>} : memref<400x64xf32, #tpu.memory_space<vmem>>, vector<16xf32>,
        %mul3A_599 = arith.mulf %get3A_598, %broadcast_in_dim3A_581 : vector<16xf32>
        %swap3A_600 = arith.index_cast %add3A_578 : i32 to index
        %swap3A_601 = arith.constant 32 : index
        %swap3A_602 = tpu.vector_load %arg15[%swap3A_600, %swap3A_601] {strides = array<i32>} : memref<400x64xf32, #tpu.memory_space<vmem>>, vector<16xf32>,
        tpu.vector_store %arg15[%swap3A_600, %swap3A_601], %mul3A_599 {strides = array<i32>} : memref<400x64xf32, #tpu.memory_space<vmem>>, vector<16xf32>,
        %get3A_603 = arith.index_cast %add3A_578 : i32 to index
        %get3A_604 = arith.constant 48 : index
        %get3A_605 = tpu.vector_load %arg15[%get3A_603, %get3A_604] {strides = array<i32>} : memref<400x64xf32, #tpu.memory_space<vmem>>, vector<16xf32>,
        %mul3A_606 = arith.mulf %get3A_605, %broadcast_in_dim3A_581 : vector<16xf32>
        %swap3A_607 = arith.index_cast %add3A_578 : i32 to index
        %swap3A_608 = arith.constant 48 : index
        %swap3A_609 = tpu.vector_load %arg15[%swap3A_607, %swap3A_608] {strides = array<i32>} : memref<400x64xf32, #tpu.memory_space<vmem>>, vector<16xf32>,
        tpu.vector_store %arg15[%swap3A_607, %swap3A_608], %mul3A_606 {strides = array<i32>} : memref<400x64xf32, #tpu.memory_space<vmem>>, vector<16xf32>,
        %mul3A_610 = arith.constant 16 : i32
        %mul3A_611 = arith.muli %mul3A_610, %scan3A_268 : i32
        %add3A_612 = arith.constant 9 : i32
        %add3A_613 = arith.addi %mul3A_611, %add3A_612 : i32
        %slice3A_614 = vector.extract_strided_slice %exp3A {offsets = [9], sizes = [1], strides = [1]} : vector<16xf32> to vector<1xf32>
        %squeeze3A_615 = vector.extract %slice3A_614[0] : f32 from vector<1xf32>
        %broadcast_in_dim3A_616 = vector.broadcast %squeeze3A_615 : f32 to vector<16xf32>
        %get3A_617 = arith.index_cast %add3A_613 : i32 to index
        %get3A_618 = arith.constant 0 : index
        %get3A_619 = tpu.vector_load %arg15[%get3A_617, %get3A_618] {strides = array<i32>} : memref<400x64xf32, #tpu.memory_space<vmem>>, vector<16xf32>,
        %mul3A_620 = arith.mulf %get3A_619, %broadcast_in_dim3A_616 : vector<16xf32>
        %swap3A_621 = arith.index_cast %add3A_613 : i32 to index
        %swap3A_622 = arith.constant 0 : index
        %swap3A_623 = tpu.vector_load %arg15[%swap3A_621, %swap3A_622] {strides = array<i32>} : memref<400x64xf32, #tpu.memory_space<vmem>>, vector<16xf32>,
        tpu.vector_store %arg15[%swap3A_621, %swap3A_622], %mul3A_620 {strides = array<i32>} : memref<400x64xf32, #tpu.memory_space<vmem>>, vector<16xf32>,
        %get3A_624 = arith.index_cast %add3A_613 : i32 to index
        %get3A_625 = arith.constant 16 : index
        %get3A_626 = tpu.vector_load %arg15[%get3A_624, %get3A_625] {strides = array<i32>} : memref<400x64xf32, #tpu.memory_space<vmem>>, vector<16xf32>,
        %mul3A_627 = arith.mulf %get3A_626, %broadcast_in_dim3A_616 : vector<16xf32>
        %swap3A_628 = arith.index_cast %add3A_613 : i32 to index
        %swap3A_629 = arith.constant 16 : index
        %swap3A_630 = tpu.vector_load %arg15[%swap3A_628, %swap3A_629] {strides = array<i32>} : memref<400x64xf32, #tpu.memory_space<vmem>>, vector<16xf32>,
        tpu.vector_store %arg15[%swap3A_628, %swap3A_629], %mul3A_627 {strides = array<i32>} : memref<400x64xf32, #tpu.memory_space<vmem>>, vector<16xf32>,
        %get3A_631 = arith.index_cast %add3A_613 : i32 to index
        %get3A_632 = arith.constant 32 : index
        %get3A_633 = tpu.vector_load %arg15[%get3A_631, %get3A_632] {strides = array<i32>} : memref<400x64xf32, #tpu.memory_space<vmem>>, vector<16xf32>,
        %mul3A_634 = arith.mulf %get3A_633, %broadcast_in_dim3A_616 : vector<16xf32>
        %swap3A_635 = arith.index_cast %add3A_613 : i32 to index
        %swap3A_636 = arith.constant 32 : index
        %swap3A_637 = tpu.vector_load %arg15[%swap3A_635, %swap3A_636] {strides = array<i32>} : memref<400x64xf32, #tpu.memory_space<vmem>>, vector<16xf32>,
        tpu.vector_store %arg15[%swap3A_635, %swap3A_636], %mul3A_634 {strides = array<i32>} : memref<400x64xf32, #tpu.memory_space<vmem>>, vector<16xf32>,
        %get3A_638 = arith.index_cast %add3A_613 : i32 to index
        %get3A_639 = arith.constant 48 : index
        %get3A_640 = tpu.vector_load %arg15[%get3A_638, %get3A_639] {strides = array<i32>} : memref<400x64xf32, #tpu.memory_space<vmem>>, vector<16xf32>,
        %mul3A_641 = arith.mulf %get3A_640, %broadcast_in_dim3A_616 : vector<16xf32>
        %swap3A_642 = arith.index_cast %add3A_613 : i32 to index
        %swap3A_643 = arith.constant 48 : index
        %swap3A_644 = tpu.vector_load %arg15[%swap3A_642, %swap3A_643] {strides = array<i32>} : memref<400x64xf32, #tpu.memory_space<vmem>>, vector<16xf32>,
        tpu.vector_store %arg15[%swap3A_642, %swap3A_643], %mul3A_641 {strides = array<i32>} : memref<400x64xf32, #tpu.memory_space<vmem>>, vector<16xf32>,
        %mul3A_645 = arith.constant 16 : i32
        %mul3A_646 = arith.muli %mul3A_645, %scan3A_268 : i32
        %add3A_647 = arith.constant 10 : i32
        %add3A_648 = arith.addi %mul3A_646, %add3A_647 : i32
        %slice3A_649 = vector.extract_strided_slice %exp3A {offsets = [10], sizes = [1], strides = [1]} : vector<16xf32> to vector<1xf32>
        %squeeze3A_650 = vector.extract %slice3A_649[0] : f32 from vector<1xf32>
        %broadcast_in_dim3A_651 = vector.broadcast %squeeze3A_650 : f32 to vector<16xf32>
        %get3A_652 = arith.index_cast %add3A_648 : i32 to index
        %get3A_653 = arith.constant 0 : index
        %get3A_654 = tpu.vector_load %arg15[%get3A_652, %get3A_653] {strides = array<i32>} : memref<400x64xf32, #tpu.memory_space<vmem>>, vector<16xf32>,
        %mul3A_655 = arith.mulf %get3A_654, %broadcast_in_dim3A_651 : vector<16xf32>
        %swap3A_656 = arith.index_cast %add3A_648 : i32 to index
        %swap3A_657 = arith.constant 0 : index
        %swap3A_658 = tpu.vector_load %arg15[%swap3A_656, %swap3A_657] {strides = array<i32>} : memref<400x64xf32, #tpu.memory_space<vmem>>, vector<16xf32>,
        tpu.vector_store %arg15[%swap3A_656, %swap3A_657], %mul3A_655 {strides = array<i32>} : memref<400x64xf32, #tpu.memory_space<vmem>>, vector<16xf32>,
        %get3A_659 = arith.index_cast %add3A_648 : i32 to index
        %get3A_660 = arith.constant 16 : index
        %get3A_661 = tpu.vector_load %arg15[%get3A_659, %get3A_660] {strides = array<i32>} : memref<400x64xf32, #tpu.memory_space<vmem>>, vector<16xf32>,
        %mul3A_662 = arith.mulf %get3A_661, %broadcast_in_dim3A_651 : vector<16xf32>
        %swap3A_663 = arith.index_cast %add3A_648 : i32 to index
        %swap3A_664 = arith.constant 16 : index
        %swap3A_665 = tpu.vector_load %arg15[%swap3A_663, %swap3A_664] {strides = array<i32>} : memref<400x64xf32, #tpu.memory_space<vmem>>, vector<16xf32>,
        tpu.vector_store %arg15[%swap3A_663, %swap3A_664], %mul3A_662 {strides = array<i32>} : memref<400x64xf32, #tpu.memory_space<vmem>>, vector<16xf32>,
        %get3A_666 = arith.index_cast %add3A_648 : i32 to index
        %get3A_667 = arith.constant 32 : index
        %get3A_668 = tpu.vector_load %arg15[%get3A_666, %get3A_667] {strides = array<i32>} : memref<400x64xf32, #tpu.memory_space<vmem>>, vector<16xf32>,
        %mul3A_669 = arith.mulf %get3A_668, %broadcast_in_dim3A_651 : vector<16xf32>
        %swap3A_670 = arith.index_cast %add3A_648 : i32 to index
        %swap3A_671 = arith.constant 32 : index
        %swap3A_672 = tpu.vector_load %arg15[%swap3A_670, %swap3A_671] {strides = array<i32>} : memref<400x64xf32, #tpu.memory_space<vmem>>, vector<16xf32>,
        tpu.vector_store %arg15[%swap3A_670, %swap3A_671], %mul3A_669 {strides = array<i32>} : memref<400x64xf32, #tpu.memory_space<vmem>>, vector<16xf32>,
        %get3A_673 = arith.index_cast %add3A_648 : i32 to index
        %get3A_674 = arith.constant 48 : index
        %get3A_675 = tpu.vector_load %arg15[%get3A_673, %get3A_674] {strides = array<i32>} : memref<400x64xf32, #tpu.memory_space<vmem>>, vector<16xf32>,
        %mul3A_676 = arith.mulf %get3A_675, %broadcast_in_dim3A_651 : vector<16xf32>
        %swap3A_677 = arith.index_cast %add3A_648 : i32 to index
        %swap3A_678 = arith.constant 48 : index
        %swap3A_679 = tpu.vector_load %arg15[%swap3A_677, %swap3A_678] {strides = array<i32>} : memref<400x64xf32, #tpu.memory_space<vmem>>, vector<16xf32>,
        tpu.vector_store %arg15[%swap3A_677, %swap3A_678], %mul3A_676 {strides = array<i32>} : memref<400x64xf32, #tpu.memory_space<vmem>>, vector<16xf32>,
        %mul3A_680 = arith.constant 16 : i32
        %mul3A_681 = arith.muli %mul3A_680, %scan3A_268 : i32
        %add3A_682 = arith.constant 11 : i32
        %add3A_683 = arith.addi %mul3A_681, %add3A_682 : i32
        %slice3A_684 = vector.extract_strided_slice %exp3A {offsets = [11], sizes = [1], strides = [1]} : vector<16xf32> to vector<1xf32>
        %squeeze3A_685 = vector.extract %slice3A_684[0] : f32 from vector<1xf32>
        %broadcast_in_dim3A_686 = vector.broadcast %squeeze3A_685 : f32 to vector<16xf32>
        %get3A_687 = arith.index_cast %add3A_683 : i32 to index
        %get3A_688 = arith.constant 0 : index
        %get3A_689 = tpu.vector_load %arg15[%get3A_687, %get3A_688] {strides = array<i32>} : memref<400x64xf32, #tpu.memory_space<vmem>>, vector<16xf32>,
        %mul3A_690 = arith.mulf %get3A_689, %broadcast_in_dim3A_686 : vector<16xf32>
        %swap3A_691 = arith.index_cast %add3A_683 : i32 to index
        %swap3A_692 = arith.constant 0 : index
        %swap3A_693 = tpu.vector_load %arg15[%swap3A_691, %swap3A_692] {strides = array<i32>} : memref<400x64xf32, #tpu.memory_space<vmem>>, vector<16xf32>,
        tpu.vector_store %arg15[%swap3A_691, %swap3A_692], %mul3A_690 {strides = array<i32>} : memref<400x64xf32, #tpu.memory_space<vmem>>, vector<16xf32>,
        %get3A_694 = arith.index_cast %add3A_683 : i32 to index
        %get3A_695 = arith.constant 16 : index
        %get3A_696 = tpu.vector_load %arg15[%get3A_694, %get3A_695] {strides = array<i32>} : memref<400x64xf32, #tpu.memory_space<vmem>>, vector<16xf32>,
        %mul3A_697 = arith.mulf %get3A_696, %broadcast_in_dim3A_686 : vector<16xf32>
        %swap3A_698 = arith.index_cast %add3A_683 : i32 to index
        %swap3A_699 = arith.constant 16 : index
        %swap3A_700 = tpu.vector_load %arg15[%swap3A_698, %swap3A_699] {strides = array<i32>} : memref<400x64xf32, #tpu.memory_space<vmem>>, vector<16xf32>,
        tpu.vector_store %arg15[%swap3A_698, %swap3A_699], %mul3A_697 {strides = array<i32>} : memref<400x64xf32, #tpu.memory_space<vmem>>, vector<16xf32>,
        %get3A_701 = arith.index_cast %add3A_683 : i32 to index
        %get3A_702 = arith.constant 32 : index
        %get3A_703 = tpu.vector_load %arg15[%get3A_701, %get3A_702] {strides = array<i32>} : memref<400x64xf32, #tpu.memory_space<vmem>>, vector<16xf32>,
        %mul3A_704 = arith.mulf %get3A_703, %broadcast_in_dim3A_686 : vector<16xf32>
        %swap3A_705 = arith.index_cast %add3A_683 : i32 to index
        %swap3A_706 = arith.constant 32 : index
        %swap3A_707 = tpu.vector_load %arg15[%swap3A_705, %swap3A_706] {strides = array<i32>} : memref<400x64xf32, #tpu.memory_space<vmem>>, vector<16xf32>,
        tpu.vector_store %arg15[%swap3A_705, %swap3A_706], %mul3A_704 {strides = array<i32>} : memref<400x64xf32, #tpu.memory_space<vmem>>, vector<16xf32>,
        %get3A_708 = arith.index_cast %add3A_683 : i32 to index
        %get3A_709 = arith.constant 48 : index
        %get3A_710 = tpu.vector_load %arg15[%get3A_708, %get3A_709] {strides = array<i32>} : memref<400x64xf32, #tpu.memory_space<vmem>>, vector<16xf32>,
        %mul3A_711 = arith.mulf %get3A_710, %broadcast_in_dim3A_686 : vector<16xf32>
        %swap3A_712 = arith.index_cast %add3A_683 : i32 to index
        %swap3A_713 = arith.constant 48 : index
        %swap3A_714 = tpu.vector_load %arg15[%swap3A_712, %swap3A_713] {strides = array<i32>} : memref<400x64xf32, #tpu.memory_space<vmem>>, vector<16xf32>,
        tpu.vector_store %arg15[%swap3A_712, %swap3A_713], %mul3A_711 {strides = array<i32>} : memref<400x64xf32, #tpu.memory_space<vmem>>, vector<16xf32>,
        %mul3A_715 = arith.constant 16 : i32
        %mul3A_716 = arith.muli %mul3A_715, %scan3A_268 : i32
        %add3A_717 = arith.constant 12 : i32
        %add3A_718 = arith.addi %mul3A_716, %add3A_717 : i32
        %slice3A_719 = vector.extract_strided_slice %exp3A {offsets = [12], sizes = [1], strides = [1]} : vector<16xf32> to vector<1xf32>
        %squeeze3A_720 = vector.extract %slice3A_719[0] : f32 from vector<1xf32>
        %broadcast_in_dim3A_721 = vector.broadcast %squeeze3A_720 : f32 to vector<16xf32>
        %get3A_722 = arith.index_cast %add3A_718 : i32 to index
        %get3A_723 = arith.constant 0 : index
        %get3A_724 = tpu.vector_load %arg15[%get3A_722, %get3A_723] {strides = array<i32>} : memref<400x64xf32, #tpu.memory_space<vmem>>, vector<16xf32>,
        %mul3A_725 = arith.mulf %get3A_724, %broadcast_in_dim3A_721 : vector<16xf32>
        %swap3A_726 = arith.index_cast %add3A_718 : i32 to index
        %swap3A_727 = arith.constant 0 : index
        %swap3A_728 = tpu.vector_load %arg15[%swap3A_726, %swap3A_727] {strides = array<i32>} : memref<400x64xf32, #tpu.memory_space<vmem>>, vector<16xf32>,
        tpu.vector_store %arg15[%swap3A_726, %swap3A_727], %mul3A_725 {strides = array<i32>} : memref<400x64xf32, #tpu.memory_space<vmem>>, vector<16xf32>,
        %get3A_729 = arith.index_cast %add3A_718 : i32 to index
        %get3A_730 = arith.constant 16 : index
        %get3A_731 = tpu.vector_load %arg15[%get3A_729, %get3A_730] {strides = array<i32>} : memref<400x64xf32, #tpu.memory_space<vmem>>, vector<16xf32>,
        %mul3A_732 = arith.mulf %get3A_731, %broadcast_in_dim3A_721 : vector<16xf32>
        %swap3A_733 = arith.index_cast %add3A_718 : i32 to index
        %swap3A_734 = arith.constant 16 : index
        %swap3A_735 = tpu.vector_load %arg15[%swap3A_733, %swap3A_734] {strides = array<i32>} : memref<400x64xf32, #tpu.memory_space<vmem>>, vector<16xf32>,
        tpu.vector_store %arg15[%swap3A_733, %swap3A_734], %mul3A_732 {strides = array<i32>} : memref<400x64xf32, #tpu.memory_space<vmem>>, vector<16xf32>,
        %get3A_736 = arith.index_cast %add3A_718 : i32 to index
        %get3A_737 = arith.constant 32 : index
        %get3A_738 = tpu.vector_load %arg15[%get3A_736, %get3A_737] {strides = array<i32>} : memref<400x64xf32, #tpu.memory_space<vmem>>, vector<16xf32>,
        %mul3A_739 = arith.mulf %get3A_738, %broadcast_in_dim3A_721 : vector<16xf32>
        %swap3A_740 = arith.index_cast %add3A_718 : i32 to index
        %swap3A_741 = arith.constant 32 : index
        %swap3A_742 = tpu.vector_load %arg15[%swap3A_740, %swap3A_741] {strides = array<i32>} : memref<400x64xf32, #tpu.memory_space<vmem>>, vector<16xf32>,
        tpu.vector_store %arg15[%swap3A_740, %swap3A_741], %mul3A_739 {strides = array<i32>} : memref<400x64xf32, #tpu.memory_space<vmem>>, vector<16xf32>,
        %get3A_743 = arith.index_cast %add3A_718 : i32 to index
        %get3A_744 = arith.constant 48 : index
        %get3A_745 = tpu.vector_load %arg15[%get3A_743, %get3A_744] {strides = array<i32>} : memref<400x64xf32, #tpu.memory_space<vmem>>, vector<16xf32>,
        %mul3A_746 = arith.mulf %get3A_745, %broadcast_in_dim3A_721 : vector<16xf32>
        %swap3A_747 = arith.index_cast %add3A_718 : i32 to index
        %swap3A_748 = arith.constant 48 : index
        %swap3A_749 = tpu.vector_load %arg15[%swap3A_747, %swap3A_748] {strides = array<i32>} : memref<400x64xf32, #tpu.memory_space<vmem>>, vector<16xf32>,
        tpu.vector_store %arg15[%swap3A_747, %swap3A_748], %mul3A_746 {strides = array<i32>} : memref<400x64xf32, #tpu.memory_space<vmem>>, vector<16xf32>,
        %mul3A_750 = arith.constant 16 : i32
        %mul3A_751 = arith.muli %mul3A_750, %scan3A_268 : i32
        %add3A_752 = arith.constant 13 : i32
        %add3A_753 = arith.addi %mul3A_751, %add3A_752 : i32
        %slice3A_754 = vector.extract_strided_slice %exp3A {offsets = [13], sizes = [1], strides = [1]} : vector<16xf32> to vector<1xf32>
        %squeeze3A_755 = vector.extract %slice3A_754[0] : f32 from vector<1xf32>
        %broadcast_in_dim3A_756 = vector.broadcast %squeeze3A_755 : f32 to vector<16xf32>
        %get3A_757 = arith.index_cast %add3A_753 : i32 to index
        %get3A_758 = arith.constant 0 : index
        %get3A_759 = tpu.vector_load %arg15[%get3A_757, %get3A_758] {strides = array<i32>} : memref<400x64xf32, #tpu.memory_space<vmem>>, vector<16xf32>,
        %mul3A_760 = arith.mulf %get3A_759, %broadcast_in_dim3A_756 : vector<16xf32>
        %swap3A_761 = arith.index_cast %add3A_753 : i32 to index
        %swap3A_762 = arith.constant 0 : index
        %swap3A_763 = tpu.vector_load %arg15[%swap3A_761, %swap3A_762] {strides = array<i32>} : memref<400x64xf32, #tpu.memory_space<vmem>>, vector<16xf32>,
        tpu.vector_store %arg15[%swap3A_761, %swap3A_762], %mul3A_760 {strides = array<i32>} : memref<400x64xf32, #tpu.memory_space<vmem>>, vector<16xf32>,
        %get3A_764 = arith.index_cast %add3A_753 : i32 to index
        %get3A_765 = arith.constant 16 : index
        %get3A_766 = tpu.vector_load %arg15[%get3A_764, %get3A_765] {strides = array<i32>} : memref<400x64xf32, #tpu.memory_space<vmem>>, vector<16xf32>,
        %mul3A_767 = arith.mulf %get3A_766, %broadcast_in_dim3A_756 : vector<16xf32>
        %swap3A_768 = arith.index_cast %add3A_753 : i32 to index
        %swap3A_769 = arith.constant 16 : index
        %swap3A_770 = tpu.vector_load %arg15[%swap3A_768, %swap3A_769] {strides = array<i32>} : memref<400x64xf32, #tpu.memory_space<vmem>>, vector<16xf32>,
        tpu.vector_store %arg15[%swap3A_768, %swap3A_769], %mul3A_767 {strides = array<i32>} : memref<400x64xf32, #tpu.memory_space<vmem>>, vector<16xf32>,
        %get3A_771 = arith.index_cast %add3A_753 : i32 to index
        %get3A_772 = arith.constant 32 : index
        %get3A_773 = tpu.vector_load %arg15[%get3A_771, %get3A_772] {strides = array<i32>} : memref<400x64xf32, #tpu.memory_space<vmem>>, vector<16xf32>,
        %mul3A_774 = arith.mulf %get3A_773, %broadcast_in_dim3A_756 : vector<16xf32>
        %swap3A_775 = arith.index_cast %add3A_753 : i32 to index
        %swap3A_776 = arith.constant 32 : index
        %swap3A_777 = tpu.vector_load %arg15[%swap3A_775, %swap3A_776] {strides = array<i32>} : memref<400x64xf32, #tpu.memory_space<vmem>>, vector<16xf32>,
        tpu.vector_store %arg15[%swap3A_775, %swap3A_776], %mul3A_774 {strides = array<i32>} : memref<400x64xf32, #tpu.memory_space<vmem>>, vector<16xf32>,
        %get3A_778 = arith.index_cast %add3A_753 : i32 to index
        %get3A_779 = arith.constant 48 : index
        %get3A_780 = tpu.vector_load %arg15[%get3A_778, %get3A_779] {strides = array<i32>} : memref<400x64xf32, #tpu.memory_space<vmem>>, vector<16xf32>,
        %mul3A_781 = arith.mulf %get3A_780, %broadcast_in_dim3A_756 : vector<16xf32>
        %swap3A_782 = arith.index_cast %add3A_753 : i32 to index
        %swap3A_783 = arith.constant 48 : index
        %swap3A_784 = tpu.vector_load %arg15[%swap3A_782, %swap3A_783] {strides = array<i32>} : memref<400x64xf32, #tpu.memory_space<vmem>>, vector<16xf32>,
        tpu.vector_store %arg15[%swap3A_782, %swap3A_783], %mul3A_781 {strides = array<i32>} : memref<400x64xf32, #tpu.memory_space<vmem>>, vector<16xf32>,
        %mul3A_785 = arith.constant 16 : i32
        %mul3A_786 = arith.muli %mul3A_785, %scan3A_268 : i32
        %add3A_787 = arith.constant 14 : i32
        %add3A_788 = arith.addi %mul3A_786, %add3A_787 : i32
        %slice3A_789 = vector.extract_strided_slice %exp3A {offsets = [14], sizes = [1], strides = [1]} : vector<16xf32> to vector<1xf32>
        %squeeze3A_790 = vector.extract %slice3A_789[0] : f32 from vector<1xf32>
        %broadcast_in_dim3A_791 = vector.broadcast %squeeze3A_790 : f32 to vector<16xf32>
        %get3A_792 = arith.index_cast %add3A_788 : i32 to index
        %get3A_793 = arith.constant 0 : index
        %get3A_794 = tpu.vector_load %arg15[%get3A_792, %get3A_793] {strides = array<i32>} : memref<400x64xf32, #tpu.memory_space<vmem>>, vector<16xf32>,
        %mul3A_795 = arith.mulf %get3A_794, %broadcast_in_dim3A_791 : vector<16xf32>
        %swap3A_796 = arith.index_cast %add3A_788 : i32 to index
        %swap3A_797 = arith.constant 0 : index
        %swap3A_798 = tpu.vector_load %arg15[%swap3A_796, %swap3A_797] {strides = array<i32>} : memref<400x64xf32, #tpu.memory_space<vmem>>, vector<16xf32>,
        tpu.vector_store %arg15[%swap3A_796, %swap3A_797], %mul3A_795 {strides = array<i32>} : memref<400x64xf32, #tpu.memory_space<vmem>>, vector<16xf32>,
        %get3A_799 = arith.index_cast %add3A_788 : i32 to index
        %get3A_800 = arith.constant 16 : index
        %get3A_801 = tpu.vector_load %arg15[%get3A_799, %get3A_800] {strides = array<i32>} : memref<400x64xf32, #tpu.memory_space<vmem>>, vector<16xf32>,
        %mul3A_802 = arith.mulf %get3A_801, %broadcast_in_dim3A_791 : vector<16xf32>
        %swap3A_803 = arith.index_cast %add3A_788 : i32 to index
        %swap3A_804 = arith.constant 16 : index
        %swap3A_805 = tpu.vector_load %arg15[%swap3A_803, %swap3A_804] {strides = array<i32>} : memref<400x64xf32, #tpu.memory_space<vmem>>, vector<16xf32>,
        tpu.vector_store %arg15[%swap3A_803, %swap3A_804], %mul3A_802 {strides = array<i32>} : memref<400x64xf32, #tpu.memory_space<vmem>>, vector<16xf32>,
        %get3A_806 = arith.index_cast %add3A_788 : i32 to index
        %get3A_807 = arith.constant 32 : index
        %get3A_808 = tpu.vector_load %arg15[%get3A_806, %get3A_807] {strides = array<i32>} : memref<400x64xf32, #tpu.memory_space<vmem>>, vector<16xf32>,
        %mul3A_809 = arith.mulf %get3A_808, %broadcast_in_dim3A_791 : vector<16xf32>
        %swap3A_810 = arith.index_cast %add3A_788 : i32 to index
        %swap3A_811 = arith.constant 32 : index
        %swap3A_812 = tpu.vector_load %arg15[%swap3A_810, %swap3A_811] {strides = array<i32>} : memref<400x64xf32, #tpu.memory_space<vmem>>, vector<16xf32>,
        tpu.vector_store %arg15[%swap3A_810, %swap3A_811], %mul3A_809 {strides = array<i32>} : memref<400x64xf32, #tpu.memory_space<vmem>>, vector<16xf32>,
        %get3A_813 = arith.index_cast %add3A_788 : i32 to index
        %get3A_814 = arith.constant 48 : index
        %get3A_815 = tpu.vector_load %arg15[%get3A_813, %get3A_814] {strides = array<i32>} : memref<400x64xf32, #tpu.memory_space<vmem>>, vector<16xf32>,
        %mul3A_816 = arith.mulf %get3A_815, %broadcast_in_dim3A_791 : vector<16xf32>
        %swap3A_817 = arith.index_cast %add3A_788 : i32 to index
        %swap3A_818 = arith.constant 48 : index
        %swap3A_819 = tpu.vector_load %arg15[%swap3A_817, %swap3A_818] {strides = array<i32>} : memref<400x64xf32, #tpu.memory_space<vmem>>, vector<16xf32>,
        tpu.vector_store %arg15[%swap3A_817, %swap3A_818], %mul3A_816 {strides = array<i32>} : memref<400x64xf32, #tpu.memory_space<vmem>>, vector<16xf32>,
        %mul3A_820 = arith.constant 16 : i32
        %mul3A_821 = arith.muli %mul3A_820, %scan3A_268 : i32
        %add3A_822 = arith.constant 15 : i32
        %add3A_823 = arith.addi %mul3A_821, %add3A_822 : i32
        %slice3A_824 = vector.extract_strided_slice %exp3A {offsets = [15], sizes = [1], strides = [1]} : vector<16xf32> to vector<1xf32>
        %squeeze3A_825 = vector.extract %slice3A_824[0] : f32 from vector<1xf32>
        %broadcast_in_dim3A_826 = vector.broadcast %squeeze3A_825 : f32 to vector<16xf32>
        %get3A_827 = arith.index_cast %add3A_823 : i32 to index
        %get3A_828 = arith.constant 0 : index
        %get3A_829 = tpu.vector_load %arg15[%get3A_827, %get3A_828] {strides = array<i32>} : memref<400x64xf32, #tpu.memory_space<vmem>>, vector<16xf32>,
        %mul3A_830 = arith.mulf %get3A_829, %broadcast_in_dim3A_826 : vector<16xf32>
        %swap3A_831 = arith.index_cast %add3A_823 : i32 to index
        %swap3A_832 = arith.constant 0 : index
        %swap3A_833 = tpu.vector_load %arg15[%swap3A_831, %swap3A_832] {strides = array<i32>} : memref<400x64xf32, #tpu.memory_space<vmem>>, vector<16xf32>,
        tpu.vector_store %arg15[%swap3A_831, %swap3A_832], %mul3A_830 {strides = array<i32>} : memref<400x64xf32, #tpu.memory_space<vmem>>, vector<16xf32>,
        %get3A_834 = arith.index_cast %add3A_823 : i32 to index
        %get3A_835 = arith.constant 16 : index
        %get3A_836 = tpu.vector_load %arg15[%get3A_834, %get3A_835] {strides = array<i32>} : memref<400x64xf32, #tpu.memory_space<vmem>>, vector<16xf32>,
        %mul3A_837 = arith.mulf %get3A_836, %broadcast_in_dim3A_826 : vector<16xf32>
        %swap3A_838 = arith.index_cast %add3A_823 : i32 to index
        %swap3A_839 = arith.constant 16 : index
        %swap3A_840 = tpu.vector_load %arg15[%swap3A_838, %swap3A_839] {strides = array<i32>} : memref<400x64xf32, #tpu.memory_space<vmem>>, vector<16xf32>,
        tpu.vector_store %arg15[%swap3A_838, %swap3A_839], %mul3A_837 {strides = array<i32>} : memref<400x64xf32, #tpu.memory_space<vmem>>, vector<16xf32>,
        %get3A_841 = arith.index_cast %add3A_823 : i32 to index
        %get3A_842 = arith.constant 32 : index
        %get3A_843 = tpu.vector_load %arg15[%get3A_841, %get3A_842] {strides = array<i32>} : memref<400x64xf32, #tpu.memory_space<vmem>>, vector<16xf32>,
        %mul3A_844 = arith.mulf %get3A_843, %broadcast_in_dim3A_826 : vector<16xf32>
        %swap3A_845 = arith.index_cast %add3A_823 : i32 to index
        %swap3A_846 = arith.constant 32 : index
        %swap3A_847 = tpu.vector_load %arg15[%swap3A_845, %swap3A_846] {strides = array<i32>} : memref<400x64xf32, #tpu.memory_space<vmem>>, vector<16xf32>,
        tpu.vector_store %arg15[%swap3A_845, %swap3A_846], %mul3A_844 {strides = array<i32>} : memref<400x64xf32, #tpu.memory_space<vmem>>, vector<16xf32>,
        %get3A_848 = arith.index_cast %add3A_823 : i32 to index
        %get3A_849 = arith.constant 48 : index
        %get3A_850 = tpu.vector_load %arg15[%get3A_848, %get3A_849] {strides = array<i32>} : memref<400x64xf32, #tpu.memory_space<vmem>>, vector<16xf32>,
        %mul3A_851 = arith.mulf %get3A_850, %broadcast_in_dim3A_826 : vector<16xf32>
        %swap3A_852 = arith.index_cast %add3A_823 : i32 to index
        %swap3A_853 = arith.constant 48 : index
        %swap3A_854 = tpu.vector_load %arg15[%swap3A_852, %swap3A_853] {strides = array<i32>} : memref<400x64xf32, #tpu.memory_space<vmem>>, vector<16xf32>,
        tpu.vector_store %arg15[%swap3A_852, %swap3A_853], %mul3A_851 {strides = array<i32>} : memref<400x64xf32, #tpu.memory_space<vmem>>, vector<16xf32>,
        %scan3A_855 = arith.constant 0 : i32
        scf.yield %scan3A_855 : i32
      }
      %scan3A_266 = arith.constant 25 : i32
      "tpu.region"() ({
        %run_scoped3A = tpu.sem_alloc : memref<!tpu.dma_semaphore, #tpu.memory_space<semaphore_mem>>
        %dma_start3A_268 = arith.constant 0 : i32
        %dma_start3A_269 = arith.constant 0 : i32
        %dma_start3A_270 = tpu.memref_slice %arg18[%dma_start3A_268, %dma_start3A_269] : memref<10000x64xf32, #tpu.memory_space<vmem_shared>> -> memref<10000x64xf32, #tpu.memory_space<vmem_shared>>
        tpu.enqueue_indirect_dma source(%arg15 : memref<400x64xf32, #tpu.memory_space<vmem>>) target(%dma_start3A_270 : memref<10000x64xf32, #tpu.memory_space<vmem_shared>>) offsets(%arg13 : memref<400xi32, #tpu.memory_space<vmem>>) semaphore(%run_scoped3A : memref<!tpu.dma_semaphore, #tpu.memory_space<semaphore_mem>>) {add = true}
        %dma_wait3A_271 = arith.constant 0 : i32
        %dma_wait3A_272 = arith.constant 0 : i32
        %dma_wait3A_273 = tpu.memref_slice %arg18[%dma_wait3A_271, %dma_wait3A_272] : memref<10000x64xf32, #tpu.memory_space<vmem_shared>> -> memref<10000x64xf32, #tpu.memory_space<vmem_shared>>
        tpu.wait_indirect_dma semaphore(%run_scoped3A : memref<!tpu.dma_semaphore, #tpu.memory_space<semaphore_mem>>) src(%arg15 : memref<400x64xf32, #tpu.memory_space<vmem>>) dst(%dma_wait3A_273 : memref<10000x64xf32, #tpu.memory_space<vmem_shared>>)
        tpu.yield
      }) : () -> ()
      "tpu.region"() ({
        %run_scoped3A = tpu.sem_alloc : memref<!tpu.dma_semaphore, #tpu.memory_space<semaphore_mem>>
        %dma_start3A_268 = arith.constant 0 : i32
        %dma_start3A_269 = arith.constant 0 : i32
        %dma_start3A_270 = tpu.memref_slice %arg19[%dma_start3A_268, %dma_start3A_269] : memref<10000x8xf32, #tpu.memory_space<vmem_shared>> -> memref<10000x8xf32, #tpu.memory_space<vmem_shared>>
        tpu.enqueue_indirect_dma source(%arg16 : memref<400x8xf32, #tpu.memory_space<vmem>>) target(%dma_start3A_270 : memref<10000x8xf32, #tpu.memory_space<vmem_shared>>) offsets(%arg13 : memref<400xi32, #tpu.memory_space<vmem>>) semaphore(%run_scoped3A : memref<!tpu.dma_semaphore, #tpu.memory_space<semaphore_mem>>) {add = true}
        %dma_wait3A_271 = arith.constant 0 : i32
        %dma_wait3A_272 = arith.constant 0 : i32
        %dma_wait3A_273 = tpu.memref_slice %arg19[%dma_wait3A_271, %dma_wait3A_272] : memref<10000x8xf32, #tpu.memory_space<vmem_shared>> -> memref<10000x8xf32, #tpu.memory_space<vmem_shared>>
        tpu.wait_indirect_dma semaphore(%run_scoped3A : memref<!tpu.dma_semaphore, #tpu.memory_space<semaphore_mem>>) src(%arg16 : memref<400x8xf32, #tpu.memory_space<vmem>>) dst(%dma_wait3A_273 : memref<10000x8xf32, #tpu.memory_space<vmem_shared>>)
        tpu.yield
      }) : () -> ()
      %scan3A_267 = arith.constant 0 : i32
      scf.yield %scan3A_267 : i32
    }
    %scan3A_108 = arith.constant 25 : i32
    %barrier3A_109 = arith.constant 0 : index
    tpu.barrier barrier_id(%barrier3A_109)
    %add3A_110 = arith.addi %mul3A_81, %mul3A_2 : i32
    %lt3A_111 = arith.constant 10 : i32
    %lt3A_112 = arith.cmpi slt, %arg1, %lt3A_111 : i32
    %convert_element_type3A_113 = arith.extui %lt3A_112 : i1 to i32
    %cond3A_114 = arith.constant 0 : i32
    %cond3A_115 = arith.cmpi ne, %convert_element_type3A_113, %cond3A_114 : i32
    scf.if %cond3A_115 {
      %add3A_244 = arith.constant 0 : i32
      %add3A_245 = arith.addi %mul3A_2, %add3A_244 : i32
      "tpu.region"() ({
        %run_scoped3A = tpu.sem_alloc : memref<!tpu.dma_semaphore, #tpu.memory_space<semaphore_mem>>
        %dma_start3A = arith.constant 0 : i32
        %dma_start3A_268 = arith.constant 0 : i32
        %dma_start3A_269 = tpu.memref_slice %arg15[%dma_start3A, %dma_start3A_268] : memref<400x64xf32, #tpu.memory_space<vmem>> -> memref<400x64xf32, #tpu.memory_space<vmem>>
        %dma_start3A_270 = arith.constant 0 : i32
        %dma_start3A_271 = tpu.memref_slice %arg18[%add3A_245, %dma_start3A_270] : memref<10000x64xf32, #tpu.memory_space<vmem_shared>> -> memref<400x64xf32, #tpu.memory_space<vmem_shared>>
        %dma_start3A_272 = arith.constant 0 : i32
        %dma_start3A_273 = arith.constant 0 : i32
        %dma_start3A_274 = tpu.memref_slice %arg15[%dma_start3A_272, %dma_start3A_273] : memref<400x64xf32, #tpu.memory_space<vmem>> -> memref<400x64xf32, #tpu.memory_space<vmem>>
        %dma_start3A_275 = arith.constant 0 : i32
        %dma_start3A_276 = tpu.memref_slice %arg18[%add3A_245, %dma_start3A_275] : memref<10000x64xf32, #tpu.memory_space<vmem_shared>> -> memref<400x64xf32, #tpu.memory_space<vmem_shared>>
        tpu.enqueue_dma source(%dma_start3A_276 : memref<400x64xf32, #tpu.memory_space<vmem_shared>>) target(%dma_start3A_274 : memref<400x64xf32, #tpu.memory_space<vmem>>) target_semaphore(%run_scoped3A : memref<!tpu.dma_semaphore, #tpu.memory_space<semaphore_mem>>)
        %dma_wait3A = arith.constant 0 : i32
        %dma_wait3A_277 = arith.constant 0 : i32
        %dma_wait3A_278 = tpu.memref_slice %arg15[%dma_wait3A, %dma_wait3A_277] : memref<400x64xf32, #tpu.memory_space<vmem>> -> memref<400x64xf32, #tpu.memory_space<vmem>>
        %dma_wait3A_279 = arith.constant 0 : i32
        %dma_wait3A_280 = tpu.memref_slice %arg18[%add3A_245, %dma_wait3A_279] : memref<10000x64xf32, #tpu.memory_space<vmem_shared>> -> memref<400x64xf32, #tpu.memory_space<vmem_shared>>
        %dma_wait3A_281 = arith.constant 0 : i32
        %dma_wait3A_282 = arith.constant 0 : i32
        %dma_wait3A_283 = tpu.memref_slice %arg15[%dma_wait3A_281, %dma_wait3A_282] : memref<400x64xf32, #tpu.memory_space<vmem>> -> memref<400x64xf32, #tpu.memory_space<vmem>>
        %dma_wait3A_284 = arith.constant 0 : i32
        %dma_wait3A_285 = tpu.memref_slice %arg18[%add3A_245, %dma_wait3A_284] : memref<10000x64xf32, #tpu.memory_space<vmem_shared>> -> memref<400x64xf32, #tpu.memory_space<vmem_shared>>
        tpu.wait_dma2 semaphore(%run_scoped3A : memref<!tpu.dma_semaphore, #tpu.memory_space<semaphore_mem>>) src(%dma_wait3A_285 : memref<400x64xf32, #tpu.memory_space<vmem_shared>>) dst(%dma_wait3A_283 : memref<400x64xf32, #tpu.memory_space<vmem>>)
        tpu.yield
      }) : () -> ()
      %add3A_246 = arith.constant 0 : i32
      %add3A_247 = arith.addi %add3A_110, %add3A_246 : i32
      "tpu.region"() ({
        %run_scoped3A = tpu.sem_alloc : memref<!tpu.dma_semaphore, #tpu.memory_space<semaphore_mem>>
        %dma_start3A = arith.constant 0 : i32
        %dma_start3A_268 = arith.constant 0 : i32
        %dma_start3A_269 = tpu.memref_slice %arg15[%dma_start3A, %dma_start3A_268] : memref<400x64xf32, #tpu.memory_space<vmem>> -> memref<400x64xf32, #tpu.memory_space<vmem>>
        %dma_start3A_270 = arith.constant 0 : i32
        %dma_start3A_271 = tpu.memref_slice %arg8[%add3A_247, %dma_start3A_270] : memref<40000x64xf32, #tpu.memory_space<hbm>> -> memref<400x64xf32, #tpu.memory_space<hbm>>
        %dma_start3A_272 = arith.constant 0 : i32
        %dma_start3A_273 = tpu.memref_slice %arg8[%add3A_247, %dma_start3A_272] : memref<40000x64xf32, #tpu.memory_space<hbm>> -> memref<400x64xf32, #tpu.memory_space<hbm>>
        %dma_start3A_274 = arith.constant 0 : i32
        %dma_start3A_275 = arith.constant 0 : i32
        %dma_start3A_276 = tpu.memref_slice %arg15[%dma_start3A_274, %dma_start3A_275] : memref<400x64xf32, #tpu.memory_space<vmem>> -> memref<400x64xf32, #tpu.memory_space<vmem>>
        tpu.enqueue_dma source(%dma_start3A_276 : memref<400x64xf32, #tpu.memory_space<vmem>>) target(%dma_start3A_273 : memref<400x64xf32, #tpu.memory_space<hbm>>) target_semaphore(%run_scoped3A : memref<!tpu.dma_semaphore, #tpu.memory_space<semaphore_mem>>)
        %dma_wait3A = arith.constant 0 : i32
        %dma_wait3A_277 = arith.constant 0 : i32
        %dma_wait3A_278 = tpu.memref_slice %arg15[%dma_wait3A, %dma_wait3A_277] : memref<400x64xf32, #tpu.memory_space<vmem>> -> memref<400x64xf32, #tpu.memory_space<vmem>>
        %dma_wait3A_279 = arith.constant 0 : i32
        %dma_wait3A_280 = tpu.memref_slice %arg8[%add3A_247, %dma_wait3A_279] : memref<40000x64xf32, #tpu.memory_space<hbm>> -> memref<400x64xf32, #tpu.memory_space<hbm>>
        %dma_wait3A_281 = arith.constant 0 : i32
        %dma_wait3A_282 = tpu.memref_slice %arg8[%add3A_247, %dma_wait3A_281] : memref<40000x64xf32, #tpu.memory_space<hbm>> -> memref<400x64xf32, #tpu.memory_space<hbm>>
        %dma_wait3A_283 = arith.constant 0 : i32
        %dma_wait3A_284 = arith.constant 0 : i32
        %dma_wait3A_285 = tpu.memref_slice %arg15[%dma_wait3A_283, %dma_wait3A_284] : memref<400x64xf32, #tpu.memory_space<vmem>> -> memref<400x64xf32, #tpu.memory_space<vmem>>
        tpu.wait_dma2 semaphore(%run_scoped3A : memref<!tpu.dma_semaphore, #tpu.memory_space<semaphore_mem>>) src(%dma_wait3A_285 : memref<400x64xf32, #tpu.memory_space<vmem>>) dst(%dma_wait3A_282 : memref<400x64xf32, #tpu.memory_space<hbm>>)
        tpu.yield
      }) : () -> ()
      %add3A_248 = arith.constant 0 : i32
      %add3A_249 = arith.addi %mul3A_2, %add3A_248 : i32
      "tpu.region"() ({
        %run_scoped3A = tpu.sem_alloc : memref<!tpu.dma_semaphore, #tpu.memory_space<semaphore_mem>>
        %dma_start3A = arith.constant 0 : i32
        %dma_start3A_268 = arith.constant 0 : i32
        %dma_start3A_269 = tpu.memref_slice %arg16[%dma_start3A, %dma_start3A_268] : memref<400x8xf32, #tpu.memory_space<vmem>> -> memref<400x8xf32, #tpu.memory_space<vmem>>
        %dma_start3A_270 = arith.constant 0 : i32
        %dma_start3A_271 = tpu.memref_slice %arg19[%add3A_249, %dma_start3A_270] : memref<10000x8xf32, #tpu.memory_space<vmem_shared>> -> memref<400x8xf32, #tpu.memory_space<vmem_shared>>
        %dma_start3A_272 = arith.constant 0 : i32
        %dma_start3A_273 = arith.constant 0 : i32
        %dma_start3A_274 = tpu.memref_slice %arg16[%dma_start3A_272, %dma_start3A_273] : memref<400x8xf32, #tpu.memory_space<vmem>> -> memref<400x8xf32, #tpu.memory_space<vmem>>
        %dma_start3A_275 = arith.constant 0 : i32
        %dma_start3A_276 = tpu.memref_slice %arg19[%add3A_249, %dma_start3A_275] : memref<10000x8xf32, #tpu.memory_space<vmem_shared>> -> memref<400x8xf32, #tpu.memory_space<vmem_shared>>
        tpu.enqueue_dma source(%dma_start3A_276 : memref<400x8xf32, #tpu.memory_space<vmem_shared>>) target(%dma_start3A_274 : memref<400x8xf32, #tpu.memory_space<vmem>>) target_semaphore(%run_scoped3A : memref<!tpu.dma_semaphore, #tpu.memory_space<semaphore_mem>>)
        %dma_wait3A = arith.constant 0 : i32
        %dma_wait3A_277 = arith.constant 0 : i32
        %dma_wait3A_278 = tpu.memref_slice %arg16[%dma_wait3A, %dma_wait3A_277] : memref<400x8xf32, #tpu.memory_space<vmem>> -> memref<400x8xf32, #tpu.memory_space<vmem>>
        %dma_wait3A_279 = arith.constant 0 : i32
        %dma_wait3A_280 = tpu.memref_slice %arg19[%add3A_249, %dma_wait3A_279] : memref<10000x8xf32, #tpu.memory_space<vmem_shared>> -> memref<400x8xf32, #tpu.memory_space<vmem_shared>>
        %dma_wait3A_281 = arith.constant 0 : i32
        %dma_wait3A_282 = arith.constant 0 : i32
        %dma_wait3A_283 = tpu.memref_slice %arg16[%dma_wait3A_281, %dma_wait3A_282] : memref<400x8xf32, #tpu.memory_space<vmem>> -> memref<400x8xf32, #tpu.memory_space<vmem>>
        %dma_wait3A_284 = arith.constant 0 : i32
        %dma_wait3A_285 = tpu.memref_slice %arg19[%add3A_249, %dma_wait3A_284] : memref<10000x8xf32, #tpu.memory_space<vmem_shared>> -> memref<400x8xf32, #tpu.memory_space<vmem_shared>>
        tpu.wait_dma2 semaphore(%run_scoped3A : memref<!tpu.dma_semaphore, #tpu.memory_space<semaphore_mem>>) src(%dma_wait3A_285 : memref<400x8xf32, #tpu.memory_space<vmem_shared>>) dst(%dma_wait3A_283 : memref<400x8xf32, #tpu.memory_space<vmem>>)
        tpu.yield
      }) : () -> ()
      %add3A_250 = arith.constant 0 : i32
      %add3A_251 = arith.addi %add3A_110, %add3A_250 : i32
      "tpu.region"() ({
        %run_scoped3A = tpu.sem_alloc : memref<!tpu.dma_semaphore, #tpu.memory_space<semaphore_mem>>
        %dma_start3A = arith.constant 0 : i32
        %dma_start3A_268 = arith.constant 0 : i32
        %dma_start3A_269 = tpu.memref_slice %arg16[%dma_start3A, %dma_start3A_268] : memref<400x8xf32, #tpu.memory_space<vmem>> -> memref<400x8xf32, #tpu.memory_space<vmem>>
        %dma_start3A_270 = arith.constant 0 : i32
        %dma_start3A_271 = tpu.memref_slice %arg9[%add3A_251, %dma_start3A_270] : memref<40000x8xf32, #tpu.memory_space<hbm>> -> memref<400x8xf32, #tpu.memory_space<hbm>>
        %dma_start3A_272 = arith.constant 0 : i32
        %dma_start3A_273 = tpu.memref_slice %arg9[%add3A_251, %dma_start3A_272] : memref<40000x8xf32, #tpu.memory_space<hbm>> -> memref<400x8xf32, #tpu.memory_space<hbm>>
        %dma_start3A_274 = arith.constant 0 : i32
        %dma_start3A_275 = arith.constant 0 : i32
        %dma_start3A_276 = tpu.memref_slice %arg16[%dma_start3A_274, %dma_start3A_275] : memref<400x8xf32, #tpu.memory_space<vmem>> -> memref<400x8xf32, #tpu.memory_space<vmem>>
        tpu.enqueue_dma source(%dma_start3A_276 : memref<400x8xf32, #tpu.memory_space<vmem>>) target(%dma_start3A_273 : memref<400x8xf32, #tpu.memory_space<hbm>>) target_semaphore(%run_scoped3A : memref<!tpu.dma_semaphore, #tpu.memory_space<semaphore_mem>>)
        %dma_wait3A = arith.constant 0 : i32
        %dma_wait3A_277 = arith.constant 0 : i32
        %dma_wait3A_278 = tpu.memref_slice %arg16[%dma_wait3A, %dma_wait3A_277] : memref<400x8xf32, #tpu.memory_space<vmem>> -> memref<400x8xf32, #tpu.memory_space<vmem>>
        %dma_wait3A_279 = arith.constant 0 : i32
        %dma_wait3A_280 = tpu.memref_slice %arg9[%add3A_251, %dma_wait3A_279] : memref<40000x8xf32, #tpu.memory_space<hbm>> -> memref<400x8xf32, #tpu.memory_space<hbm>>
        %dma_wait3A_281 = arith.constant 0 : i32
        %dma_wait3A_282 = tpu.memref_slice %arg9[%add3A_251, %dma_wait3A_281] : memref<40000x8xf32, #tpu.memory_space<hbm>> -> memref<400x8xf32, #tpu.memory_space<hbm>>
        %dma_wait3A_283 = arith.constant 0 : i32
        %dma_wait3A_284 = arith.constant 0 : i32
        %dma_wait3A_285 = tpu.memref_slice %arg16[%dma_wait3A_283, %dma_wait3A_284] : memref<400x8xf32, #tpu.memory_space<vmem>> -> memref<400x8xf32, #tpu.memory_space<vmem>>
        tpu.wait_dma2 semaphore(%run_scoped3A : memref<!tpu.dma_semaphore, #tpu.memory_space<semaphore_mem>>) src(%dma_wait3A_285 : memref<400x8xf32, #tpu.memory_space<vmem>>) dst(%dma_wait3A_282 : memref<400x8xf32, #tpu.memory_space<hbm>>)
        tpu.yield
      }) : () -> ()
      %add3A_252 = arith.constant 400 : i32
      %add3A_253 = arith.addi %mul3A_2, %add3A_252 : i32
      "tpu.region"() ({
        %run_scoped3A = tpu.sem_alloc : memref<!tpu.dma_semaphore, #tpu.memory_space<semaphore_mem>>
        %dma_start3A = arith.constant 0 : i32
        %dma_start3A_268 = arith.constant 0 : i32
        %dma_start3A_269 = tpu.memref_slice %arg15[%dma_start3A, %dma_start3A_268] : memref<400x64xf32, #tpu.memory_space<vmem>> -> memref<400x64xf32, #tpu.memory_space<vmem>>
        %dma_start3A_270 = arith.constant 0 : i32
        %dma_start3A_271 = tpu.memref_slice %arg18[%add3A_253, %dma_start3A_270] : memref<10000x64xf32, #tpu.memory_space<vmem_shared>> -> memref<400x64xf32, #tpu.memory_space<vmem_shared>>
        %dma_start3A_272 = arith.constant 0 : i32
        %dma_start3A_273 = arith.constant 0 : i32
        %dma_start3A_274 = tpu.memref_slice %arg15[%dma_start3A_272, %dma_start3A_273] : memref<400x64xf32, #tpu.memory_space<vmem>> -> memref<400x64xf32, #tpu.memory_space<vmem>>
        %dma_start3A_275 = arith.constant 0 : i32
        %dma_start3A_276 = tpu.memref_slice %arg18[%add3A_253, %dma_start3A_275] : memref<10000x64xf32, #tpu.memory_space<vmem_shared>> -> memref<400x64xf32, #tpu.memory_space<vmem_shared>>
        tpu.enqueue_dma source(%dma_start3A_276 : memref<400x64xf32, #tpu.memory_space<vmem_shared>>) target(%dma_start3A_274 : memref<400x64xf32, #tpu.memory_space<vmem>>) target_semaphore(%run_scoped3A : memref<!tpu.dma_semaphore, #tpu.memory_space<semaphore_mem>>)
        %dma_wait3A = arith.constant 0 : i32
        %dma_wait3A_277 = arith.constant 0 : i32
        %dma_wait3A_278 = tpu.memref_slice %arg15[%dma_wait3A, %dma_wait3A_277] : memref<400x64xf32, #tpu.memory_space<vmem>> -> memref<400x64xf32, #tpu.memory_space<vmem>>
        %dma_wait3A_279 = arith.constant 0 : i32
        %dma_wait3A_280 = tpu.memref_slice %arg18[%add3A_253, %dma_wait3A_279] : memref<10000x64xf32, #tpu.memory_space<vmem_shared>> -> memref<400x64xf32, #tpu.memory_space<vmem_shared>>
        %dma_wait3A_281 = arith.constant 0 : i32
        %dma_wait3A_282 = arith.constant 0 : i32
        %dma_wait3A_283 = tpu.memref_slice %arg15[%dma_wait3A_281, %dma_wait3A_282] : memref<400x64xf32, #tpu.memory_space<vmem>> -> memref<400x64xf32, #tpu.memory_space<vmem>>
        %dma_wait3A_284 = arith.constant 0 : i32
        %dma_wait3A_285 = tpu.memref_slice %arg18[%add3A_253, %dma_wait3A_284] : memref<10000x64xf32, #tpu.memory_space<vmem_shared>> -> memref<400x64xf32, #tpu.memory_space<vmem_shared>>
        tpu.wait_dma2 semaphore(%run_scoped3A : memref<!tpu.dma_semaphore, #tpu.memory_space<semaphore_mem>>) src(%dma_wait3A_285 : memref<400x64xf32, #tpu.memory_space<vmem_shared>>) dst(%dma_wait3A_283 : memref<400x64xf32, #tpu.memory_space<vmem>>)
        tpu.yield
      }) : () -> ()
      %add3A_254 = arith.constant 400 : i32
      %add3A_255 = arith.addi %add3A_110, %add3A_254 : i32
      "tpu.region"() ({
        %run_scoped3A = tpu.sem_alloc : memref<!tpu.dma_semaphore, #tpu.memory_space<semaphore_mem>>
        %dma_start3A = arith.constant 0 : i32
        %dma_start3A_268 = arith.constant 0 : i32
        %dma_start3A_269 = tpu.memref_slice %arg15[%dma_start3A, %dma_start3A_268] : memref<400x64xf32, #tpu.memory_space<vmem>> -> memref<400x64xf32, #tpu.memory_space<vmem>>
        %dma_start3A_270 = arith.constant 0 : i32
        %dma_start3A_271 = tpu.memref_slice %arg8[%add3A_255, %dma_start3A_270] : memref<40000x64xf32, #tpu.memory_space<hbm>> -> memref<400x64xf32, #tpu.memory_space<hbm>>
        %dma_start3A_272 = arith.constant 0 : i32
        %dma_start3A_273 = tpu.memref_slice %arg8[%add3A_255, %dma_start3A_272] : memref<40000x64xf32, #tpu.memory_space<hbm>> -> memref<400x64xf32, #tpu.memory_space<hbm>>
        %dma_start3A_274 = arith.constant 0 : i32
        %dma_start3A_275 = arith.constant 0 : i32
        %dma_start3A_276 = tpu.memref_slice %arg15[%dma_start3A_274, %dma_start3A_275] : memref<400x64xf32, #tpu.memory_space<vmem>> -> memref<400x64xf32, #tpu.memory_space<vmem>>
        tpu.enqueue_dma source(%dma_start3A_276 : memref<400x64xf32, #tpu.memory_space<vmem>>) target(%dma_start3A_273 : memref<400x64xf32, #tpu.memory_space<hbm>>) target_semaphore(%run_scoped3A : memref<!tpu.dma_semaphore, #tpu.memory_space<semaphore_mem>>)
        %dma_wait3A = arith.constant 0 : i32
        %dma_wait3A_277 = arith.constant 0 : i32
        %dma_wait3A_278 = tpu.memref_slice %arg15[%dma_wait3A, %dma_wait3A_277] : memref<400x64xf32, #tpu.memory_space<vmem>> -> memref<400x64xf32, #tpu.memory_space<vmem>>
        %dma_wait3A_279 = arith.constant 0 : i32
        %dma_wait3A_280 = tpu.memref_slice %arg8[%add3A_255, %dma_wait3A_279] : memref<40000x64xf32, #tpu.memory_space<hbm>> -> memref<400x64xf32, #tpu.memory_space<hbm>>
        %dma_wait3A_281 = arith.constant 0 : i32
        %dma_wait3A_282 = tpu.memref_slice %arg8[%add3A_255, %dma_wait3A_281] : memref<40000x64xf32, #tpu.memory_space<hbm>> -> memref<400x64xf32, #tpu.memory_space<hbm>>
        %dma_wait3A_283 = arith.constant 0 : i32
        %dma_wait3A_284 = arith.constant 0 : i32
        %dma_wait3A_285 = tpu.memref_slice %arg15[%dma_wait3A_283, %dma_wait3A_284] : memref<400x64xf32, #tpu.memory_space<vmem>> -> memref<400x64xf32, #tpu.memory_space<vmem>>
        tpu.wait_dma2 semaphore(%run_scoped3A : memref<!tpu.dma_semaphore, #tpu.memory_space<semaphore_mem>>) src(%dma_wait3A_285 : memref<400x64xf32, #tpu.memory_space<vmem>>) dst(%dma_wait3A_282 : memref<400x64xf32, #tpu.memory_space<hbm>>)
        tpu.yield
      }) : () -> ()
      %add3A_256 = arith.constant 400 : i32
      %add3A_257 = arith.addi %mul3A_2, %add3A_256 : i32
      "tpu.region"() ({
        %run_scoped3A = tpu.sem_alloc : memref<!tpu.dma_semaphore, #tpu.memory_space<semaphore_mem>>
        %dma_start3A = arith.constant 0 : i32
        %dma_start3A_268 = arith.constant 0 : i32
        %dma_start3A_269 = tpu.memref_slice %arg16[%dma_start3A, %dma_start3A_268] : memref<400x8xf32, #tpu.memory_space<vmem>> -> memref<400x8xf32, #tpu.memory_space<vmem>>
        %dma_start3A_270 = arith.constant 0 : i32
        %dma_start3A_271 = tpu.memref_slice %arg19[%add3A_257, %dma_start3A_270] : memref<10000x8xf32, #tpu.memory_space<vmem_shared>> -> memref<400x8xf32, #tpu.memory_space<vmem_shared>>
        %dma_start3A_272 = arith.constant 0 : i32
        %dma_start3A_273 = arith.constant 0 : i32
        %dma_start3A_274 = tpu.memref_slice %arg16[%dma_start3A_272, %dma_start3A_273] : memref<400x8xf32, #tpu.memory_space<vmem>> -> memref<400x8xf32, #tpu.memory_space<vmem>>
        %dma_start3A_275 = arith.constant 0 : i32
        %dma_start3A_276 = tpu.memref_slice %arg19[%add3A_257, %dma_start3A_275] : memref<10000x8xf32, #tpu.memory_space<vmem_shared>> -> memref<400x8xf32, #tpu.memory_space<vmem_shared>>
        tpu.enqueue_dma source(%dma_start3A_276 : memref<400x8xf32, #tpu.memory_space<vmem_shared>>) target(%dma_start3A_274 : memref<400x8xf32, #tpu.memory_space<vmem>>) target_semaphore(%run_scoped3A : memref<!tpu.dma_semaphore, #tpu.memory_space<semaphore_mem>>)
        %dma_wait3A = arith.constant 0 : i32
        %dma_wait3A_277 = arith.constant 0 : i32
        %dma_wait3A_278 = tpu.memref_slice %arg16[%dma_wait3A, %dma_wait3A_277] : memref<400x8xf32, #tpu.memory_space<vmem>> -> memref<400x8xf32, #tpu.memory_space<vmem>>
        %dma_wait3A_279 = arith.constant 0 : i32
        %dma_wait3A_280 = tpu.memref_slice %arg19[%add3A_257, %dma_wait3A_279] : memref<10000x8xf32, #tpu.memory_space<vmem_shared>> -> memref<400x8xf32, #tpu.memory_space<vmem_shared>>
        %dma_wait3A_281 = arith.constant 0 : i32
        %dma_wait3A_282 = arith.constant 0 : i32
        %dma_wait3A_283 = tpu.memref_slice %arg16[%dma_wait3A_281, %dma_wait3A_282] : memref<400x8xf32, #tpu.memory_space<vmem>> -> memref<400x8xf32, #tpu.memory_space<vmem>>
        %dma_wait3A_284 = arith.constant 0 : i32
        %dma_wait3A_285 = tpu.memref_slice %arg19[%add3A_257, %dma_wait3A_284] : memref<10000x8xf32, #tpu.memory_space<vmem_shared>> -> memref<400x8xf32, #tpu.memory_space<vmem_shared>>
        tpu.wait_dma2 semaphore(%run_scoped3A : memref<!tpu.dma_semaphore, #tpu.memory_space<semaphore_mem>>) src(%dma_wait3A_285 : memref<400x8xf32, #tpu.memory_space<vmem_shared>>) dst(%dma_wait3A_283 : memref<400x8xf32, #tpu.memory_space<vmem>>)
        tpu.yield
      }) : () -> ()
      %add3A_258 = arith.constant 400 : i32
      %add3A_259 = arith.addi %add3A_110, %add3A_258 : i32
      "tpu.region"() ({
        %run_scoped3A = tpu.sem_alloc : memref<!tpu.dma_semaphore, #tpu.memory_space<semaphore_mem>>
        %dma_start3A = arith.constant 0 : i32
        %dma_start3A_268 = arith.constant 0 : i32
        %dma_start3A_269 = tpu.memref_slice %arg16[%dma_start3A, %dma_start3A_268] : memref<400x8xf32, #tpu.memory_space<vmem>> -> memref<400x8xf32, #tpu.memory_space<vmem>>
        %dma_start3A_270 = arith.constant 0 : i32
        %dma_start3A_271 = tpu.memref_slice %arg9[%add3A_259, %dma_start3A_270] : memref<40000x8xf32, #tpu.memory_space<hbm>> -> memref<400x8xf32, #tpu.memory_space<hbm>>
        %dma_start3A_272 = arith.constant 0 : i32
        %dma_start3A_273 = tpu.memref_slice %arg9[%add3A_259, %dma_start3A_272] : memref<40000x8xf32, #tpu.memory_space<hbm>> -> memref<400x8xf32, #tpu.memory_space<hbm>>
        %dma_start3A_274 = arith.constant 0 : i32
        %dma_start3A_275 = arith.constant 0 : i32
        %dma_start3A_276 = tpu.memref_slice %arg16[%dma_start3A_274, %dma_start3A_275] : memref<400x8xf32, #tpu.memory_space<vmem>> -> memref<400x8xf32, #tpu.memory_space<vmem>>
        tpu.enqueue_dma source(%dma_start3A_276 : memref<400x8xf32, #tpu.memory_space<vmem>>) target(%dma_start3A_273 : memref<400x8xf32, #tpu.memory_space<hbm>>) target_semaphore(%run_scoped3A : memref<!tpu.dma_semaphore, #tpu.memory_space<semaphore_mem>>)
        %dma_wait3A = arith.constant 0 : i32
        %dma_wait3A_277 = arith.constant 0 : i32
        %dma_wait3A_278 = tpu.memref_slice %arg16[%dma_wait3A, %dma_wait3A_277] : memref<400x8xf32, #tpu.memory_space<vmem>> -> memref<400x8xf32, #tpu.memory_space<vmem>>
        %dma_wait3A_279 = arith.constant 0 : i32
        %dma_wait3A_280 = tpu.memref_slice %arg9[%add3A_259, %dma_wait3A_279] : memref<40000x8xf32, #tpu.memory_space<hbm>> -> memref<400x8xf32, #tpu.memory_space<hbm>>
        %dma_wait3A_281 = arith.constant 0 : i32
        %dma_wait3A_282 = tpu.memref_slice %arg9[%add3A_259, %dma_wait3A_281] : memref<40000x8xf32, #tpu.memory_space<hbm>> -> memref<400x8xf32, #tpu.memory_space<hbm>>
        %dma_wait3A_283 = arith.constant 0 : i32
        %dma_wait3A_284 = arith.constant 0 : i32
        %dma_wait3A_285 = tpu.memref_slice %arg16[%dma_wait3A_283, %dma_wait3A_284] : memref<400x8xf32, #tpu.memory_space<vmem>> -> memref<400x8xf32, #tpu.memory_space<vmem>>
        tpu.wait_dma2 semaphore(%run_scoped3A : memref<!tpu.dma_semaphore, #tpu.memory_space<semaphore_mem>>) src(%dma_wait3A_285 : memref<400x8xf32, #tpu.memory_space<vmem>>) dst(%dma_wait3A_282 : memref<400x8xf32, #tpu.memory_space<hbm>>)
        tpu.yield
      }) : () -> ()
      %add3A_260 = arith.constant 800 : i32
      %add3A_261 = arith.addi %mul3A_2, %add3A_260 : i32
      "tpu.region"() ({
        %run_scoped3A = tpu.sem_alloc : memref<!tpu.dma_semaphore, #tpu.memory_space<semaphore_mem>>
        %dma_start3A = arith.constant 0 : i32
        %dma_start3A_268 = arith.constant 0 : i32
        %dma_start3A_269 = tpu.memref_slice %arg15[%dma_start3A, %dma_start3A_268] : memref<400x64xf32, #tpu.memory_space<vmem>> -> memref<200x64xf32, #tpu.memory_space<vmem>>
        %dma_start3A_270 = arith.constant 0 : i32
        %dma_start3A_271 = tpu.memref_slice %arg18[%add3A_261, %dma_start3A_270] : memref<10000x64xf32, #tpu.memory_space<vmem_shared>> -> memref<200x64xf32, #tpu.memory_space<vmem_shared>>
        %dma_start3A_272 = arith.constant 0 : i32
        %dma_start3A_273 = arith.constant 0 : i32
        %dma_start3A_274 = tpu.memref_slice %arg15[%dma_start3A_272, %dma_start3A_273] : memref<400x64xf32, #tpu.memory_space<vmem>> -> memref<200x64xf32, #tpu.memory_space<vmem>>
        %dma_start3A_275 = arith.constant 0 : i32
        %dma_start3A_276 = tpu.memref_slice %arg18[%add3A_261, %dma_start3A_275] : memref<10000x64xf32, #tpu.memory_space<vmem_shared>> -> memref<200x64xf32, #tpu.memory_space<vmem_shared>>
        tpu.enqueue_dma source(%dma_start3A_276 : memref<200x64xf32, #tpu.memory_space<vmem_shared>>) target(%dma_start3A_274 : memref<200x64xf32, #tpu.memory_space<vmem>>) target_semaphore(%run_scoped3A : memref<!tpu.dma_semaphore, #tpu.memory_space<semaphore_mem>>)
        %dma_wait3A = arith.constant 0 : i32
        %dma_wait3A_277 = arith.constant 0 : i32
        %dma_wait3A_278 = tpu.memref_slice %arg15[%dma_wait3A, %dma_wait3A_277] : memref<400x64xf32, #tpu.memory_space<vmem>> -> memref<200x64xf32, #tpu.memory_space<vmem>>
        %dma_wait3A_279 = arith.constant 0 : i32
        %dma_wait3A_280 = tpu.memref_slice %arg18[%add3A_261, %dma_wait3A_279] : memref<10000x64xf32, #tpu.memory_space<vmem_shared>> -> memref<200x64xf32, #tpu.memory_space<vmem_shared>>
        %dma_wait3A_281 = arith.constant 0 : i32
        %dma_wait3A_282 = arith.constant 0 : i32
        %dma_wait3A_283 = tpu.memref_slice %arg15[%dma_wait3A_281, %dma_wait3A_282] : memref<400x64xf32, #tpu.memory_space<vmem>> -> memref<200x64xf32, #tpu.memory_space<vmem>>
        %dma_wait3A_284 = arith.constant 0 : i32
        %dma_wait3A_285 = tpu.memref_slice %arg18[%add3A_261, %dma_wait3A_284] : memref<10000x64xf32, #tpu.memory_space<vmem_shared>> -> memref<200x64xf32, #tpu.memory_space<vmem_shared>>
        tpu.wait_dma2 semaphore(%run_scoped3A : memref<!tpu.dma_semaphore, #tpu.memory_space<semaphore_mem>>) src(%dma_wait3A_285 : memref<200x64xf32, #tpu.memory_space<vmem_shared>>) dst(%dma_wait3A_283 : memref<200x64xf32, #tpu.memory_space<vmem>>)
        tpu.yield
      }) : () -> ()
      %add3A_262 = arith.constant 800 : i32
      %add3A_263 = arith.addi %add3A_110, %add3A_262 : i32
      "tpu.region"() ({
        %run_scoped3A = tpu.sem_alloc : memref<!tpu.dma_semaphore, #tpu.memory_space<semaphore_mem>>
        %dma_start3A = arith.constant 0 : i32
        %dma_start3A_268 = arith.constant 0 : i32
        %dma_start3A_269 = tpu.memref_slice %arg15[%dma_start3A, %dma_start3A_268] : memref<400x64xf32, #tpu.memory_space<vmem>> -> memref<200x64xf32, #tpu.memory_space<vmem>>
        %dma_start3A_270 = arith.constant 0 : i32
        %dma_start3A_271 = tpu.memref_slice %arg8[%add3A_263, %dma_start3A_270] : memref<40000x64xf32, #tpu.memory_space<hbm>> -> memref<200x64xf32, #tpu.memory_space<hbm>>
        %dma_start3A_272 = arith.constant 0 : i32
        %dma_start3A_273 = tpu.memref_slice %arg8[%add3A_263, %dma_start3A_272] : memref<40000x64xf32, #tpu.memory_space<hbm>> -> memref<200x64xf32, #tpu.memory_space<hbm>>
        %dma_start3A_274 = arith.constant 0 : i32
        %dma_start3A_275 = arith.constant 0 : i32
        %dma_start3A_276 = tpu.memref_slice %arg15[%dma_start3A_274, %dma_start3A_275] : memref<400x64xf32, #tpu.memory_space<vmem>> -> memref<200x64xf32, #tpu.memory_space<vmem>>
        tpu.enqueue_dma source(%dma_start3A_276 : memref<200x64xf32, #tpu.memory_space<vmem>>) target(%dma_start3A_273 : memref<200x64xf32, #tpu.memory_space<hbm>>) target_semaphore(%run_scoped3A : memref<!tpu.dma_semaphore, #tpu.memory_space<semaphore_mem>>)
        %dma_wait3A = arith.constant 0 : i32
        %dma_wait3A_277 = arith.constant 0 : i32
        %dma_wait3A_278 = tpu.memref_slice %arg15[%dma_wait3A, %dma_wait3A_277] : memref<400x64xf32, #tpu.memory_space<vmem>> -> memref<200x64xf32, #tpu.memory_space<vmem>>
        %dma_wait3A_279 = arith.constant 0 : i32
        %dma_wait3A_280 = tpu.memref_slice %arg8[%add3A_263, %dma_wait3A_279] : memref<40000x64xf32, #tpu.memory_space<hbm>> -> memref<200x64xf32, #tpu.memory_space<hbm>>
        %dma_wait3A_281 = arith.constant 0 : i32
        %dma_wait3A_282 = tpu.memref_slice %arg8[%add3A_263, %dma_wait3A_281] : memref<40000x64xf32, #tpu.memory_space<hbm>> -> memref<200x64xf32, #tpu.memory_space<hbm>>
        %dma_wait3A_283 = arith.constant 0 : i32
        %dma_wait3A_284 = arith.constant 0 : i32
        %dma_wait3A_285 = tpu.memref_slice %arg15[%dma_wait3A_283, %dma_wait3A_284] : memref<400x64xf32, #tpu.memory_space<vmem>> -> memref<200x64xf32, #tpu.memory_space<vmem>>
        tpu.wait_dma2 semaphore(%run_scoped3A : memref<!tpu.dma_semaphore, #tpu.memory_space<semaphore_mem>>) src(%dma_wait3A_285 : memref<200x64xf32, #tpu.memory_space<vmem>>) dst(%dma_wait3A_282 : memref<200x64xf32, #tpu.memory_space<hbm>>)
        tpu.yield
      }) : () -> ()
      %add3A_264 = arith.constant 800 : i32
      %add3A_265 = arith.addi %mul3A_2, %add3A_264 : i32
      "tpu.region"() ({
        %run_scoped3A = tpu.sem_alloc : memref<!tpu.dma_semaphore, #tpu.memory_space<semaphore_mem>>
        %dma_start3A = arith.constant 0 : i32
        %dma_start3A_268 = arith.constant 0 : i32
        %dma_start3A_269 = tpu.memref_slice %arg16[%dma_start3A, %dma_start3A_268] : memref<400x8xf32, #tpu.memory_space<vmem>> -> memref<200x8xf32, #tpu.memory_space<vmem>>
        %dma_start3A_270 = arith.constant 0 : i32
        %dma_start3A_271 = tpu.memref_slice %arg19[%add3A_265, %dma_start3A_270] : memref<10000x8xf32, #tpu.memory_space<vmem_shared>> -> memref<200x8xf32, #tpu.memory_space<vmem_shared>>
        %dma_start3A_272 = arith.constant 0 : i32
        %dma_start3A_273 = arith.constant 0 : i32
        %dma_start3A_274 = tpu.memref_slice %arg16[%dma_start3A_272, %dma_start3A_273] : memref<400x8xf32, #tpu.memory_space<vmem>> -> memref<200x8xf32, #tpu.memory_space<vmem>>
        %dma_start3A_275 = arith.constant 0 : i32
        %dma_start3A_276 = tpu.memref_slice %arg19[%add3A_265, %dma_start3A_275] : memref<10000x8xf32, #tpu.memory_space<vmem_shared>> -> memref<200x8xf32, #tpu.memory_space<vmem_shared>>
        tpu.enqueue_dma source(%dma_start3A_276 : memref<200x8xf32, #tpu.memory_space<vmem_shared>>) target(%dma_start3A_274 : memref<200x8xf32, #tpu.memory_space<vmem>>) target_semaphore(%run_scoped3A : memref<!tpu.dma_semaphore, #tpu.memory_space<semaphore_mem>>)
        %dma_wait3A = arith.constant 0 : i32
        %dma_wait3A_277 = arith.constant 0 : i32
        %dma_wait3A_278 = tpu.memref_slice %arg16[%dma_wait3A, %dma_wait3A_277] : memref<400x8xf32, #tpu.memory_space<vmem>> -> memref<200x8xf32, #tpu.memory_space<vmem>>
        %dma_wait3A_279 = arith.constant 0 : i32
        %dma_wait3A_280 = tpu.memref_slice %arg19[%add3A_265, %dma_wait3A_279] : memref<10000x8xf32, #tpu.memory_space<vmem_shared>> -> memref<200x8xf32, #tpu.memory_space<vmem_shared>>
        %dma_wait3A_281 = arith.constant 0 : i32
        %dma_wait3A_282 = arith.constant 0 : i32
        %dma_wait3A_283 = tpu.memref_slice %arg16[%dma_wait3A_281, %dma_wait3A_282] : memref<400x8xf32, #tpu.memory_space<vmem>> -> memref<200x8xf32, #tpu.memory_space<vmem>>
        %dma_wait3A_284 = arith.constant 0 : i32
        %dma_wait3A_285 = tpu.memref_slice %arg19[%add3A_265, %dma_wait3A_284] : memref<10000x8xf32, #tpu.memory_space<vmem_shared>> -> memref<200x8xf32, #tpu.memory_space<vmem_shared>>
        tpu.wait_dma2 semaphore(%run_scoped3A : memref<!tpu.dma_semaphore, #tpu.memory_space<semaphore_mem>>) src(%dma_wait3A_285 : memref<200x8xf32, #tpu.memory_space<vmem_shared>>) dst(%dma_wait3A_283 : memref<200x8xf32, #tpu.memory_space<vmem>>)
        tpu.yield
      }) : () -> ()
      %add3A_266 = arith.constant 800 : i32
      %add3A_267 = arith.addi %add3A_110, %add3A_266 : i32
      "tpu.region"() ({
        %run_scoped3A = tpu.sem_alloc : memref<!tpu.dma_semaphore, #tpu.memory_space<semaphore_mem>>
        %dma_start3A = arith.constant 0 : i32
        %dma_start3A_268 = arith.constant 0 : i32
        %dma_start3A_269 = tpu.memref_slice %arg16[%dma_start3A, %dma_start3A_268] : memref<400x8xf32, #tpu.memory_space<vmem>> -> memref<200x8xf32, #tpu.memory_space<vmem>>
        %dma_start3A_270 = arith.constant 0 : i32
        %dma_start3A_271 = tpu.memref_slice %arg9[%add3A_267, %dma_start3A_270] : memref<40000x8xf32, #tpu.memory_space<hbm>> -> memref<200x8xf32, #tpu.memory_space<hbm>>
        %dma_start3A_272 = arith.constant 0 : i32
        %dma_start3A_273 = tpu.memref_slice %arg9[%add3A_267, %dma_start3A_272] : memref<40000x8xf32, #tpu.memory_space<hbm>> -> memref<200x8xf32, #tpu.memory_space<hbm>>
        %dma_start3A_274 = arith.constant 0 : i32
        %dma_start3A_275 = arith.constant 0 : i32
        %dma_start3A_276 = tpu.memref_slice %arg16[%dma_start3A_274, %dma_start3A_275] : memref<400x8xf32, #tpu.memory_space<vmem>> -> memref<200x8xf32, #tpu.memory_space<vmem>>
        tpu.enqueue_dma source(%dma_start3A_276 : memref<200x8xf32, #tpu.memory_space<vmem>>) target(%dma_start3A_273 : memref<200x8xf32, #tpu.memory_space<hbm>>) target_semaphore(%run_scoped3A : memref<!tpu.dma_semaphore, #tpu.memory_space<semaphore_mem>>)
        %dma_wait3A = arith.constant 0 : i32
        %dma_wait3A_277 = arith.constant 0 : i32
        %dma_wait3A_278 = tpu.memref_slice %arg16[%dma_wait3A, %dma_wait3A_277] : memref<400x8xf32, #tpu.memory_space<vmem>> -> memref<200x8xf32, #tpu.memory_space<vmem>>
        %dma_wait3A_279 = arith.constant 0 : i32
        %dma_wait3A_280 = tpu.memref_slice %arg9[%add3A_267, %dma_wait3A_279] : memref<40000x8xf32, #tpu.memory_space<hbm>> -> memref<200x8xf32, #tpu.memory_space<hbm>>
        %dma_wait3A_281 = arith.constant 0 : i32
        %dma_wait3A_282 = tpu.memref_slice %arg9[%add3A_267, %dma_wait3A_281] : memref<40000x8xf32, #tpu.memory_space<hbm>> -> memref<200x8xf32, #tpu.memory_space<hbm>>
        %dma_wait3A_283 = arith.constant 0 : i32
        %dma_wait3A_284 = arith.constant 0 : i32
        %dma_wait3A_285 = tpu.memref_slice %arg16[%dma_wait3A_283, %dma_wait3A_284] : memref<400x8xf32, #tpu.memory_space<vmem>> -> memref<200x8xf32, #tpu.memory_space<vmem>>
        tpu.wait_dma2 semaphore(%run_scoped3A : memref<!tpu.dma_semaphore, #tpu.memory_space<semaphore_mem>>) src(%dma_wait3A_285 : memref<200x8xf32, #tpu.memory_space<vmem>>) dst(%dma_wait3A_282 : memref<200x8xf32, #tpu.memory_space<hbm>>)
        tpu.yield
      }) : () -> ()
    } else {
    }
    %barrier3A_116 = arith.constant 0 : index
    tpu.barrier barrier_id(%barrier3A_116)
    %broadcast_in_dim3A_117 = arith.constant 0xFF800000 : f32
    %broadcast_in_dim3A_118 = vector.broadcast %broadcast_in_dim3A_117 : f32 to vector<16xf32>
    %scan3A_119 = arith.constant 0 : i32
    %scan3A_120 = arith.constant 625 : i32
    %scan3A_121 = arith.addi %scan3A_119, %scan3A_120 : i32
    %scan3A_122 = arith.constant 1 : i32
    %scan3A_123 = scf.for %scan3A_244 = %scan3A_119 to %scan3A_121 step %scan3A_122 iter_args(%scan3A_245 = %broadcast_in_dim3A_118) -> (vector<16xf32>)  : i32 {
      %mul3A_246 = arith.constant 16 : i32
      %mul3A_247 = arith.muli %mul3A_246, %scan3A_244 : i32
      %get3A = arith.constant 1 : i32
      %get3A_248 = arith.index_cast %get3A : i32 to index
      %get3A_249 = arith.index_cast %mul3A_247 : i32 to index
      %get3A_250 = tpu.vector_load %arg10[%get3A_248, %get3A_249] {strides = array<i32>} : memref<2x10000xf32, #tpu.memory_space<vmem>>, vector<16xf32>,
      %max3A_251 = arith.maximumf %scan3A_245, %get3A_250 : vector<16xf32>
      scf.yield %max3A_251 : vector<16xf32>
    }
    %scan3A_124 = arith.constant 625 : i32
    %iota3A_125 = tpu.iota {dimensions = array<i32: 0>} : vector<16xi32>
    %swap3A_126 = arith.constant 0 : index
    %swap3A_127 = tpu.vector_load %arg17[%swap3A_126] {strides = array<i32>} : memref<16xf32, #tpu.memory_space<vmem>>, vector<16xf32>,
    tpu.vector_store %arg17[%swap3A_126], %scan3A_123 {strides = array<i32>} : memref<16xf32, #tpu.memory_space<vmem>>, vector<16xf32>,
    %xor3A_128 = arith.constant 1 : i32
    %xor3A_129 = vector.broadcast %xor3A_128 : i32 to vector<16xi32>
    %xor3A_130 = arith.xori %iota3A_125, %xor3A_129 : vector<16xi32>
    %gather3A_131 = tpu.vector_load_idx %arg17[%xor3A_130] : memref<16xf32, #tpu.memory_space<vmem>>[vector<16xi32>], vector<16xf32>,
    %max3A_132 = arith.maximumf %scan3A_123, %gather3A_131 : vector<16xf32>
    %swap3A_133 = arith.constant 0 : index
    %swap3A_134 = tpu.vector_load %arg17[%swap3A_133] {strides = array<i32>} : memref<16xf32, #tpu.memory_space<vmem>>, vector<16xf32>,
    tpu.vector_store %arg17[%swap3A_133], %max3A_132 {strides = array<i32>} : memref<16xf32, #tpu.memory_space<vmem>>, vector<16xf32>,
    %xor3A_135 = arith.constant 2 : i32
    %xor3A_136 = vector.broadcast %xor3A_135 : i32 to vector<16xi32>
    %xor3A_137 = arith.xori %iota3A_125, %xor3A_136 : vector<16xi32>
    %gather3A_138 = tpu.vector_load_idx %arg17[%xor3A_137] : memref<16xf32, #tpu.memory_space<vmem>>[vector<16xi32>], vector<16xf32>,
    %max3A_139 = arith.maximumf %max3A_132, %gather3A_138 : vector<16xf32>
    %swap3A_140 = arith.constant 0 : index
    %swap3A_141 = tpu.vector_load %arg17[%swap3A_140] {strides = array<i32>} : memref<16xf32, #tpu.memory_space<vmem>>, vector<16xf32>,
    tpu.vector_store %arg17[%swap3A_140], %max3A_139 {strides = array<i32>} : memref<16xf32, #tpu.memory_space<vmem>>, vector<16xf32>,
    %xor3A_142 = arith.constant 4 : i32
    %xor3A_143 = vector.broadcast %xor3A_142 : i32 to vector<16xi32>
    %xor3A_144 = arith.xori %iota3A_125, %xor3A_143 : vector<16xi32>
    %gather3A_145 = tpu.vector_load_idx %arg17[%xor3A_144] : memref<16xf32, #tpu.memory_space<vmem>>[vector<16xi32>], vector<16xf32>,
    %max3A_146 = arith.maximumf %max3A_139, %gather3A_145 : vector<16xf32>
    %swap3A_147 = arith.constant 0 : index
    %swap3A_148 = tpu.vector_load %arg17[%swap3A_147] {strides = array<i32>} : memref<16xf32, #tpu.memory_space<vmem>>, vector<16xf32>,
    tpu.vector_store %arg17[%swap3A_147], %max3A_146 {strides = array<i32>} : memref<16xf32, #tpu.memory_space<vmem>>, vector<16xf32>,
    %xor3A_149 = arith.constant 8 : i32
    %xor3A_150 = vector.broadcast %xor3A_149 : i32 to vector<16xi32>
    %xor3A_151 = arith.xori %iota3A_125, %xor3A_150 : vector<16xi32>
    %gather3A_152 = tpu.vector_load_idx %arg17[%xor3A_151] : memref<16xf32, #tpu.memory_space<vmem>>[vector<16xi32>], vector<16xf32>,
    %max3A_153 = arith.maximumf %max3A_146, %gather3A_152 : vector<16xf32>
    %broadcast_in_dim3A_154 = arith.constant 0xFF800000 : f32
    %broadcast_in_dim3A_155 = vector.broadcast %broadcast_in_dim3A_154 : f32 to vector<16xf32>
    %scan3A_156 = arith.constant 0 : i32
    %scan3A_157 = arith.constant 625 : i32
    %scan3A_158 = arith.addi %scan3A_156, %scan3A_157 : i32
    %scan3A_159 = arith.constant 1 : i32
    %scan3A_160 = scf.for %scan3A_244 = %scan3A_156 to %scan3A_158 step %scan3A_159 iter_args(%scan3A_245 = %broadcast_in_dim3A_155) -> (vector<16xf32>)  : i32 {
      %mul3A_246 = arith.constant 16 : i32
      %mul3A_247 = arith.muli %mul3A_246, %scan3A_244 : i32
      %get3A = arith.constant 1 : i32
      %get3A_248 = arith.index_cast %get3A : i32 to index
      %get3A_249 = arith.index_cast %mul3A_247 : i32 to index
      %get3A_250 = tpu.vector_load %arg11[%get3A_248, %get3A_249] {strides = array<i32>} : memref<2x10000xf32, #tpu.memory_space<vmem>>, vector<16xf32>,
      %max3A_251 = arith.maximumf %scan3A_245, %get3A_250 : vector<16xf32>
      scf.yield %max3A_251 : vector<16xf32>
    }
    %scan3A_161 = arith.constant 625 : i32
    %iota3A_162 = tpu.iota {dimensions = array<i32: 0>} : vector<16xi32>
    %swap3A_163 = arith.constant 0 : index
    %swap3A_164 = tpu.vector_load %arg17[%swap3A_163] {strides = array<i32>} : memref<16xf32, #tpu.memory_space<vmem>>, vector<16xf32>,
    tpu.vector_store %arg17[%swap3A_163], %scan3A_160 {strides = array<i32>} : memref<16xf32, #tpu.memory_space<vmem>>, vector<16xf32>,
    %xor3A_165 = arith.constant 1 : i32
    %xor3A_166 = vector.broadcast %xor3A_165 : i32 to vector<16xi32>
    %xor3A_167 = arith.xori %iota3A_162, %xor3A_166 : vector<16xi32>
    %gather3A_168 = tpu.vector_load_idx %arg17[%xor3A_167] : memref<16xf32, #tpu.memory_space<vmem>>[vector<16xi32>], vector<16xf32>,
    %max3A_169 = arith.maximumf %scan3A_160, %gather3A_168 : vector<16xf32>
    %swap3A_170 = arith.constant 0 : index
    %swap3A_171 = tpu.vector_load %arg17[%swap3A_170] {strides = array<i32>} : memref<16xf32, #tpu.memory_space<vmem>>, vector<16xf32>,
    tpu.vector_store %arg17[%swap3A_170], %max3A_169 {strides = array<i32>} : memref<16xf32, #tpu.memory_space<vmem>>, vector<16xf32>,
    %xor3A_172 = arith.constant 2 : i32
    %xor3A_173 = vector.broadcast %xor3A_172 : i32 to vector<16xi32>
    %xor3A_174 = arith.xori %iota3A_162, %xor3A_173 : vector<16xi32>
    %gather3A_175 = tpu.vector_load_idx %arg17[%xor3A_174] : memref<16xf32, #tpu.memory_space<vmem>>[vector<16xi32>], vector<16xf32>,
    %max3A_176 = arith.maximumf %max3A_169, %gather3A_175 : vector<16xf32>
    %swap3A_177 = arith.constant 0 : index
    %swap3A_178 = tpu.vector_load %arg17[%swap3A_177] {strides = array<i32>} : memref<16xf32, #tpu.memory_space<vmem>>, vector<16xf32>,
    tpu.vector_store %arg17[%swap3A_177], %max3A_176 {strides = array<i32>} : memref<16xf32, #tpu.memory_space<vmem>>, vector<16xf32>,
    %xor3A_179 = arith.constant 4 : i32
    %xor3A_180 = vector.broadcast %xor3A_179 : i32 to vector<16xi32>
    %xor3A_181 = arith.xori %iota3A_162, %xor3A_180 : vector<16xi32>
    %gather3A_182 = tpu.vector_load_idx %arg17[%xor3A_181] : memref<16xf32, #tpu.memory_space<vmem>>[vector<16xi32>], vector<16xf32>,
    %max3A_183 = arith.maximumf %max3A_176, %gather3A_182 : vector<16xf32>
    %swap3A_184 = arith.constant 0 : index
    %swap3A_185 = tpu.vector_load %arg17[%swap3A_184] {strides = array<i32>} : memref<16xf32, #tpu.memory_space<vmem>>, vector<16xf32>,
    tpu.vector_store %arg17[%swap3A_184], %max3A_183 {strides = array<i32>} : memref<16xf32, #tpu.memory_space<vmem>>, vector<16xf32>,
    %xor3A_186 = arith.constant 8 : i32
    %xor3A_187 = vector.broadcast %xor3A_186 : i32 to vector<16xi32>
    %xor3A_188 = arith.xori %iota3A_162, %xor3A_187 : vector<16xi32>
    %gather3A_189 = tpu.vector_load_idx %arg17[%xor3A_188] : memref<16xf32, #tpu.memory_space<vmem>>[vector<16xi32>], vector<16xf32>,
    %max3A_190 = arith.maximumf %max3A_183, %gather3A_189 : vector<16xf32>
    %add3A_191 = arith.addf %max3A_153, %max3A_190 : vector<16xf32>
    %gt3A_192 = arith.constant 0.000000e+00 : f32
    %gt3A_193 = vector.broadcast %gt3A_192 : f32 to vector<16xf32>
    %gt3A_194 = arith.cmpf ogt, %add3A_191, %gt3A_193 : vector<16xf32>
    %mul3A_195 = arith.constant 2.000000e-01 : f32
    %mul3A_196 = vector.broadcast %mul3A_195 : f32 to vector<16xf32>
    %mul3A_197 = arith.mulf %mul3A_196, %add3A_191 : vector<16xf32>
    %select_n3A_198 = arith.select %gt3A_194, %add3A_191, %mul3A_197 : vector<16xi1>, vector<16xf32>
    %mul3A_199 = arith.constant 2 : i32
    %mul3A_200 = arith.muli %mul3A_199, %arg0 : i32
    %add3A_201 = arith.constant 1 : i32
    %add3A_202 = arith.addi %mul3A_200, %add3A_201 : i32
    %mul3A_203 = arith.constant 10000 : i32
    %mul3A_204 = arith.muli %add3A_202, %mul3A_203 : i32
    %broadcast_in_dim3A_205 = arith.constant 0.000000e+00 : f32
    %broadcast_in_dim3A_206 = vector.broadcast %broadcast_in_dim3A_205 : f32 to vector<16xf32>
    %scan3A_207 = arith.constant 0 : i32
    %scan3A_208 = arith.constant 0 : i32
    %scan3A_209 = arith.constant 400 : i32
    %scan3A_210 = arith.addi %scan3A_208, %scan3A_209 : i32
    %scan3A_211 = arith.constant 1 : i32
    %scan3A_212 = scf.for %scan3A_244 = %scan3A_208 to %scan3A_210 step %scan3A_211 iter_args(%scan3A_245 = %scan3A_207) -> (i32)  : i32 {
      %swap3A_246 = arith.index_cast %scan3A_244 : i32 to index
      %swap3A_247 = arith.constant 0 : index
      %swap3A_248 = tpu.vector_load %arg15[%swap3A_246, %swap3A_247] {strides = array<i32>} : memref<400x64xf32, #tpu.memory_space<vmem>>, vector<16xf32>,
      tpu.vector_store %arg15[%swap3A_246, %swap3A_247], %broadcast_in_dim3A_206 {strides = array<i32>} : memref<400x64xf32, #tpu.memory_space<vmem>>, vector<16xf32>,
      %swap3A_249 = arith.index_cast %scan3A_244 : i32 to index
      %swap3A_250 = arith.constant 16 : index
      %swap3A_251 = tpu.vector_load %arg15[%swap3A_249, %swap3A_250] {strides = array<i32>} : memref<400x64xf32, #tpu.memory_space<vmem>>, vector<16xf32>,
      tpu.vector_store %arg15[%swap3A_249, %swap3A_250], %broadcast_in_dim3A_206 {strides = array<i32>} : memref<400x64xf32, #tpu.memory_space<vmem>>, vector<16xf32>,
      %swap3A_252 = arith.index_cast %scan3A_244 : i32 to index
      %swap3A_253 = arith.constant 32 : index
      %swap3A_254 = tpu.vector_load %arg15[%swap3A_252, %swap3A_253] {strides = array<i32>} : memref<400x64xf32, #tpu.memory_space<vmem>>, vector<16xf32>,
      tpu.vector_store %arg15[%swap3A_252, %swap3A_253], %broadcast_in_dim3A_206 {strides = array<i32>} : memref<400x64xf32, #tpu.memory_space<vmem>>, vector<16xf32>,
      %swap3A_255 = arith.index_cast %scan3A_244 : i32 to index
      %swap3A_256 = arith.constant 48 : index
      %swap3A_257 = tpu.vector_load %arg15[%swap3A_255, %swap3A_256] {strides = array<i32>} : memref<400x64xf32, #tpu.memory_space<vmem>>, vector<16xf32>,
      tpu.vector_store %arg15[%swap3A_255, %swap3A_256], %broadcast_in_dim3A_206 {strides = array<i32>} : memref<400x64xf32, #tpu.memory_space<vmem>>, vector<16xf32>,
      %scan3A_258 = arith.constant 0 : i32
      scf.yield %scan3A_258 : i32
    }
    %scan3A_213 = arith.constant 400 : i32
    %broadcast_in_dim3A_214 = arith.constant 0.000000e+00 : f32
    %broadcast_in_dim3A_215 = vector.broadcast %broadcast_in_dim3A_214 : f32 to vector<16xf32>
    %scan3A_216 = arith.constant 0 : i32
    %scan3A_217 = arith.constant 0 : i32
    %scan3A_218 = arith.constant 400 : i32
    %scan3A_219 = arith.addi %scan3A_217, %scan3A_218 : i32
    %scan3A_220 = arith.constant 1 : i32
    %scan3A_221 = scf.for %scan3A_244 = %scan3A_217 to %scan3A_219 step %scan3A_220 iter_args(%scan3A_245 = %scan3A_216) -> (i32)  : i32 {
      %scan3A_246 = arith.constant 0 : i32
      scf.yield %scan3A_246 : i32
    }
    %scan3A_222 = arith.constant 400 : i32
    %lt3A_223 = arith.constant 10 : i32
    %lt3A_224 = arith.cmpi slt, %arg1, %lt3A_223 : i32
    %convert_element_type3A_225 = arith.extui %lt3A_224 : i1 to i32
    %cond3A_226 = arith.constant 0 : i32
    %cond3A_227 = arith.cmpi ne, %convert_element_type3A_225, %cond3A_226 : i32
    scf.if %cond3A_227 {
      %add3A_244 = arith.constant 0 : i32
      %add3A_245 = arith.addi %mul3A_2, %add3A_244 : i32
      "tpu.region"() ({
        %run_scoped3A = tpu.sem_alloc : memref<!tpu.dma_semaphore, #tpu.memory_space<semaphore_mem>>
        %dma_start3A = arith.constant 0 : i32
        %dma_start3A_256 = arith.constant 0 : i32
        %dma_start3A_257 = tpu.memref_slice %arg15[%dma_start3A, %dma_start3A_256] : memref<400x64xf32, #tpu.memory_space<vmem>> -> memref<400x64xf32, #tpu.memory_space<vmem>>
        %dma_start3A_258 = arith.constant 0 : i32
        %dma_start3A_259 = tpu.memref_slice %arg18[%add3A_245, %dma_start3A_258] : memref<10000x64xf32, #tpu.memory_space<vmem_shared>> -> memref<400x64xf32, #tpu.memory_space<vmem_shared>>
        %dma_start3A_260 = arith.constant 0 : i32
        %dma_start3A_261 = tpu.memref_slice %arg18[%add3A_245, %dma_start3A_260] : memref<10000x64xf32, #tpu.memory_space<vmem_shared>> -> memref<400x64xf32, #tpu.memory_space<vmem_shared>>
        %dma_start3A_262 = arith.constant 0 : i32
        %dma_start3A_263 = arith.constant 0 : i32
        %dma_start3A_264 = tpu.memref_slice %arg15[%dma_start3A_262, %dma_start3A_263] : memref<400x64xf32, #tpu.memory_space<vmem>> -> memref<400x64xf32, #tpu.memory_space<vmem>>
        tpu.enqueue_dma source(%dma_start3A_264 : memref<400x64xf32, #tpu.memory_space<vmem>>) target(%dma_start3A_261 : memref<400x64xf32, #tpu.memory_space<vmem_shared>>) target_semaphore(%run_scoped3A : memref<!tpu.dma_semaphore, #tpu.memory_space<semaphore_mem>>)
        %dma_wait3A = arith.constant 0 : i32
        %dma_wait3A_265 = arith.constant 0 : i32
        %dma_wait3A_266 = tpu.memref_slice %arg15[%dma_wait3A, %dma_wait3A_265] : memref<400x64xf32, #tpu.memory_space<vmem>> -> memref<400x64xf32, #tpu.memory_space<vmem>>
        %dma_wait3A_267 = arith.constant 0 : i32
        %dma_wait3A_268 = tpu.memref_slice %arg18[%add3A_245, %dma_wait3A_267] : memref<10000x64xf32, #tpu.memory_space<vmem_shared>> -> memref<400x64xf32, #tpu.memory_space<vmem_shared>>
        %dma_wait3A_269 = arith.constant 0 : i32
        %dma_wait3A_270 = tpu.memref_slice %arg18[%add3A_245, %dma_wait3A_269] : memref<10000x64xf32, #tpu.memory_space<vmem_shared>> -> memref<400x64xf32, #tpu.memory_space<vmem_shared>>
        %dma_wait3A_271 = arith.constant 0 : i32
        %dma_wait3A_272 = arith.constant 0 : i32
        %dma_wait3A_273 = tpu.memref_slice %arg15[%dma_wait3A_271, %dma_wait3A_272] : memref<400x64xf32, #tpu.memory_space<vmem>> -> memref<400x64xf32, #tpu.memory_space<vmem>>
        tpu.wait_dma2 semaphore(%run_scoped3A : memref<!tpu.dma_semaphore, #tpu.memory_space<semaphore_mem>>) src(%dma_wait3A_273 : memref<400x64xf32, #tpu.memory_space<vmem>>) dst(%dma_wait3A_270 : memref<400x64xf32, #tpu.memory_space<vmem_shared>>)
        tpu.yield
      }) : () -> ()
      %add3A_246 = arith.constant 0 : i32
      %add3A_247 = arith.addi %mul3A_2, %add3A_246 : i32
      "tpu.region"() ({
        %run_scoped3A = tpu.sem_alloc : memref<!tpu.dma_semaphore, #tpu.memory_space<semaphore_mem>>
        %dma_start3A = arith.constant 0 : i32
        %dma_start3A_256 = arith.constant 0 : i32
        %dma_start3A_257 = tpu.memref_slice %arg16[%dma_start3A, %dma_start3A_256] : memref<400x8xf32, #tpu.memory_space<vmem>> -> memref<400x8xf32, #tpu.memory_space<vmem>>
        %dma_start3A_258 = arith.constant 0 : i32
        %dma_start3A_259 = tpu.memref_slice %arg19[%add3A_247, %dma_start3A_258] : memref<10000x8xf32, #tpu.memory_space<vmem_shared>> -> memref<400x8xf32, #tpu.memory_space<vmem_shared>>
        %dma_start3A_260 = arith.constant 0 : i32
        %dma_start3A_261 = tpu.memref_slice %arg19[%add3A_247, %dma_start3A_260] : memref<10000x8xf32, #tpu.memory_space<vmem_shared>> -> memref<400x8xf32, #tpu.memory_space<vmem_shared>>
        %dma_start3A_262 = arith.constant 0 : i32
        %dma_start3A_263 = arith.constant 0 : i32
        %dma_start3A_264 = tpu.memref_slice %arg16[%dma_start3A_262, %dma_start3A_263] : memref<400x8xf32, #tpu.memory_space<vmem>> -> memref<400x8xf32, #tpu.memory_space<vmem>>
        tpu.enqueue_dma source(%dma_start3A_264 : memref<400x8xf32, #tpu.memory_space<vmem>>) target(%dma_start3A_261 : memref<400x8xf32, #tpu.memory_space<vmem_shared>>) target_semaphore(%run_scoped3A : memref<!tpu.dma_semaphore, #tpu.memory_space<semaphore_mem>>)
        %dma_wait3A = arith.constant 0 : i32
        %dma_wait3A_265 = arith.constant 0 : i32
        %dma_wait3A_266 = tpu.memref_slice %arg16[%dma_wait3A, %dma_wait3A_265] : memref<400x8xf32, #tpu.memory_space<vmem>> -> memref<400x8xf32, #tpu.memory_space<vmem>>
        %dma_wait3A_267 = arith.constant 0 : i32
        %dma_wait3A_268 = tpu.memref_slice %arg19[%add3A_247, %dma_wait3A_267] : memref<10000x8xf32, #tpu.memory_space<vmem_shared>> -> memref<400x8xf32, #tpu.memory_space<vmem_shared>>
        %dma_wait3A_269 = arith.constant 0 : i32
        %dma_wait3A_270 = tpu.memref_slice %arg19[%add3A_247, %dma_wait3A_269] : memref<10000x8xf32, #tpu.memory_space<vmem_shared>> -> memref<400x8xf32, #tpu.memory_space<vmem_shared>>
        %dma_wait3A_271 = arith.constant 0 : i32
        %dma_wait3A_272 = arith.constant 0 : i32
        %dma_wait3A_273 = tpu.memref_slice %arg16[%dma_wait3A_271, %dma_wait3A_272] : memref<400x8xf32, #tpu.memory_space<vmem>> -> memref<400x8xf32, #tpu.memory_space<vmem>>
        tpu.wait_dma2 semaphore(%run_scoped3A : memref<!tpu.dma_semaphore, #tpu.memory_space<semaphore_mem>>) src(%dma_wait3A_273 : memref<400x8xf32, #tpu.memory_space<vmem>>) dst(%dma_wait3A_270 : memref<400x8xf32, #tpu.memory_space<vmem_shared>>)
        tpu.yield
      }) : () -> ()
      %add3A_248 = arith.constant 400 : i32
      %add3A_249 = arith.addi %mul3A_2, %add3A_248 : i32
      "tpu.region"() ({
        %run_scoped3A = tpu.sem_alloc : memref<!tpu.dma_semaphore, #tpu.memory_space<semaphore_mem>>
        %dma_start3A = arith.constant 0 : i32
        %dma_start3A_256 = arith.constant 0 : i32
        %dma_start3A_257 = tpu.memref_slice %arg15[%dma_start3A, %dma_start3A_256] : memref<400x64xf32, #tpu.memory_space<vmem>> -> memref<400x64xf32, #tpu.memory_space<vmem>>
        %dma_start3A_258 = arith.constant 0 : i32
        %dma_start3A_259 = tpu.memref_slice %arg18[%add3A_249, %dma_start3A_258] : memref<10000x64xf32, #tpu.memory_space<vmem_shared>> -> memref<400x64xf32, #tpu.memory_space<vmem_shared>>
        %dma_start3A_260 = arith.constant 0 : i32
        %dma_start3A_261 = tpu.memref_slice %arg18[%add3A_249, %dma_start3A_260] : memref<10000x64xf32, #tpu.memory_space<vmem_shared>> -> memref<400x64xf32, #tpu.memory_space<vmem_shared>>
        %dma_start3A_262 = arith.constant 0 : i32
        %dma_start3A_263 = arith.constant 0 : i32
        %dma_start3A_264 = tpu.memref_slice %arg15[%dma_start3A_262, %dma_start3A_263] : memref<400x64xf32, #tpu.memory_space<vmem>> -> memref<400x64xf32, #tpu.memory_space<vmem>>
        tpu.enqueue_dma source(%dma_start3A_264 : memref<400x64xf32, #tpu.memory_space<vmem>>) target(%dma_start3A_261 : memref<400x64xf32, #tpu.memory_space<vmem_shared>>) target_semaphore(%run_scoped3A : memref<!tpu.dma_semaphore, #tpu.memory_space<semaphore_mem>>)
        %dma_wait3A = arith.constant 0 : i32
        %dma_wait3A_265 = arith.constant 0 : i32
        %dma_wait3A_266 = tpu.memref_slice %arg15[%dma_wait3A, %dma_wait3A_265] : memref<400x64xf32, #tpu.memory_space<vmem>> -> memref<400x64xf32, #tpu.memory_space<vmem>>
        %dma_wait3A_267 = arith.constant 0 : i32
        %dma_wait3A_268 = tpu.memref_slice %arg18[%add3A_249, %dma_wait3A_267] : memref<10000x64xf32, #tpu.memory_space<vmem_shared>> -> memref<400x64xf32, #tpu.memory_space<vmem_shared>>
        %dma_wait3A_269 = arith.constant 0 : i32
        %dma_wait3A_270 = tpu.memref_slice %arg18[%add3A_249, %dma_wait3A_269] : memref<10000x64xf32, #tpu.memory_space<vmem_shared>> -> memref<400x64xf32, #tpu.memory_space<vmem_shared>>
        %dma_wait3A_271 = arith.constant 0 : i32
        %dma_wait3A_272 = arith.constant 0 : i32
        %dma_wait3A_273 = tpu.memref_slice %arg15[%dma_wait3A_271, %dma_wait3A_272] : memref<400x64xf32, #tpu.memory_space<vmem>> -> memref<400x64xf32, #tpu.memory_space<vmem>>
        tpu.wait_dma2 semaphore(%run_scoped3A : memref<!tpu.dma_semaphore, #tpu.memory_space<semaphore_mem>>) src(%dma_wait3A_273 : memref<400x64xf32, #tpu.memory_space<vmem>>) dst(%dma_wait3A_270 : memref<400x64xf32, #tpu.memory_space<vmem_shared>>)
        tpu.yield
      }) : () -> ()
      %add3A_250 = arith.constant 400 : i32
      %add3A_251 = arith.addi %mul3A_2, %add3A_250 : i32
      "tpu.region"() ({
        %run_scoped3A = tpu.sem_alloc : memref<!tpu.dma_semaphore, #tpu.memory_space<semaphore_mem>>
        %dma_start3A = arith.constant 0 : i32
        %dma_start3A_256 = arith.constant 0 : i32
        %dma_start3A_257 = tpu.memref_slice %arg16[%dma_start3A, %dma_start3A_256] : memref<400x8xf32, #tpu.memory_space<vmem>> -> memref<400x8xf32, #tpu.memory_space<vmem>>
        %dma_start3A_258 = arith.constant 0 : i32
        %dma_start3A_259 = tpu.memref_slice %arg19[%add3A_251, %dma_start3A_258] : memref<10000x8xf32, #tpu.memory_space<vmem_shared>> -> memref<400x8xf32, #tpu.memory_space<vmem_shared>>
        %dma_start3A_260 = arith.constant 0 : i32
        %dma_start3A_261 = tpu.memref_slice %arg19[%add3A_251, %dma_start3A_260] : memref<10000x8xf32, #tpu.memory_space<vmem_shared>> -> memref<400x8xf32, #tpu.memory_space<vmem_shared>>
        %dma_start3A_262 = arith.constant 0 : i32
        %dma_start3A_263 = arith.constant 0 : i32
        %dma_start3A_264 = tpu.memref_slice %arg16[%dma_start3A_262, %dma_start3A_263] : memref<400x8xf32, #tpu.memory_space<vmem>> -> memref<400x8xf32, #tpu.memory_space<vmem>>
        tpu.enqueue_dma source(%dma_start3A_264 : memref<400x8xf32, #tpu.memory_space<vmem>>) target(%dma_start3A_261 : memref<400x8xf32, #tpu.memory_space<vmem_shared>>) target_semaphore(%run_scoped3A : memref<!tpu.dma_semaphore, #tpu.memory_space<semaphore_mem>>)
        %dma_wait3A = arith.constant 0 : i32
        %dma_wait3A_265 = arith.constant 0 : i32
        %dma_wait3A_266 = tpu.memref_slice %arg16[%dma_wait3A, %dma_wait3A_265] : memref<400x8xf32, #tpu.memory_space<vmem>> -> memref<400x8xf32, #tpu.memory_space<vmem>>
        %dma_wait3A_267 = arith.constant 0 : i32
        %dma_wait3A_268 = tpu.memref_slice %arg19[%add3A_251, %dma_wait3A_267] : memref<10000x8xf32, #tpu.memory_space<vmem_shared>> -> memref<400x8xf32, #tpu.memory_space<vmem_shared>>
        %dma_wait3A_269 = arith.constant 0 : i32
        %dma_wait3A_270 = tpu.memref_slice %arg19[%add3A_251, %dma_wait3A_269] : memref<10000x8xf32, #tpu.memory_space<vmem_shared>> -> memref<400x8xf32, #tpu.memory_space<vmem_shared>>
        %dma_wait3A_271 = arith.constant 0 : i32
        %dma_wait3A_272 = arith.constant 0 : i32
        %dma_wait3A_273 = tpu.memref_slice %arg16[%dma_wait3A_271, %dma_wait3A_272] : memref<400x8xf32, #tpu.memory_space<vmem>> -> memref<400x8xf32, #tpu.memory_space<vmem>>
        tpu.wait_dma2 semaphore(%run_scoped3A : memref<!tpu.dma_semaphore, #tpu.memory_space<semaphore_mem>>) src(%dma_wait3A_273 : memref<400x8xf32, #tpu.memory_space<vmem>>) dst(%dma_wait3A_270 : memref<400x8xf32, #tpu.memory_space<vmem_shared>>)
        tpu.yield
      }) : () -> ()
      %add3A_252 = arith.constant 800 : i32
      %add3A_253 = arith.addi %mul3A_2, %add3A_252 : i32
      "tpu.region"() ({
        %run_scoped3A = tpu.sem_alloc : memref<!tpu.dma_semaphore, #tpu.memory_space<semaphore_mem>>
        %dma_start3A = arith.constant 0 : i32
        %dma_start3A_256 = arith.constant 0 : i32
        %dma_start3A_257 = tpu.memref_slice %arg15[%dma_start3A, %dma_start3A_256] : memref<400x64xf32, #tpu.memory_space<vmem>> -> memref<200x64xf32, #tpu.memory_space<vmem>>
        %dma_start3A_258 = arith.constant 0 : i32
        %dma_start3A_259 = tpu.memref_slice %arg18[%add3A_253, %dma_start3A_258] : memref<10000x64xf32, #tpu.memory_space<vmem_shared>> -> memref<200x64xf32, #tpu.memory_space<vmem_shared>>
        %dma_start3A_260 = arith.constant 0 : i32
        %dma_start3A_261 = tpu.memref_slice %arg18[%add3A_253, %dma_start3A_260] : memref<10000x64xf32, #tpu.memory_space<vmem_shared>> -> memref<200x64xf32, #tpu.memory_space<vmem_shared>>
        %dma_start3A_262 = arith.constant 0 : i32
        %dma_start3A_263 = arith.constant 0 : i32
        %dma_start3A_264 = tpu.memref_slice %arg15[%dma_start3A_262, %dma_start3A_263] : memref<400x64xf32, #tpu.memory_space<vmem>> -> memref<200x64xf32, #tpu.memory_space<vmem>>
        tpu.enqueue_dma source(%dma_start3A_264 : memref<200x64xf32, #tpu.memory_space<vmem>>) target(%dma_start3A_261 : memref<200x64xf32, #tpu.memory_space<vmem_shared>>) target_semaphore(%run_scoped3A : memref<!tpu.dma_semaphore, #tpu.memory_space<semaphore_mem>>)
        %dma_wait3A = arith.constant 0 : i32
        %dma_wait3A_265 = arith.constant 0 : i32
        %dma_wait3A_266 = tpu.memref_slice %arg15[%dma_wait3A, %dma_wait3A_265] : memref<400x64xf32, #tpu.memory_space<vmem>> -> memref<200x64xf32, #tpu.memory_space<vmem>>
        %dma_wait3A_267 = arith.constant 0 : i32
        %dma_wait3A_268 = tpu.memref_slice %arg18[%add3A_253, %dma_wait3A_267] : memref<10000x64xf32, #tpu.memory_space<vmem_shared>> -> memref<200x64xf32, #tpu.memory_space<vmem_shared>>
        %dma_wait3A_269 = arith.constant 0 : i32
        %dma_wait3A_270 = tpu.memref_slice %arg18[%add3A_253, %dma_wait3A_269] : memref<10000x64xf32, #tpu.memory_space<vmem_shared>> -> memref<200x64xf32, #tpu.memory_space<vmem_shared>>
        %dma_wait3A_271 = arith.constant 0 : i32
        %dma_wait3A_272 = arith.constant 0 : i32
        %dma_wait3A_273 = tpu.memref_slice %arg15[%dma_wait3A_271, %dma_wait3A_272] : memref<400x64xf32, #tpu.memory_space<vmem>> -> memref<200x64xf32, #tpu.memory_space<vmem>>
        tpu.wait_dma2 semaphore(%run_scoped3A : memref<!tpu.dma_semaphore, #tpu.memory_space<semaphore_mem>>) src(%dma_wait3A_273 : memref<200x64xf32, #tpu.memory_space<vmem>>) dst(%dma_wait3A_270 : memref<200x64xf32, #tpu.memory_space<vmem_shared>>)
        tpu.yield
      }) : () -> ()
      %add3A_254 = arith.constant 800 : i32
      %add3A_255 = arith.addi %mul3A_2, %add3A_254 : i32
      "tpu.region"() ({
        %run_scoped3A = tpu.sem_alloc : memref<!tpu.dma_semaphore, #tpu.memory_space<semaphore_mem>>
        %dma_start3A = arith.constant 0 : i32
        %dma_start3A_256 = arith.constant 0 : i32
        %dma_start3A_257 = tpu.memref_slice %arg16[%dma_start3A, %dma_start3A_256] : memref<400x8xf32, #tpu.memory_space<vmem>> -> memref<200x8xf32, #tpu.memory_space<vmem>>
        %dma_start3A_258 = arith.constant 0 : i32
        %dma_start3A_259 = tpu.memref_slice %arg19[%add3A_255, %dma_start3A_258] : memref<10000x8xf32, #tpu.memory_space<vmem_shared>> -> memref<200x8xf32, #tpu.memory_space<vmem_shared>>
        %dma_start3A_260 = arith.constant 0 : i32
        %dma_start3A_261 = tpu.memref_slice %arg19[%add3A_255, %dma_start3A_260] : memref<10000x8xf32, #tpu.memory_space<vmem_shared>> -> memref<200x8xf32, #tpu.memory_space<vmem_shared>>
        %dma_start3A_262 = arith.constant 0 : i32
        %dma_start3A_263 = arith.constant 0 : i32
        %dma_start3A_264 = tpu.memref_slice %arg16[%dma_start3A_262, %dma_start3A_263] : memref<400x8xf32, #tpu.memory_space<vmem>> -> memref<200x8xf32, #tpu.memory_space<vmem>>
        tpu.enqueue_dma source(%dma_start3A_264 : memref<200x8xf32, #tpu.memory_space<vmem>>) target(%dma_start3A_261 : memref<200x8xf32, #tpu.memory_space<vmem_shared>>) target_semaphore(%run_scoped3A : memref<!tpu.dma_semaphore, #tpu.memory_space<semaphore_mem>>)
        %dma_wait3A = arith.constant 0 : i32
        %dma_wait3A_265 = arith.constant 0 : i32
        %dma_wait3A_266 = tpu.memref_slice %arg16[%dma_wait3A, %dma_wait3A_265] : memref<400x8xf32, #tpu.memory_space<vmem>> -> memref<200x8xf32, #tpu.memory_space<vmem>>
        %dma_wait3A_267 = arith.constant 0 : i32
        %dma_wait3A_268 = tpu.memref_slice %arg19[%add3A_255, %dma_wait3A_267] : memref<10000x8xf32, #tpu.memory_space<vmem_shared>> -> memref<200x8xf32, #tpu.memory_space<vmem_shared>>
        %dma_wait3A_269 = arith.constant 0 : i32
        %dma_wait3A_270 = tpu.memref_slice %arg19[%add3A_255, %dma_wait3A_269] : memref<10000x8xf32, #tpu.memory_space<vmem_shared>> -> memref<200x8xf32, #tpu.memory_space<vmem_shared>>
        %dma_wait3A_271 = arith.constant 0 : i32
        %dma_wait3A_272 = arith.constant 0 : i32
        %dma_wait3A_273 = tpu.memref_slice %arg16[%dma_wait3A_271, %dma_wait3A_272] : memref<400x8xf32, #tpu.memory_space<vmem>> -> memref<200x8xf32, #tpu.memory_space<vmem>>
        tpu.wait_dma2 semaphore(%run_scoped3A : memref<!tpu.dma_semaphore, #tpu.memory_space<semaphore_mem>>) src(%dma_wait3A_273 : memref<200x8xf32, #tpu.memory_space<vmem>>) dst(%dma_wait3A_270 : memref<200x8xf32, #tpu.memory_space<vmem_shared>>)
        tpu.yield
      }) : () -> ()
    } else {
    }
    %barrier3A_228 = arith.constant 0 : index
    tpu.barrier barrier_id(%barrier3A_228)
    %scan3A_229 = arith.constant 0 : i32
    %scan3A_230 = arith.constant 0 : i32
    %scan3A_231 = arith.constant 25 : i32
    %scan3A_232 = arith.addi %scan3A_230, %scan3A_231 : i32
    %scan3A_233 = arith.constant 1 : i32
    %scan3A_234 = scf.for %scan3A_244 = %scan3A_230 to %scan3A_232 step %scan3A_233 iter_args(%scan3A_245 = %scan3A_229) -> (i32)  : i32 {
      %mul3A_246 = arith.constant 400 : i32
      %mul3A_247 = arith.muli %scan3A_244, %mul3A_246 : i32
      %add3A_248 = arith.addi %mul3A_0, %mul3A_247 : i32
      "tpu.region"() ({
        %run_scoped3A = tpu.sem_alloc : memref<!tpu.dma_semaphore, #tpu.memory_space<semaphore_mem>>
        %dma_start3A_268 = tpu.memref_slice %arg5[%add3A_248] : memref<160000xi32, #tpu.memory_space<hbm>> -> memref<400xi32, #tpu.memory_space<hbm>>
        %dma_start3A_269 = tpu.memref_slice %arg5[%add3A_248] : memref<160000xi32, #tpu.memory_space<hbm>> -> memref<400xi32, #tpu.memory_space<hbm>>
        tpu.enqueue_dma source(%dma_start3A_269 : memref<400xi32, #tpu.memory_space<hbm>>) target(%arg12 : memref<400xi32, #tpu.memory_space<vmem>>) target_semaphore(%run_scoped3A : memref<!tpu.dma_semaphore, #tpu.memory_space<semaphore_mem>>)
        %dma_wait3A_270 = tpu.memref_slice %arg5[%add3A_248] : memref<160000xi32, #tpu.memory_space<hbm>> -> memref<400xi32, #tpu.memory_space<hbm>>
        %dma_wait3A_271 = tpu.memref_slice %arg5[%add3A_248] : memref<160000xi32, #tpu.memory_space<hbm>> -> memref<400xi32, #tpu.memory_space<hbm>>
        tpu.wait_dma2 semaphore(%run_scoped3A : memref<!tpu.dma_semaphore, #tpu.memory_space<semaphore_mem>>) src(%dma_wait3A_271 : memref<400xi32, #tpu.memory_space<hbm>>) dst(%arg12 : memref<400xi32, #tpu.memory_space<vmem>>)
        tpu.yield
      }) : () -> ()
      "tpu.region"() ({
        %run_scoped3A = tpu.sem_alloc : memref<!tpu.dma_semaphore, #tpu.memory_space<semaphore_mem>>
        %dma_start3A_268 = tpu.memref_slice %arg6[%add3A_248] : memref<160000xi32, #tpu.memory_space<hbm>> -> memref<400xi32, #tpu.memory_space<hbm>>
        %dma_start3A_269 = tpu.memref_slice %arg6[%add3A_248] : memref<160000xi32, #tpu.memory_space<hbm>> -> memref<400xi32, #tpu.memory_space<hbm>>
        tpu.enqueue_dma source(%dma_start3A_269 : memref<400xi32, #tpu.memory_space<hbm>>) target(%arg13 : memref<400xi32, #tpu.memory_space<vmem>>) target_semaphore(%run_scoped3A : memref<!tpu.dma_semaphore, #tpu.memory_space<semaphore_mem>>)
        %dma_wait3A_270 = tpu.memref_slice %arg6[%add3A_248] : memref<160000xi32, #tpu.memory_space<hbm>> -> memref<400xi32, #tpu.memory_space<hbm>>
        %dma_wait3A_271 = tpu.memref_slice %arg6[%add3A_248] : memref<160000xi32, #tpu.memory_space<hbm>> -> memref<400xi32, #tpu.memory_space<hbm>>
        tpu.wait_dma2 semaphore(%run_scoped3A : memref<!tpu.dma_semaphore, #tpu.memory_space<semaphore_mem>>) src(%dma_wait3A_271 : memref<400xi32, #tpu.memory_space<hbm>>) dst(%arg13 : memref<400xi32, #tpu.memory_space<vmem>>)
        tpu.yield
      }) : () -> ()
      %mul3A_249 = arith.constant 2 : i32
      %mul3A_250 = arith.muli %mul3A_249, %arg0 : i32
      %add3A_251 = arith.constant 1 : i32
      %add3A_252 = arith.addi %mul3A_250, %add3A_251 : i32
      %mul3A_253 = arith.constant 160000 : i32
      %mul3A_254 = arith.muli %add3A_252, %mul3A_253 : i32
      %add3A_255 = arith.addi %mul3A_254, %add3A_248 : i32
      "tpu.region"() ({
        %run_scoped3A = tpu.sem_alloc : memref<!tpu.dma_semaphore, #tpu.memory_space<semaphore_mem>>
        %dma_start3A_268 = tpu.memref_slice %arg7[%add3A_255] : memref<640000xi32, #tpu.memory_space<hbm>> -> memref<400xi32, #tpu.memory_space<hbm>>
        %dma_start3A_269 = tpu.memref_slice %arg7[%add3A_255] : memref<640000xi32, #tpu.memory_space<hbm>> -> memref<400xi32, #tpu.memory_space<hbm>>
        tpu.enqueue_dma source(%dma_start3A_269 : memref<400xi32, #tpu.memory_space<hbm>>) target(%arg14 : memref<400xi32, #tpu.memory_space<vmem>>) target_semaphore(%run_scoped3A : memref<!tpu.dma_semaphore, #tpu.memory_space<semaphore_mem>>)
        %dma_wait3A_270 = tpu.memref_slice %arg7[%add3A_255] : memref<640000xi32, #tpu.memory_space<hbm>> -> memref<400xi32, #tpu.memory_space<hbm>>
        %dma_wait3A_271 = tpu.memref_slice %arg7[%add3A_255] : memref<640000xi32, #tpu.memory_space<hbm>> -> memref<400xi32, #tpu.memory_space<hbm>>
        tpu.wait_dma2 semaphore(%run_scoped3A : memref<!tpu.dma_semaphore, #tpu.memory_space<semaphore_mem>>) src(%dma_wait3A_271 : memref<400xi32, #tpu.memory_space<hbm>>) dst(%arg14 : memref<400xi32, #tpu.memory_space<vmem>>)
        tpu.yield
      }) : () -> ()
      %dma_start3A = arith.constant 0 : i32
      %dma_start3A_256 = arith.constant 0 : i32
      %dma_start3A_257 = tpu.memref_slice %arg2[%dma_start3A, %dma_start3A_256] : memref<40000x64xf32, #tpu.memory_space<hbm>> -> memref<40000x64xf32, #tpu.memory_space<hbm>>
      tpu.enqueue_indirect_dma source(%dma_start3A_257 : memref<40000x64xf32, #tpu.memory_space<hbm>>) target(%arg15 : memref<400x64xf32, #tpu.memory_space<vmem>>) offsets(%arg14 : memref<400xi32, #tpu.memory_space<vmem>>) semaphore(%arg20 : memref<!tpu.dma_semaphore, #tpu.memory_space<semaphore_mem>>)
      %dma_wait3A = arith.constant 0 : i32
      %dma_wait3A_258 = arith.constant 0 : i32
      %dma_wait3A_259 = tpu.memref_slice %arg2[%dma_wait3A, %dma_wait3A_258] : memref<40000x64xf32, #tpu.memory_space<hbm>> -> memref<40000x64xf32, #tpu.memory_space<hbm>>
      tpu.wait_indirect_dma semaphore(%arg20 : memref<!tpu.dma_semaphore, #tpu.memory_space<semaphore_mem>>) src(%dma_wait3A_259 : memref<40000x64xf32, #tpu.memory_space<hbm>>) dst(%arg15 : memref<400x64xf32, #tpu.memory_space<vmem>>)
      %scan3A_260 = arith.constant 0 : i32
      %scan3A_261 = arith.constant 0 : i32
      %scan3A_262 = arith.constant 25 : i32
      %scan3A_263 = arith.addi %scan3A_261, %scan3A_262 : i32
      %scan3A_264 = arith.constant 1 : i32
      %scan3A_265 = scf.for %scan3A_268 = %scan3A_261 to %scan3A_263 step %scan3A_264 iter_args(%scan3A_269 = %scan3A_260) -> (i32)  : i32 {
        %mul3A_270 = arith.constant 16 : i32
        %mul3A_271 = arith.muli %mul3A_270, %scan3A_268 : i32
        %get3A = arith.index_cast %mul3A_271 : i32 to index
        %get3A_272 = tpu.vector_load %arg12[%get3A] {strides = array<i32>} : memref<400xi32, #tpu.memory_space<vmem>>, vector<16xi32>,
        %mul3A_273 = arith.constant 16 : i32
        %mul3A_274 = arith.muli %mul3A_273, %scan3A_268 : i32
        %get3A_275 = arith.index_cast %mul3A_274 : i32 to index
        %get3A_276 = tpu.vector_load %arg13[%get3A_275] {strides = array<i32>} : memref<400xi32, #tpu.memory_space<vmem>>, vector<16xi32>,
        %mul3A_277 = arith.constant 16 : i32
        %mul3A_278 = arith.muli %mul3A_277, %scan3A_268 : i32
        %add3A_279 = vector.broadcast %mul3A_278 : i32 to vector<16xi32>
        %add3A_280 = arith.addi %iota3A, %add3A_279 : vector<16xi32>
        %broadcast_in_dim3A_281 = arith.constant 1 : i32
        %broadcast_in_dim3A_282 = vector.broadcast %broadcast_in_dim3A_281 : i32 to vector<16xi32>
        %gather3A_283 = tpu.vector_load_idx %arg10[%broadcast_in_dim3A_282, %get3A_272] : memref<2x10000xf32, #tpu.memory_space<vmem>>[vector<16xi32>, vector<16xi32>], vector<16xf32>,
        %broadcast_in_dim3A_284 = arith.constant 1 : i32
        %broadcast_in_dim3A_285 = vector.broadcast %broadcast_in_dim3A_284 : i32 to vector<16xi32>
        %gather3A_286 = tpu.vector_load_idx %arg11[%broadcast_in_dim3A_285, %get3A_276] : memref<2x10000xf32, #tpu.memory_space<vmem>>[vector<16xi32>, vector<16xi32>], vector<16xf32>,
        %add3A_287 = arith.addf %gather3A_283, %gather3A_286 : vector<16xf32>
        %gt3A_288 = arith.constant 0.000000e+00 : f32
        %gt3A_289 = vector.broadcast %gt3A_288 : f32 to vector<16xf32>
        %gt3A_290 = arith.cmpf ogt, %add3A_287, %gt3A_289 : vector<16xf32>
        %mul3A_291 = arith.constant 2.000000e-01 : f32
        %mul3A_292 = vector.broadcast %mul3A_291 : f32 to vector<16xf32>
        %mul3A_293 = arith.mulf %mul3A_292, %add3A_287 : vector<16xf32>
        %select_n3A_294 = arith.select %gt3A_290, %add3A_287, %mul3A_293 : vector<16xi1>, vector<16xf32>
        %sub3A = arith.subf %select_n3A_294, %select_n3A_198 : vector<16xf32>
        %exp3A = math.exp %sub3A : vector<16xf32>
        %broadcast_in_dim3A_295 = arith.constant 0 : i32
        %broadcast_in_dim3A_296 = vector.broadcast %broadcast_in_dim3A_295 : i32 to vector<16xi32>
        tpu.vector_store_idx %arg16[%add3A_280, %broadcast_in_dim3A_296], %exp3A : memref<400x8xf32, #tpu.memory_space<vmem>>[vector<16xi32>, vector<16xi32>], vector<16xf32>,
        %mul3A_297 = arith.constant 16 : i32
        %mul3A_298 = arith.muli %mul3A_297, %scan3A_268 : i32
        %add3A_299 = arith.constant 0 : i32
        %add3A_300 = arith.addi %mul3A_298, %add3A_299 : i32
        %slice3A = vector.extract_strided_slice %exp3A {offsets = [0], sizes = [1], strides = [1]} : vector<16xf32> to vector<1xf32>
        %squeeze3A = vector.extract %slice3A[0] : f32 from vector<1xf32>
        %broadcast_in_dim3A_301 = vector.broadcast %squeeze3A : f32 to vector<16xf32>
        %get3A_302 = arith.index_cast %add3A_300 : i32 to index
        %get3A_303 = arith.constant 0 : index
        %get3A_304 = tpu.vector_load %arg15[%get3A_302, %get3A_303] {strides = array<i32>} : memref<400x64xf32, #tpu.memory_space<vmem>>, vector<16xf32>,
        %mul3A_305 = arith.mulf %get3A_304, %broadcast_in_dim3A_301 : vector<16xf32>
        %swap3A_306 = arith.index_cast %add3A_300 : i32 to index
        %swap3A_307 = arith.constant 0 : index
        %swap3A_308 = tpu.vector_load %arg15[%swap3A_306, %swap3A_307] {strides = array<i32>} : memref<400x64xf32, #tpu.memory_space<vmem>>, vector<16xf32>,
        tpu.vector_store %arg15[%swap3A_306, %swap3A_307], %mul3A_305 {strides = array<i32>} : memref<400x64xf32, #tpu.memory_space<vmem>>, vector<16xf32>,
        %get3A_309 = arith.index_cast %add3A_300 : i32 to index
        %get3A_310 = arith.constant 16 : index
        %get3A_311 = tpu.vector_load %arg15[%get3A_309, %get3A_310] {strides = array<i32>} : memref<400x64xf32, #tpu.memory_space<vmem>>, vector<16xf32>,
        %mul3A_312 = arith.mulf %get3A_311, %broadcast_in_dim3A_301 : vector<16xf32>
        %swap3A_313 = arith.index_cast %add3A_300 : i32 to index
        %swap3A_314 = arith.constant 16 : index
        %swap3A_315 = tpu.vector_load %arg15[%swap3A_313, %swap3A_314] {strides = array<i32>} : memref<400x64xf32, #tpu.memory_space<vmem>>, vector<16xf32>,
        tpu.vector_store %arg15[%swap3A_313, %swap3A_314], %mul3A_312 {strides = array<i32>} : memref<400x64xf32, #tpu.memory_space<vmem>>, vector<16xf32>,
        %get3A_316 = arith.index_cast %add3A_300 : i32 to index
        %get3A_317 = arith.constant 32 : index
        %get3A_318 = tpu.vector_load %arg15[%get3A_316, %get3A_317] {strides = array<i32>} : memref<400x64xf32, #tpu.memory_space<vmem>>, vector<16xf32>,
        %mul3A_319 = arith.mulf %get3A_318, %broadcast_in_dim3A_301 : vector<16xf32>
        %swap3A_320 = arith.index_cast %add3A_300 : i32 to index
        %swap3A_321 = arith.constant 32 : index
        %swap3A_322 = tpu.vector_load %arg15[%swap3A_320, %swap3A_321] {strides = array<i32>} : memref<400x64xf32, #tpu.memory_space<vmem>>, vector<16xf32>,
        tpu.vector_store %arg15[%swap3A_320, %swap3A_321], %mul3A_319 {strides = array<i32>} : memref<400x64xf32, #tpu.memory_space<vmem>>, vector<16xf32>,
        %get3A_323 = arith.index_cast %add3A_300 : i32 to index
        %get3A_324 = arith.constant 48 : index
        %get3A_325 = tpu.vector_load %arg15[%get3A_323, %get3A_324] {strides = array<i32>} : memref<400x64xf32, #tpu.memory_space<vmem>>, vector<16xf32>,
        %mul3A_326 = arith.mulf %get3A_325, %broadcast_in_dim3A_301 : vector<16xf32>
        %swap3A_327 = arith.index_cast %add3A_300 : i32 to index
        %swap3A_328 = arith.constant 48 : index
        %swap3A_329 = tpu.vector_load %arg15[%swap3A_327, %swap3A_328] {strides = array<i32>} : memref<400x64xf32, #tpu.memory_space<vmem>>, vector<16xf32>,
        tpu.vector_store %arg15[%swap3A_327, %swap3A_328], %mul3A_326 {strides = array<i32>} : memref<400x64xf32, #tpu.memory_space<vmem>>, vector<16xf32>,
        %mul3A_330 = arith.constant 16 : i32
        %mul3A_331 = arith.muli %mul3A_330, %scan3A_268 : i32
        %add3A_332 = arith.constant 1 : i32
        %add3A_333 = arith.addi %mul3A_331, %add3A_332 : i32
        %slice3A_334 = vector.extract_strided_slice %exp3A {offsets = [1], sizes = [1], strides = [1]} : vector<16xf32> to vector<1xf32>
        %squeeze3A_335 = vector.extract %slice3A_334[0] : f32 from vector<1xf32>
        %broadcast_in_dim3A_336 = vector.broadcast %squeeze3A_335 : f32 to vector<16xf32>
        %get3A_337 = arith.index_cast %add3A_333 : i32 to index
        %get3A_338 = arith.constant 0 : index
        %get3A_339 = tpu.vector_load %arg15[%get3A_337, %get3A_338] {strides = array<i32>} : memref<400x64xf32, #tpu.memory_space<vmem>>, vector<16xf32>,
        %mul3A_340 = arith.mulf %get3A_339, %broadcast_in_dim3A_336 : vector<16xf32>
        %swap3A_341 = arith.index_cast %add3A_333 : i32 to index
        %swap3A_342 = arith.constant 0 : index
        %swap3A_343 = tpu.vector_load %arg15[%swap3A_341, %swap3A_342] {strides = array<i32>} : memref<400x64xf32, #tpu.memory_space<vmem>>, vector<16xf32>,
        tpu.vector_store %arg15[%swap3A_341, %swap3A_342], %mul3A_340 {strides = array<i32>} : memref<400x64xf32, #tpu.memory_space<vmem>>, vector<16xf32>,
        %get3A_344 = arith.index_cast %add3A_333 : i32 to index
        %get3A_345 = arith.constant 16 : index
        %get3A_346 = tpu.vector_load %arg15[%get3A_344, %get3A_345] {strides = array<i32>} : memref<400x64xf32, #tpu.memory_space<vmem>>, vector<16xf32>,
        %mul3A_347 = arith.mulf %get3A_346, %broadcast_in_dim3A_336 : vector<16xf32>
        %swap3A_348 = arith.index_cast %add3A_333 : i32 to index
        %swap3A_349 = arith.constant 16 : index
        %swap3A_350 = tpu.vector_load %arg15[%swap3A_348, %swap3A_349] {strides = array<i32>} : memref<400x64xf32, #tpu.memory_space<vmem>>, vector<16xf32>,
        tpu.vector_store %arg15[%swap3A_348, %swap3A_349], %mul3A_347 {strides = array<i32>} : memref<400x64xf32, #tpu.memory_space<vmem>>, vector<16xf32>,
        %get3A_351 = arith.index_cast %add3A_333 : i32 to index
        %get3A_352 = arith.constant 32 : index
        %get3A_353 = tpu.vector_load %arg15[%get3A_351, %get3A_352] {strides = array<i32>} : memref<400x64xf32, #tpu.memory_space<vmem>>, vector<16xf32>,
        %mul3A_354 = arith.mulf %get3A_353, %broadcast_in_dim3A_336 : vector<16xf32>
        %swap3A_355 = arith.index_cast %add3A_333 : i32 to index
        %swap3A_356 = arith.constant 32 : index
        %swap3A_357 = tpu.vector_load %arg15[%swap3A_355, %swap3A_356] {strides = array<i32>} : memref<400x64xf32, #tpu.memory_space<vmem>>, vector<16xf32>,
        tpu.vector_store %arg15[%swap3A_355, %swap3A_356], %mul3A_354 {strides = array<i32>} : memref<400x64xf32, #tpu.memory_space<vmem>>, vector<16xf32>,
        %get3A_358 = arith.index_cast %add3A_333 : i32 to index
        %get3A_359 = arith.constant 48 : index
        %get3A_360 = tpu.vector_load %arg15[%get3A_358, %get3A_359] {strides = array<i32>} : memref<400x64xf32, #tpu.memory_space<vmem>>, vector<16xf32>,
        %mul3A_361 = arith.mulf %get3A_360, %broadcast_in_dim3A_336 : vector<16xf32>
        %swap3A_362 = arith.index_cast %add3A_333 : i32 to index
        %swap3A_363 = arith.constant 48 : index
        %swap3A_364 = tpu.vector_load %arg15[%swap3A_362, %swap3A_363] {strides = array<i32>} : memref<400x64xf32, #tpu.memory_space<vmem>>, vector<16xf32>,
        tpu.vector_store %arg15[%swap3A_362, %swap3A_363], %mul3A_361 {strides = array<i32>} : memref<400x64xf32, #tpu.memory_space<vmem>>, vector<16xf32>,
        %mul3A_365 = arith.constant 16 : i32
        %mul3A_366 = arith.muli %mul3A_365, %scan3A_268 : i32
        %add3A_367 = arith.constant 2 : i32
        %add3A_368 = arith.addi %mul3A_366, %add3A_367 : i32
        %slice3A_369 = vector.extract_strided_slice %exp3A {offsets = [2], sizes = [1], strides = [1]} : vector<16xf32> to vector<1xf32>
        %squeeze3A_370 = vector.extract %slice3A_369[0] : f32 from vector<1xf32>
        %broadcast_in_dim3A_371 = vector.broadcast %squeeze3A_370 : f32 to vector<16xf32>
        %get3A_372 = arith.index_cast %add3A_368 : i32 to index
        %get3A_373 = arith.constant 0 : index
        %get3A_374 = tpu.vector_load %arg15[%get3A_372, %get3A_373] {strides = array<i32>} : memref<400x64xf32, #tpu.memory_space<vmem>>, vector<16xf32>,
        %mul3A_375 = arith.mulf %get3A_374, %broadcast_in_dim3A_371 : vector<16xf32>
        %swap3A_376 = arith.index_cast %add3A_368 : i32 to index
        %swap3A_377 = arith.constant 0 : index
        %swap3A_378 = tpu.vector_load %arg15[%swap3A_376, %swap3A_377] {strides = array<i32>} : memref<400x64xf32, #tpu.memory_space<vmem>>, vector<16xf32>,
        tpu.vector_store %arg15[%swap3A_376, %swap3A_377], %mul3A_375 {strides = array<i32>} : memref<400x64xf32, #tpu.memory_space<vmem>>, vector<16xf32>,
        %get3A_379 = arith.index_cast %add3A_368 : i32 to index
        %get3A_380 = arith.constant 16 : index
        %get3A_381 = tpu.vector_load %arg15[%get3A_379, %get3A_380] {strides = array<i32>} : memref<400x64xf32, #tpu.memory_space<vmem>>, vector<16xf32>,
        %mul3A_382 = arith.mulf %get3A_381, %broadcast_in_dim3A_371 : vector<16xf32>
        %swap3A_383 = arith.index_cast %add3A_368 : i32 to index
        %swap3A_384 = arith.constant 16 : index
        %swap3A_385 = tpu.vector_load %arg15[%swap3A_383, %swap3A_384] {strides = array<i32>} : memref<400x64xf32, #tpu.memory_space<vmem>>, vector<16xf32>,
        tpu.vector_store %arg15[%swap3A_383, %swap3A_384], %mul3A_382 {strides = array<i32>} : memref<400x64xf32, #tpu.memory_space<vmem>>, vector<16xf32>,
        %get3A_386 = arith.index_cast %add3A_368 : i32 to index
        %get3A_387 = arith.constant 32 : index
        %get3A_388 = tpu.vector_load %arg15[%get3A_386, %get3A_387] {strides = array<i32>} : memref<400x64xf32, #tpu.memory_space<vmem>>, vector<16xf32>,
        %mul3A_389 = arith.mulf %get3A_388, %broadcast_in_dim3A_371 : vector<16xf32>
        %swap3A_390 = arith.index_cast %add3A_368 : i32 to index
        %swap3A_391 = arith.constant 32 : index
        %swap3A_392 = tpu.vector_load %arg15[%swap3A_390, %swap3A_391] {strides = array<i32>} : memref<400x64xf32, #tpu.memory_space<vmem>>, vector<16xf32>,
        tpu.vector_store %arg15[%swap3A_390, %swap3A_391], %mul3A_389 {strides = array<i32>} : memref<400x64xf32, #tpu.memory_space<vmem>>, vector<16xf32>,
        %get3A_393 = arith.index_cast %add3A_368 : i32 to index
        %get3A_394 = arith.constant 48 : index
        %get3A_395 = tpu.vector_load %arg15[%get3A_393, %get3A_394] {strides = array<i32>} : memref<400x64xf32, #tpu.memory_space<vmem>>, vector<16xf32>,
        %mul3A_396 = arith.mulf %get3A_395, %broadcast_in_dim3A_371 : vector<16xf32>
        %swap3A_397 = arith.index_cast %add3A_368 : i32 to index
        %swap3A_398 = arith.constant 48 : index
        %swap3A_399 = tpu.vector_load %arg15[%swap3A_397, %swap3A_398] {strides = array<i32>} : memref<400x64xf32, #tpu.memory_space<vmem>>, vector<16xf32>,
        tpu.vector_store %arg15[%swap3A_397, %swap3A_398], %mul3A_396 {strides = array<i32>} : memref<400x64xf32, #tpu.memory_space<vmem>>, vector<16xf32>,
        %mul3A_400 = arith.constant 16 : i32
        %mul3A_401 = arith.muli %mul3A_400, %scan3A_268 : i32
        %add3A_402 = arith.constant 3 : i32
        %add3A_403 = arith.addi %mul3A_401, %add3A_402 : i32
        %slice3A_404 = vector.extract_strided_slice %exp3A {offsets = [3], sizes = [1], strides = [1]} : vector<16xf32> to vector<1xf32>
        %squeeze3A_405 = vector.extract %slice3A_404[0] : f32 from vector<1xf32>
        %broadcast_in_dim3A_406 = vector.broadcast %squeeze3A_405 : f32 to vector<16xf32>
        %get3A_407 = arith.index_cast %add3A_403 : i32 to index
        %get3A_408 = arith.constant 0 : index
        %get3A_409 = tpu.vector_load %arg15[%get3A_407, %get3A_408] {strides = array<i32>} : memref<400x64xf32, #tpu.memory_space<vmem>>, vector<16xf32>,
        %mul3A_410 = arith.mulf %get3A_409, %broadcast_in_dim3A_406 : vector<16xf32>
        %swap3A_411 = arith.index_cast %add3A_403 : i32 to index
        %swap3A_412 = arith.constant 0 : index
        %swap3A_413 = tpu.vector_load %arg15[%swap3A_411, %swap3A_412] {strides = array<i32>} : memref<400x64xf32, #tpu.memory_space<vmem>>, vector<16xf32>,
        tpu.vector_store %arg15[%swap3A_411, %swap3A_412], %mul3A_410 {strides = array<i32>} : memref<400x64xf32, #tpu.memory_space<vmem>>, vector<16xf32>,
        %get3A_414 = arith.index_cast %add3A_403 : i32 to index
        %get3A_415 = arith.constant 16 : index
        %get3A_416 = tpu.vector_load %arg15[%get3A_414, %get3A_415] {strides = array<i32>} : memref<400x64xf32, #tpu.memory_space<vmem>>, vector<16xf32>,
        %mul3A_417 = arith.mulf %get3A_416, %broadcast_in_dim3A_406 : vector<16xf32>
        %swap3A_418 = arith.index_cast %add3A_403 : i32 to index
        %swap3A_419 = arith.constant 16 : index
        %swap3A_420 = tpu.vector_load %arg15[%swap3A_418, %swap3A_419] {strides = array<i32>} : memref<400x64xf32, #tpu.memory_space<vmem>>, vector<16xf32>,
        tpu.vector_store %arg15[%swap3A_418, %swap3A_419], %mul3A_417 {strides = array<i32>} : memref<400x64xf32, #tpu.memory_space<vmem>>, vector<16xf32>,
        %get3A_421 = arith.index_cast %add3A_403 : i32 to index
        %get3A_422 = arith.constant 32 : index
        %get3A_423 = tpu.vector_load %arg15[%get3A_421, %get3A_422] {strides = array<i32>} : memref<400x64xf32, #tpu.memory_space<vmem>>, vector<16xf32>,
        %mul3A_424 = arith.mulf %get3A_423, %broadcast_in_dim3A_406 : vector<16xf32>
        %swap3A_425 = arith.index_cast %add3A_403 : i32 to index
        %swap3A_426 = arith.constant 32 : index
        %swap3A_427 = tpu.vector_load %arg15[%swap3A_425, %swap3A_426] {strides = array<i32>} : memref<400x64xf32, #tpu.memory_space<vmem>>, vector<16xf32>,
        tpu.vector_store %arg15[%swap3A_425, %swap3A_426], %mul3A_424 {strides = array<i32>} : memref<400x64xf32, #tpu.memory_space<vmem>>, vector<16xf32>,
        %get3A_428 = arith.index_cast %add3A_403 : i32 to index
        %get3A_429 = arith.constant 48 : index
        %get3A_430 = tpu.vector_load %arg15[%get3A_428, %get3A_429] {strides = array<i32>} : memref<400x64xf32, #tpu.memory_space<vmem>>, vector<16xf32>,
        %mul3A_431 = arith.mulf %get3A_430, %broadcast_in_dim3A_406 : vector<16xf32>
        %swap3A_432 = arith.index_cast %add3A_403 : i32 to index
        %swap3A_433 = arith.constant 48 : index
        %swap3A_434 = tpu.vector_load %arg15[%swap3A_432, %swap3A_433] {strides = array<i32>} : memref<400x64xf32, #tpu.memory_space<vmem>>, vector<16xf32>,
        tpu.vector_store %arg15[%swap3A_432, %swap3A_433], %mul3A_431 {strides = array<i32>} : memref<400x64xf32, #tpu.memory_space<vmem>>, vector<16xf32>,
        %mul3A_435 = arith.constant 16 : i32
        %mul3A_436 = arith.muli %mul3A_435, %scan3A_268 : i32
        %add3A_437 = arith.constant 4 : i32
        %add3A_438 = arith.addi %mul3A_436, %add3A_437 : i32
        %slice3A_439 = vector.extract_strided_slice %exp3A {offsets = [4], sizes = [1], strides = [1]} : vector<16xf32> to vector<1xf32>
        %squeeze3A_440 = vector.extract %slice3A_439[0] : f32 from vector<1xf32>
        %broadcast_in_dim3A_441 = vector.broadcast %squeeze3A_440 : f32 to vector<16xf32>
        %get3A_442 = arith.index_cast %add3A_438 : i32 to index
        %get3A_443 = arith.constant 0 : index
        %get3A_444 = tpu.vector_load %arg15[%get3A_442, %get3A_443] {strides = array<i32>} : memref<400x64xf32, #tpu.memory_space<vmem>>, vector<16xf32>,
        %mul3A_445 = arith.mulf %get3A_444, %broadcast_in_dim3A_441 : vector<16xf32>
        %swap3A_446 = arith.index_cast %add3A_438 : i32 to index
        %swap3A_447 = arith.constant 0 : index
        %swap3A_448 = tpu.vector_load %arg15[%swap3A_446, %swap3A_447] {strides = array<i32>} : memref<400x64xf32, #tpu.memory_space<vmem>>, vector<16xf32>,
        tpu.vector_store %arg15[%swap3A_446, %swap3A_447], %mul3A_445 {strides = array<i32>} : memref<400x64xf32, #tpu.memory_space<vmem>>, vector<16xf32>,
        %get3A_449 = arith.index_cast %add3A_438 : i32 to index
        %get3A_450 = arith.constant 16 : index
        %get3A_451 = tpu.vector_load %arg15[%get3A_449, %get3A_450] {strides = array<i32>} : memref<400x64xf32, #tpu.memory_space<vmem>>, vector<16xf32>,
        %mul3A_452 = arith.mulf %get3A_451, %broadcast_in_dim3A_441 : vector<16xf32>
        %swap3A_453 = arith.index_cast %add3A_438 : i32 to index
        %swap3A_454 = arith.constant 16 : index
        %swap3A_455 = tpu.vector_load %arg15[%swap3A_453, %swap3A_454] {strides = array<i32>} : memref<400x64xf32, #tpu.memory_space<vmem>>, vector<16xf32>,
        tpu.vector_store %arg15[%swap3A_453, %swap3A_454], %mul3A_452 {strides = array<i32>} : memref<400x64xf32, #tpu.memory_space<vmem>>, vector<16xf32>,
        %get3A_456 = arith.index_cast %add3A_438 : i32 to index
        %get3A_457 = arith.constant 32 : index
        %get3A_458 = tpu.vector_load %arg15[%get3A_456, %get3A_457] {strides = array<i32>} : memref<400x64xf32, #tpu.memory_space<vmem>>, vector<16xf32>,
        %mul3A_459 = arith.mulf %get3A_458, %broadcast_in_dim3A_441 : vector<16xf32>
        %swap3A_460 = arith.index_cast %add3A_438 : i32 to index
        %swap3A_461 = arith.constant 32 : index
        %swap3A_462 = tpu.vector_load %arg15[%swap3A_460, %swap3A_461] {strides = array<i32>} : memref<400x64xf32, #tpu.memory_space<vmem>>, vector<16xf32>,
        tpu.vector_store %arg15[%swap3A_460, %swap3A_461], %mul3A_459 {strides = array<i32>} : memref<400x64xf32, #tpu.memory_space<vmem>>, vector<16xf32>,
        %get3A_463 = arith.index_cast %add3A_438 : i32 to index
        %get3A_464 = arith.constant 48 : index
        %get3A_465 = tpu.vector_load %arg15[%get3A_463, %get3A_464] {strides = array<i32>} : memref<400x64xf32, #tpu.memory_space<vmem>>, vector<16xf32>,
        %mul3A_466 = arith.mulf %get3A_465, %broadcast_in_dim3A_441 : vector<16xf32>
        %swap3A_467 = arith.index_cast %add3A_438 : i32 to index
        %swap3A_468 = arith.constant 48 : index
        %swap3A_469 = tpu.vector_load %arg15[%swap3A_467, %swap3A_468] {strides = array<i32>} : memref<400x64xf32, #tpu.memory_space<vmem>>, vector<16xf32>,
        tpu.vector_store %arg15[%swap3A_467, %swap3A_468], %mul3A_466 {strides = array<i32>} : memref<400x64xf32, #tpu.memory_space<vmem>>, vector<16xf32>,
        %mul3A_470 = arith.constant 16 : i32
        %mul3A_471 = arith.muli %mul3A_470, %scan3A_268 : i32
        %add3A_472 = arith.constant 5 : i32
        %add3A_473 = arith.addi %mul3A_471, %add3A_472 : i32
        %slice3A_474 = vector.extract_strided_slice %exp3A {offsets = [5], sizes = [1], strides = [1]} : vector<16xf32> to vector<1xf32>
        %squeeze3A_475 = vector.extract %slice3A_474[0] : f32 from vector<1xf32>
        %broadcast_in_dim3A_476 = vector.broadcast %squeeze3A_475 : f32 to vector<16xf32>
        %get3A_477 = arith.index_cast %add3A_473 : i32 to index
        %get3A_478 = arith.constant 0 : index
        %get3A_479 = tpu.vector_load %arg15[%get3A_477, %get3A_478] {strides = array<i32>} : memref<400x64xf32, #tpu.memory_space<vmem>>, vector<16xf32>,
        %mul3A_480 = arith.mulf %get3A_479, %broadcast_in_dim3A_476 : vector<16xf32>
        %swap3A_481 = arith.index_cast %add3A_473 : i32 to index
        %swap3A_482 = arith.constant 0 : index
        %swap3A_483 = tpu.vector_load %arg15[%swap3A_481, %swap3A_482] {strides = array<i32>} : memref<400x64xf32, #tpu.memory_space<vmem>>, vector<16xf32>,
        tpu.vector_store %arg15[%swap3A_481, %swap3A_482], %mul3A_480 {strides = array<i32>} : memref<400x64xf32, #tpu.memory_space<vmem>>, vector<16xf32>,
        %get3A_484 = arith.index_cast %add3A_473 : i32 to index
        %get3A_485 = arith.constant 16 : index
        %get3A_486 = tpu.vector_load %arg15[%get3A_484, %get3A_485] {strides = array<i32>} : memref<400x64xf32, #tpu.memory_space<vmem>>, vector<16xf32>,
        %mul3A_487 = arith.mulf %get3A_486, %broadcast_in_dim3A_476 : vector<16xf32>
        %swap3A_488 = arith.index_cast %add3A_473 : i32 to index
        %swap3A_489 = arith.constant 16 : index
        %swap3A_490 = tpu.vector_load %arg15[%swap3A_488, %swap3A_489] {strides = array<i32>} : memref<400x64xf32, #tpu.memory_space<vmem>>, vector<16xf32>,
        tpu.vector_store %arg15[%swap3A_488, %swap3A_489], %mul3A_487 {strides = array<i32>} : memref<400x64xf32, #tpu.memory_space<vmem>>, vector<16xf32>,
        %get3A_491 = arith.index_cast %add3A_473 : i32 to index
        %get3A_492 = arith.constant 32 : index
        %get3A_493 = tpu.vector_load %arg15[%get3A_491, %get3A_492] {strides = array<i32>} : memref<400x64xf32, #tpu.memory_space<vmem>>, vector<16xf32>,
        %mul3A_494 = arith.mulf %get3A_493, %broadcast_in_dim3A_476 : vector<16xf32>
        %swap3A_495 = arith.index_cast %add3A_473 : i32 to index
        %swap3A_496 = arith.constant 32 : index
        %swap3A_497 = tpu.vector_load %arg15[%swap3A_495, %swap3A_496] {strides = array<i32>} : memref<400x64xf32, #tpu.memory_space<vmem>>, vector<16xf32>,
        tpu.vector_store %arg15[%swap3A_495, %swap3A_496], %mul3A_494 {strides = array<i32>} : memref<400x64xf32, #tpu.memory_space<vmem>>, vector<16xf32>,
        %get3A_498 = arith.index_cast %add3A_473 : i32 to index
        %get3A_499 = arith.constant 48 : index
        %get3A_500 = tpu.vector_load %arg15[%get3A_498, %get3A_499] {strides = array<i32>} : memref<400x64xf32, #tpu.memory_space<vmem>>, vector<16xf32>,
        %mul3A_501 = arith.mulf %get3A_500, %broadcast_in_dim3A_476 : vector<16xf32>
        %swap3A_502 = arith.index_cast %add3A_473 : i32 to index
        %swap3A_503 = arith.constant 48 : index
        %swap3A_504 = tpu.vector_load %arg15[%swap3A_502, %swap3A_503] {strides = array<i32>} : memref<400x64xf32, #tpu.memory_space<vmem>>, vector<16xf32>,
        tpu.vector_store %arg15[%swap3A_502, %swap3A_503], %mul3A_501 {strides = array<i32>} : memref<400x64xf32, #tpu.memory_space<vmem>>, vector<16xf32>,
        %mul3A_505 = arith.constant 16 : i32
        %mul3A_506 = arith.muli %mul3A_505, %scan3A_268 : i32
        %add3A_507 = arith.constant 6 : i32
        %add3A_508 = arith.addi %mul3A_506, %add3A_507 : i32
        %slice3A_509 = vector.extract_strided_slice %exp3A {offsets = [6], sizes = [1], strides = [1]} : vector<16xf32> to vector<1xf32>
        %squeeze3A_510 = vector.extract %slice3A_509[0] : f32 from vector<1xf32>
        %broadcast_in_dim3A_511 = vector.broadcast %squeeze3A_510 : f32 to vector<16xf32>
        %get3A_512 = arith.index_cast %add3A_508 : i32 to index
        %get3A_513 = arith.constant 0 : index
        %get3A_514 = tpu.vector_load %arg15[%get3A_512, %get3A_513] {strides = array<i32>} : memref<400x64xf32, #tpu.memory_space<vmem>>, vector<16xf32>,
        %mul3A_515 = arith.mulf %get3A_514, %broadcast_in_dim3A_511 : vector<16xf32>
        %swap3A_516 = arith.index_cast %add3A_508 : i32 to index
        %swap3A_517 = arith.constant 0 : index
        %swap3A_518 = tpu.vector_load %arg15[%swap3A_516, %swap3A_517] {strides = array<i32>} : memref<400x64xf32, #tpu.memory_space<vmem>>, vector<16xf32>,
        tpu.vector_store %arg15[%swap3A_516, %swap3A_517], %mul3A_515 {strides = array<i32>} : memref<400x64xf32, #tpu.memory_space<vmem>>, vector<16xf32>,
        %get3A_519 = arith.index_cast %add3A_508 : i32 to index
        %get3A_520 = arith.constant 16 : index
        %get3A_521 = tpu.vector_load %arg15[%get3A_519, %get3A_520] {strides = array<i32>} : memref<400x64xf32, #tpu.memory_space<vmem>>, vector<16xf32>,
        %mul3A_522 = arith.mulf %get3A_521, %broadcast_in_dim3A_511 : vector<16xf32>
        %swap3A_523 = arith.index_cast %add3A_508 : i32 to index
        %swap3A_524 = arith.constant 16 : index
        %swap3A_525 = tpu.vector_load %arg15[%swap3A_523, %swap3A_524] {strides = array<i32>} : memref<400x64xf32, #tpu.memory_space<vmem>>, vector<16xf32>,
        tpu.vector_store %arg15[%swap3A_523, %swap3A_524], %mul3A_522 {strides = array<i32>} : memref<400x64xf32, #tpu.memory_space<vmem>>, vector<16xf32>,
        %get3A_526 = arith.index_cast %add3A_508 : i32 to index
        %get3A_527 = arith.constant 32 : index
        %get3A_528 = tpu.vector_load %arg15[%get3A_526, %get3A_527] {strides = array<i32>} : memref<400x64xf32, #tpu.memory_space<vmem>>, vector<16xf32>,
        %mul3A_529 = arith.mulf %get3A_528, %broadcast_in_dim3A_511 : vector<16xf32>
        %swap3A_530 = arith.index_cast %add3A_508 : i32 to index
        %swap3A_531 = arith.constant 32 : index
        %swap3A_532 = tpu.vector_load %arg15[%swap3A_530, %swap3A_531] {strides = array<i32>} : memref<400x64xf32, #tpu.memory_space<vmem>>, vector<16xf32>,
        tpu.vector_store %arg15[%swap3A_530, %swap3A_531], %mul3A_529 {strides = array<i32>} : memref<400x64xf32, #tpu.memory_space<vmem>>, vector<16xf32>,
        %get3A_533 = arith.index_cast %add3A_508 : i32 to index
        %get3A_534 = arith.constant 48 : index
        %get3A_535 = tpu.vector_load %arg15[%get3A_533, %get3A_534] {strides = array<i32>} : memref<400x64xf32, #tpu.memory_space<vmem>>, vector<16xf32>,
        %mul3A_536 = arith.mulf %get3A_535, %broadcast_in_dim3A_511 : vector<16xf32>
        %swap3A_537 = arith.index_cast %add3A_508 : i32 to index
        %swap3A_538 = arith.constant 48 : index
        %swap3A_539 = tpu.vector_load %arg15[%swap3A_537, %swap3A_538] {strides = array<i32>} : memref<400x64xf32, #tpu.memory_space<vmem>>, vector<16xf32>,
        tpu.vector_store %arg15[%swap3A_537, %swap3A_538], %mul3A_536 {strides = array<i32>} : memref<400x64xf32, #tpu.memory_space<vmem>>, vector<16xf32>,
        %mul3A_540 = arith.constant 16 : i32
        %mul3A_541 = arith.muli %mul3A_540, %scan3A_268 : i32
        %add3A_542 = arith.constant 7 : i32
        %add3A_543 = arith.addi %mul3A_541, %add3A_542 : i32
        %slice3A_544 = vector.extract_strided_slice %exp3A {offsets = [7], sizes = [1], strides = [1]} : vector<16xf32> to vector<1xf32>
        %squeeze3A_545 = vector.extract %slice3A_544[0] : f32 from vector<1xf32>
        %broadcast_in_dim3A_546 = vector.broadcast %squeeze3A_545 : f32 to vector<16xf32>
        %get3A_547 = arith.index_cast %add3A_543 : i32 to index
        %get3A_548 = arith.constant 0 : index
        %get3A_549 = tpu.vector_load %arg15[%get3A_547, %get3A_548] {strides = array<i32>} : memref<400x64xf32, #tpu.memory_space<vmem>>, vector<16xf32>,
        %mul3A_550 = arith.mulf %get3A_549, %broadcast_in_dim3A_546 : vector<16xf32>
        %swap3A_551 = arith.index_cast %add3A_543 : i32 to index
        %swap3A_552 = arith.constant 0 : index
        %swap3A_553 = tpu.vector_load %arg15[%swap3A_551, %swap3A_552] {strides = array<i32>} : memref<400x64xf32, #tpu.memory_space<vmem>>, vector<16xf32>,
        tpu.vector_store %arg15[%swap3A_551, %swap3A_552], %mul3A_550 {strides = array<i32>} : memref<400x64xf32, #tpu.memory_space<vmem>>, vector<16xf32>,
        %get3A_554 = arith.index_cast %add3A_543 : i32 to index
        %get3A_555 = arith.constant 16 : index
        %get3A_556 = tpu.vector_load %arg15[%get3A_554, %get3A_555] {strides = array<i32>} : memref<400x64xf32, #tpu.memory_space<vmem>>, vector<16xf32>,
        %mul3A_557 = arith.mulf %get3A_556, %broadcast_in_dim3A_546 : vector<16xf32>
        %swap3A_558 = arith.index_cast %add3A_543 : i32 to index
        %swap3A_559 = arith.constant 16 : index
        %swap3A_560 = tpu.vector_load %arg15[%swap3A_558, %swap3A_559] {strides = array<i32>} : memref<400x64xf32, #tpu.memory_space<vmem>>, vector<16xf32>,
        tpu.vector_store %arg15[%swap3A_558, %swap3A_559], %mul3A_557 {strides = array<i32>} : memref<400x64xf32, #tpu.memory_space<vmem>>, vector<16xf32>,
        %get3A_561 = arith.index_cast %add3A_543 : i32 to index
        %get3A_562 = arith.constant 32 : index
        %get3A_563 = tpu.vector_load %arg15[%get3A_561, %get3A_562] {strides = array<i32>} : memref<400x64xf32, #tpu.memory_space<vmem>>, vector<16xf32>,
        %mul3A_564 = arith.mulf %get3A_563, %broadcast_in_dim3A_546 : vector<16xf32>
        %swap3A_565 = arith.index_cast %add3A_543 : i32 to index
        %swap3A_566 = arith.constant 32 : index
        %swap3A_567 = tpu.vector_load %arg15[%swap3A_565, %swap3A_566] {strides = array<i32>} : memref<400x64xf32, #tpu.memory_space<vmem>>, vector<16xf32>,
        tpu.vector_store %arg15[%swap3A_565, %swap3A_566], %mul3A_564 {strides = array<i32>} : memref<400x64xf32, #tpu.memory_space<vmem>>, vector<16xf32>,
        %get3A_568 = arith.index_cast %add3A_543 : i32 to index
        %get3A_569 = arith.constant 48 : index
        %get3A_570 = tpu.vector_load %arg15[%get3A_568, %get3A_569] {strides = array<i32>} : memref<400x64xf32, #tpu.memory_space<vmem>>, vector<16xf32>,
        %mul3A_571 = arith.mulf %get3A_570, %broadcast_in_dim3A_546 : vector<16xf32>
        %swap3A_572 = arith.index_cast %add3A_543 : i32 to index
        %swap3A_573 = arith.constant 48 : index
        %swap3A_574 = tpu.vector_load %arg15[%swap3A_572, %swap3A_573] {strides = array<i32>} : memref<400x64xf32, #tpu.memory_space<vmem>>, vector<16xf32>,
        tpu.vector_store %arg15[%swap3A_572, %swap3A_573], %mul3A_571 {strides = array<i32>} : memref<400x64xf32, #tpu.memory_space<vmem>>, vector<16xf32>,
        %mul3A_575 = arith.constant 16 : i32
        %mul3A_576 = arith.muli %mul3A_575, %scan3A_268 : i32
        %add3A_577 = arith.constant 8 : i32
        %add3A_578 = arith.addi %mul3A_576, %add3A_577 : i32
        %slice3A_579 = vector.extract_strided_slice %exp3A {offsets = [8], sizes = [1], strides = [1]} : vector<16xf32> to vector<1xf32>
        %squeeze3A_580 = vector.extract %slice3A_579[0] : f32 from vector<1xf32>
        %broadcast_in_dim3A_581 = vector.broadcast %squeeze3A_580 : f32 to vector<16xf32>
        %get3A_582 = arith.index_cast %add3A_578 : i32 to index
        %get3A_583 = arith.constant 0 : index
        %get3A_584 = tpu.vector_load %arg15[%get3A_582, %get3A_583] {strides = array<i32>} : memref<400x64xf32, #tpu.memory_space<vmem>>, vector<16xf32>,
        %mul3A_585 = arith.mulf %get3A_584, %broadcast_in_dim3A_581 : vector<16xf32>
        %swap3A_586 = arith.index_cast %add3A_578 : i32 to index
        %swap3A_587 = arith.constant 0 : index
        %swap3A_588 = tpu.vector_load %arg15[%swap3A_586, %swap3A_587] {strides = array<i32>} : memref<400x64xf32, #tpu.memory_space<vmem>>, vector<16xf32>,
        tpu.vector_store %arg15[%swap3A_586, %swap3A_587], %mul3A_585 {strides = array<i32>} : memref<400x64xf32, #tpu.memory_space<vmem>>, vector<16xf32>,
        %get3A_589 = arith.index_cast %add3A_578 : i32 to index
        %get3A_590 = arith.constant 16 : index
        %get3A_591 = tpu.vector_load %arg15[%get3A_589, %get3A_590] {strides = array<i32>} : memref<400x64xf32, #tpu.memory_space<vmem>>, vector<16xf32>,
        %mul3A_592 = arith.mulf %get3A_591, %broadcast_in_dim3A_581 : vector<16xf32>
        %swap3A_593 = arith.index_cast %add3A_578 : i32 to index
        %swap3A_594 = arith.constant 16 : index
        %swap3A_595 = tpu.vector_load %arg15[%swap3A_593, %swap3A_594] {strides = array<i32>} : memref<400x64xf32, #tpu.memory_space<vmem>>, vector<16xf32>,
        tpu.vector_store %arg15[%swap3A_593, %swap3A_594], %mul3A_592 {strides = array<i32>} : memref<400x64xf32, #tpu.memory_space<vmem>>, vector<16xf32>,
        %get3A_596 = arith.index_cast %add3A_578 : i32 to index
        %get3A_597 = arith.constant 32 : index
        %get3A_598 = tpu.vector_load %arg15[%get3A_596, %get3A_597] {strides = array<i32>} : memref<400x64xf32, #tpu.memory_space<vmem>>, vector<16xf32>,
        %mul3A_599 = arith.mulf %get3A_598, %broadcast_in_dim3A_581 : vector<16xf32>
        %swap3A_600 = arith.index_cast %add3A_578 : i32 to index
        %swap3A_601 = arith.constant 32 : index
        %swap3A_602 = tpu.vector_load %arg15[%swap3A_600, %swap3A_601] {strides = array<i32>} : memref<400x64xf32, #tpu.memory_space<vmem>>, vector<16xf32>,
        tpu.vector_store %arg15[%swap3A_600, %swap3A_601], %mul3A_599 {strides = array<i32>} : memref<400x64xf32, #tpu.memory_space<vmem>>, vector<16xf32>,
        %get3A_603 = arith.index_cast %add3A_578 : i32 to index
        %get3A_604 = arith.constant 48 : index
        %get3A_605 = tpu.vector_load %arg15[%get3A_603, %get3A_604] {strides = array<i32>} : memref<400x64xf32, #tpu.memory_space<vmem>>, vector<16xf32>,
        %mul3A_606 = arith.mulf %get3A_605, %broadcast_in_dim3A_581 : vector<16xf32>
        %swap3A_607 = arith.index_cast %add3A_578 : i32 to index
        %swap3A_608 = arith.constant 48 : index
        %swap3A_609 = tpu.vector_load %arg15[%swap3A_607, %swap3A_608] {strides = array<i32>} : memref<400x64xf32, #tpu.memory_space<vmem>>, vector<16xf32>,
        tpu.vector_store %arg15[%swap3A_607, %swap3A_608], %mul3A_606 {strides = array<i32>} : memref<400x64xf32, #tpu.memory_space<vmem>>, vector<16xf32>,
        %mul3A_610 = arith.constant 16 : i32
        %mul3A_611 = arith.muli %mul3A_610, %scan3A_268 : i32
        %add3A_612 = arith.constant 9 : i32
        %add3A_613 = arith.addi %mul3A_611, %add3A_612 : i32
        %slice3A_614 = vector.extract_strided_slice %exp3A {offsets = [9], sizes = [1], strides = [1]} : vector<16xf32> to vector<1xf32>
        %squeeze3A_615 = vector.extract %slice3A_614[0] : f32 from vector<1xf32>
        %broadcast_in_dim3A_616 = vector.broadcast %squeeze3A_615 : f32 to vector<16xf32>
        %get3A_617 = arith.index_cast %add3A_613 : i32 to index
        %get3A_618 = arith.constant 0 : index
        %get3A_619 = tpu.vector_load %arg15[%get3A_617, %get3A_618] {strides = array<i32>} : memref<400x64xf32, #tpu.memory_space<vmem>>, vector<16xf32>,
        %mul3A_620 = arith.mulf %get3A_619, %broadcast_in_dim3A_616 : vector<16xf32>
        %swap3A_621 = arith.index_cast %add3A_613 : i32 to index
        %swap3A_622 = arith.constant 0 : index
        %swap3A_623 = tpu.vector_load %arg15[%swap3A_621, %swap3A_622] {strides = array<i32>} : memref<400x64xf32, #tpu.memory_space<vmem>>, vector<16xf32>,
        tpu.vector_store %arg15[%swap3A_621, %swap3A_622], %mul3A_620 {strides = array<i32>} : memref<400x64xf32, #tpu.memory_space<vmem>>, vector<16xf32>,
        %get3A_624 = arith.index_cast %add3A_613 : i32 to index
        %get3A_625 = arith.constant 16 : index
        %get3A_626 = tpu.vector_load %arg15[%get3A_624, %get3A_625] {strides = array<i32>} : memref<400x64xf32, #tpu.memory_space<vmem>>, vector<16xf32>,
        %mul3A_627 = arith.mulf %get3A_626, %broadcast_in_dim3A_616 : vector<16xf32>
        %swap3A_628 = arith.index_cast %add3A_613 : i32 to index
        %swap3A_629 = arith.constant 16 : index
        %swap3A_630 = tpu.vector_load %arg15[%swap3A_628, %swap3A_629] {strides = array<i32>} : memref<400x64xf32, #tpu.memory_space<vmem>>, vector<16xf32>,
        tpu.vector_store %arg15[%swap3A_628, %swap3A_629], %mul3A_627 {strides = array<i32>} : memref<400x64xf32, #tpu.memory_space<vmem>>, vector<16xf32>,
        %get3A_631 = arith.index_cast %add3A_613 : i32 to index
        %get3A_632 = arith.constant 32 : index
        %get3A_633 = tpu.vector_load %arg15[%get3A_631, %get3A_632] {strides = array<i32>} : memref<400x64xf32, #tpu.memory_space<vmem>>, vector<16xf32>,
        %mul3A_634 = arith.mulf %get3A_633, %broadcast_in_dim3A_616 : vector<16xf32>
        %swap3A_635 = arith.index_cast %add3A_613 : i32 to index
        %swap3A_636 = arith.constant 32 : index
        %swap3A_637 = tpu.vector_load %arg15[%swap3A_635, %swap3A_636] {strides = array<i32>} : memref<400x64xf32, #tpu.memory_space<vmem>>, vector<16xf32>,
        tpu.vector_store %arg15[%swap3A_635, %swap3A_636], %mul3A_634 {strides = array<i32>} : memref<400x64xf32, #tpu.memory_space<vmem>>, vector<16xf32>,
        %get3A_638 = arith.index_cast %add3A_613 : i32 to index
        %get3A_639 = arith.constant 48 : index
        %get3A_640 = tpu.vector_load %arg15[%get3A_638, %get3A_639] {strides = array<i32>} : memref<400x64xf32, #tpu.memory_space<vmem>>, vector<16xf32>,
        %mul3A_641 = arith.mulf %get3A_640, %broadcast_in_dim3A_616 : vector<16xf32>
        %swap3A_642 = arith.index_cast %add3A_613 : i32 to index
        %swap3A_643 = arith.constant 48 : index
        %swap3A_644 = tpu.vector_load %arg15[%swap3A_642, %swap3A_643] {strides = array<i32>} : memref<400x64xf32, #tpu.memory_space<vmem>>, vector<16xf32>,
        tpu.vector_store %arg15[%swap3A_642, %swap3A_643], %mul3A_641 {strides = array<i32>} : memref<400x64xf32, #tpu.memory_space<vmem>>, vector<16xf32>,
        %mul3A_645 = arith.constant 16 : i32
        %mul3A_646 = arith.muli %mul3A_645, %scan3A_268 : i32
        %add3A_647 = arith.constant 10 : i32
        %add3A_648 = arith.addi %mul3A_646, %add3A_647 : i32
        %slice3A_649 = vector.extract_strided_slice %exp3A {offsets = [10], sizes = [1], strides = [1]} : vector<16xf32> to vector<1xf32>
        %squeeze3A_650 = vector.extract %slice3A_649[0] : f32 from vector<1xf32>
        %broadcast_in_dim3A_651 = vector.broadcast %squeeze3A_650 : f32 to vector<16xf32>
        %get3A_652 = arith.index_cast %add3A_648 : i32 to index
        %get3A_653 = arith.constant 0 : index
        %get3A_654 = tpu.vector_load %arg15[%get3A_652, %get3A_653] {strides = array<i32>} : memref<400x64xf32, #tpu.memory_space<vmem>>, vector<16xf32>,
        %mul3A_655 = arith.mulf %get3A_654, %broadcast_in_dim3A_651 : vector<16xf32>
        %swap3A_656 = arith.index_cast %add3A_648 : i32 to index
        %swap3A_657 = arith.constant 0 : index
        %swap3A_658 = tpu.vector_load %arg15[%swap3A_656, %swap3A_657] {strides = array<i32>} : memref<400x64xf32, #tpu.memory_space<vmem>>, vector<16xf32>,
        tpu.vector_store %arg15[%swap3A_656, %swap3A_657], %mul3A_655 {strides = array<i32>} : memref<400x64xf32, #tpu.memory_space<vmem>>, vector<16xf32>,
        %get3A_659 = arith.index_cast %add3A_648 : i32 to index
        %get3A_660 = arith.constant 16 : index
        %get3A_661 = tpu.vector_load %arg15[%get3A_659, %get3A_660] {strides = array<i32>} : memref<400x64xf32, #tpu.memory_space<vmem>>, vector<16xf32>,
        %mul3A_662 = arith.mulf %get3A_661, %broadcast_in_dim3A_651 : vector<16xf32>
        %swap3A_663 = arith.index_cast %add3A_648 : i32 to index
        %swap3A_664 = arith.constant 16 : index
        %swap3A_665 = tpu.vector_load %arg15[%swap3A_663, %swap3A_664] {strides = array<i32>} : memref<400x64xf32, #tpu.memory_space<vmem>>, vector<16xf32>,
        tpu.vector_store %arg15[%swap3A_663, %swap3A_664], %mul3A_662 {strides = array<i32>} : memref<400x64xf32, #tpu.memory_space<vmem>>, vector<16xf32>,
        %get3A_666 = arith.index_cast %add3A_648 : i32 to index
        %get3A_667 = arith.constant 32 : index
        %get3A_668 = tpu.vector_load %arg15[%get3A_666, %get3A_667] {strides = array<i32>} : memref<400x64xf32, #tpu.memory_space<vmem>>, vector<16xf32>,
        %mul3A_669 = arith.mulf %get3A_668, %broadcast_in_dim3A_651 : vector<16xf32>
        %swap3A_670 = arith.index_cast %add3A_648 : i32 to index
        %swap3A_671 = arith.constant 32 : index
        %swap3A_672 = tpu.vector_load %arg15[%swap3A_670, %swap3A_671] {strides = array<i32>} : memref<400x64xf32, #tpu.memory_space<vmem>>, vector<16xf32>,
        tpu.vector_store %arg15[%swap3A_670, %swap3A_671], %mul3A_669 {strides = array<i32>} : memref<400x64xf32, #tpu.memory_space<vmem>>, vector<16xf32>,
        %get3A_673 = arith.index_cast %add3A_648 : i32 to index
        %get3A_674 = arith.constant 48 : index
        %get3A_675 = tpu.vector_load %arg15[%get3A_673, %get3A_674] {strides = array<i32>} : memref<400x64xf32, #tpu.memory_space<vmem>>, vector<16xf32>,
        %mul3A_676 = arith.mulf %get3A_675, %broadcast_in_dim3A_651 : vector<16xf32>
        %swap3A_677 = arith.index_cast %add3A_648 : i32 to index
        %swap3A_678 = arith.constant 48 : index
        %swap3A_679 = tpu.vector_load %arg15[%swap3A_677, %swap3A_678] {strides = array<i32>} : memref<400x64xf32, #tpu.memory_space<vmem>>, vector<16xf32>,
        tpu.vector_store %arg15[%swap3A_677, %swap3A_678], %mul3A_676 {strides = array<i32>} : memref<400x64xf32, #tpu.memory_space<vmem>>, vector<16xf32>,
        %mul3A_680 = arith.constant 16 : i32
        %mul3A_681 = arith.muli %mul3A_680, %scan3A_268 : i32
        %add3A_682 = arith.constant 11 : i32
        %add3A_683 = arith.addi %mul3A_681, %add3A_682 : i32
        %slice3A_684 = vector.extract_strided_slice %exp3A {offsets = [11], sizes = [1], strides = [1]} : vector<16xf32> to vector<1xf32>
        %squeeze3A_685 = vector.extract %slice3A_684[0] : f32 from vector<1xf32>
        %broadcast_in_dim3A_686 = vector.broadcast %squeeze3A_685 : f32 to vector<16xf32>
        %get3A_687 = arith.index_cast %add3A_683 : i32 to index
        %get3A_688 = arith.constant 0 : index
        %get3A_689 = tpu.vector_load %arg15[%get3A_687, %get3A_688] {strides = array<i32>} : memref<400x64xf32, #tpu.memory_space<vmem>>, vector<16xf32>,
        %mul3A_690 = arith.mulf %get3A_689, %broadcast_in_dim3A_686 : vector<16xf32>
        %swap3A_691 = arith.index_cast %add3A_683 : i32 to index
        %swap3A_692 = arith.constant 0 : index
        %swap3A_693 = tpu.vector_load %arg15[%swap3A_691, %swap3A_692] {strides = array<i32>} : memref<400x64xf32, #tpu.memory_space<vmem>>, vector<16xf32>,
        tpu.vector_store %arg15[%swap3A_691, %swap3A_692], %mul3A_690 {strides = array<i32>} : memref<400x64xf32, #tpu.memory_space<vmem>>, vector<16xf32>,
        %get3A_694 = arith.index_cast %add3A_683 : i32 to index
        %get3A_695 = arith.constant 16 : index
        %get3A_696 = tpu.vector_load %arg15[%get3A_694, %get3A_695] {strides = array<i32>} : memref<400x64xf32, #tpu.memory_space<vmem>>, vector<16xf32>,
        %mul3A_697 = arith.mulf %get3A_696, %broadcast_in_dim3A_686 : vector<16xf32>
        %swap3A_698 = arith.index_cast %add3A_683 : i32 to index
        %swap3A_699 = arith.constant 16 : index
        %swap3A_700 = tpu.vector_load %arg15[%swap3A_698, %swap3A_699] {strides = array<i32>} : memref<400x64xf32, #tpu.memory_space<vmem>>, vector<16xf32>,
        tpu.vector_store %arg15[%swap3A_698, %swap3A_699], %mul3A_697 {strides = array<i32>} : memref<400x64xf32, #tpu.memory_space<vmem>>, vector<16xf32>,
        %get3A_701 = arith.index_cast %add3A_683 : i32 to index
        %get3A_702 = arith.constant 32 : index
        %get3A_703 = tpu.vector_load %arg15[%get3A_701, %get3A_702] {strides = array<i32>} : memref<400x64xf32, #tpu.memory_space<vmem>>, vector<16xf32>,
        %mul3A_704 = arith.mulf %get3A_703, %broadcast_in_dim3A_686 : vector<16xf32>
        %swap3A_705 = arith.index_cast %add3A_683 : i32 to index
        %swap3A_706 = arith.constant 32 : index
        %swap3A_707 = tpu.vector_load %arg15[%swap3A_705, %swap3A_706] {strides = array<i32>} : memref<400x64xf32, #tpu.memory_space<vmem>>, vector<16xf32>,
        tpu.vector_store %arg15[%swap3A_705, %swap3A_706], %mul3A_704 {strides = array<i32>} : memref<400x64xf32, #tpu.memory_space<vmem>>, vector<16xf32>,
        %get3A_708 = arith.index_cast %add3A_683 : i32 to index
        %get3A_709 = arith.constant 48 : index
        %get3A_710 = tpu.vector_load %arg15[%get3A_708, %get3A_709] {strides = array<i32>} : memref<400x64xf32, #tpu.memory_space<vmem>>, vector<16xf32>,
        %mul3A_711 = arith.mulf %get3A_710, %broadcast_in_dim3A_686 : vector<16xf32>
        %swap3A_712 = arith.index_cast %add3A_683 : i32 to index
        %swap3A_713 = arith.constant 48 : index
        %swap3A_714 = tpu.vector_load %arg15[%swap3A_712, %swap3A_713] {strides = array<i32>} : memref<400x64xf32, #tpu.memory_space<vmem>>, vector<16xf32>,
        tpu.vector_store %arg15[%swap3A_712, %swap3A_713], %mul3A_711 {strides = array<i32>} : memref<400x64xf32, #tpu.memory_space<vmem>>, vector<16xf32>,
        %mul3A_715 = arith.constant 16 : i32
        %mul3A_716 = arith.muli %mul3A_715, %scan3A_268 : i32
        %add3A_717 = arith.constant 12 : i32
        %add3A_718 = arith.addi %mul3A_716, %add3A_717 : i32
        %slice3A_719 = vector.extract_strided_slice %exp3A {offsets = [12], sizes = [1], strides = [1]} : vector<16xf32> to vector<1xf32>
        %squeeze3A_720 = vector.extract %slice3A_719[0] : f32 from vector<1xf32>
        %broadcast_in_dim3A_721 = vector.broadcast %squeeze3A_720 : f32 to vector<16xf32>
        %get3A_722 = arith.index_cast %add3A_718 : i32 to index
        %get3A_723 = arith.constant 0 : index
        %get3A_724 = tpu.vector_load %arg15[%get3A_722, %get3A_723] {strides = array<i32>} : memref<400x64xf32, #tpu.memory_space<vmem>>, vector<16xf32>,
        %mul3A_725 = arith.mulf %get3A_724, %broadcast_in_dim3A_721 : vector<16xf32>
        %swap3A_726 = arith.index_cast %add3A_718 : i32 to index
        %swap3A_727 = arith.constant 0 : index
        %swap3A_728 = tpu.vector_load %arg15[%swap3A_726, %swap3A_727] {strides = array<i32>} : memref<400x64xf32, #tpu.memory_space<vmem>>, vector<16xf32>,
        tpu.vector_store %arg15[%swap3A_726, %swap3A_727], %mul3A_725 {strides = array<i32>} : memref<400x64xf32, #tpu.memory_space<vmem>>, vector<16xf32>,
        %get3A_729 = arith.index_cast %add3A_718 : i32 to index
        %get3A_730 = arith.constant 16 : index
        %get3A_731 = tpu.vector_load %arg15[%get3A_729, %get3A_730] {strides = array<i32>} : memref<400x64xf32, #tpu.memory_space<vmem>>, vector<16xf32>,
        %mul3A_732 = arith.mulf %get3A_731, %broadcast_in_dim3A_721 : vector<16xf32>
        %swap3A_733 = arith.index_cast %add3A_718 : i32 to index
        %swap3A_734 = arith.constant 16 : index
        %swap3A_735 = tpu.vector_load %arg15[%swap3A_733, %swap3A_734] {strides = array<i32>} : memref<400x64xf32, #tpu.memory_space<vmem>>, vector<16xf32>,
        tpu.vector_store %arg15[%swap3A_733, %swap3A_734], %mul3A_732 {strides = array<i32>} : memref<400x64xf32, #tpu.memory_space<vmem>>, vector<16xf32>,
        %get3A_736 = arith.index_cast %add3A_718 : i32 to index
        %get3A_737 = arith.constant 32 : index
        %get3A_738 = tpu.vector_load %arg15[%get3A_736, %get3A_737] {strides = array<i32>} : memref<400x64xf32, #tpu.memory_space<vmem>>, vector<16xf32>,
        %mul3A_739 = arith.mulf %get3A_738, %broadcast_in_dim3A_721 : vector<16xf32>
        %swap3A_740 = arith.index_cast %add3A_718 : i32 to index
        %swap3A_741 = arith.constant 32 : index
        %swap3A_742 = tpu.vector_load %arg15[%swap3A_740, %swap3A_741] {strides = array<i32>} : memref<400x64xf32, #tpu.memory_space<vmem>>, vector<16xf32>,
        tpu.vector_store %arg15[%swap3A_740, %swap3A_741], %mul3A_739 {strides = array<i32>} : memref<400x64xf32, #tpu.memory_space<vmem>>, vector<16xf32>,
        %get3A_743 = arith.index_cast %add3A_718 : i32 to index
        %get3A_744 = arith.constant 48 : index
        %get3A_745 = tpu.vector_load %arg15[%get3A_743, %get3A_744] {strides = array<i32>} : memref<400x64xf32, #tpu.memory_space<vmem>>, vector<16xf32>,
        %mul3A_746 = arith.mulf %get3A_745, %broadcast_in_dim3A_721 : vector<16xf32>
        %swap3A_747 = arith.index_cast %add3A_718 : i32 to index
        %swap3A_748 = arith.constant 48 : index
        %swap3A_749 = tpu.vector_load %arg15[%swap3A_747, %swap3A_748] {strides = array<i32>} : memref<400x64xf32, #tpu.memory_space<vmem>>, vector<16xf32>,
        tpu.vector_store %arg15[%swap3A_747, %swap3A_748], %mul3A_746 {strides = array<i32>} : memref<400x64xf32, #tpu.memory_space<vmem>>, vector<16xf32>,
        %mul3A_750 = arith.constant 16 : i32
        %mul3A_751 = arith.muli %mul3A_750, %scan3A_268 : i32
        %add3A_752 = arith.constant 13 : i32
        %add3A_753 = arith.addi %mul3A_751, %add3A_752 : i32
        %slice3A_754 = vector.extract_strided_slice %exp3A {offsets = [13], sizes = [1], strides = [1]} : vector<16xf32> to vector<1xf32>
        %squeeze3A_755 = vector.extract %slice3A_754[0] : f32 from vector<1xf32>
        %broadcast_in_dim3A_756 = vector.broadcast %squeeze3A_755 : f32 to vector<16xf32>
        %get3A_757 = arith.index_cast %add3A_753 : i32 to index
        %get3A_758 = arith.constant 0 : index
        %get3A_759 = tpu.vector_load %arg15[%get3A_757, %get3A_758] {strides = array<i32>} : memref<400x64xf32, #tpu.memory_space<vmem>>, vector<16xf32>,
        %mul3A_760 = arith.mulf %get3A_759, %broadcast_in_dim3A_756 : vector<16xf32>
        %swap3A_761 = arith.index_cast %add3A_753 : i32 to index
        %swap3A_762 = arith.constant 0 : index
        %swap3A_763 = tpu.vector_load %arg15[%swap3A_761, %swap3A_762] {strides = array<i32>} : memref<400x64xf32, #tpu.memory_space<vmem>>, vector<16xf32>,
        tpu.vector_store %arg15[%swap3A_761, %swap3A_762], %mul3A_760 {strides = array<i32>} : memref<400x64xf32, #tpu.memory_space<vmem>>, vector<16xf32>,
        %get3A_764 = arith.index_cast %add3A_753 : i32 to index
        %get3A_765 = arith.constant 16 : index
        %get3A_766 = tpu.vector_load %arg15[%get3A_764, %get3A_765] {strides = array<i32>} : memref<400x64xf32, #tpu.memory_space<vmem>>, vector<16xf32>,
        %mul3A_767 = arith.mulf %get3A_766, %broadcast_in_dim3A_756 : vector<16xf32>
        %swap3A_768 = arith.index_cast %add3A_753 : i32 to index
        %swap3A_769 = arith.constant 16 : index
        %swap3A_770 = tpu.vector_load %arg15[%swap3A_768, %swap3A_769] {strides = array<i32>} : memref<400x64xf32, #tpu.memory_space<vmem>>, vector<16xf32>,
        tpu.vector_store %arg15[%swap3A_768, %swap3A_769], %mul3A_767 {strides = array<i32>} : memref<400x64xf32, #tpu.memory_space<vmem>>, vector<16xf32>,
        %get3A_771 = arith.index_cast %add3A_753 : i32 to index
        %get3A_772 = arith.constant 32 : index
        %get3A_773 = tpu.vector_load %arg15[%get3A_771, %get3A_772] {strides = array<i32>} : memref<400x64xf32, #tpu.memory_space<vmem>>, vector<16xf32>,
        %mul3A_774 = arith.mulf %get3A_773, %broadcast_in_dim3A_756 : vector<16xf32>
        %swap3A_775 = arith.index_cast %add3A_753 : i32 to index
        %swap3A_776 = arith.constant 32 : index
        %swap3A_777 = tpu.vector_load %arg15[%swap3A_775, %swap3A_776] {strides = array<i32>} : memref<400x64xf32, #tpu.memory_space<vmem>>, vector<16xf32>,
        tpu.vector_store %arg15[%swap3A_775, %swap3A_776], %mul3A_774 {strides = array<i32>} : memref<400x64xf32, #tpu.memory_space<vmem>>, vector<16xf32>,
        %get3A_778 = arith.index_cast %add3A_753 : i32 to index
        %get3A_779 = arith.constant 48 : index
        %get3A_780 = tpu.vector_load %arg15[%get3A_778, %get3A_779] {strides = array<i32>} : memref<400x64xf32, #tpu.memory_space<vmem>>, vector<16xf32>,
        %mul3A_781 = arith.mulf %get3A_780, %broadcast_in_dim3A_756 : vector<16xf32>
        %swap3A_782 = arith.index_cast %add3A_753 : i32 to index
        %swap3A_783 = arith.constant 48 : index
        %swap3A_784 = tpu.vector_load %arg15[%swap3A_782, %swap3A_783] {strides = array<i32>} : memref<400x64xf32, #tpu.memory_space<vmem>>, vector<16xf32>,
        tpu.vector_store %arg15[%swap3A_782, %swap3A_783], %mul3A_781 {strides = array<i32>} : memref<400x64xf32, #tpu.memory_space<vmem>>, vector<16xf32>,
        %mul3A_785 = arith.constant 16 : i32
        %mul3A_786 = arith.muli %mul3A_785, %scan3A_268 : i32
        %add3A_787 = arith.constant 14 : i32
        %add3A_788 = arith.addi %mul3A_786, %add3A_787 : i32
        %slice3A_789 = vector.extract_strided_slice %exp3A {offsets = [14], sizes = [1], strides = [1]} : vector<16xf32> to vector<1xf32>
        %squeeze3A_790 = vector.extract %slice3A_789[0] : f32 from vector<1xf32>
        %broadcast_in_dim3A_791 = vector.broadcast %squeeze3A_790 : f32 to vector<16xf32>
        %get3A_792 = arith.index_cast %add3A_788 : i32 to index
        %get3A_793 = arith.constant 0 : index
        %get3A_794 = tpu.vector_load %arg15[%get3A_792, %get3A_793] {strides = array<i32>} : memref<400x64xf32, #tpu.memory_space<vmem>>, vector<16xf32>,
        %mul3A_795 = arith.mulf %get3A_794, %broadcast_in_dim3A_791 : vector<16xf32>
        %swap3A_796 = arith.index_cast %add3A_788 : i32 to index
        %swap3A_797 = arith.constant 0 : index
        %swap3A_798 = tpu.vector_load %arg15[%swap3A_796, %swap3A_797] {strides = array<i32>} : memref<400x64xf32, #tpu.memory_space<vmem>>, vector<16xf32>,
        tpu.vector_store %arg15[%swap3A_796, %swap3A_797], %mul3A_795 {strides = array<i32>} : memref<400x64xf32, #tpu.memory_space<vmem>>, vector<16xf32>,
        %get3A_799 = arith.index_cast %add3A_788 : i32 to index
        %get3A_800 = arith.constant 16 : index
        %get3A_801 = tpu.vector_load %arg15[%get3A_799, %get3A_800] {strides = array<i32>} : memref<400x64xf32, #tpu.memory_space<vmem>>, vector<16xf32>,
        %mul3A_802 = arith.mulf %get3A_801, %broadcast_in_dim3A_791 : vector<16xf32>
        %swap3A_803 = arith.index_cast %add3A_788 : i32 to index
        %swap3A_804 = arith.constant 16 : index
        %swap3A_805 = tpu.vector_load %arg15[%swap3A_803, %swap3A_804] {strides = array<i32>} : memref<400x64xf32, #tpu.memory_space<vmem>>, vector<16xf32>,
        tpu.vector_store %arg15[%swap3A_803, %swap3A_804], %mul3A_802 {strides = array<i32>} : memref<400x64xf32, #tpu.memory_space<vmem>>, vector<16xf32>,
        %get3A_806 = arith.index_cast %add3A_788 : i32 to index
        %get3A_807 = arith.constant 32 : index
        %get3A_808 = tpu.vector_load %arg15[%get3A_806, %get3A_807] {strides = array<i32>} : memref<400x64xf32, #tpu.memory_space<vmem>>, vector<16xf32>,
        %mul3A_809 = arith.mulf %get3A_808, %broadcast_in_dim3A_791 : vector<16xf32>
        %swap3A_810 = arith.index_cast %add3A_788 : i32 to index
        %swap3A_811 = arith.constant 32 : index
        %swap3A_812 = tpu.vector_load %arg15[%swap3A_810, %swap3A_811] {strides = array<i32>} : memref<400x64xf32, #tpu.memory_space<vmem>>, vector<16xf32>,
        tpu.vector_store %arg15[%swap3A_810, %swap3A_811], %mul3A_809 {strides = array<i32>} : memref<400x64xf32, #tpu.memory_space<vmem>>, vector<16xf32>,
        %get3A_813 = arith.index_cast %add3A_788 : i32 to index
        %get3A_814 = arith.constant 48 : index
        %get3A_815 = tpu.vector_load %arg15[%get3A_813, %get3A_814] {strides = array<i32>} : memref<400x64xf32, #tpu.memory_space<vmem>>, vector<16xf32>,
        %mul3A_816 = arith.mulf %get3A_815, %broadcast_in_dim3A_791 : vector<16xf32>
        %swap3A_817 = arith.index_cast %add3A_788 : i32 to index
        %swap3A_818 = arith.constant 48 : index
        %swap3A_819 = tpu.vector_load %arg15[%swap3A_817, %swap3A_818] {strides = array<i32>} : memref<400x64xf32, #tpu.memory_space<vmem>>, vector<16xf32>,
        tpu.vector_store %arg15[%swap3A_817, %swap3A_818], %mul3A_816 {strides = array<i32>} : memref<400x64xf32, #tpu.memory_space<vmem>>, vector<16xf32>,
        %mul3A_820 = arith.constant 16 : i32
        %mul3A_821 = arith.muli %mul3A_820, %scan3A_268 : i32
        %add3A_822 = arith.constant 15 : i32
        %add3A_823 = arith.addi %mul3A_821, %add3A_822 : i32
        %slice3A_824 = vector.extract_strided_slice %exp3A {offsets = [15], sizes = [1], strides = [1]} : vector<16xf32> to vector<1xf32>
        %squeeze3A_825 = vector.extract %slice3A_824[0] : f32 from vector<1xf32>
        %broadcast_in_dim3A_826 = vector.broadcast %squeeze3A_825 : f32 to vector<16xf32>
        %get3A_827 = arith.index_cast %add3A_823 : i32 to index
        %get3A_828 = arith.constant 0 : index
        %get3A_829 = tpu.vector_load %arg15[%get3A_827, %get3A_828] {strides = array<i32>} : memref<400x64xf32, #tpu.memory_space<vmem>>, vector<16xf32>,
        %mul3A_830 = arith.mulf %get3A_829, %broadcast_in_dim3A_826 : vector<16xf32>
        %swap3A_831 = arith.index_cast %add3A_823 : i32 to index
        %swap3A_832 = arith.constant 0 : index
        %swap3A_833 = tpu.vector_load %arg15[%swap3A_831, %swap3A_832] {strides = array<i32>} : memref<400x64xf32, #tpu.memory_space<vmem>>, vector<16xf32>,
        tpu.vector_store %arg15[%swap3A_831, %swap3A_832], %mul3A_830 {strides = array<i32>} : memref<400x64xf32, #tpu.memory_space<vmem>>, vector<16xf32>,
        %get3A_834 = arith.index_cast %add3A_823 : i32 to index
        %get3A_835 = arith.constant 16 : index
        %get3A_836 = tpu.vector_load %arg15[%get3A_834, %get3A_835] {strides = array<i32>} : memref<400x64xf32, #tpu.memory_space<vmem>>, vector<16xf32>,
        %mul3A_837 = arith.mulf %get3A_836, %broadcast_in_dim3A_826 : vector<16xf32>
        %swap3A_838 = arith.index_cast %add3A_823 : i32 to index
        %swap3A_839 = arith.constant 16 : index
        %swap3A_840 = tpu.vector_load %arg15[%swap3A_838, %swap3A_839] {strides = array<i32>} : memref<400x64xf32, #tpu.memory_space<vmem>>, vector<16xf32>,
        tpu.vector_store %arg15[%swap3A_838, %swap3A_839], %mul3A_837 {strides = array<i32>} : memref<400x64xf32, #tpu.memory_space<vmem>>, vector<16xf32>,
        %get3A_841 = arith.index_cast %add3A_823 : i32 to index
        %get3A_842 = arith.constant 32 : index
        %get3A_843 = tpu.vector_load %arg15[%get3A_841, %get3A_842] {strides = array<i32>} : memref<400x64xf32, #tpu.memory_space<vmem>>, vector<16xf32>,
        %mul3A_844 = arith.mulf %get3A_843, %broadcast_in_dim3A_826 : vector<16xf32>
        %swap3A_845 = arith.index_cast %add3A_823 : i32 to index
        %swap3A_846 = arith.constant 32 : index
        %swap3A_847 = tpu.vector_load %arg15[%swap3A_845, %swap3A_846] {strides = array<i32>} : memref<400x64xf32, #tpu.memory_space<vmem>>, vector<16xf32>,
        tpu.vector_store %arg15[%swap3A_845, %swap3A_846], %mul3A_844 {strides = array<i32>} : memref<400x64xf32, #tpu.memory_space<vmem>>, vector<16xf32>,
        %get3A_848 = arith.index_cast %add3A_823 : i32 to index
        %get3A_849 = arith.constant 48 : index
        %get3A_850 = tpu.vector_load %arg15[%get3A_848, %get3A_849] {strides = array<i32>} : memref<400x64xf32, #tpu.memory_space<vmem>>, vector<16xf32>,
        %mul3A_851 = arith.mulf %get3A_850, %broadcast_in_dim3A_826 : vector<16xf32>
        %swap3A_852 = arith.index_cast %add3A_823 : i32 to index
        %swap3A_853 = arith.constant 48 : index
        %swap3A_854 = tpu.vector_load %arg15[%swap3A_852, %swap3A_853] {strides = array<i32>} : memref<400x64xf32, #tpu.memory_space<vmem>>, vector<16xf32>,
        tpu.vector_store %arg15[%swap3A_852, %swap3A_853], %mul3A_851 {strides = array<i32>} : memref<400x64xf32, #tpu.memory_space<vmem>>, vector<16xf32>,
        %scan3A_855 = arith.constant 0 : i32
        scf.yield %scan3A_855 : i32
      }
      %scan3A_266 = arith.constant 25 : i32
      "tpu.region"() ({
        %run_scoped3A = tpu.sem_alloc : memref<!tpu.dma_semaphore, #tpu.memory_space<semaphore_mem>>
        %dma_start3A_268 = arith.constant 0 : i32
        %dma_start3A_269 = arith.constant 0 : i32
        %dma_start3A_270 = tpu.memref_slice %arg18[%dma_start3A_268, %dma_start3A_269] : memref<10000x64xf32, #tpu.memory_space<vmem_shared>> -> memref<10000x64xf32, #tpu.memory_space<vmem_shared>>
        tpu.enqueue_indirect_dma source(%arg15 : memref<400x64xf32, #tpu.memory_space<vmem>>) target(%dma_start3A_270 : memref<10000x64xf32, #tpu.memory_space<vmem_shared>>) offsets(%arg13 : memref<400xi32, #tpu.memory_space<vmem>>) semaphore(%run_scoped3A : memref<!tpu.dma_semaphore, #tpu.memory_space<semaphore_mem>>) {add = true}
        %dma_wait3A_271 = arith.constant 0 : i32
        %dma_wait3A_272 = arith.constant 0 : i32
        %dma_wait3A_273 = tpu.memref_slice %arg18[%dma_wait3A_271, %dma_wait3A_272] : memref<10000x64xf32, #tpu.memory_space<vmem_shared>> -> memref<10000x64xf32, #tpu.memory_space<vmem_shared>>
        tpu.wait_indirect_dma semaphore(%run_scoped3A : memref<!tpu.dma_semaphore, #tpu.memory_space<semaphore_mem>>) src(%arg15 : memref<400x64xf32, #tpu.memory_space<vmem>>) dst(%dma_wait3A_273 : memref<10000x64xf32, #tpu.memory_space<vmem_shared>>)
        tpu.yield
      }) : () -> ()
      "tpu.region"() ({
        %run_scoped3A = tpu.sem_alloc : memref<!tpu.dma_semaphore, #tpu.memory_space<semaphore_mem>>
        %dma_start3A_268 = arith.constant 0 : i32
        %dma_start3A_269 = arith.constant 0 : i32
        %dma_start3A_270 = tpu.memref_slice %arg19[%dma_start3A_268, %dma_start3A_269] : memref<10000x8xf32, #tpu.memory_space<vmem_shared>> -> memref<10000x8xf32, #tpu.memory_space<vmem_shared>>
        tpu.enqueue_indirect_dma source(%arg16 : memref<400x8xf32, #tpu.memory_space<vmem>>) target(%dma_start3A_270 : memref<10000x8xf32, #tpu.memory_space<vmem_shared>>) offsets(%arg13 : memref<400xi32, #tpu.memory_space<vmem>>) semaphore(%run_scoped3A : memref<!tpu.dma_semaphore, #tpu.memory_space<semaphore_mem>>) {add = true}
        %dma_wait3A_271 = arith.constant 0 : i32
        %dma_wait3A_272 = arith.constant 0 : i32
        %dma_wait3A_273 = tpu.memref_slice %arg19[%dma_wait3A_271, %dma_wait3A_272] : memref<10000x8xf32, #tpu.memory_space<vmem_shared>> -> memref<10000x8xf32, #tpu.memory_space<vmem_shared>>
        tpu.wait_indirect_dma semaphore(%run_scoped3A : memref<!tpu.dma_semaphore, #tpu.memory_space<semaphore_mem>>) src(%arg16 : memref<400x8xf32, #tpu.memory_space<vmem>>) dst(%dma_wait3A_273 : memref<10000x8xf32, #tpu.memory_space<vmem_shared>>)
        tpu.yield
      }) : () -> ()
      %scan3A_267 = arith.constant 0 : i32
      scf.yield %scan3A_267 : i32
    }
    %scan3A_235 = arith.constant 25 : i32
    %barrier3A_236 = arith.constant 0 : index
    tpu.barrier barrier_id(%barrier3A_236)
    %add3A_237 = arith.addi %mul3A_204, %mul3A_2 : i32
    %lt3A_238 = arith.constant 10 : i32
    %lt3A_239 = arith.cmpi slt, %arg1, %lt3A_238 : i32
    %convert_element_type3A_240 = arith.extui %lt3A_239 : i1 to i32
    %cond3A_241 = arith.constant 0 : i32
    %cond3A_242 = arith.cmpi ne, %convert_element_type3A_240, %cond3A_241 : i32
    scf.if %cond3A_242 {
      %add3A_244 = arith.constant 0 : i32
      %add3A_245 = arith.addi %mul3A_2, %add3A_244 : i32
      "tpu.region"() ({
        %run_scoped3A = tpu.sem_alloc : memref<!tpu.dma_semaphore, #tpu.memory_space<semaphore_mem>>
        %dma_start3A = arith.constant 0 : i32
        %dma_start3A_268 = arith.constant 0 : i32
        %dma_start3A_269 = tpu.memref_slice %arg15[%dma_start3A, %dma_start3A_268] : memref<400x64xf32, #tpu.memory_space<vmem>> -> memref<400x64xf32, #tpu.memory_space<vmem>>
        %dma_start3A_270 = arith.constant 0 : i32
        %dma_start3A_271 = tpu.memref_slice %arg18[%add3A_245, %dma_start3A_270] : memref<10000x64xf32, #tpu.memory_space<vmem_shared>> -> memref<400x64xf32, #tpu.memory_space<vmem_shared>>
        %dma_start3A_272 = arith.constant 0 : i32
        %dma_start3A_273 = arith.constant 0 : i32
        %dma_start3A_274 = tpu.memref_slice %arg15[%dma_start3A_272, %dma_start3A_273] : memref<400x64xf32, #tpu.memory_space<vmem>> -> memref<400x64xf32, #tpu.memory_space<vmem>>
        %dma_start3A_275 = arith.constant 0 : i32
        %dma_start3A_276 = tpu.memref_slice %arg18[%add3A_245, %dma_start3A_275] : memref<10000x64xf32, #tpu.memory_space<vmem_shared>> -> memref<400x64xf32, #tpu.memory_space<vmem_shared>>
        tpu.enqueue_dma source(%dma_start3A_276 : memref<400x64xf32, #tpu.memory_space<vmem_shared>>) target(%dma_start3A_274 : memref<400x64xf32, #tpu.memory_space<vmem>>) target_semaphore(%run_scoped3A : memref<!tpu.dma_semaphore, #tpu.memory_space<semaphore_mem>>)
        %dma_wait3A = arith.constant 0 : i32
        %dma_wait3A_277 = arith.constant 0 : i32
        %dma_wait3A_278 = tpu.memref_slice %arg15[%dma_wait3A, %dma_wait3A_277] : memref<400x64xf32, #tpu.memory_space<vmem>> -> memref<400x64xf32, #tpu.memory_space<vmem>>
        %dma_wait3A_279 = arith.constant 0 : i32
        %dma_wait3A_280 = tpu.memref_slice %arg18[%add3A_245, %dma_wait3A_279] : memref<10000x64xf32, #tpu.memory_space<vmem_shared>> -> memref<400x64xf32, #tpu.memory_space<vmem_shared>>
        %dma_wait3A_281 = arith.constant 0 : i32
        %dma_wait3A_282 = arith.constant 0 : i32
        %dma_wait3A_283 = tpu.memref_slice %arg15[%dma_wait3A_281, %dma_wait3A_282] : memref<400x64xf32, #tpu.memory_space<vmem>> -> memref<400x64xf32, #tpu.memory_space<vmem>>
        %dma_wait3A_284 = arith.constant 0 : i32
        %dma_wait3A_285 = tpu.memref_slice %arg18[%add3A_245, %dma_wait3A_284] : memref<10000x64xf32, #tpu.memory_space<vmem_shared>> -> memref<400x64xf32, #tpu.memory_space<vmem_shared>>
        tpu.wait_dma2 semaphore(%run_scoped3A : memref<!tpu.dma_semaphore, #tpu.memory_space<semaphore_mem>>) src(%dma_wait3A_285 : memref<400x64xf32, #tpu.memory_space<vmem_shared>>) dst(%dma_wait3A_283 : memref<400x64xf32, #tpu.memory_space<vmem>>)
        tpu.yield
      }) : () -> ()
      %add3A_246 = arith.constant 0 : i32
      %add3A_247 = arith.addi %add3A_237, %add3A_246 : i32
      "tpu.region"() ({
        %run_scoped3A = tpu.sem_alloc : memref<!tpu.dma_semaphore, #tpu.memory_space<semaphore_mem>>
        %dma_start3A = arith.constant 0 : i32
        %dma_start3A_268 = arith.constant 0 : i32
        %dma_start3A_269 = tpu.memref_slice %arg15[%dma_start3A, %dma_start3A_268] : memref<400x64xf32, #tpu.memory_space<vmem>> -> memref<400x64xf32, #tpu.memory_space<vmem>>
        %dma_start3A_270 = arith.constant 0 : i32
        %dma_start3A_271 = tpu.memref_slice %arg8[%add3A_247, %dma_start3A_270] : memref<40000x64xf32, #tpu.memory_space<hbm>> -> memref<400x64xf32, #tpu.memory_space<hbm>>
        %dma_start3A_272 = arith.constant 0 : i32
        %dma_start3A_273 = tpu.memref_slice %arg8[%add3A_247, %dma_start3A_272] : memref<40000x64xf32, #tpu.memory_space<hbm>> -> memref<400x64xf32, #tpu.memory_space<hbm>>
        %dma_start3A_274 = arith.constant 0 : i32
        %dma_start3A_275 = arith.constant 0 : i32
        %dma_start3A_276 = tpu.memref_slice %arg15[%dma_start3A_274, %dma_start3A_275] : memref<400x64xf32, #tpu.memory_space<vmem>> -> memref<400x64xf32, #tpu.memory_space<vmem>>
        tpu.enqueue_dma source(%dma_start3A_276 : memref<400x64xf32, #tpu.memory_space<vmem>>) target(%dma_start3A_273 : memref<400x64xf32, #tpu.memory_space<hbm>>) target_semaphore(%run_scoped3A : memref<!tpu.dma_semaphore, #tpu.memory_space<semaphore_mem>>)
        %dma_wait3A = arith.constant 0 : i32
        %dma_wait3A_277 = arith.constant 0 : i32
        %dma_wait3A_278 = tpu.memref_slice %arg15[%dma_wait3A, %dma_wait3A_277] : memref<400x64xf32, #tpu.memory_space<vmem>> -> memref<400x64xf32, #tpu.memory_space<vmem>>
        %dma_wait3A_279 = arith.constant 0 : i32
        %dma_wait3A_280 = tpu.memref_slice %arg8[%add3A_247, %dma_wait3A_279] : memref<40000x64xf32, #tpu.memory_space<hbm>> -> memref<400x64xf32, #tpu.memory_space<hbm>>
        %dma_wait3A_281 = arith.constant 0 : i32
        %dma_wait3A_282 = tpu.memref_slice %arg8[%add3A_247, %dma_wait3A_281] : memref<40000x64xf32, #tpu.memory_space<hbm>> -> memref<400x64xf32, #tpu.memory_space<hbm>>
        %dma_wait3A_283 = arith.constant 0 : i32
        %dma_wait3A_284 = arith.constant 0 : i32
        %dma_wait3A_285 = tpu.memref_slice %arg15[%dma_wait3A_283, %dma_wait3A_284] : memref<400x64xf32, #tpu.memory_space<vmem>> -> memref<400x64xf32, #tpu.memory_space<vmem>>
        tpu.wait_dma2 semaphore(%run_scoped3A : memref<!tpu.dma_semaphore, #tpu.memory_space<semaphore_mem>>) src(%dma_wait3A_285 : memref<400x64xf32, #tpu.memory_space<vmem>>) dst(%dma_wait3A_282 : memref<400x64xf32, #tpu.memory_space<hbm>>)
        tpu.yield
      }) : () -> ()
      %add3A_248 = arith.constant 0 : i32
      %add3A_249 = arith.addi %mul3A_2, %add3A_248 : i32
      "tpu.region"() ({
        %run_scoped3A = tpu.sem_alloc : memref<!tpu.dma_semaphore, #tpu.memory_space<semaphore_mem>>
        %dma_start3A = arith.constant 0 : i32
        %dma_start3A_268 = arith.constant 0 : i32
        %dma_start3A_269 = tpu.memref_slice %arg16[%dma_start3A, %dma_start3A_268] : memref<400x8xf32, #tpu.memory_space<vmem>> -> memref<400x8xf32, #tpu.memory_space<vmem>>
        %dma_start3A_270 = arith.constant 0 : i32
        %dma_start3A_271 = tpu.memref_slice %arg19[%add3A_249, %dma_start3A_270] : memref<10000x8xf32, #tpu.memory_space<vmem_shared>> -> memref<400x8xf32, #tpu.memory_space<vmem_shared>>
        %dma_start3A_272 = arith.constant 0 : i32
        %dma_start3A_273 = arith.constant 0 : i32
        %dma_start3A_274 = tpu.memref_slice %arg16[%dma_start3A_272, %dma_start3A_273] : memref<400x8xf32, #tpu.memory_space<vmem>> -> memref<400x8xf32, #tpu.memory_space<vmem>>
        %dma_start3A_275 = arith.constant 0 : i32
        %dma_start3A_276 = tpu.memref_slice %arg19[%add3A_249, %dma_start3A_275] : memref<10000x8xf32, #tpu.memory_space<vmem_shared>> -> memref<400x8xf32, #tpu.memory_space<vmem_shared>>
        tpu.enqueue_dma source(%dma_start3A_276 : memref<400x8xf32, #tpu.memory_space<vmem_shared>>) target(%dma_start3A_274 : memref<400x8xf32, #tpu.memory_space<vmem>>) target_semaphore(%run_scoped3A : memref<!tpu.dma_semaphore, #tpu.memory_space<semaphore_mem>>)
        %dma_wait3A = arith.constant 0 : i32
        %dma_wait3A_277 = arith.constant 0 : i32
        %dma_wait3A_278 = tpu.memref_slice %arg16[%dma_wait3A, %dma_wait3A_277] : memref<400x8xf32, #tpu.memory_space<vmem>> -> memref<400x8xf32, #tpu.memory_space<vmem>>
        %dma_wait3A_279 = arith.constant 0 : i32
        %dma_wait3A_280 = tpu.memref_slice %arg19[%add3A_249, %dma_wait3A_279] : memref<10000x8xf32, #tpu.memory_space<vmem_shared>> -> memref<400x8xf32, #tpu.memory_space<vmem_shared>>
        %dma_wait3A_281 = arith.constant 0 : i32
        %dma_wait3A_282 = arith.constant 0 : i32
        %dma_wait3A_283 = tpu.memref_slice %arg16[%dma_wait3A_281, %dma_wait3A_282] : memref<400x8xf32, #tpu.memory_space<vmem>> -> memref<400x8xf32, #tpu.memory_space<vmem>>
        %dma_wait3A_284 = arith.constant 0 : i32
        %dma_wait3A_285 = tpu.memref_slice %arg19[%add3A_249, %dma_wait3A_284] : memref<10000x8xf32, #tpu.memory_space<vmem_shared>> -> memref<400x8xf32, #tpu.memory_space<vmem_shared>>
        tpu.wait_dma2 semaphore(%run_scoped3A : memref<!tpu.dma_semaphore, #tpu.memory_space<semaphore_mem>>) src(%dma_wait3A_285 : memref<400x8xf32, #tpu.memory_space<vmem_shared>>) dst(%dma_wait3A_283 : memref<400x8xf32, #tpu.memory_space<vmem>>)
        tpu.yield
      }) : () -> ()
      %add3A_250 = arith.constant 0 : i32
      %add3A_251 = arith.addi %add3A_237, %add3A_250 : i32
      "tpu.region"() ({
        %run_scoped3A = tpu.sem_alloc : memref<!tpu.dma_semaphore, #tpu.memory_space<semaphore_mem>>
        %dma_start3A = arith.constant 0 : i32
        %dma_start3A_268 = arith.constant 0 : i32
        %dma_start3A_269 = tpu.memref_slice %arg16[%dma_start3A, %dma_start3A_268] : memref<400x8xf32, #tpu.memory_space<vmem>> -> memref<400x8xf32, #tpu.memory_space<vmem>>
        %dma_start3A_270 = arith.constant 0 : i32
        %dma_start3A_271 = tpu.memref_slice %arg9[%add3A_251, %dma_start3A_270] : memref<40000x8xf32, #tpu.memory_space<hbm>> -> memref<400x8xf32, #tpu.memory_space<hbm>>
        %dma_start3A_272 = arith.constant 0 : i32
        %dma_start3A_273 = tpu.memref_slice %arg9[%add3A_251, %dma_start3A_272] : memref<40000x8xf32, #tpu.memory_space<hbm>> -> memref<400x8xf32, #tpu.memory_space<hbm>>
        %dma_start3A_274 = arith.constant 0 : i32
        %dma_start3A_275 = arith.constant 0 : i32
        %dma_start3A_276 = tpu.memref_slice %arg16[%dma_start3A_274, %dma_start3A_275] : memref<400x8xf32, #tpu.memory_space<vmem>> -> memref<400x8xf32, #tpu.memory_space<vmem>>
        tpu.enqueue_dma source(%dma_start3A_276 : memref<400x8xf32, #tpu.memory_space<vmem>>) target(%dma_start3A_273 : memref<400x8xf32, #tpu.memory_space<hbm>>) target_semaphore(%run_scoped3A : memref<!tpu.dma_semaphore, #tpu.memory_space<semaphore_mem>>)
        %dma_wait3A = arith.constant 0 : i32
        %dma_wait3A_277 = arith.constant 0 : i32
        %dma_wait3A_278 = tpu.memref_slice %arg16[%dma_wait3A, %dma_wait3A_277] : memref<400x8xf32, #tpu.memory_space<vmem>> -> memref<400x8xf32, #tpu.memory_space<vmem>>
        %dma_wait3A_279 = arith.constant 0 : i32
        %dma_wait3A_280 = tpu.memref_slice %arg9[%add3A_251, %dma_wait3A_279] : memref<40000x8xf32, #tpu.memory_space<hbm>> -> memref<400x8xf32, #tpu.memory_space<hbm>>
        %dma_wait3A_281 = arith.constant 0 : i32
        %dma_wait3A_282 = tpu.memref_slice %arg9[%add3A_251, %dma_wait3A_281] : memref<40000x8xf32, #tpu.memory_space<hbm>> -> memref<400x8xf32, #tpu.memory_space<hbm>>
        %dma_wait3A_283 = arith.constant 0 : i32
        %dma_wait3A_284 = arith.constant 0 : i32
        %dma_wait3A_285 = tpu.memref_slice %arg16[%dma_wait3A_283, %dma_wait3A_284] : memref<400x8xf32, #tpu.memory_space<vmem>> -> memref<400x8xf32, #tpu.memory_space<vmem>>
        tpu.wait_dma2 semaphore(%run_scoped3A : memref<!tpu.dma_semaphore, #tpu.memory_space<semaphore_mem>>) src(%dma_wait3A_285 : memref<400x8xf32, #tpu.memory_space<vmem>>) dst(%dma_wait3A_282 : memref<400x8xf32, #tpu.memory_space<hbm>>)
        tpu.yield
      }) : () -> ()
      %add3A_252 = arith.constant 400 : i32
      %add3A_253 = arith.addi %mul3A_2, %add3A_252 : i32
      "tpu.region"() ({
        %run_scoped3A = tpu.sem_alloc : memref<!tpu.dma_semaphore, #tpu.memory_space<semaphore_mem>>
        %dma_start3A = arith.constant 0 : i32
        %dma_start3A_268 = arith.constant 0 : i32
        %dma_start3A_269 = tpu.memref_slice %arg15[%dma_start3A, %dma_start3A_268] : memref<400x64xf32, #tpu.memory_space<vmem>> -> memref<400x64xf32, #tpu.memory_space<vmem>>
        %dma_start3A_270 = arith.constant 0 : i32
        %dma_start3A_271 = tpu.memref_slice %arg18[%add3A_253, %dma_start3A_270] : memref<10000x64xf32, #tpu.memory_space<vmem_shared>> -> memref<400x64xf32, #tpu.memory_space<vmem_shared>>
        %dma_start3A_272 = arith.constant 0 : i32
        %dma_start3A_273 = arith.constant 0 : i32
        %dma_start3A_274 = tpu.memref_slice %arg15[%dma_start3A_272, %dma_start3A_273] : memref<400x64xf32, #tpu.memory_space<vmem>> -> memref<400x64xf32, #tpu.memory_space<vmem>>
        %dma_start3A_275 = arith.constant 0 : i32
        %dma_start3A_276 = tpu.memref_slice %arg18[%add3A_253, %dma_start3A_275] : memref<10000x64xf32, #tpu.memory_space<vmem_shared>> -> memref<400x64xf32, #tpu.memory_space<vmem_shared>>
        tpu.enqueue_dma source(%dma_start3A_276 : memref<400x64xf32, #tpu.memory_space<vmem_shared>>) target(%dma_start3A_274 : memref<400x64xf32, #tpu.memory_space<vmem>>) target_semaphore(%run_scoped3A : memref<!tpu.dma_semaphore, #tpu.memory_space<semaphore_mem>>)
        %dma_wait3A = arith.constant 0 : i32
        %dma_wait3A_277 = arith.constant 0 : i32
        %dma_wait3A_278 = tpu.memref_slice %arg15[%dma_wait3A, %dma_wait3A_277] : memref<400x64xf32, #tpu.memory_space<vmem>> -> memref<400x64xf32, #tpu.memory_space<vmem>>
        %dma_wait3A_279 = arith.constant 0 : i32
        %dma_wait3A_280 = tpu.memref_slice %arg18[%add3A_253, %dma_wait3A_279] : memref<10000x64xf32, #tpu.memory_space<vmem_shared>> -> memref<400x64xf32, #tpu.memory_space<vmem_shared>>
        %dma_wait3A_281 = arith.constant 0 : i32
        %dma_wait3A_282 = arith.constant 0 : i32
        %dma_wait3A_283 = tpu.memref_slice %arg15[%dma_wait3A_281, %dma_wait3A_282] : memref<400x64xf32, #tpu.memory_space<vmem>> -> memref<400x64xf32, #tpu.memory_space<vmem>>
        %dma_wait3A_284 = arith.constant 0 : i32
        %dma_wait3A_285 = tpu.memref_slice %arg18[%add3A_253, %dma_wait3A_284] : memref<10000x64xf32, #tpu.memory_space<vmem_shared>> -> memref<400x64xf32, #tpu.memory_space<vmem_shared>>
        tpu.wait_dma2 semaphore(%run_scoped3A : memref<!tpu.dma_semaphore, #tpu.memory_space<semaphore_mem>>) src(%dma_wait3A_285 : memref<400x64xf32, #tpu.memory_space<vmem_shared>>) dst(%dma_wait3A_283 : memref<400x64xf32, #tpu.memory_space<vmem>>)
        tpu.yield
      }) : () -> ()
      %add3A_254 = arith.constant 400 : i32
      %add3A_255 = arith.addi %add3A_237, %add3A_254 : i32
      "tpu.region"() ({
        %run_scoped3A = tpu.sem_alloc : memref<!tpu.dma_semaphore, #tpu.memory_space<semaphore_mem>>
        %dma_start3A = arith.constant 0 : i32
        %dma_start3A_268 = arith.constant 0 : i32
        %dma_start3A_269 = tpu.memref_slice %arg15[%dma_start3A, %dma_start3A_268] : memref<400x64xf32, #tpu.memory_space<vmem>> -> memref<400x64xf32, #tpu.memory_space<vmem>>
        %dma_start3A_270 = arith.constant 0 : i32
        %dma_start3A_271 = tpu.memref_slice %arg8[%add3A_255, %dma_start3A_270] : memref<40000x64xf32, #tpu.memory_space<hbm>> -> memref<400x64xf32, #tpu.memory_space<hbm>>
        %dma_start3A_272 = arith.constant 0 : i32
        %dma_start3A_273 = tpu.memref_slice %arg8[%add3A_255, %dma_start3A_272] : memref<40000x64xf32, #tpu.memory_space<hbm>> -> memref<400x64xf32, #tpu.memory_space<hbm>>
        %dma_start3A_274 = arith.constant 0 : i32
        %dma_start3A_275 = arith.constant 0 : i32
        %dma_start3A_276 = tpu.memref_slice %arg15[%dma_start3A_274, %dma_start3A_275] : memref<400x64xf32, #tpu.memory_space<vmem>> -> memref<400x64xf32, #tpu.memory_space<vmem>>
        tpu.enqueue_dma source(%dma_start3A_276 : memref<400x64xf32, #tpu.memory_space<vmem>>) target(%dma_start3A_273 : memref<400x64xf32, #tpu.memory_space<hbm>>) target_semaphore(%run_scoped3A : memref<!tpu.dma_semaphore, #tpu.memory_space<semaphore_mem>>)
        %dma_wait3A = arith.constant 0 : i32
        %dma_wait3A_277 = arith.constant 0 : i32
        %dma_wait3A_278 = tpu.memref_slice %arg15[%dma_wait3A, %dma_wait3A_277] : memref<400x64xf32, #tpu.memory_space<vmem>> -> memref<400x64xf32, #tpu.memory_space<vmem>>
        %dma_wait3A_279 = arith.constant 0 : i32
        %dma_wait3A_280 = tpu.memref_slice %arg8[%add3A_255, %dma_wait3A_279] : memref<40000x64xf32, #tpu.memory_space<hbm>> -> memref<400x64xf32, #tpu.memory_space<hbm>>
        %dma_wait3A_281 = arith.constant 0 : i32
        %dma_wait3A_282 = tpu.memref_slice %arg8[%add3A_255, %dma_wait3A_281] : memref<40000x64xf32, #tpu.memory_space<hbm>> -> memref<400x64xf32, #tpu.memory_space<hbm>>
        %dma_wait3A_283 = arith.constant 0 : i32
        %dma_wait3A_284 = arith.constant 0 : i32
        %dma_wait3A_285 = tpu.memref_slice %arg15[%dma_wait3A_283, %dma_wait3A_284] : memref<400x64xf32, #tpu.memory_space<vmem>> -> memref<400x64xf32, #tpu.memory_space<vmem>>
        tpu.wait_dma2 semaphore(%run_scoped3A : memref<!tpu.dma_semaphore, #tpu.memory_space<semaphore_mem>>) src(%dma_wait3A_285 : memref<400x64xf32, #tpu.memory_space<vmem>>) dst(%dma_wait3A_282 : memref<400x64xf32, #tpu.memory_space<hbm>>)
        tpu.yield
      }) : () -> ()
      %add3A_256 = arith.constant 400 : i32
      %add3A_257 = arith.addi %mul3A_2, %add3A_256 : i32
      "tpu.region"() ({
        %run_scoped3A = tpu.sem_alloc : memref<!tpu.dma_semaphore, #tpu.memory_space<semaphore_mem>>
        %dma_start3A = arith.constant 0 : i32
        %dma_start3A_268 = arith.constant 0 : i32
        %dma_start3A_269 = tpu.memref_slice %arg16[%dma_start3A, %dma_start3A_268] : memref<400x8xf32, #tpu.memory_space<vmem>> -> memref<400x8xf32, #tpu.memory_space<vmem>>
        %dma_start3A_270 = arith.constant 0 : i32
        %dma_start3A_271 = tpu.memref_slice %arg19[%add3A_257, %dma_start3A_270] : memref<10000x8xf32, #tpu.memory_space<vmem_shared>> -> memref<400x8xf32, #tpu.memory_space<vmem_shared>>
        %dma_start3A_272 = arith.constant 0 : i32
        %dma_start3A_273 = arith.constant 0 : i32
        %dma_start3A_274 = tpu.memref_slice %arg16[%dma_start3A_272, %dma_start3A_273] : memref<400x8xf32, #tpu.memory_space<vmem>> -> memref<400x8xf32, #tpu.memory_space<vmem>>
        %dma_start3A_275 = arith.constant 0 : i32
        %dma_start3A_276 = tpu.memref_slice %arg19[%add3A_257, %dma_start3A_275] : memref<10000x8xf32, #tpu.memory_space<vmem_shared>> -> memref<400x8xf32, #tpu.memory_space<vmem_shared>>
        tpu.enqueue_dma source(%dma_start3A_276 : memref<400x8xf32, #tpu.memory_space<vmem_shared>>) target(%dma_start3A_274 : memref<400x8xf32, #tpu.memory_space<vmem>>) target_semaphore(%run_scoped3A : memref<!tpu.dma_semaphore, #tpu.memory_space<semaphore_mem>>)
        %dma_wait3A = arith.constant 0 : i32
        %dma_wait3A_277 = arith.constant 0 : i32
        %dma_wait3A_278 = tpu.memref_slice %arg16[%dma_wait3A, %dma_wait3A_277] : memref<400x8xf32, #tpu.memory_space<vmem>> -> memref<400x8xf32, #tpu.memory_space<vmem>>
        %dma_wait3A_279 = arith.constant 0 : i32
        %dma_wait3A_280 = tpu.memref_slice %arg19[%add3A_257, %dma_wait3A_279] : memref<10000x8xf32, #tpu.memory_space<vmem_shared>> -> memref<400x8xf32, #tpu.memory_space<vmem_shared>>
        %dma_wait3A_281 = arith.constant 0 : i32
        %dma_wait3A_282 = arith.constant 0 : i32
        %dma_wait3A_283 = tpu.memref_slice %arg16[%dma_wait3A_281, %dma_wait3A_282] : memref<400x8xf32, #tpu.memory_space<vmem>> -> memref<400x8xf32, #tpu.memory_space<vmem>>
        %dma_wait3A_284 = arith.constant 0 : i32
        %dma_wait3A_285 = tpu.memref_slice %arg19[%add3A_257, %dma_wait3A_284] : memref<10000x8xf32, #tpu.memory_space<vmem_shared>> -> memref<400x8xf32, #tpu.memory_space<vmem_shared>>
        tpu.wait_dma2 semaphore(%run_scoped3A : memref<!tpu.dma_semaphore, #tpu.memory_space<semaphore_mem>>) src(%dma_wait3A_285 : memref<400x8xf32, #tpu.memory_space<vmem_shared>>) dst(%dma_wait3A_283 : memref<400x8xf32, #tpu.memory_space<vmem>>)
        tpu.yield
      }) : () -> ()
      %add3A_258 = arith.constant 400 : i32
      %add3A_259 = arith.addi %add3A_237, %add3A_258 : i32
      "tpu.region"() ({
        %run_scoped3A = tpu.sem_alloc : memref<!tpu.dma_semaphore, #tpu.memory_space<semaphore_mem>>
        %dma_start3A = arith.constant 0 : i32
        %dma_start3A_268 = arith.constant 0 : i32
        %dma_start3A_269 = tpu.memref_slice %arg16[%dma_start3A, %dma_start3A_268] : memref<400x8xf32, #tpu.memory_space<vmem>> -> memref<400x8xf32, #tpu.memory_space<vmem>>
        %dma_start3A_270 = arith.constant 0 : i32
        %dma_start3A_271 = tpu.memref_slice %arg9[%add3A_259, %dma_start3A_270] : memref<40000x8xf32, #tpu.memory_space<hbm>> -> memref<400x8xf32, #tpu.memory_space<hbm>>
        %dma_start3A_272 = arith.constant 0 : i32
        %dma_start3A_273 = tpu.memref_slice %arg9[%add3A_259, %dma_start3A_272] : memref<40000x8xf32, #tpu.memory_space<hbm>> -> memref<400x8xf32, #tpu.memory_space<hbm>>
        %dma_start3A_274 = arith.constant 0 : i32
        %dma_start3A_275 = arith.constant 0 : i32
        %dma_start3A_276 = tpu.memref_slice %arg16[%dma_start3A_274, %dma_start3A_275] : memref<400x8xf32, #tpu.memory_space<vmem>> -> memref<400x8xf32, #tpu.memory_space<vmem>>
        tpu.enqueue_dma source(%dma_start3A_276 : memref<400x8xf32, #tpu.memory_space<vmem>>) target(%dma_start3A_273 : memref<400x8xf32, #tpu.memory_space<hbm>>) target_semaphore(%run_scoped3A : memref<!tpu.dma_semaphore, #tpu.memory_space<semaphore_mem>>)
        %dma_wait3A = arith.constant 0 : i32
        %dma_wait3A_277 = arith.constant 0 : i32
        %dma_wait3A_278 = tpu.memref_slice %arg16[%dma_wait3A, %dma_wait3A_277] : memref<400x8xf32, #tpu.memory_space<vmem>> -> memref<400x8xf32, #tpu.memory_space<vmem>>
        %dma_wait3A_279 = arith.constant 0 : i32
        %dma_wait3A_280 = tpu.memref_slice %arg9[%add3A_259, %dma_wait3A_279] : memref<40000x8xf32, #tpu.memory_space<hbm>> -> memref<400x8xf32, #tpu.memory_space<hbm>>
        %dma_wait3A_281 = arith.constant 0 : i32
        %dma_wait3A_282 = tpu.memref_slice %arg9[%add3A_259, %dma_wait3A_281] : memref<40000x8xf32, #tpu.memory_space<hbm>> -> memref<400x8xf32, #tpu.memory_space<hbm>>
        %dma_wait3A_283 = arith.constant 0 : i32
        %dma_wait3A_284 = arith.constant 0 : i32
        %dma_wait3A_285 = tpu.memref_slice %arg16[%dma_wait3A_283, %dma_wait3A_284] : memref<400x8xf32, #tpu.memory_space<vmem>> -> memref<400x8xf32, #tpu.memory_space<vmem>>
        tpu.wait_dma2 semaphore(%run_scoped3A : memref<!tpu.dma_semaphore, #tpu.memory_space<semaphore_mem>>) src(%dma_wait3A_285 : memref<400x8xf32, #tpu.memory_space<vmem>>) dst(%dma_wait3A_282 : memref<400x8xf32, #tpu.memory_space<hbm>>)
        tpu.yield
      }) : () -> ()
      %add3A_260 = arith.constant 800 : i32
      %add3A_261 = arith.addi %mul3A_2, %add3A_260 : i32
      "tpu.region"() ({
        %run_scoped3A = tpu.sem_alloc : memref<!tpu.dma_semaphore, #tpu.memory_space<semaphore_mem>>
        %dma_start3A = arith.constant 0 : i32
        %dma_start3A_268 = arith.constant 0 : i32
        %dma_start3A_269 = tpu.memref_slice %arg15[%dma_start3A, %dma_start3A_268] : memref<400x64xf32, #tpu.memory_space<vmem>> -> memref<200x64xf32, #tpu.memory_space<vmem>>
        %dma_start3A_270 = arith.constant 0 : i32
        %dma_start3A_271 = tpu.memref_slice %arg18[%add3A_261, %dma_start3A_270] : memref<10000x64xf32, #tpu.memory_space<vmem_shared>> -> memref<200x64xf32, #tpu.memory_space<vmem_shared>>
        %dma_start3A_272 = arith.constant 0 : i32
        %dma_start3A_273 = arith.constant 0 : i32
        %dma_start3A_274 = tpu.memref_slice %arg15[%dma_start3A_272, %dma_start3A_273] : memref<400x64xf32, #tpu.memory_space<vmem>> -> memref<200x64xf32, #tpu.memory_space<vmem>>
        %dma_start3A_275 = arith.constant 0 : i32
        %dma_start3A_276 = tpu.memref_slice %arg18[%add3A_261, %dma_start3A_275] : memref<10000x64xf32, #tpu.memory_space<vmem_shared>> -> memref<200x64xf32, #tpu.memory_space<vmem_shared>>
        tpu.enqueue_dma source(%dma_start3A_276 : memref<200x64xf32, #tpu.memory_space<vmem_shared>>) target(%dma_start3A_274 : memref<200x64xf32, #tpu.memory_space<vmem>>) target_semaphore(%run_scoped3A : memref<!tpu.dma_semaphore, #tpu.memory_space<semaphore_mem>>)
        %dma_wait3A = arith.constant 0 : i32
        %dma_wait3A_277 = arith.constant 0 : i32
        %dma_wait3A_278 = tpu.memref_slice %arg15[%dma_wait3A, %dma_wait3A_277] : memref<400x64xf32, #tpu.memory_space<vmem>> -> memref<200x64xf32, #tpu.memory_space<vmem>>
        %dma_wait3A_279 = arith.constant 0 : i32
        %dma_wait3A_280 = tpu.memref_slice %arg18[%add3A_261, %dma_wait3A_279] : memref<10000x64xf32, #tpu.memory_space<vmem_shared>> -> memref<200x64xf32, #tpu.memory_space<vmem_shared>>
        %dma_wait3A_281 = arith.constant 0 : i32
        %dma_wait3A_282 = arith.constant 0 : i32
        %dma_wait3A_283 = tpu.memref_slice %arg15[%dma_wait3A_281, %dma_wait3A_282] : memref<400x64xf32, #tpu.memory_space<vmem>> -> memref<200x64xf32, #tpu.memory_space<vmem>>
        %dma_wait3A_284 = arith.constant 0 : i32
        %dma_wait3A_285 = tpu.memref_slice %arg18[%add3A_261, %dma_wait3A_284] : memref<10000x64xf32, #tpu.memory_space<vmem_shared>> -> memref<200x64xf32, #tpu.memory_space<vmem_shared>>
        tpu.wait_dma2 semaphore(%run_scoped3A : memref<!tpu.dma_semaphore, #tpu.memory_space<semaphore_mem>>) src(%dma_wait3A_285 : memref<200x64xf32, #tpu.memory_space<vmem_shared>>) dst(%dma_wait3A_283 : memref<200x64xf32, #tpu.memory_space<vmem>>)
        tpu.yield
      }) : () -> ()
      %add3A_262 = arith.constant 800 : i32
      %add3A_263 = arith.addi %add3A_237, %add3A_262 : i32
      "tpu.region"() ({
        %run_scoped3A = tpu.sem_alloc : memref<!tpu.dma_semaphore, #tpu.memory_space<semaphore_mem>>
        %dma_start3A = arith.constant 0 : i32
        %dma_start3A_268 = arith.constant 0 : i32
        %dma_start3A_269 = tpu.memref_slice %arg15[%dma_start3A, %dma_start3A_268] : memref<400x64xf32, #tpu.memory_space<vmem>> -> memref<200x64xf32, #tpu.memory_space<vmem>>
        %dma_start3A_270 = arith.constant 0 : i32
        %dma_start3A_271 = tpu.memref_slice %arg8[%add3A_263, %dma_start3A_270] : memref<40000x64xf32, #tpu.memory_space<hbm>> -> memref<200x64xf32, #tpu.memory_space<hbm>>
        %dma_start3A_272 = arith.constant 0 : i32
        %dma_start3A_273 = tpu.memref_slice %arg8[%add3A_263, %dma_start3A_272] : memref<40000x64xf32, #tpu.memory_space<hbm>> -> memref<200x64xf32, #tpu.memory_space<hbm>>
        %dma_start3A_274 = arith.constant 0 : i32
        %dma_start3A_275 = arith.constant 0 : i32
        %dma_start3A_276 = tpu.memref_slice %arg15[%dma_start3A_274, %dma_start3A_275] : memref<400x64xf32, #tpu.memory_space<vmem>> -> memref<200x64xf32, #tpu.memory_space<vmem>>
        tpu.enqueue_dma source(%dma_start3A_276 : memref<200x64xf32, #tpu.memory_space<vmem>>) target(%dma_start3A_273 : memref<200x64xf32, #tpu.memory_space<hbm>>) target_semaphore(%run_scoped3A : memref<!tpu.dma_semaphore, #tpu.memory_space<semaphore_mem>>)
        %dma_wait3A = arith.constant 0 : i32
        %dma_wait3A_277 = arith.constant 0 : i32
        %dma_wait3A_278 = tpu.memref_slice %arg15[%dma_wait3A, %dma_wait3A_277] : memref<400x64xf32, #tpu.memory_space<vmem>> -> memref<200x64xf32, #tpu.memory_space<vmem>>
        %dma_wait3A_279 = arith.constant 0 : i32
        %dma_wait3A_280 = tpu.memref_slice %arg8[%add3A_263, %dma_wait3A_279] : memref<40000x64xf32, #tpu.memory_space<hbm>> -> memref<200x64xf32, #tpu.memory_space<hbm>>
        %dma_wait3A_281 = arith.constant 0 : i32
        %dma_wait3A_282 = tpu.memref_slice %arg8[%add3A_263, %dma_wait3A_281] : memref<40000x64xf32, #tpu.memory_space<hbm>> -> memref<200x64xf32, #tpu.memory_space<hbm>>
        %dma_wait3A_283 = arith.constant 0 : i32
        %dma_wait3A_284 = arith.constant 0 : i32
        %dma_wait3A_285 = tpu.memref_slice %arg15[%dma_wait3A_283, %dma_wait3A_284] : memref<400x64xf32, #tpu.memory_space<vmem>> -> memref<200x64xf32, #tpu.memory_space<vmem>>
        tpu.wait_dma2 semaphore(%run_scoped3A : memref<!tpu.dma_semaphore, #tpu.memory_space<semaphore_mem>>) src(%dma_wait3A_285 : memref<200x64xf32, #tpu.memory_space<vmem>>) dst(%dma_wait3A_282 : memref<200x64xf32, #tpu.memory_space<hbm>>)
        tpu.yield
      }) : () -> ()
      %add3A_264 = arith.constant 800 : i32
      %add3A_265 = arith.addi %mul3A_2, %add3A_264 : i32
      "tpu.region"() ({
        %run_scoped3A = tpu.sem_alloc : memref<!tpu.dma_semaphore, #tpu.memory_space<semaphore_mem>>
        %dma_start3A = arith.constant 0 : i32
        %dma_start3A_268 = arith.constant 0 : i32
        %dma_start3A_269 = tpu.memref_slice %arg16[%dma_start3A, %dma_start3A_268] : memref<400x8xf32, #tpu.memory_space<vmem>> -> memref<200x8xf32, #tpu.memory_space<vmem>>
        %dma_start3A_270 = arith.constant 0 : i32
        %dma_start3A_271 = tpu.memref_slice %arg19[%add3A_265, %dma_start3A_270] : memref<10000x8xf32, #tpu.memory_space<vmem_shared>> -> memref<200x8xf32, #tpu.memory_space<vmem_shared>>
        %dma_start3A_272 = arith.constant 0 : i32
        %dma_start3A_273 = arith.constant 0 : i32
        %dma_start3A_274 = tpu.memref_slice %arg16[%dma_start3A_272, %dma_start3A_273] : memref<400x8xf32, #tpu.memory_space<vmem>> -> memref<200x8xf32, #tpu.memory_space<vmem>>
        %dma_start3A_275 = arith.constant 0 : i32
        %dma_start3A_276 = tpu.memref_slice %arg19[%add3A_265, %dma_start3A_275] : memref<10000x8xf32, #tpu.memory_space<vmem_shared>> -> memref<200x8xf32, #tpu.memory_space<vmem_shared>>
        tpu.enqueue_dma source(%dma_start3A_276 : memref<200x8xf32, #tpu.memory_space<vmem_shared>>) target(%dma_start3A_274 : memref<200x8xf32, #tpu.memory_space<vmem>>) target_semaphore(%run_scoped3A : memref<!tpu.dma_semaphore, #tpu.memory_space<semaphore_mem>>)
        %dma_wait3A = arith.constant 0 : i32
        %dma_wait3A_277 = arith.constant 0 : i32
        %dma_wait3A_278 = tpu.memref_slice %arg16[%dma_wait3A, %dma_wait3A_277] : memref<400x8xf32, #tpu.memory_space<vmem>> -> memref<200x8xf32, #tpu.memory_space<vmem>>
        %dma_wait3A_279 = arith.constant 0 : i32
        %dma_wait3A_280 = tpu.memref_slice %arg19[%add3A_265, %dma_wait3A_279] : memref<10000x8xf32, #tpu.memory_space<vmem_shared>> -> memref<200x8xf32, #tpu.memory_space<vmem_shared>>
        %dma_wait3A_281 = arith.constant 0 : i32
        %dma_wait3A_282 = arith.constant 0 : i32
        %dma_wait3A_283 = tpu.memref_slice %arg16[%dma_wait3A_281, %dma_wait3A_282] : memref<400x8xf32, #tpu.memory_space<vmem>> -> memref<200x8xf32, #tpu.memory_space<vmem>>
        %dma_wait3A_284 = arith.constant 0 : i32
        %dma_wait3A_285 = tpu.memref_slice %arg19[%add3A_265, %dma_wait3A_284] : memref<10000x8xf32, #tpu.memory_space<vmem_shared>> -> memref<200x8xf32, #tpu.memory_space<vmem_shared>>
        tpu.wait_dma2 semaphore(%run_scoped3A : memref<!tpu.dma_semaphore, #tpu.memory_space<semaphore_mem>>) src(%dma_wait3A_285 : memref<200x8xf32, #tpu.memory_space<vmem_shared>>) dst(%dma_wait3A_283 : memref<200x8xf32, #tpu.memory_space<vmem>>)
        tpu.yield
      }) : () -> ()
      %add3A_266 = arith.constant 800 : i32
      %add3A_267 = arith.addi %add3A_237, %add3A_266 : i32
      "tpu.region"() ({
        %run_scoped3A = tpu.sem_alloc : memref<!tpu.dma_semaphore, #tpu.memory_space<semaphore_mem>>
        %dma_start3A = arith.constant 0 : i32
        %dma_start3A_268 = arith.constant 0 : i32
        %dma_start3A_269 = tpu.memref_slice %arg16[%dma_start3A, %dma_start3A_268] : memref<400x8xf32, #tpu.memory_space<vmem>> -> memref<200x8xf32, #tpu.memory_space<vmem>>
        %dma_start3A_270 = arith.constant 0 : i32
        %dma_start3A_271 = tpu.memref_slice %arg9[%add3A_267, %dma_start3A_270] : memref<40000x8xf32, #tpu.memory_space<hbm>> -> memref<200x8xf32, #tpu.memory_space<hbm>>
        %dma_start3A_272 = arith.constant 0 : i32
        %dma_start3A_273 = tpu.memref_slice %arg9[%add3A_267, %dma_start3A_272] : memref<40000x8xf32, #tpu.memory_space<hbm>> -> memref<200x8xf32, #tpu.memory_space<hbm>>
        %dma_start3A_274 = arith.constant 0 : i32
        %dma_start3A_275 = arith.constant 0 : i32
        %dma_start3A_276 = tpu.memref_slice %arg16[%dma_start3A_274, %dma_start3A_275] : memref<400x8xf32, #tpu.memory_space<vmem>> -> memref<200x8xf32, #tpu.memory_space<vmem>>
        tpu.enqueue_dma source(%dma_start3A_276 : memref<200x8xf32, #tpu.memory_space<vmem>>) target(%dma_start3A_273 : memref<200x8xf32, #tpu.memory_space<hbm>>) target_semaphore(%run_scoped3A : memref<!tpu.dma_semaphore, #tpu.memory_space<semaphore_mem>>)
        %dma_wait3A = arith.constant 0 : i32
        %dma_wait3A_277 = arith.constant 0 : i32
        %dma_wait3A_278 = tpu.memref_slice %arg16[%dma_wait3A, %dma_wait3A_277] : memref<400x8xf32, #tpu.memory_space<vmem>> -> memref<200x8xf32, #tpu.memory_space<vmem>>
        %dma_wait3A_279 = arith.constant 0 : i32
        %dma_wait3A_280 = tpu.memref_slice %arg9[%add3A_267, %dma_wait3A_279] : memref<40000x8xf32, #tpu.memory_space<hbm>> -> memref<200x8xf32, #tpu.memory_space<hbm>>
        %dma_wait3A_281 = arith.constant 0 : i32
        %dma_wait3A_282 = tpu.memref_slice %arg9[%add3A_267, %dma_wait3A_281] : memref<40000x8xf32, #tpu.memory_space<hbm>> -> memref<200x8xf32, #tpu.memory_space<hbm>>
        %dma_wait3A_283 = arith.constant 0 : i32
        %dma_wait3A_284 = arith.constant 0 : i32
        %dma_wait3A_285 = tpu.memref_slice %arg16[%dma_wait3A_283, %dma_wait3A_284] : memref<400x8xf32, #tpu.memory_space<vmem>> -> memref<200x8xf32, #tpu.memory_space<vmem>>
        tpu.wait_dma2 semaphore(%run_scoped3A : memref<!tpu.dma_semaphore, #tpu.memory_space<semaphore_mem>>) src(%dma_wait3A_285 : memref<200x8xf32, #tpu.memory_space<vmem>>) dst(%dma_wait3A_282 : memref<200x8xf32, #tpu.memory_space<hbm>>)
        tpu.yield
      }) : () -> ()
    } else {
    }
    %barrier3A_243 = arith.constant 0 : index
    tpu.barrier barrier_id(%barrier3A_243)
    return
  }
}

#map = affine_map<(d0, d1) -> (0, 0)>
#map1 = affine_map<(d0, d1) -> (0)>
module attributes {stable_mosaic.version = 14 : i64} {
  func.func @_scb_body(%arg0: i32, %arg1: i32, %arg2: memref<10000x2xf32, #tpu.memory_space<hbm>>, %arg3: memref<160000xi32, #tpu.memory_space<hbm>>, %arg4: memref<160000xi32, #tpu.memory_space<hbm>>, %arg5: memref<20000xf32, #tpu.memory_space<hbm>>, %arg6: memref<10000x2xf32, #tpu.memory_space<vmem>>, %arg7: memref<1000xi32, #tpu.memory_space<vmem>>, %arg8: memref<1000xi32, #tpu.memory_space<vmem>>, %arg9: memref<1000xf32, #tpu.memory_space<vmem>>, %arg10: memref<16xf32, #tpu.memory_space<vmem>>, %arg11: memref<10000xf32, #tpu.memory_space<vmem_shared>>) attributes {dimension_semantics = [#tpu.dimension_semantics<core_parallel>, #tpu.dimension_semantics<subcore_parallel>], iteration_bounds = array<i64: 2, 16>, scalar_prefetch = 0 : i64, scratch_operands = 6 : i64, tpu.core_type = #tpu.core_type<sc_vector_subcore>, window_params = [{transform_indices = #map}, {transform_indices = #map1}, {transform_indices = #map1}, {transform_indices = #map1}]} {
    "tpu.region"() ({
      %run_scoped3A = tpu.sem_alloc : memref<!tpu.dma_semaphore, #tpu.memory_space<semaphore_mem>>
      tpu.enqueue_dma source(%arg2 : memref<10000x2xf32, #tpu.memory_space<hbm>>) target(%arg6 : memref<10000x2xf32, #tpu.memory_space<vmem>>) target_semaphore(%run_scoped3A : memref<!tpu.dma_semaphore, #tpu.memory_space<semaphore_mem>>)
      tpu.wait_dma2 semaphore(%run_scoped3A : memref<!tpu.dma_semaphore, #tpu.memory_space<semaphore_mem>>) src(%arg2 : memref<10000x2xf32, #tpu.memory_space<hbm>>) dst(%arg6 : memref<10000x2xf32, #tpu.memory_space<vmem>>)
      tpu.yield
    }) : () -> ()
    %broadcast_in_dim3A = arith.constant 0xFF800000 : f32
    %broadcast_in_dim3A_0 = vector.broadcast %broadcast_in_dim3A : f32 to vector<16xf32>
    %scan3A = arith.constant 0 : i32
    %scan3A_1 = arith.constant 625 : i32
    %scan3A_2 = arith.addi %scan3A, %scan3A_1 : i32
    %scan3A_3 = arith.constant 1 : i32
    %scan3A_4 = scf.for %scan3A_106 = %scan3A to %scan3A_2 step %scan3A_3 iter_args(%scan3A_107 = %broadcast_in_dim3A_0) -> (vector<16xf32>)  : i32 {
      %iota3A_108 = tpu.iota {dimensions = array<i32: 0>} : vector<16xi32>
      %mul3A_109 = arith.constant 16 : i32
      %mul3A_110 = arith.muli %mul3A_109, %scan3A_106 : i32
      %add3A_111 = vector.broadcast %mul3A_110 : i32 to vector<16xi32>
      %add3A_112 = arith.addi %iota3A_108, %add3A_111 : vector<16xi32>
      %broadcast_in_dim3A_113 = arith.constant 0 : i32
      %broadcast_in_dim3A_114 = vector.broadcast %broadcast_in_dim3A_113 : i32 to vector<16xi32>
      %gather3A_115 = tpu.vector_load_idx %arg6[%add3A_112, %broadcast_in_dim3A_114] : memref<10000x2xf32, #tpu.memory_space<vmem>>[vector<16xi32>, vector<16xi32>], vector<16xf32>,
      %max3A_116 = arith.maximumf %scan3A_107, %gather3A_115 : vector<16xf32>
      scf.yield %max3A_116 : vector<16xf32>
    }
    %scan3A_5 = arith.constant 625 : i32
    %iota3A = tpu.iota {dimensions = array<i32: 0>} : vector<16xi32>
    %swap3A = arith.constant 0 : index
    %swap3A_6 = tpu.vector_load %arg10[%swap3A] {strides = array<i32>} : memref<16xf32, #tpu.memory_space<vmem>>, vector<16xf32>,
    tpu.vector_store %arg10[%swap3A], %scan3A_4 {strides = array<i32>} : memref<16xf32, #tpu.memory_space<vmem>>, vector<16xf32>,
    %xor3A = arith.constant 1 : i32
    %xor3A_7 = vector.broadcast %xor3A : i32 to vector<16xi32>
    %xor3A_8 = arith.xori %iota3A, %xor3A_7 : vector<16xi32>
    %gather3A = tpu.vector_load_idx %arg10[%xor3A_8] : memref<16xf32, #tpu.memory_space<vmem>>[vector<16xi32>], vector<16xf32>,
    %max3A = arith.maximumf %scan3A_4, %gather3A : vector<16xf32>
    %swap3A_9 = arith.constant 0 : index
    %swap3A_10 = tpu.vector_load %arg10[%swap3A_9] {strides = array<i32>} : memref<16xf32, #tpu.memory_space<vmem>>, vector<16xf32>,
    tpu.vector_store %arg10[%swap3A_9], %max3A {strides = array<i32>} : memref<16xf32, #tpu.memory_space<vmem>>, vector<16xf32>,
    %xor3A_11 = arith.constant 2 : i32
    %xor3A_12 = vector.broadcast %xor3A_11 : i32 to vector<16xi32>
    %xor3A_13 = arith.xori %iota3A, %xor3A_12 : vector<16xi32>
    %gather3A_14 = tpu.vector_load_idx %arg10[%xor3A_13] : memref<16xf32, #tpu.memory_space<vmem>>[vector<16xi32>], vector<16xf32>,
    %max3A_15 = arith.maximumf %max3A, %gather3A_14 : vector<16xf32>
    %swap3A_16 = arith.constant 0 : index
    %swap3A_17 = tpu.vector_load %arg10[%swap3A_16] {strides = array<i32>} : memref<16xf32, #tpu.memory_space<vmem>>, vector<16xf32>,
    tpu.vector_store %arg10[%swap3A_16], %max3A_15 {strides = array<i32>} : memref<16xf32, #tpu.memory_space<vmem>>, vector<16xf32>,
    %xor3A_18 = arith.constant 4 : i32
    %xor3A_19 = vector.broadcast %xor3A_18 : i32 to vector<16xi32>
    %xor3A_20 = arith.xori %iota3A, %xor3A_19 : vector<16xi32>
    %gather3A_21 = tpu.vector_load_idx %arg10[%xor3A_20] : memref<16xf32, #tpu.memory_space<vmem>>[vector<16xi32>], vector<16xf32>,
    %max3A_22 = arith.maximumf %max3A_15, %gather3A_21 : vector<16xf32>
    %swap3A_23 = arith.constant 0 : index
    %swap3A_24 = tpu.vector_load %arg10[%swap3A_23] {strides = array<i32>} : memref<16xf32, #tpu.memory_space<vmem>>, vector<16xf32>,
    tpu.vector_store %arg10[%swap3A_23], %max3A_22 {strides = array<i32>} : memref<16xf32, #tpu.memory_space<vmem>>, vector<16xf32>,
    %xor3A_25 = arith.constant 8 : i32
    %xor3A_26 = vector.broadcast %xor3A_25 : i32 to vector<16xi32>
    %xor3A_27 = arith.xori %iota3A, %xor3A_26 : vector<16xi32>
    %gather3A_28 = tpu.vector_load_idx %arg10[%xor3A_27] : memref<16xf32, #tpu.memory_space<vmem>>[vector<16xi32>], vector<16xf32>,
    %max3A_29 = arith.maximumf %max3A_22, %gather3A_28 : vector<16xf32>
    %broadcast_in_dim3A_30 = arith.constant 0xFF800000 : f32
    %broadcast_in_dim3A_31 = vector.broadcast %broadcast_in_dim3A_30 : f32 to vector<16xf32>
    %scan3A_32 = arith.constant 0 : i32
    %scan3A_33 = arith.constant 625 : i32
    %scan3A_34 = arith.addi %scan3A_32, %scan3A_33 : i32
    %scan3A_35 = arith.constant 1 : i32
    %scan3A_36 = scf.for %scan3A_106 = %scan3A_32 to %scan3A_34 step %scan3A_35 iter_args(%scan3A_107 = %broadcast_in_dim3A_31) -> (vector<16xf32>)  : i32 {
      %iota3A_108 = tpu.iota {dimensions = array<i32: 0>} : vector<16xi32>
      %mul3A_109 = arith.constant 16 : i32
      %mul3A_110 = arith.muli %mul3A_109, %scan3A_106 : i32
      %add3A_111 = vector.broadcast %mul3A_110 : i32 to vector<16xi32>
      %add3A_112 = arith.addi %iota3A_108, %add3A_111 : vector<16xi32>
      %broadcast_in_dim3A_113 = arith.constant 1 : i32
      %broadcast_in_dim3A_114 = vector.broadcast %broadcast_in_dim3A_113 : i32 to vector<16xi32>
      %gather3A_115 = tpu.vector_load_idx %arg6[%add3A_112, %broadcast_in_dim3A_114] : memref<10000x2xf32, #tpu.memory_space<vmem>>[vector<16xi32>, vector<16xi32>], vector<16xf32>,
      %max3A_116 = arith.maximumf %scan3A_107, %gather3A_115 : vector<16xf32>
      scf.yield %max3A_116 : vector<16xf32>
    }
    %scan3A_37 = arith.constant 625 : i32
    %iota3A_38 = tpu.iota {dimensions = array<i32: 0>} : vector<16xi32>
    %swap3A_39 = arith.constant 0 : index
    %swap3A_40 = tpu.vector_load %arg10[%swap3A_39] {strides = array<i32>} : memref<16xf32, #tpu.memory_space<vmem>>, vector<16xf32>,
    tpu.vector_store %arg10[%swap3A_39], %scan3A_36 {strides = array<i32>} : memref<16xf32, #tpu.memory_space<vmem>>, vector<16xf32>,
    %xor3A_41 = arith.constant 1 : i32
    %xor3A_42 = vector.broadcast %xor3A_41 : i32 to vector<16xi32>
    %xor3A_43 = arith.xori %iota3A_38, %xor3A_42 : vector<16xi32>
    %gather3A_44 = tpu.vector_load_idx %arg10[%xor3A_43] : memref<16xf32, #tpu.memory_space<vmem>>[vector<16xi32>], vector<16xf32>,
    %max3A_45 = arith.maximumf %scan3A_36, %gather3A_44 : vector<16xf32>
    %swap3A_46 = arith.constant 0 : index
    %swap3A_47 = tpu.vector_load %arg10[%swap3A_46] {strides = array<i32>} : memref<16xf32, #tpu.memory_space<vmem>>, vector<16xf32>,
    tpu.vector_store %arg10[%swap3A_46], %max3A_45 {strides = array<i32>} : memref<16xf32, #tpu.memory_space<vmem>>, vector<16xf32>,
    %xor3A_48 = arith.constant 2 : i32
    %xor3A_49 = vector.broadcast %xor3A_48 : i32 to vector<16xi32>
    %xor3A_50 = arith.xori %iota3A_38, %xor3A_49 : vector<16xi32>
    %gather3A_51 = tpu.vector_load_idx %arg10[%xor3A_50] : memref<16xf32, #tpu.memory_space<vmem>>[vector<16xi32>], vector<16xf32>,
    %max3A_52 = arith.maximumf %max3A_45, %gather3A_51 : vector<16xf32>
    %swap3A_53 = arith.constant 0 : index
    %swap3A_54 = tpu.vector_load %arg10[%swap3A_53] {strides = array<i32>} : memref<16xf32, #tpu.memory_space<vmem>>, vector<16xf32>,
    tpu.vector_store %arg10[%swap3A_53], %max3A_52 {strides = array<i32>} : memref<16xf32, #tpu.memory_space<vmem>>, vector<16xf32>,
    %xor3A_55 = arith.constant 4 : i32
    %xor3A_56 = vector.broadcast %xor3A_55 : i32 to vector<16xi32>
    %xor3A_57 = arith.xori %iota3A_38, %xor3A_56 : vector<16xi32>
    %gather3A_58 = tpu.vector_load_idx %arg10[%xor3A_57] : memref<16xf32, #tpu.memory_space<vmem>>[vector<16xi32>], vector<16xf32>,
    %max3A_59 = arith.maximumf %max3A_52, %gather3A_58 : vector<16xf32>
    %swap3A_60 = arith.constant 0 : index
    %swap3A_61 = tpu.vector_load %arg10[%swap3A_60] {strides = array<i32>} : memref<16xf32, #tpu.memory_space<vmem>>, vector<16xf32>,
    tpu.vector_store %arg10[%swap3A_60], %max3A_59 {strides = array<i32>} : memref<16xf32, #tpu.memory_space<vmem>>, vector<16xf32>,
    %xor3A_62 = arith.constant 8 : i32
    %xor3A_63 = vector.broadcast %xor3A_62 : i32 to vector<16xi32>
    %xor3A_64 = arith.xori %iota3A_38, %xor3A_63 : vector<16xi32>
    %gather3A_65 = tpu.vector_load_idx %arg10[%xor3A_64] : memref<16xf32, #tpu.memory_space<vmem>>[vector<16xi32>], vector<16xf32>,
    %max3A_66 = arith.maximumf %max3A_59, %gather3A_65 : vector<16xf32>
    %add3A = arith.addf %max3A_29, %max3A_66 : vector<16xf32>
    %gt3A = arith.constant 0.000000e+00 : f32
    %gt3A_67 = vector.broadcast %gt3A : f32 to vector<16xf32>
    %gt3A_68 = arith.cmpf ogt, %add3A, %gt3A_67 : vector<16xf32>
    %mul3A = arith.constant 2.000000e-01 : f32
    %mul3A_69 = vector.broadcast %mul3A : f32 to vector<16xf32>
    %mul3A_70 = arith.mulf %mul3A_69, %add3A : vector<16xf32>
    %select_n3A = arith.select %gt3A_68, %add3A, %mul3A_70 : vector<16xi1>, vector<16xf32>
    %broadcast_in_dim3A_71 = arith.constant 0.000000e+00 : f32
    %broadcast_in_dim3A_72 = vector.broadcast %broadcast_in_dim3A_71 : f32 to vector<16xf32>
    %scan3A_73 = arith.constant 0 : i32
    %scan3A_74 = arith.constant 0 : i32
    %scan3A_75 = arith.constant 62 : i32
    %scan3A_76 = arith.addi %scan3A_74, %scan3A_75 : i32
    %scan3A_77 = arith.constant 1 : i32
    %scan3A_78 = scf.for %scan3A_106 = %scan3A_74 to %scan3A_76 step %scan3A_77 iter_args(%scan3A_107 = %scan3A_73) -> (i32)  : i32 {
      %mul3A_108 = arith.constant 16 : i32
      %mul3A_109 = arith.muli %mul3A_108, %scan3A_106 : i32
      %swap3A_110 = arith.index_cast %mul3A_109 : i32 to index
      %swap3A_111 = tpu.vector_load %arg9[%swap3A_110] {strides = array<i32>} : memref<1000xf32, #tpu.memory_space<vmem>>, vector<16xf32>,
      tpu.vector_store %arg9[%swap3A_110], %broadcast_in_dim3A_72 {strides = array<i32>} : memref<1000xf32, #tpu.memory_space<vmem>>, vector<16xf32>,
      %scan3A_112 = arith.constant 0 : i32
      scf.yield %scan3A_112 : i32
    }
    %scan3A_79 = arith.constant 62 : i32
    %iota3A_80 = tpu.iota {dimensions = array<i32: 0>} : vector<16xi32>
    %add3A_81 = arith.constant 984 : i32
    %add3A_82 = vector.broadcast %add3A_81 : i32 to vector<16xi32>
    %add3A_83 = arith.addi %iota3A_80, %add3A_82 : vector<16xi32>
    %ge3A = arith.constant 8 : i32
    %ge3A_84 = vector.broadcast %ge3A : i32 to vector<16xi32>
    %ge3A_85 = arith.cmpi sge, %iota3A_80, %ge3A_84 : vector<16xi32>
    tpu.vector_store_idx %arg9[%add3A_83], %broadcast_in_dim3A_72 masked %ge3A_85 : memref<1000xf32, #tpu.memory_space<vmem>>[vector<16xi32>], vector<16xf32>, vector<16xi1>
    %lt3A = arith.constant 10 : i32
    %lt3A_86 = arith.cmpi slt, %arg1, %lt3A : i32
    %convert_element_type3A = arith.extui %lt3A_86 : i1 to i32
    %cond3A = arith.constant 0 : i32
    %cond3A_87 = arith.cmpi ne, %convert_element_type3A, %cond3A : i32
    scf.if %cond3A_87 {
      %mul3A_106 = arith.constant 1000 : i32
      %mul3A_107 = arith.muli %arg1, %mul3A_106 : i32
      "tpu.region"() ({
        %run_scoped3A = tpu.sem_alloc : memref<!tpu.dma_semaphore, #tpu.memory_space<semaphore_mem>>
        %dma_start3A = tpu.memref_slice %arg11[%mul3A_107] : memref<10000xf32, #tpu.memory_space<vmem_shared>> -> memref<1000xf32, #tpu.memory_space<vmem_shared>>
        %dma_start3A_108 = tpu.memref_slice %arg11[%mul3A_107] : memref<10000xf32, #tpu.memory_space<vmem_shared>> -> memref<1000xf32, #tpu.memory_space<vmem_shared>>
        tpu.enqueue_dma source(%arg9 : memref<1000xf32, #tpu.memory_space<vmem>>) target(%dma_start3A_108 : memref<1000xf32, #tpu.memory_space<vmem_shared>>) target_semaphore(%run_scoped3A : memref<!tpu.dma_semaphore, #tpu.memory_space<semaphore_mem>>)
        %dma_wait3A = tpu.memref_slice %arg11[%mul3A_107] : memref<10000xf32, #tpu.memory_space<vmem_shared>> -> memref<1000xf32, #tpu.memory_space<vmem_shared>>
        %dma_wait3A_109 = tpu.memref_slice %arg11[%mul3A_107] : memref<10000xf32, #tpu.memory_space<vmem_shared>> -> memref<1000xf32, #tpu.memory_space<vmem_shared>>
        tpu.wait_dma2 semaphore(%run_scoped3A : memref<!tpu.dma_semaphore, #tpu.memory_space<semaphore_mem>>) src(%arg9 : memref<1000xf32, #tpu.memory_space<vmem>>) dst(%dma_wait3A_109 : memref<1000xf32, #tpu.memory_space<vmem_shared>>)
        tpu.yield
      }) : () -> ()
    } else {
    }
    %barrier3A = arith.constant 0 : index
    tpu.barrier barrier_id(%barrier3A)
    %mul3A_88 = arith.constant 2 : i32
    %mul3A_89 = arith.muli %arg1, %mul3A_88 : i32
    %add3A_90 = arith.addi %mul3A_89, %arg0 : i32
    %mul3A_91 = arith.constant 5000 : i32
    %mul3A_92 = arith.muli %add3A_90, %mul3A_91 : i32
    %scan3A_93 = arith.constant 0 : i32
    %scan3A_94 = arith.constant 0 : i32
    %scan3A_95 = arith.constant 5 : i32
    %scan3A_96 = arith.addi %scan3A_94, %scan3A_95 : i32
    %scan3A_97 = arith.constant 1 : i32
    %scan3A_98 = scf.for %scan3A_106 = %scan3A_94 to %scan3A_96 step %scan3A_97 iter_args(%scan3A_107 = %scan3A_93) -> (i32)  : i32 {
      %mul3A_108 = arith.constant 1000 : i32
      %mul3A_109 = arith.muli %scan3A_106, %mul3A_108 : i32
      %add3A_110 = arith.addi %mul3A_92, %mul3A_109 : i32
      "tpu.region"() ({
        %run_scoped3A = tpu.sem_alloc : memref<!tpu.dma_semaphore, #tpu.memory_space<semaphore_mem>>
        %dma_start3A = tpu.memref_slice %arg3[%add3A_110] : memref<160000xi32, #tpu.memory_space<hbm>> -> memref<1000xi32, #tpu.memory_space<hbm>>
        %dma_start3A_142 = tpu.memref_slice %arg3[%add3A_110] : memref<160000xi32, #tpu.memory_space<hbm>> -> memref<1000xi32, #tpu.memory_space<hbm>>
        tpu.enqueue_dma source(%dma_start3A_142 : memref<1000xi32, #tpu.memory_space<hbm>>) target(%arg7 : memref<1000xi32, #tpu.memory_space<vmem>>) target_semaphore(%run_scoped3A : memref<!tpu.dma_semaphore, #tpu.memory_space<semaphore_mem>>)
        %dma_wait3A = tpu.memref_slice %arg3[%add3A_110] : memref<160000xi32, #tpu.memory_space<hbm>> -> memref<1000xi32, #tpu.memory_space<hbm>>
        %dma_wait3A_143 = tpu.memref_slice %arg3[%add3A_110] : memref<160000xi32, #tpu.memory_space<hbm>> -> memref<1000xi32, #tpu.memory_space<hbm>>
        tpu.wait_dma2 semaphore(%run_scoped3A : memref<!tpu.dma_semaphore, #tpu.memory_space<semaphore_mem>>) src(%dma_wait3A_143 : memref<1000xi32, #tpu.memory_space<hbm>>) dst(%arg7 : memref<1000xi32, #tpu.memory_space<vmem>>)
        tpu.yield
      }) : () -> ()
      "tpu.region"() ({
        %run_scoped3A = tpu.sem_alloc : memref<!tpu.dma_semaphore, #tpu.memory_space<semaphore_mem>>
        %dma_start3A = tpu.memref_slice %arg4[%add3A_110] : memref<160000xi32, #tpu.memory_space<hbm>> -> memref<1000xi32, #tpu.memory_space<hbm>>
        %dma_start3A_142 = tpu.memref_slice %arg4[%add3A_110] : memref<160000xi32, #tpu.memory_space<hbm>> -> memref<1000xi32, #tpu.memory_space<hbm>>
        tpu.enqueue_dma source(%dma_start3A_142 : memref<1000xi32, #tpu.memory_space<hbm>>) target(%arg8 : memref<1000xi32, #tpu.memory_space<vmem>>) target_semaphore(%run_scoped3A : memref<!tpu.dma_semaphore, #tpu.memory_space<semaphore_mem>>)
        %dma_wait3A = tpu.memref_slice %arg4[%add3A_110] : memref<160000xi32, #tpu.memory_space<hbm>> -> memref<1000xi32, #tpu.memory_space<hbm>>
        %dma_wait3A_143 = tpu.memref_slice %arg4[%add3A_110] : memref<160000xi32, #tpu.memory_space<hbm>> -> memref<1000xi32, #tpu.memory_space<hbm>>
        tpu.wait_dma2 semaphore(%run_scoped3A : memref<!tpu.dma_semaphore, #tpu.memory_space<semaphore_mem>>) src(%dma_wait3A_143 : memref<1000xi32, #tpu.memory_space<hbm>>) dst(%arg8 : memref<1000xi32, #tpu.memory_space<vmem>>)
        tpu.yield
      }) : () -> ()
      %scan3A_111 = arith.constant 0 : i32
      %scan3A_112 = arith.constant 0 : i32
      %scan3A_113 = arith.constant 62 : i32
      %scan3A_114 = arith.addi %scan3A_112, %scan3A_113 : i32
      %scan3A_115 = arith.constant 1 : i32
      %scan3A_116 = scf.for %scan3A_142 = %scan3A_112 to %scan3A_114 step %scan3A_115 iter_args(%scan3A_143 = %scan3A_111) -> (i32)  : i32 {
        %mul3A_144 = arith.constant 16 : i32
        %mul3A_145 = arith.muli %mul3A_144, %scan3A_142 : i32
        %get3A = arith.index_cast %mul3A_145 : i32 to index
        %get3A_146 = tpu.vector_load %arg7[%get3A] {strides = array<i32>} : memref<1000xi32, #tpu.memory_space<vmem>>, vector<16xi32>,
        %mul3A_147 = arith.constant 16 : i32
        %mul3A_148 = arith.muli %mul3A_147, %scan3A_142 : i32
        %get3A_149 = arith.index_cast %mul3A_148 : i32 to index
        %get3A_150 = tpu.vector_load %arg8[%get3A_149] {strides = array<i32>} : memref<1000xi32, #tpu.memory_space<vmem>>, vector<16xi32>,
        %broadcast_in_dim3A_151 = arith.constant 0 : i32
        %broadcast_in_dim3A_152 = vector.broadcast %broadcast_in_dim3A_151 : i32 to vector<16xi32>
        %gather3A_153 = tpu.vector_load_idx %arg6[%get3A_146, %broadcast_in_dim3A_152] : memref<10000x2xf32, #tpu.memory_space<vmem>>[vector<16xi32>, vector<16xi32>], vector<16xf32>,
        %broadcast_in_dim3A_154 = arith.constant 1 : i32
        %broadcast_in_dim3A_155 = vector.broadcast %broadcast_in_dim3A_154 : i32 to vector<16xi32>
        %gather3A_156 = tpu.vector_load_idx %arg6[%get3A_150, %broadcast_in_dim3A_155] : memref<10000x2xf32, #tpu.memory_space<vmem>>[vector<16xi32>, vector<16xi32>], vector<16xf32>,
        %add3A_157 = arith.addf %gather3A_153, %gather3A_156 : vector<16xf32>
        %gt3A_158 = arith.constant 0.000000e+00 : f32
        %gt3A_159 = vector.broadcast %gt3A_158 : f32 to vector<16xf32>
        %gt3A_160 = arith.cmpf ogt, %add3A_157, %gt3A_159 : vector<16xf32>
        %mul3A_161 = arith.constant 2.000000e-01 : f32
        %mul3A_162 = vector.broadcast %mul3A_161 : f32 to vector<16xf32>
        %mul3A_163 = arith.mulf %mul3A_162, %add3A_157 : vector<16xf32>
        %select_n3A_164 = arith.select %gt3A_160, %add3A_157, %mul3A_163 : vector<16xi1>, vector<16xf32>
        %sub3A_165 = arith.subf %select_n3A_164, %select_n3A : vector<16xf32>
        %exp3A_166 = math.exp %sub3A_165 : vector<16xf32>
        %mul3A_167 = arith.constant 16 : i32
        %mul3A_168 = arith.muli %mul3A_167, %scan3A_142 : i32
        %swap3A_169 = arith.index_cast %mul3A_168 : i32 to index
        %swap3A_170 = tpu.vector_load %arg9[%swap3A_169] {strides = array<i32>} : memref<1000xf32, #tpu.memory_space<vmem>>, vector<16xf32>,
        tpu.vector_store %arg9[%swap3A_169], %exp3A_166 {strides = array<i32>} : memref<1000xf32, #tpu.memory_space<vmem>>, vector<16xf32>,
        %scan3A_171 = arith.constant 0 : i32
        scf.yield %scan3A_171 : i32
      }
      %scan3A_117 = arith.constant 62 : i32
      %iota3A_118 = tpu.iota {dimensions = array<i32: 0>} : vector<16xi32>
      %add3A_119 = arith.constant 984 : i32
      %add3A_120 = vector.broadcast %add3A_119 : i32 to vector<16xi32>
      %add3A_121 = arith.addi %iota3A_118, %add3A_120 : vector<16xi32>
      %gather3A_122 = tpu.vector_load_idx %arg7[%add3A_121] : memref<1000xi32, #tpu.memory_space<vmem>>[vector<16xi32>], vector<16xi32>,
      %gather3A_123 = tpu.vector_load_idx %arg8[%add3A_121] : memref<1000xi32, #tpu.memory_space<vmem>>[vector<16xi32>], vector<16xi32>,
      %broadcast_in_dim3A_124 = arith.constant 0 : i32
      %broadcast_in_dim3A_125 = vector.broadcast %broadcast_in_dim3A_124 : i32 to vector<16xi32>
      %gather3A_126 = tpu.vector_load_idx %arg6[%gather3A_122, %broadcast_in_dim3A_125] : memref<10000x2xf32, #tpu.memory_space<vmem>>[vector<16xi32>, vector<16xi32>], vector<16xf32>,
      %broadcast_in_dim3A_127 = arith.constant 1 : i32
      %broadcast_in_dim3A_128 = vector.broadcast %broadcast_in_dim3A_127 : i32 to vector<16xi32>
      %gather3A_129 = tpu.vector_load_idx %arg6[%gather3A_123, %broadcast_in_dim3A_128] : memref<10000x2xf32, #tpu.memory_space<vmem>>[vector<16xi32>, vector<16xi32>], vector<16xf32>,
      %add3A_130 = arith.addf %gather3A_126, %gather3A_129 : vector<16xf32>
      %gt3A_131 = arith.constant 0.000000e+00 : f32
      %gt3A_132 = vector.broadcast %gt3A_131 : f32 to vector<16xf32>
      %gt3A_133 = arith.cmpf ogt, %add3A_130, %gt3A_132 : vector<16xf32>
      %mul3A_134 = arith.constant 2.000000e-01 : f32
      %mul3A_135 = vector.broadcast %mul3A_134 : f32 to vector<16xf32>
      %mul3A_136 = arith.mulf %mul3A_135, %add3A_130 : vector<16xf32>
      %select_n3A_137 = arith.select %gt3A_133, %add3A_130, %mul3A_136 : vector<16xi1>, vector<16xf32>
      %sub3A = arith.subf %select_n3A_137, %select_n3A : vector<16xf32>
      %exp3A = math.exp %sub3A : vector<16xf32>
      %ge3A_138 = arith.constant 8 : i32
      %ge3A_139 = vector.broadcast %ge3A_138 : i32 to vector<16xi32>
      %ge3A_140 = arith.cmpi sge, %iota3A_118, %ge3A_139 : vector<16xi32>
      tpu.vector_store_idx %arg9[%add3A_121], %exp3A masked %ge3A_140 : memref<1000xf32, #tpu.memory_space<vmem>>[vector<16xi32>], vector<16xf32>, vector<16xi1>
      "tpu.region"() ({
        %run_scoped3A = tpu.sem_alloc : memref<!tpu.dma_semaphore, #tpu.memory_space<semaphore_mem>>
        %dma_start3A = arith.constant 0 : i32
        %dma_start3A_142 = tpu.memref_slice %arg11[%dma_start3A] : memref<10000xf32, #tpu.memory_space<vmem_shared>> -> memref<10000xf32, #tpu.memory_space<vmem_shared>>
        tpu.enqueue_indirect_dma source(%arg9 : memref<1000xf32, #tpu.memory_space<vmem>>) target(%dma_start3A_142 : memref<10000xf32, #tpu.memory_space<vmem_shared>>) offsets(%arg8 : memref<1000xi32, #tpu.memory_space<vmem>>) semaphore(%run_scoped3A : memref<!tpu.dma_semaphore, #tpu.memory_space<semaphore_mem>>) {add = true}
        %dma_wait3A = arith.constant 0 : i32
        %dma_wait3A_143 = tpu.memref_slice %arg11[%dma_wait3A] : memref<10000xf32, #tpu.memory_space<vmem_shared>> -> memref<10000xf32, #tpu.memory_space<vmem_shared>>
        tpu.wait_indirect_dma semaphore(%run_scoped3A : memref<!tpu.dma_semaphore, #tpu.memory_space<semaphore_mem>>) src(%arg9 : memref<1000xf32, #tpu.memory_space<vmem>>) dst(%dma_wait3A_143 : memref<10000xf32, #tpu.memory_space<vmem_shared>>)
        tpu.yield
      }) : () -> ()
      %scan3A_141 = arith.constant 0 : i32
      scf.yield %scan3A_141 : i32
    }
    %scan3A_99 = arith.constant 5 : i32
    %barrier3A_100 = arith.constant 0 : index
    tpu.barrier barrier_id(%barrier3A_100)
    %lt3A_101 = arith.constant 10 : i32
    %lt3A_102 = arith.cmpi slt, %arg1, %lt3A_101 : i32
    %convert_element_type3A_103 = arith.extui %lt3A_102 : i1 to i32
    %cond3A_104 = arith.constant 0 : i32
    %cond3A_105 = arith.cmpi ne, %convert_element_type3A_103, %cond3A_104 : i32
    scf.if %cond3A_105 {
      %mul3A_106 = arith.constant 1000 : i32
      %mul3A_107 = arith.muli %arg1, %mul3A_106 : i32
      "tpu.region"() ({
        %run_scoped3A = tpu.sem_alloc : memref<!tpu.dma_semaphore, #tpu.memory_space<semaphore_mem>>
        %dma_start3A = tpu.memref_slice %arg11[%mul3A_107] : memref<10000xf32, #tpu.memory_space<vmem_shared>> -> memref<1000xf32, #tpu.memory_space<vmem_shared>>
        %dma_start3A_113 = tpu.memref_slice %arg11[%mul3A_107] : memref<10000xf32, #tpu.memory_space<vmem_shared>> -> memref<1000xf32, #tpu.memory_space<vmem_shared>>
        tpu.enqueue_dma source(%dma_start3A_113 : memref<1000xf32, #tpu.memory_space<vmem_shared>>) target(%arg9 : memref<1000xf32, #tpu.memory_space<vmem>>) target_semaphore(%run_scoped3A : memref<!tpu.dma_semaphore, #tpu.memory_space<semaphore_mem>>)
        %dma_wait3A = tpu.memref_slice %arg11[%mul3A_107] : memref<10000xf32, #tpu.memory_space<vmem_shared>> -> memref<1000xf32, #tpu.memory_space<vmem_shared>>
        %dma_wait3A_114 = tpu.memref_slice %arg11[%mul3A_107] : memref<10000xf32, #tpu.memory_space<vmem_shared>> -> memref<1000xf32, #tpu.memory_space<vmem_shared>>
        tpu.wait_dma2 semaphore(%run_scoped3A : memref<!tpu.dma_semaphore, #tpu.memory_space<semaphore_mem>>) src(%dma_wait3A_114 : memref<1000xf32, #tpu.memory_space<vmem_shared>>) dst(%arg9 : memref<1000xf32, #tpu.memory_space<vmem>>)
        tpu.yield
      }) : () -> ()
      %mul3A_108 = arith.constant 10000 : i32
      %mul3A_109 = arith.muli %arg0, %mul3A_108 : i32
      %mul3A_110 = arith.constant 1000 : i32
      %mul3A_111 = arith.muli %arg1, %mul3A_110 : i32
      %add3A_112 = arith.addi %mul3A_109, %mul3A_111 : i32
      "tpu.region"() ({
        %run_scoped3A = tpu.sem_alloc : memref<!tpu.dma_semaphore, #tpu.memory_space<semaphore_mem>>
        %dma_start3A = tpu.memref_slice %arg5[%add3A_112] : memref<20000xf32, #tpu.memory_space<hbm>> -> memref<1000xf32, #tpu.memory_space<hbm>>
        %dma_start3A_113 = tpu.memref_slice %arg5[%add3A_112] : memref<20000xf32, #tpu.memory_space<hbm>> -> memref<1000xf32, #tpu.memory_space<hbm>>
        tpu.enqueue_dma source(%arg9 : memref<1000xf32, #tpu.memory_space<vmem>>) target(%dma_start3A_113 : memref<1000xf32, #tpu.memory_space<hbm>>) target_semaphore(%run_scoped3A : memref<!tpu.dma_semaphore, #tpu.memory_space<semaphore_mem>>)
        %dma_wait3A = tpu.memref_slice %arg5[%add3A_112] : memref<20000xf32, #tpu.memory_space<hbm>> -> memref<1000xf32, #tpu.memory_space<hbm>>
        %dma_wait3A_114 = tpu.memref_slice %arg5[%add3A_112] : memref<20000xf32, #tpu.memory_space<hbm>> -> memref<1000xf32, #tpu.memory_space<hbm>>
        tpu.wait_dma2 semaphore(%run_scoped3A : memref<!tpu.dma_semaphore, #tpu.memory_space<semaphore_mem>>) src(%arg9 : memref<1000xf32, #tpu.memory_space<vmem>>) dst(%dma_wait3A_114 : memref<1000xf32, #tpu.memory_space<hbm>>)
        tpu.yield
      }) : () -> ()
    } else {
    }
    return
  }
}

#map = affine_map<(d0, d1) -> (0, 0)>
#map1 = affine_map<(d0, d1) -> (0)>
module attributes {stable_mosaic.version = 14 : i64} {
  func.func @_scc_body(%arg0: i32, %arg1: i32, %arg2: memref<10000x2xf32, #tpu.memory_space<hbm>>, %arg3: memref<20000xf32, #tpu.memory_space<hbm>>, %arg4: memref<160000xi32, #tpu.memory_space<hbm>>, %arg5: memref<160000xi32, #tpu.memory_space<hbm>>, %arg6: memref<20000xf32, #tpu.memory_space<hbm>>, %arg7: memref<10000x2xf32, #tpu.memory_space<vmem>>, %arg8: memref<10000xf32, #tpu.memory_space<vmem>>, %arg9: memref<10000xf32, #tpu.memory_space<vmem>>, %arg10: memref<1000xi32, #tpu.memory_space<vmem>>, %arg11: memref<1000xi32, #tpu.memory_space<vmem>>, %arg12: memref<1000xf32, #tpu.memory_space<vmem>>, %arg13: memref<16xf32, #tpu.memory_space<vmem>>, %arg14: memref<10000xf32, #tpu.memory_space<vmem_shared>>) attributes {dimension_semantics = [#tpu.dimension_semantics<core_parallel>, #tpu.dimension_semantics<subcore_parallel>], iteration_bounds = array<i64: 2, 16>, scalar_prefetch = 0 : i64, scratch_operands = 8 : i64, tpu.core_type = #tpu.core_type<sc_vector_subcore>, window_params = [{transform_indices = #map}, {transform_indices = #map1}, {transform_indices = #map1}, {transform_indices = #map1}, {transform_indices = #map1}]} {
    "tpu.region"() ({
      %run_scoped3A = tpu.sem_alloc : memref<!tpu.dma_semaphore, #tpu.memory_space<semaphore_mem>>
      tpu.enqueue_dma source(%arg2 : memref<10000x2xf32, #tpu.memory_space<hbm>>) target(%arg7 : memref<10000x2xf32, #tpu.memory_space<vmem>>) target_semaphore(%run_scoped3A : memref<!tpu.dma_semaphore, #tpu.memory_space<semaphore_mem>>)
      tpu.wait_dma2 semaphore(%run_scoped3A : memref<!tpu.dma_semaphore, #tpu.memory_space<semaphore_mem>>) src(%arg2 : memref<10000x2xf32, #tpu.memory_space<hbm>>) dst(%arg7 : memref<10000x2xf32, #tpu.memory_space<vmem>>)
      tpu.yield
    }) : () -> ()
    %broadcast_in_dim3A = arith.constant 0xFF800000 : f32
    %broadcast_in_dim3A_0 = vector.broadcast %broadcast_in_dim3A : f32 to vector<16xf32>
    %scan3A = arith.constant 0 : i32
    %scan3A_1 = arith.constant 625 : i32
    %scan3A_2 = arith.addi %scan3A, %scan3A_1 : i32
    %scan3A_3 = arith.constant 1 : i32
    %scan3A_4 = scf.for %scan3A_113 = %scan3A to %scan3A_2 step %scan3A_3 iter_args(%scan3A_114 = %broadcast_in_dim3A_0) -> (vector<16xf32>)  : i32 {
      %iota3A_115 = tpu.iota {dimensions = array<i32: 0>} : vector<16xi32>
      %mul3A_116 = arith.constant 16 : i32
      %mul3A_117 = arith.muli %mul3A_116, %scan3A_113 : i32
      %add3A_118 = vector.broadcast %mul3A_117 : i32 to vector<16xi32>
      %add3A_119 = arith.addi %iota3A_115, %add3A_118 : vector<16xi32>
      %broadcast_in_dim3A_120 = arith.constant 0 : i32
      %broadcast_in_dim3A_121 = vector.broadcast %broadcast_in_dim3A_120 : i32 to vector<16xi32>
      %gather3A_122 = tpu.vector_load_idx %arg7[%add3A_119, %broadcast_in_dim3A_121] : memref<10000x2xf32, #tpu.memory_space<vmem>>[vector<16xi32>, vector<16xi32>], vector<16xf32>,
      %max3A_123 = arith.maximumf %scan3A_114, %gather3A_122 : vector<16xf32>
      scf.yield %max3A_123 : vector<16xf32>
    }
    %scan3A_5 = arith.constant 625 : i32
    %iota3A = tpu.iota {dimensions = array<i32: 0>} : vector<16xi32>
    %swap3A = arith.constant 0 : index
    %swap3A_6 = tpu.vector_load %arg13[%swap3A] {strides = array<i32>} : memref<16xf32, #tpu.memory_space<vmem>>, vector<16xf32>,
    tpu.vector_store %arg13[%swap3A], %scan3A_4 {strides = array<i32>} : memref<16xf32, #tpu.memory_space<vmem>>, vector<16xf32>,
    %xor3A = arith.constant 1 : i32
    %xor3A_7 = vector.broadcast %xor3A : i32 to vector<16xi32>
    %xor3A_8 = arith.xori %iota3A, %xor3A_7 : vector<16xi32>
    %gather3A = tpu.vector_load_idx %arg13[%xor3A_8] : memref<16xf32, #tpu.memory_space<vmem>>[vector<16xi32>], vector<16xf32>,
    %max3A = arith.maximumf %scan3A_4, %gather3A : vector<16xf32>
    %swap3A_9 = arith.constant 0 : index
    %swap3A_10 = tpu.vector_load %arg13[%swap3A_9] {strides = array<i32>} : memref<16xf32, #tpu.memory_space<vmem>>, vector<16xf32>,
    tpu.vector_store %arg13[%swap3A_9], %max3A {strides = array<i32>} : memref<16xf32, #tpu.memory_space<vmem>>, vector<16xf32>,
    %xor3A_11 = arith.constant 2 : i32
    %xor3A_12 = vector.broadcast %xor3A_11 : i32 to vector<16xi32>
    %xor3A_13 = arith.xori %iota3A, %xor3A_12 : vector<16xi32>
    %gather3A_14 = tpu.vector_load_idx %arg13[%xor3A_13] : memref<16xf32, #tpu.memory_space<vmem>>[vector<16xi32>], vector<16xf32>,
    %max3A_15 = arith.maximumf %max3A, %gather3A_14 : vector<16xf32>
    %swap3A_16 = arith.constant 0 : index
    %swap3A_17 = tpu.vector_load %arg13[%swap3A_16] {strides = array<i32>} : memref<16xf32, #tpu.memory_space<vmem>>, vector<16xf32>,
    tpu.vector_store %arg13[%swap3A_16], %max3A_15 {strides = array<i32>} : memref<16xf32, #tpu.memory_space<vmem>>, vector<16xf32>,
    %xor3A_18 = arith.constant 4 : i32
    %xor3A_19 = vector.broadcast %xor3A_18 : i32 to vector<16xi32>
    %xor3A_20 = arith.xori %iota3A, %xor3A_19 : vector<16xi32>
    %gather3A_21 = tpu.vector_load_idx %arg13[%xor3A_20] : memref<16xf32, #tpu.memory_space<vmem>>[vector<16xi32>], vector<16xf32>,
    %max3A_22 = arith.maximumf %max3A_15, %gather3A_21 : vector<16xf32>
    %swap3A_23 = arith.constant 0 : index
    %swap3A_24 = tpu.vector_load %arg13[%swap3A_23] {strides = array<i32>} : memref<16xf32, #tpu.memory_space<vmem>>, vector<16xf32>,
    tpu.vector_store %arg13[%swap3A_23], %max3A_22 {strides = array<i32>} : memref<16xf32, #tpu.memory_space<vmem>>, vector<16xf32>,
    %xor3A_25 = arith.constant 8 : i32
    %xor3A_26 = vector.broadcast %xor3A_25 : i32 to vector<16xi32>
    %xor3A_27 = arith.xori %iota3A, %xor3A_26 : vector<16xi32>
    %gather3A_28 = tpu.vector_load_idx %arg13[%xor3A_27] : memref<16xf32, #tpu.memory_space<vmem>>[vector<16xi32>], vector<16xf32>,
    %max3A_29 = arith.maximumf %max3A_22, %gather3A_28 : vector<16xf32>
    %broadcast_in_dim3A_30 = arith.constant 0xFF800000 : f32
    %broadcast_in_dim3A_31 = vector.broadcast %broadcast_in_dim3A_30 : f32 to vector<16xf32>
    %scan3A_32 = arith.constant 0 : i32
    %scan3A_33 = arith.constant 625 : i32
    %scan3A_34 = arith.addi %scan3A_32, %scan3A_33 : i32
    %scan3A_35 = arith.constant 1 : i32
    %scan3A_36 = scf.for %scan3A_113 = %scan3A_32 to %scan3A_34 step %scan3A_35 iter_args(%scan3A_114 = %broadcast_in_dim3A_31) -> (vector<16xf32>)  : i32 {
      %iota3A_115 = tpu.iota {dimensions = array<i32: 0>} : vector<16xi32>
      %mul3A_116 = arith.constant 16 : i32
      %mul3A_117 = arith.muli %mul3A_116, %scan3A_113 : i32
      %add3A_118 = vector.broadcast %mul3A_117 : i32 to vector<16xi32>
      %add3A_119 = arith.addi %iota3A_115, %add3A_118 : vector<16xi32>
      %broadcast_in_dim3A_120 = arith.constant 1 : i32
      %broadcast_in_dim3A_121 = vector.broadcast %broadcast_in_dim3A_120 : i32 to vector<16xi32>
      %gather3A_122 = tpu.vector_load_idx %arg7[%add3A_119, %broadcast_in_dim3A_121] : memref<10000x2xf32, #tpu.memory_space<vmem>>[vector<16xi32>, vector<16xi32>], vector<16xf32>,
      %max3A_123 = arith.maximumf %scan3A_114, %gather3A_122 : vector<16xf32>
      scf.yield %max3A_123 : vector<16xf32>
    }
    %scan3A_37 = arith.constant 625 : i32
    %iota3A_38 = tpu.iota {dimensions = array<i32: 0>} : vector<16xi32>
    %swap3A_39 = arith.constant 0 : index
    %swap3A_40 = tpu.vector_load %arg13[%swap3A_39] {strides = array<i32>} : memref<16xf32, #tpu.memory_space<vmem>>, vector<16xf32>,
    tpu.vector_store %arg13[%swap3A_39], %scan3A_36 {strides = array<i32>} : memref<16xf32, #tpu.memory_space<vmem>>, vector<16xf32>,
    %xor3A_41 = arith.constant 1 : i32
    %xor3A_42 = vector.broadcast %xor3A_41 : i32 to vector<16xi32>
    %xor3A_43 = arith.xori %iota3A_38, %xor3A_42 : vector<16xi32>
    %gather3A_44 = tpu.vector_load_idx %arg13[%xor3A_43] : memref<16xf32, #tpu.memory_space<vmem>>[vector<16xi32>], vector<16xf32>,
    %max3A_45 = arith.maximumf %scan3A_36, %gather3A_44 : vector<16xf32>
    %swap3A_46 = arith.constant 0 : index
    %swap3A_47 = tpu.vector_load %arg13[%swap3A_46] {strides = array<i32>} : memref<16xf32, #tpu.memory_space<vmem>>, vector<16xf32>,
    tpu.vector_store %arg13[%swap3A_46], %max3A_45 {strides = array<i32>} : memref<16xf32, #tpu.memory_space<vmem>>, vector<16xf32>,
    %xor3A_48 = arith.constant 2 : i32
    %xor3A_49 = vector.broadcast %xor3A_48 : i32 to vector<16xi32>
    %xor3A_50 = arith.xori %iota3A_38, %xor3A_49 : vector<16xi32>
    %gather3A_51 = tpu.vector_load_idx %arg13[%xor3A_50] : memref<16xf32, #tpu.memory_space<vmem>>[vector<16xi32>], vector<16xf32>,
    %max3A_52 = arith.maximumf %max3A_45, %gather3A_51 : vector<16xf32>
    %swap3A_53 = arith.constant 0 : index
    %swap3A_54 = tpu.vector_load %arg13[%swap3A_53] {strides = array<i32>} : memref<16xf32, #tpu.memory_space<vmem>>, vector<16xf32>,
    tpu.vector_store %arg13[%swap3A_53], %max3A_52 {strides = array<i32>} : memref<16xf32, #tpu.memory_space<vmem>>, vector<16xf32>,
    %xor3A_55 = arith.constant 4 : i32
    %xor3A_56 = vector.broadcast %xor3A_55 : i32 to vector<16xi32>
    %xor3A_57 = arith.xori %iota3A_38, %xor3A_56 : vector<16xi32>
    %gather3A_58 = tpu.vector_load_idx %arg13[%xor3A_57] : memref<16xf32, #tpu.memory_space<vmem>>[vector<16xi32>], vector<16xf32>,
    %max3A_59 = arith.maximumf %max3A_52, %gather3A_58 : vector<16xf32>
    %swap3A_60 = arith.constant 0 : index
    %swap3A_61 = tpu.vector_load %arg13[%swap3A_60] {strides = array<i32>} : memref<16xf32, #tpu.memory_space<vmem>>, vector<16xf32>,
    tpu.vector_store %arg13[%swap3A_60], %max3A_59 {strides = array<i32>} : memref<16xf32, #tpu.memory_space<vmem>>, vector<16xf32>,
    %xor3A_62 = arith.constant 8 : i32
    %xor3A_63 = vector.broadcast %xor3A_62 : i32 to vector<16xi32>
    %xor3A_64 = arith.xori %iota3A_38, %xor3A_63 : vector<16xi32>
    %gather3A_65 = tpu.vector_load_idx %arg13[%xor3A_64] : memref<16xf32, #tpu.memory_space<vmem>>[vector<16xi32>], vector<16xf32>,
    %max3A_66 = arith.maximumf %max3A_59, %gather3A_65 : vector<16xf32>
    %add3A = arith.addf %max3A_29, %max3A_66 : vector<16xf32>
    %gt3A = arith.constant 0.000000e+00 : f32
    %gt3A_67 = vector.broadcast %gt3A : f32 to vector<16xf32>
    %gt3A_68 = arith.cmpf ogt, %add3A, %gt3A_67 : vector<16xf32>
    %mul3A = arith.constant 2.000000e-01 : f32
    %mul3A_69 = vector.broadcast %mul3A : f32 to vector<16xf32>
    %mul3A_70 = arith.mulf %mul3A_69, %add3A : vector<16xf32>
    %select_n3A = arith.select %gt3A_68, %add3A, %mul3A_70 : vector<16xi1>, vector<16xf32>
    "tpu.region"() ({
      %run_scoped3A = tpu.sem_alloc : memref<!tpu.dma_semaphore, #tpu.memory_space<semaphore_mem>>
      %dma_start3A = arith.constant 0 : i32
      %dma_start3A_113 = tpu.memref_slice %arg3[%dma_start3A] : memref<20000xf32, #tpu.memory_space<hbm>> -> memref<10000xf32, #tpu.memory_space<hbm>>
      %dma_start3A_114 = arith.constant 0 : i32
      %dma_start3A_115 = tpu.memref_slice %arg3[%dma_start3A_114] : memref<20000xf32, #tpu.memory_space<hbm>> -> memref<10000xf32, #tpu.memory_space<hbm>>
      tpu.enqueue_dma source(%dma_start3A_115 : memref<10000xf32, #tpu.memory_space<hbm>>) target(%arg8 : memref<10000xf32, #tpu.memory_space<vmem>>) target_semaphore(%run_scoped3A : memref<!tpu.dma_semaphore, #tpu.memory_space<semaphore_mem>>)
      %dma_wait3A = arith.constant 0 : i32
      %dma_wait3A_116 = tpu.memref_slice %arg3[%dma_wait3A] : memref<20000xf32, #tpu.memory_space<hbm>> -> memref<10000xf32, #tpu.memory_space<hbm>>
      %dma_wait3A_117 = arith.constant 0 : i32
      %dma_wait3A_118 = tpu.memref_slice %arg3[%dma_wait3A_117] : memref<20000xf32, #tpu.memory_space<hbm>> -> memref<10000xf32, #tpu.memory_space<hbm>>
      tpu.wait_dma2 semaphore(%run_scoped3A : memref<!tpu.dma_semaphore, #tpu.memory_space<semaphore_mem>>) src(%dma_wait3A_118 : memref<10000xf32, #tpu.memory_space<hbm>>) dst(%arg8 : memref<10000xf32, #tpu.memory_space<vmem>>)
      tpu.yield
    }) : () -> ()
    "tpu.region"() ({
      %run_scoped3A = tpu.sem_alloc : memref<!tpu.dma_semaphore, #tpu.memory_space<semaphore_mem>>
      %dma_start3A = arith.constant 10000 : i32
      %dma_start3A_113 = tpu.memref_slice %arg3[%dma_start3A] : memref<20000xf32, #tpu.memory_space<hbm>> -> memref<10000xf32, #tpu.memory_space<hbm>>
      %dma_start3A_114 = arith.constant 10000 : i32
      %dma_start3A_115 = tpu.memref_slice %arg3[%dma_start3A_114] : memref<20000xf32, #tpu.memory_space<hbm>> -> memref<10000xf32, #tpu.memory_space<hbm>>
      tpu.enqueue_dma source(%dma_start3A_115 : memref<10000xf32, #tpu.memory_space<hbm>>) target(%arg9 : memref<10000xf32, #tpu.memory_space<vmem>>) target_semaphore(%run_scoped3A : memref<!tpu.dma_semaphore, #tpu.memory_space<semaphore_mem>>)
      %dma_wait3A = arith.constant 10000 : i32
      %dma_wait3A_116 = tpu.memref_slice %arg3[%dma_wait3A] : memref<20000xf32, #tpu.memory_space<hbm>> -> memref<10000xf32, #tpu.memory_space<hbm>>
      %dma_wait3A_117 = arith.constant 10000 : i32
      %dma_wait3A_118 = tpu.memref_slice %arg3[%dma_wait3A_117] : memref<20000xf32, #tpu.memory_space<hbm>> -> memref<10000xf32, #tpu.memory_space<hbm>>
      tpu.wait_dma2 semaphore(%run_scoped3A : memref<!tpu.dma_semaphore, #tpu.memory_space<semaphore_mem>>) src(%dma_wait3A_118 : memref<10000xf32, #tpu.memory_space<hbm>>) dst(%arg9 : memref<10000xf32, #tpu.memory_space<vmem>>)
      tpu.yield
    }) : () -> ()
    %scan3A_71 = arith.constant 0 : i32
    %scan3A_72 = arith.constant 0 : i32
    %scan3A_73 = arith.constant 625 : i32
    %scan3A_74 = arith.addi %scan3A_72, %scan3A_73 : i32
    %scan3A_75 = arith.constant 1 : i32
    %scan3A_76 = scf.for %scan3A_113 = %scan3A_72 to %scan3A_74 step %scan3A_75 iter_args(%scan3A_114 = %scan3A_71) -> (i32)  : i32 {
      %mul3A_115 = arith.constant 16 : i32
      %mul3A_116 = arith.muli %mul3A_115, %scan3A_113 : i32
      %get3A = arith.index_cast %mul3A_116 : i32 to index
      %get3A_117 = tpu.vector_load %arg8[%get3A] {strides = array<i32>} : memref<10000xf32, #tpu.memory_space<vmem>>, vector<16xf32>,
      %get3A_118 = arith.index_cast %mul3A_116 : i32 to index
      %get3A_119 = tpu.vector_load %arg9[%get3A_118] {strides = array<i32>} : memref<10000xf32, #tpu.memory_space<vmem>>, vector<16xf32>,
      %add3A_120 = arith.addf %get3A_117, %get3A_119 : vector<16xf32>
      %swap3A_121 = arith.index_cast %mul3A_116 : i32 to index
      %swap3A_122 = tpu.vector_load %arg8[%swap3A_121] {strides = array<i32>} : memref<10000xf32, #tpu.memory_space<vmem>>, vector<16xf32>,
      tpu.vector_store %arg8[%swap3A_121], %add3A_120 {strides = array<i32>} : memref<10000xf32, #tpu.memory_space<vmem>>, vector<16xf32>,
      %scan3A_123 = arith.constant 0 : i32
      scf.yield %scan3A_123 : i32
    }
    %scan3A_77 = arith.constant 625 : i32
    %broadcast_in_dim3A_78 = arith.constant 0.000000e+00 : f32
    %broadcast_in_dim3A_79 = vector.broadcast %broadcast_in_dim3A_78 : f32 to vector<16xf32>
    %scan3A_80 = arith.constant 0 : i32
    %scan3A_81 = arith.constant 0 : i32
    %scan3A_82 = arith.constant 62 : i32
    %scan3A_83 = arith.addi %scan3A_81, %scan3A_82 : i32
    %scan3A_84 = arith.constant 1 : i32
    %scan3A_85 = scf.for %scan3A_113 = %scan3A_81 to %scan3A_83 step %scan3A_84 iter_args(%scan3A_114 = %scan3A_80) -> (i32)  : i32 {
      %mul3A_115 = arith.constant 16 : i32
      %mul3A_116 = arith.muli %mul3A_115, %scan3A_113 : i32
      %swap3A_117 = arith.index_cast %mul3A_116 : i32 to index
      %swap3A_118 = tpu.vector_load %arg12[%swap3A_117] {strides = array<i32>} : memref<1000xf32, #tpu.memory_space<vmem>>, vector<16xf32>,
      tpu.vector_store %arg12[%swap3A_117], %broadcast_in_dim3A_79 {strides = array<i32>} : memref<1000xf32, #tpu.memory_space<vmem>>, vector<16xf32>,
      %scan3A_119 = arith.constant 0 : i32
      scf.yield %scan3A_119 : i32
    }
    %scan3A_86 = arith.constant 62 : i32
    %iota3A_87 = tpu.iota {dimensions = array<i32: 0>} : vector<16xi32>
    %add3A_88 = arith.constant 984 : i32
    %add3A_89 = vector.broadcast %add3A_88 : i32 to vector<16xi32>
    %add3A_90 = arith.addi %iota3A_87, %add3A_89 : vector<16xi32>
    %ge3A = arith.constant 8 : i32
    %ge3A_91 = vector.broadcast %ge3A : i32 to vector<16xi32>
    %ge3A_92 = arith.cmpi sge, %iota3A_87, %ge3A_91 : vector<16xi32>
    tpu.vector_store_idx %arg12[%add3A_90], %broadcast_in_dim3A_79 masked %ge3A_92 : memref<1000xf32, #tpu.memory_space<vmem>>[vector<16xi32>], vector<16xf32>, vector<16xi1>
    %lt3A = arith.constant 10 : i32
    %lt3A_93 = arith.cmpi slt, %arg1, %lt3A : i32
    %convert_element_type3A = arith.extui %lt3A_93 : i1 to i32
    %cond3A = arith.constant 0 : i32
    %cond3A_94 = arith.cmpi ne, %convert_element_type3A, %cond3A : i32
    scf.if %cond3A_94 {
      %mul3A_113 = arith.constant 1000 : i32
      %mul3A_114 = arith.muli %arg1, %mul3A_113 : i32
      "tpu.region"() ({
        %run_scoped3A = tpu.sem_alloc : memref<!tpu.dma_semaphore, #tpu.memory_space<semaphore_mem>>
        %dma_start3A = tpu.memref_slice %arg14[%mul3A_114] : memref<10000xf32, #tpu.memory_space<vmem_shared>> -> memref<1000xf32, #tpu.memory_space<vmem_shared>>
        %dma_start3A_115 = tpu.memref_slice %arg14[%mul3A_114] : memref<10000xf32, #tpu.memory_space<vmem_shared>> -> memref<1000xf32, #tpu.memory_space<vmem_shared>>
        tpu.enqueue_dma source(%arg12 : memref<1000xf32, #tpu.memory_space<vmem>>) target(%dma_start3A_115 : memref<1000xf32, #tpu.memory_space<vmem_shared>>) target_semaphore(%run_scoped3A : memref<!tpu.dma_semaphore, #tpu.memory_space<semaphore_mem>>)
        %dma_wait3A = tpu.memref_slice %arg14[%mul3A_114] : memref<10000xf32, #tpu.memory_space<vmem_shared>> -> memref<1000xf32, #tpu.memory_space<vmem_shared>>
        %dma_wait3A_116 = tpu.memref_slice %arg14[%mul3A_114] : memref<10000xf32, #tpu.memory_space<vmem_shared>> -> memref<1000xf32, #tpu.memory_space<vmem_shared>>
        tpu.wait_dma2 semaphore(%run_scoped3A : memref<!tpu.dma_semaphore, #tpu.memory_space<semaphore_mem>>) src(%arg12 : memref<1000xf32, #tpu.memory_space<vmem>>) dst(%dma_wait3A_116 : memref<1000xf32, #tpu.memory_space<vmem_shared>>)
        tpu.yield
      }) : () -> ()
    } else {
    }
    %barrier3A = arith.constant 0 : index
    tpu.barrier barrier_id(%barrier3A)
    %mul3A_95 = arith.constant 2 : i32
    %mul3A_96 = arith.muli %arg1, %mul3A_95 : i32
    %add3A_97 = arith.addi %mul3A_96, %arg0 : i32
    %mul3A_98 = arith.constant 5000 : i32
    %mul3A_99 = arith.muli %add3A_97, %mul3A_98 : i32
    %scan3A_100 = arith.constant 0 : i32
    %scan3A_101 = arith.constant 0 : i32
    %scan3A_102 = arith.constant 5 : i32
    %scan3A_103 = arith.addi %scan3A_101, %scan3A_102 : i32
    %scan3A_104 = arith.constant 1 : i32
    %scan3A_105 = scf.for %scan3A_113 = %scan3A_101 to %scan3A_103 step %scan3A_104 iter_args(%scan3A_114 = %scan3A_100) -> (i32)  : i32 {
      %mul3A_115 = arith.constant 1000 : i32
      %mul3A_116 = arith.muli %scan3A_113, %mul3A_115 : i32
      %add3A_117 = arith.addi %mul3A_99, %mul3A_116 : i32
      "tpu.region"() ({
        %run_scoped3A = tpu.sem_alloc : memref<!tpu.dma_semaphore, #tpu.memory_space<semaphore_mem>>
        %dma_start3A = tpu.memref_slice %arg4[%add3A_117] : memref<160000xi32, #tpu.memory_space<hbm>> -> memref<1000xi32, #tpu.memory_space<hbm>>
        %dma_start3A_150 = tpu.memref_slice %arg4[%add3A_117] : memref<160000xi32, #tpu.memory_space<hbm>> -> memref<1000xi32, #tpu.memory_space<hbm>>
        tpu.enqueue_dma source(%dma_start3A_150 : memref<1000xi32, #tpu.memory_space<hbm>>) target(%arg10 : memref<1000xi32, #tpu.memory_space<vmem>>) target_semaphore(%run_scoped3A : memref<!tpu.dma_semaphore, #tpu.memory_space<semaphore_mem>>)
        %dma_wait3A = tpu.memref_slice %arg4[%add3A_117] : memref<160000xi32, #tpu.memory_space<hbm>> -> memref<1000xi32, #tpu.memory_space<hbm>>
        %dma_wait3A_151 = tpu.memref_slice %arg4[%add3A_117] : memref<160000xi32, #tpu.memory_space<hbm>> -> memref<1000xi32, #tpu.memory_space<hbm>>
        tpu.wait_dma2 semaphore(%run_scoped3A : memref<!tpu.dma_semaphore, #tpu.memory_space<semaphore_mem>>) src(%dma_wait3A_151 : memref<1000xi32, #tpu.memory_space<hbm>>) dst(%arg10 : memref<1000xi32, #tpu.memory_space<vmem>>)
        tpu.yield
      }) : () -> ()
      "tpu.region"() ({
        %run_scoped3A = tpu.sem_alloc : memref<!tpu.dma_semaphore, #tpu.memory_space<semaphore_mem>>
        %dma_start3A = tpu.memref_slice %arg5[%add3A_117] : memref<160000xi32, #tpu.memory_space<hbm>> -> memref<1000xi32, #tpu.memory_space<hbm>>
        %dma_start3A_150 = tpu.memref_slice %arg5[%add3A_117] : memref<160000xi32, #tpu.memory_space<hbm>> -> memref<1000xi32, #tpu.memory_space<hbm>>
        tpu.enqueue_dma source(%dma_start3A_150 : memref<1000xi32, #tpu.memory_space<hbm>>) target(%arg11 : memref<1000xi32, #tpu.memory_space<vmem>>) target_semaphore(%run_scoped3A : memref<!tpu.dma_semaphore, #tpu.memory_space<semaphore_mem>>)
        %dma_wait3A = tpu.memref_slice %arg5[%add3A_117] : memref<160000xi32, #tpu.memory_space<hbm>> -> memref<1000xi32, #tpu.memory_space<hbm>>
        %dma_wait3A_151 = tpu.memref_slice %arg5[%add3A_117] : memref<160000xi32, #tpu.memory_space<hbm>> -> memref<1000xi32, #tpu.memory_space<hbm>>
        tpu.wait_dma2 semaphore(%run_scoped3A : memref<!tpu.dma_semaphore, #tpu.memory_space<semaphore_mem>>) src(%dma_wait3A_151 : memref<1000xi32, #tpu.memory_space<hbm>>) dst(%arg11 : memref<1000xi32, #tpu.memory_space<vmem>>)
        tpu.yield
      }) : () -> ()
      %scan3A_118 = arith.constant 0 : i32
      %scan3A_119 = arith.constant 0 : i32
      %scan3A_120 = arith.constant 62 : i32
      %scan3A_121 = arith.addi %scan3A_119, %scan3A_120 : i32
      %scan3A_122 = arith.constant 1 : i32
      %scan3A_123 = scf.for %scan3A_150 = %scan3A_119 to %scan3A_121 step %scan3A_122 iter_args(%scan3A_151 = %scan3A_118) -> (i32)  : i32 {
        %mul3A_152 = arith.constant 16 : i32
        %mul3A_153 = arith.muli %mul3A_152, %scan3A_150 : i32
        %get3A = arith.index_cast %mul3A_153 : i32 to index
        %get3A_154 = tpu.vector_load %arg10[%get3A] {strides = array<i32>} : memref<1000xi32, #tpu.memory_space<vmem>>, vector<16xi32>,
        %mul3A_155 = arith.constant 16 : i32
        %mul3A_156 = arith.muli %mul3A_155, %scan3A_150 : i32
        %get3A_157 = arith.index_cast %mul3A_156 : i32 to index
        %get3A_158 = tpu.vector_load %arg11[%get3A_157] {strides = array<i32>} : memref<1000xi32, #tpu.memory_space<vmem>>, vector<16xi32>,
        %broadcast_in_dim3A_159 = arith.constant 0 : i32
        %broadcast_in_dim3A_160 = vector.broadcast %broadcast_in_dim3A_159 : i32 to vector<16xi32>
        %gather3A_161 = tpu.vector_load_idx %arg7[%get3A_154, %broadcast_in_dim3A_160] : memref<10000x2xf32, #tpu.memory_space<vmem>>[vector<16xi32>, vector<16xi32>], vector<16xf32>,
        %broadcast_in_dim3A_162 = arith.constant 1 : i32
        %broadcast_in_dim3A_163 = vector.broadcast %broadcast_in_dim3A_162 : i32 to vector<16xi32>
        %gather3A_164 = tpu.vector_load_idx %arg7[%get3A_158, %broadcast_in_dim3A_163] : memref<10000x2xf32, #tpu.memory_space<vmem>>[vector<16xi32>, vector<16xi32>], vector<16xf32>,
        %add3A_165 = arith.addf %gather3A_161, %gather3A_164 : vector<16xf32>
        %gt3A_166 = arith.constant 0.000000e+00 : f32
        %gt3A_167 = vector.broadcast %gt3A_166 : f32 to vector<16xf32>
        %gt3A_168 = arith.cmpf ogt, %add3A_165, %gt3A_167 : vector<16xf32>
        %mul3A_169 = arith.constant 2.000000e-01 : f32
        %mul3A_170 = vector.broadcast %mul3A_169 : f32 to vector<16xf32>
        %mul3A_171 = arith.mulf %mul3A_170, %add3A_165 : vector<16xf32>
        %select_n3A_172 = arith.select %gt3A_168, %add3A_165, %mul3A_171 : vector<16xi1>, vector<16xf32>
        %sub3A_173 = arith.subf %select_n3A_172, %select_n3A : vector<16xf32>
        %exp3A_174 = math.exp %sub3A_173 : vector<16xf32>
        %gather3A_175 = tpu.vector_load_idx %arg8[%get3A_158] : memref<10000xf32, #tpu.memory_space<vmem>>[vector<16xi32>], vector<16xf32>,
        %div3A_176 = arith.divf %exp3A_174, %gather3A_175 : vector<16xf32>
        %mul3A_177 = arith.constant 16 : i32
        %mul3A_178 = arith.muli %mul3A_177, %scan3A_150 : i32
        %swap3A_179 = arith.index_cast %mul3A_178 : i32 to index
        %swap3A_180 = tpu.vector_load %arg12[%swap3A_179] {strides = array<i32>} : memref<1000xf32, #tpu.memory_space<vmem>>, vector<16xf32>,
        tpu.vector_store %arg12[%swap3A_179], %div3A_176 {strides = array<i32>} : memref<1000xf32, #tpu.memory_space<vmem>>, vector<16xf32>,
        %scan3A_181 = arith.constant 0 : i32
        scf.yield %scan3A_181 : i32
      }
      %scan3A_124 = arith.constant 62 : i32
      %iota3A_125 = tpu.iota {dimensions = array<i32: 0>} : vector<16xi32>
      %add3A_126 = arith.constant 984 : i32
      %add3A_127 = vector.broadcast %add3A_126 : i32 to vector<16xi32>
      %add3A_128 = arith.addi %iota3A_125, %add3A_127 : vector<16xi32>
      %gather3A_129 = tpu.vector_load_idx %arg10[%add3A_128] : memref<1000xi32, #tpu.memory_space<vmem>>[vector<16xi32>], vector<16xi32>,
      %gather3A_130 = tpu.vector_load_idx %arg11[%add3A_128] : memref<1000xi32, #tpu.memory_space<vmem>>[vector<16xi32>], vector<16xi32>,
      %broadcast_in_dim3A_131 = arith.constant 0 : i32
      %broadcast_in_dim3A_132 = vector.broadcast %broadcast_in_dim3A_131 : i32 to vector<16xi32>
      %gather3A_133 = tpu.vector_load_idx %arg7[%gather3A_129, %broadcast_in_dim3A_132] : memref<10000x2xf32, #tpu.memory_space<vmem>>[vector<16xi32>, vector<16xi32>], vector<16xf32>,
      %broadcast_in_dim3A_134 = arith.constant 1 : i32
      %broadcast_in_dim3A_135 = vector.broadcast %broadcast_in_dim3A_134 : i32 to vector<16xi32>
      %gather3A_136 = tpu.vector_load_idx %arg7[%gather3A_130, %broadcast_in_dim3A_135] : memref<10000x2xf32, #tpu.memory_space<vmem>>[vector<16xi32>, vector<16xi32>], vector<16xf32>,
      %add3A_137 = arith.addf %gather3A_133, %gather3A_136 : vector<16xf32>
      %gt3A_138 = arith.constant 0.000000e+00 : f32
      %gt3A_139 = vector.broadcast %gt3A_138 : f32 to vector<16xf32>
      %gt3A_140 = arith.cmpf ogt, %add3A_137, %gt3A_139 : vector<16xf32>
      %mul3A_141 = arith.constant 2.000000e-01 : f32
      %mul3A_142 = vector.broadcast %mul3A_141 : f32 to vector<16xf32>
      %mul3A_143 = arith.mulf %mul3A_142, %add3A_137 : vector<16xf32>
      %select_n3A_144 = arith.select %gt3A_140, %add3A_137, %mul3A_143 : vector<16xi1>, vector<16xf32>
      %sub3A = arith.subf %select_n3A_144, %select_n3A : vector<16xf32>
      %exp3A = math.exp %sub3A : vector<16xf32>
      %gather3A_145 = tpu.vector_load_idx %arg8[%gather3A_130] : memref<10000xf32, #tpu.memory_space<vmem>>[vector<16xi32>], vector<16xf32>,
      %div3A = arith.divf %exp3A, %gather3A_145 : vector<16xf32>
      %ge3A_146 = arith.constant 8 : i32
      %ge3A_147 = vector.broadcast %ge3A_146 : i32 to vector<16xi32>
      %ge3A_148 = arith.cmpi sge, %iota3A_125, %ge3A_147 : vector<16xi32>
      tpu.vector_store_idx %arg12[%add3A_128], %div3A masked %ge3A_148 : memref<1000xf32, #tpu.memory_space<vmem>>[vector<16xi32>], vector<16xf32>, vector<16xi1>
      "tpu.region"() ({
        %run_scoped3A = tpu.sem_alloc : memref<!tpu.dma_semaphore, #tpu.memory_space<semaphore_mem>>
        %dma_start3A = arith.constant 0 : i32
        %dma_start3A_150 = tpu.memref_slice %arg14[%dma_start3A] : memref<10000xf32, #tpu.memory_space<vmem_shared>> -> memref<10000xf32, #tpu.memory_space<vmem_shared>>
        tpu.enqueue_indirect_dma source(%arg12 : memref<1000xf32, #tpu.memory_space<vmem>>) target(%dma_start3A_150 : memref<10000xf32, #tpu.memory_space<vmem_shared>>) offsets(%arg10 : memref<1000xi32, #tpu.memory_space<vmem>>) semaphore(%run_scoped3A : memref<!tpu.dma_semaphore, #tpu.memory_space<semaphore_mem>>) {add = true}
        %dma_wait3A = arith.constant 0 : i32
        %dma_wait3A_151 = tpu.memref_slice %arg14[%dma_wait3A] : memref<10000xf32, #tpu.memory_space<vmem_shared>> -> memref<10000xf32, #tpu.memory_space<vmem_shared>>
        tpu.wait_indirect_dma semaphore(%run_scoped3A : memref<!tpu.dma_semaphore, #tpu.memory_space<semaphore_mem>>) src(%arg12 : memref<1000xf32, #tpu.memory_space<vmem>>) dst(%dma_wait3A_151 : memref<10000xf32, #tpu.memory_space<vmem_shared>>)
        tpu.yield
      }) : () -> ()
      %scan3A_149 = arith.constant 0 : i32
      scf.yield %scan3A_149 : i32
    }
    %scan3A_106 = arith.constant 5 : i32
    %barrier3A_107 = arith.constant 0 : index
    tpu.barrier barrier_id(%barrier3A_107)
    %lt3A_108 = arith.constant 10 : i32
    %lt3A_109 = arith.cmpi slt, %arg1, %lt3A_108 : i32
    %convert_element_type3A_110 = arith.extui %lt3A_109 : i1 to i32
    %cond3A_111 = arith.constant 0 : i32
    %cond3A_112 = arith.cmpi ne, %convert_element_type3A_110, %cond3A_111 : i32
    scf.if %cond3A_112 {
      %mul3A_113 = arith.constant 1000 : i32
      %mul3A_114 = arith.muli %arg1, %mul3A_113 : i32
      "tpu.region"() ({
        %run_scoped3A = tpu.sem_alloc : memref<!tpu.dma_semaphore, #tpu.memory_space<semaphore_mem>>
        %dma_start3A = tpu.memref_slice %arg14[%mul3A_114] : memref<10000xf32, #tpu.memory_space<vmem_shared>> -> memref<1000xf32, #tpu.memory_space<vmem_shared>>
        %dma_start3A_120 = tpu.memref_slice %arg14[%mul3A_114] : memref<10000xf32, #tpu.memory_space<vmem_shared>> -> memref<1000xf32, #tpu.memory_space<vmem_shared>>
        tpu.enqueue_dma source(%dma_start3A_120 : memref<1000xf32, #tpu.memory_space<vmem_shared>>) target(%arg12 : memref<1000xf32, #tpu.memory_space<vmem>>) target_semaphore(%run_scoped3A : memref<!tpu.dma_semaphore, #tpu.memory_space<semaphore_mem>>)
        %dma_wait3A = tpu.memref_slice %arg14[%mul3A_114] : memref<10000xf32, #tpu.memory_space<vmem_shared>> -> memref<1000xf32, #tpu.memory_space<vmem_shared>>
        %dma_wait3A_121 = tpu.memref_slice %arg14[%mul3A_114] : memref<10000xf32, #tpu.memory_space<vmem_shared>> -> memref<1000xf32, #tpu.memory_space<vmem_shared>>
        tpu.wait_dma2 semaphore(%run_scoped3A : memref<!tpu.dma_semaphore, #tpu.memory_space<semaphore_mem>>) src(%dma_wait3A_121 : memref<1000xf32, #tpu.memory_space<vmem_shared>>) dst(%arg12 : memref<1000xf32, #tpu.memory_space<vmem>>)
        tpu.yield
      }) : () -> ()
      %mul3A_115 = arith.constant 10000 : i32
      %mul3A_116 = arith.muli %arg0, %mul3A_115 : i32
      %mul3A_117 = arith.constant 1000 : i32
      %mul3A_118 = arith.muli %arg1, %mul3A_117 : i32
      %add3A_119 = arith.addi %mul3A_116, %mul3A_118 : i32
      "tpu.region"() ({
        %run_scoped3A = tpu.sem_alloc : memref<!tpu.dma_semaphore, #tpu.memory_space<semaphore_mem>>
        %dma_start3A = tpu.memref_slice %arg6[%add3A_119] : memref<20000xf32, #tpu.memory_space<hbm>> -> memref<1000xf32, #tpu.memory_space<hbm>>
        %dma_start3A_120 = tpu.memref_slice %arg6[%add3A_119] : memref<20000xf32, #tpu.memory_space<hbm>> -> memref<1000xf32, #tpu.memory_space<hbm>>
        tpu.enqueue_dma source(%arg12 : memref<1000xf32, #tpu.memory_space<vmem>>) target(%dma_start3A_120 : memref<1000xf32, #tpu.memory_space<hbm>>) target_semaphore(%run_scoped3A : memref<!tpu.dma_semaphore, #tpu.memory_space<semaphore_mem>>)
        %dma_wait3A = tpu.memref_slice %arg6[%add3A_119] : memref<20000xf32, #tpu.memory_space<hbm>> -> memref<1000xf32, #tpu.memory_space<hbm>>
        %dma_wait3A_121 = tpu.memref_slice %arg6[%add3A_119] : memref<20000xf32, #tpu.memory_space<hbm>> -> memref<1000xf32, #tpu.memory_space<hbm>>
        tpu.wait_dma2 semaphore(%run_scoped3A : memref<!tpu.dma_semaphore, #tpu.memory_space<semaphore_mem>>) src(%arg12 : memref<1000xf32, #tpu.memory_space<vmem>>) dst(%dma_wait3A_121 : memref<1000xf32, #tpu.memory_space<hbm>>)
        tpu.yield
      }) : () -> ()
    } else {
    }
    return
  }
}

module attributes {stable_mosaic.version = 14 : i64} {
  func.func @_tc1_body(%arg0: i32, %arg1: i32, %arg2: memref<2000x15xf32, #tpu.memory_space<vmem>>, %arg3: memref<15x10000xf32, #tpu.memory_space<vmem>>, %arg4: memref<1x15x64xf32, #tpu.memory_space<vmem>>, %arg5: memref<1x2x15xf32, #tpu.memory_space<vmem>>, %arg6: memref<1x2x15xf32, #tpu.memory_space<vmem>>, %arg7: memref<1x2000x64xf32, #tpu.memory_space<vmem>>, %arg8: memref<1x2x10000xf32, #tpu.memory_space<vmem>>, %arg9: memref<1x2x10000xf32, #tpu.memory_space<vmem>>) attributes {dimension_semantics = [#tpu.dimension_semantics<arbitrary>, #tpu.dimension_semantics<arbitrary>], iteration_bounds = array<i64: 4, 5>, scalar_prefetch = 0 : i64, scratch_operands = 0 : i64, tpu.core_type = #tpu.core_type<tc>, window_params = [{transform_indices = @transform_0, window_bounds = array<i64: 2000, 15>}, {pipeline_mode = #tpu.pipeline_mode<synchronous>, transform_indices = @transform_1, window_bounds = array<i64: 15, 10000>}, {transform_indices = @transform_2, window_bounds = array<i64: 1, 15, 64>}, {transform_indices = @transform_3, window_bounds = array<i64: 1, 2, 15>}, {transform_indices = @transform_4, window_bounds = array<i64: 1, 2, 15>}, {transform_indices = @transform_5, window_bounds = array<i64: 1, 2000, 64>}, {transform_indices = @transform_6, window_bounds = array<i64: 1, 2, 10000>}, {transform_indices = @transform_7, window_bounds = array<i64: 1, 2, 10000>}]} {
    %get3A = arith.constant 0 : index
    %get3A_0 = arith.constant 0 : index
    %get3A_1 = vector.load %arg2[%get3A, %get3A_0] : memref<2000x15xf32, #tpu.memory_space<vmem>>, vector<2000x15xf32>
    %get3A_2 = arith.constant 0 : index
    %get3A_3 = arith.constant 0 : index
    %get3A_4 = arith.constant 0 : index
    %get3A_5 = vector.load %arg4[%get3A_2, %get3A_3, %get3A_4] : memref<1x15x64xf32, #tpu.memory_space<vmem>>, vector<1x15x64xf32>
    %get3A_6 = vector.shape_cast %get3A_5 : vector<1x15x64xf32> to vector<15x64xf32>
    %dot_general3A = arith.constant dense<0.000000e+00> : vector<2000x64xf32>
    %dot_general3A_7 = tpu.matmul %get3A_1, %get3A_6, %dot_general3A {dimension_numbers = #tpu.dot_dimension_numbers<[1], [0], [0], [1], [0, 0, 1, 1], [], []>, precision = #tpu.contract_precision<fp32>, transpose_lhs_hint = false} : vector<2000x15xf32>, vector<15x64xf32>, vector<2000x64xf32> -> vector<2000x64xf32>
    %swap3A = arith.constant 0 : index
    %swap3A_8 = arith.constant 0 : index
    %swap3A_9 = arith.constant 0 : index
    %swap3A_10 = vector.load %arg7[%swap3A, %swap3A_8, %swap3A_9] : memref<1x2000x64xf32, #tpu.memory_space<vmem>>, vector<1x2000x64xf32>
    %swap3A_11 = vector.shape_cast %swap3A_10 : vector<1x2000x64xf32> to vector<2000x64xf32>
    %swap3A_12 = vector.shape_cast %dot_general3A_7 : vector<2000x64xf32> to vector<1x2000x64xf32>
    tpu.vector_store %arg7[%swap3A, %swap3A_8, %swap3A_9], %swap3A_12 {strides = array<i32>} : memref<1x2000x64xf32, #tpu.memory_space<vmem>>, vector<1x2000x64xf32>,
    %eq3A = arith.constant 0 : i32
    %eq3A_13 = arith.cmpi eq, %arg1, %eq3A : i32
    %jit3A = arith.constant 2 : i32
    %eq3A_14 = arith.constant 0 : i32
    %eq3A_15 = arith.cmpi eq, %jit3A, %eq3A_14 : i32
    %jit3A_16 = arith.constant 1 : i32
    %select_n3A = arith.select %eq3A_15, %jit3A_16, %jit3A : i32
    %rem3A = arith.remsi %arg0, %select_n3A : i32
    %ne3A = arith.constant 0 : i32
    %ne3A_17 = arith.cmpi ne, %rem3A, %ne3A : i32
    %lt3A = arith.constant 0 : i32
    %lt3A_18 = arith.cmpi slt, %rem3A, %lt3A : i32
    %lt3A_19 = arith.constant 0 : i32
    %lt3A_20 = arith.cmpi slt, %select_n3A, %lt3A_19 : i32
    %ne3A_21 = arith.xori %lt3A_18, %lt3A_20 : i1
    %and3A = arith.andi %ne3A_21, %ne3A_17 : i1
    %add3A = arith.addi %rem3A, %select_n3A : i32
    %select_n3A_22 = arith.select %and3A, %add3A, %rem3A : i32
    %eq3A_23 = arith.constant 0 : i32
    %eq3A_24 = arith.cmpi eq, %select_n3A_22, %eq3A_23 : i32
    %and3A_25 = arith.andi %eq3A_13, %eq3A_24 : i1
    %convert_element_type3A = arith.extui %and3A_25 : i1 to i32
    %cond3A = arith.constant 0 : i32
    %cond3A_26 = arith.cmpi ne, %convert_element_type3A, %cond3A : i32
    scf.if %cond3A_26 {
      %get3A_27 = arith.constant 0 : index
      %get3A_28 = arith.constant 0 : index
      %get3A_29 = vector.load %arg3[%get3A_27, %get3A_28] : memref<15x10000xf32, #tpu.memory_space<vmem>>, vector<15x10000xf32>
      %get3A_30 = arith.constant 0 : index
      %get3A_31 = arith.constant 0 : index
      %get3A_32 = arith.constant 0 : index
      %get3A_33 = vector.load %arg5[%get3A_30, %get3A_31, %get3A_32] : memref<1x2x15xf32, #tpu.memory_space<vmem>>, vector<1x2x15xf32>
      %get3A_34 = vector.shape_cast %get3A_33 : vector<1x2x15xf32> to vector<2x15xf32>
      %dot_general3A_35 = arith.constant dense<0.000000e+00> : vector<2x10000xf32>
      %dot_general3A_36 = tpu.matmul %get3A_34, %get3A_29, %dot_general3A_35 {dimension_numbers = #tpu.dot_dimension_numbers<[1], [0], [0], [1], [0, 0, 1, 1], [], []>, precision = #tpu.contract_precision<fp32>, transpose_lhs_hint = false} : vector<2x15xf32>, vector<15x10000xf32>, vector<2x10000xf32> -> vector<2x10000xf32>
      %swap3A_37 = arith.constant 0 : index
      %swap3A_38 = arith.constant 0 : index
      %swap3A_39 = arith.constant 0 : index
      %swap3A_40 = vector.load %arg8[%swap3A_37, %swap3A_38, %swap3A_39] : memref<1x2x10000xf32, #tpu.memory_space<vmem>>, vector<1x2x10000xf32>
      %swap3A_41 = vector.shape_cast %swap3A_40 : vector<1x2x10000xf32> to vector<2x10000xf32>
      %swap3A_42 = vector.shape_cast %dot_general3A_36 : vector<2x10000xf32> to vector<1x2x10000xf32>
      tpu.vector_store %arg8[%swap3A_37, %swap3A_38, %swap3A_39], %swap3A_42 {strides = array<i32>} : memref<1x2x10000xf32, #tpu.memory_space<vmem>>, vector<1x2x10000xf32>,
      %get3A_43 = arith.constant 0 : index
      %get3A_44 = arith.constant 0 : index
      %get3A_45 = arith.constant 0 : index
      %get3A_46 = vector.load %arg6[%get3A_43, %get3A_44, %get3A_45] : memref<1x2x15xf32, #tpu.memory_space<vmem>>, vector<1x2x15xf32>
      %get3A_47 = vector.shape_cast %get3A_46 : vector<1x2x15xf32> to vector<2x15xf32>
      %dot_general3A_48 = arith.constant dense<0.000000e+00> : vector<2x10000xf32>
      %dot_general3A_49 = tpu.matmul %get3A_47, %get3A_29, %dot_general3A_48 {dimension_numbers = #tpu.dot_dimension_numbers<[1], [0], [0], [1], [0, 0, 1, 1], [], []>, precision = #tpu.contract_precision<fp32>, transpose_lhs_hint = false} : vector<2x15xf32>, vector<15x10000xf32>, vector<2x10000xf32> -> vector<2x10000xf32>
      %swap3A_50 = arith.constant 0 : index
      %swap3A_51 = arith.constant 0 : index
      %swap3A_52 = arith.constant 0 : index
      %swap3A_53 = vector.load %arg9[%swap3A_50, %swap3A_51, %swap3A_52] : memref<1x2x10000xf32, #tpu.memory_space<vmem>>, vector<1x2x10000xf32>
      %swap3A_54 = vector.shape_cast %swap3A_53 : vector<1x2x10000xf32> to vector<2x10000xf32>
      %swap3A_55 = vector.shape_cast %dot_general3A_49 : vector<2x10000xf32> to vector<1x2x10000xf32>
      tpu.vector_store %arg9[%swap3A_50, %swap3A_51, %swap3A_52], %swap3A_55 {strides = array<i32>} : memref<1x2x10000xf32, #tpu.memory_space<vmem>>, vector<1x2x10000xf32>,
    } else {
    }
    return
  }
  func.func @transform_0(%arg0: i32, %arg1: i32) -> (i32, i32) {
    %c0_i32 = arith.constant 0 : i32
    %c0_i32_0 = arith.constant 0 : i32
    return %arg1, %c0_i32 : i32, i32
  }
  func.func @transform_1(%arg0: i32, %arg1: i32) -> (i32, i32) {
    %c0_i32 = arith.constant 0 : i32
    %c0_i32_0 = arith.constant 0 : i32
    %c0_i32_1 = arith.constant 0 : i32
    return %c0_i32, %c0_i32_0 : i32, i32
  }
  func.func @transform_2(%arg0: i32, %arg1: i32) -> (i32, i32, i32) {
    %c0_i32 = arith.constant 0 : i32
    %c0_i32_0 = arith.constant 0 : i32
    %c0_i32_1 = arith.constant 0 : i32
    return %arg0, %c0_i32, %c0_i32_0 : i32, i32, i32
  }
  func.func @transform_3(%arg0: i32, %arg1: i32) -> (i32, i32, i32) {
    %jit3A = arith.constant 2 : i32
    %div3A = arith.divsi %arg0, %jit3A : i32
    %sign3A = arith.constant 0 : i32
    %sign3A_0 = arith.cmpi sgt, %arg0, %sign3A : i32
    %sign3A_1 = arith.extui %sign3A_0 : i1 to i32
    %sign3A_2 = arith.constant 0 : i32
    %sign3A_3 = arith.cmpi slt, %arg0, %sign3A_2 : i32
    %sign3A_4 = arith.extui %sign3A_3 : i1 to i32
    %sign3A_5 = arith.subi %sign3A_1, %sign3A_4 : i32
    %sign3A_6 = arith.constant 0 : i32
    %sign3A_7 = arith.cmpi sgt, %jit3A, %sign3A_6 : i32
    %sign3A_8 = arith.extui %sign3A_7 : i1 to i32
    %sign3A_9 = arith.constant 0 : i32
    %sign3A_10 = arith.cmpi slt, %jit3A, %sign3A_9 : i32
    %sign3A_11 = arith.extui %sign3A_10 : i1 to i32
    %sign3A_12 = arith.subi %sign3A_8, %sign3A_11 : i32
    %ne3A = arith.cmpi ne, %sign3A_5, %sign3A_12 : i32
    %rem3A = arith.remsi %arg0, %jit3A : i32
    %ne3A_13 = arith.constant 0 : i32
    %ne3A_14 = arith.cmpi ne, %rem3A, %ne3A_13 : i32
    %and3A = arith.andi %ne3A, %ne3A_14 : i1
    %sub3A = arith.constant 1 : i32
    %sub3A_15 = arith.subi %div3A, %sub3A : i32
    %select_n3A = arith.select %and3A, %sub3A_15, %div3A : i32
    %c0_i32 = arith.constant 0 : i32
    %c0_i32_16 = arith.constant 0 : i32
    %c0_i32_17 = arith.constant 0 : i32
    return %select_n3A, %c0_i32, %c0_i32_16 : i32, i32, i32
  }
  func.func @transform_4(%arg0: i32, %arg1: i32) -> (i32, i32, i32) {
    %jit3A = arith.constant 2 : i32
    %div3A = arith.divsi %arg0, %jit3A : i32
    %sign3A = arith.constant 0 : i32
    %sign3A_0 = arith.cmpi sgt, %arg0, %sign3A : i32
    %sign3A_1 = arith.extui %sign3A_0 : i1 to i32
    %sign3A_2 = arith.constant 0 : i32
    %sign3A_3 = arith.cmpi slt, %arg0, %sign3A_2 : i32
    %sign3A_4 = arith.extui %sign3A_3 : i1 to i32
    %sign3A_5 = arith.subi %sign3A_1, %sign3A_4 : i32
    %sign3A_6 = arith.constant 0 : i32
    %sign3A_7 = arith.cmpi sgt, %jit3A, %sign3A_6 : i32
    %sign3A_8 = arith.extui %sign3A_7 : i1 to i32
    %sign3A_9 = arith.constant 0 : i32
    %sign3A_10 = arith.cmpi slt, %jit3A, %sign3A_9 : i32
    %sign3A_11 = arith.extui %sign3A_10 : i1 to i32
    %sign3A_12 = arith.subi %sign3A_8, %sign3A_11 : i32
    %ne3A = arith.cmpi ne, %sign3A_5, %sign3A_12 : i32
    %rem3A = arith.remsi %arg0, %jit3A : i32
    %ne3A_13 = arith.constant 0 : i32
    %ne3A_14 = arith.cmpi ne, %rem3A, %ne3A_13 : i32
    %and3A = arith.andi %ne3A, %ne3A_14 : i1
    %sub3A = arith.constant 1 : i32
    %sub3A_15 = arith.subi %div3A, %sub3A : i32
    %select_n3A = arith.select %and3A, %sub3A_15, %div3A : i32
    %c0_i32 = arith.constant 0 : i32
    %c0_i32_16 = arith.constant 0 : i32
    %c0_i32_17 = arith.constant 0 : i32
    return %select_n3A, %c0_i32, %c0_i32_16 : i32, i32, i32
  }
  func.func @transform_5(%arg0: i32, %arg1: i32) -> (i32, i32, i32) {
    %c0_i32 = arith.constant 0 : i32
    %c0_i32_0 = arith.constant 0 : i32
    return %arg0, %arg1, %c0_i32 : i32, i32, i32
  }
  func.func @transform_6(%arg0: i32, %arg1: i32) -> (i32, i32, i32) {
    %jit3A = arith.constant 2 : i32
    %div3A = arith.divsi %arg0, %jit3A : i32
    %sign3A = arith.constant 0 : i32
    %sign3A_0 = arith.cmpi sgt, %arg0, %sign3A : i32
    %sign3A_1 = arith.extui %sign3A_0 : i1 to i32
    %sign3A_2 = arith.constant 0 : i32
    %sign3A_3 = arith.cmpi slt, %arg0, %sign3A_2 : i32
    %sign3A_4 = arith.extui %sign3A_3 : i1 to i32
    %sign3A_5 = arith.subi %sign3A_1, %sign3A_4 : i32
    %sign3A_6 = arith.constant 0 : i32
    %sign3A_7 = arith.cmpi sgt, %jit3A, %sign3A_6 : i32
    %sign3A_8 = arith.extui %sign3A_7 : i1 to i32
    %sign3A_9 = arith.constant 0 : i32
    %sign3A_10 = arith.cmpi slt, %jit3A, %sign3A_9 : i32
    %sign3A_11 = arith.extui %sign3A_10 : i1 to i32
    %sign3A_12 = arith.subi %sign3A_8, %sign3A_11 : i32
    %ne3A = arith.cmpi ne, %sign3A_5, %sign3A_12 : i32
    %rem3A = arith.remsi %arg0, %jit3A : i32
    %ne3A_13 = arith.constant 0 : i32
    %ne3A_14 = arith.cmpi ne, %rem3A, %ne3A_13 : i32
    %and3A = arith.andi %ne3A, %ne3A_14 : i1
    %sub3A = arith.constant 1 : i32
    %sub3A_15 = arith.subi %div3A, %sub3A : i32
    %select_n3A = arith.select %and3A, %sub3A_15, %div3A : i32
    %c0_i32 = arith.constant 0 : i32
    %c0_i32_16 = arith.constant 0 : i32
    %c0_i32_17 = arith.constant 0 : i32
    return %select_n3A, %c0_i32, %c0_i32_16 : i32, i32, i32
  }
  func.func @transform_7(%arg0: i32, %arg1: i32) -> (i32, i32, i32) {
    %jit3A = arith.constant 2 : i32
    %div3A = arith.divsi %arg0, %jit3A : i32
    %sign3A = arith.constant 0 : i32
    %sign3A_0 = arith.cmpi sgt, %arg0, %sign3A : i32
    %sign3A_1 = arith.extui %sign3A_0 : i1 to i32
    %sign3A_2 = arith.constant 0 : i32
    %sign3A_3 = arith.cmpi slt, %arg0, %sign3A_2 : i32
    %sign3A_4 = arith.extui %sign3A_3 : i1 to i32
    %sign3A_5 = arith.subi %sign3A_1, %sign3A_4 : i32
    %sign3A_6 = arith.constant 0 : i32
    %sign3A_7 = arith.cmpi sgt, %jit3A, %sign3A_6 : i32
    %sign3A_8 = arith.extui %sign3A_7 : i1 to i32
    %sign3A_9 = arith.constant 0 : i32
    %sign3A_10 = arith.cmpi slt, %jit3A, %sign3A_9 : i32
    %sign3A_11 = arith.extui %sign3A_10 : i1 to i32
    %sign3A_12 = arith.subi %sign3A_8, %sign3A_11 : i32
    %ne3A = arith.cmpi ne, %sign3A_5, %sign3A_12 : i32
    %rem3A = arith.remsi %arg0, %jit3A : i32
    %ne3A_13 = arith.constant 0 : i32
    %ne3A_14 = arith.cmpi ne, %rem3A, %ne3A_13 : i32
    %and3A = arith.andi %ne3A, %ne3A_14 : i1
    %sub3A = arith.constant 1 : i32
    %sub3A_15 = arith.subi %div3A, %sub3A : i32
    %select_n3A = arith.select %and3A, %sub3A_15, %div3A : i32
    %c0_i32 = arith.constant 0 : i32
    %c0_i32_16 = arith.constant 0 : i32
    %c0_i32_17 = arith.constant 0 : i32
    return %select_n3A, %c0_i32, %c0_i32_16 : i32, i32, i32
  }
}

module attributes {stable_mosaic.version = 14 : i64} {
  func.func @_tc2_body(%arg0: i32, %arg1: memref<4x400x64xf32, #tpu.memory_space<vmem>>, %arg2: memref<4x400x8xf32, #tpu.memory_space<vmem>>, %arg3: memref<1x256xf32, #tpu.memory_space<vmem>>, %arg4: memref<256x64xf32, #tpu.memory_space<vmem>>, %arg5: memref<64x2xf32, #tpu.memory_space<vmem>>, %arg6: memref<400x64xf32, #tpu.memory_space<vmem>>, %arg7: memref<400x2xf32, #tpu.memory_space<vmem>>) attributes {dimension_semantics = [#tpu.dimension_semantics<arbitrary>], iteration_bounds = array<i64: 25>, scalar_prefetch = 0 : i64, scratch_operands = 0 : i64, tpu.core_type = #tpu.core_type<tc>, window_params = [{transform_indices = @transform_0, window_bounds = array<i64: 4, 400, 64>}, {transform_indices = @transform_1, window_bounds = array<i64: 4, 400, 8>}, {pipeline_mode = #tpu.pipeline_mode<synchronous>, transform_indices = @transform_2, window_bounds = array<i64: 1, 256>}, {pipeline_mode = #tpu.pipeline_mode<synchronous>, transform_indices = @transform_3, window_bounds = array<i64: 256, 64>}, {pipeline_mode = #tpu.pipeline_mode<synchronous>, transform_indices = @transform_4, window_bounds = array<i64: 64, 2>}, {transform_indices = @transform_5, window_bounds = array<i64: 400, 64>}, {transform_indices = @transform_6, window_bounds = array<i64: 400, 2>}]} {
    %get3A = arith.constant 0 : index
    %get3A_0 = arith.constant 0 : index
    %get3A_1 = vector.load %arg3[%get3A, %get3A_0] : memref<1x256xf32, #tpu.memory_space<vmem>>, vector<1x256xf32>
    %get3A_2 = arith.constant 0 : index
    %get3A_3 = arith.constant 0 : index
    %get3A_4 = arith.constant 0 : index
    %get3A_5 = vector.load %arg1[%get3A_2, %get3A_3, %get3A_4] : memref<4x400x64xf32, #tpu.memory_space<vmem>>, vector<1x400x64xf32>
    %get3A_6 = vector.shape_cast %get3A_5 : vector<1x400x64xf32> to vector<400x64xf32>
    %get3A_7 = arith.constant 0 : index
    %get3A_8 = arith.constant 0 : index
    %get3A_9 = arith.constant 0 : index
    %get3A_10 = vector.load %arg2[%get3A_7, %get3A_8, %get3A_9] : memref<4x400x8xf32, #tpu.memory_space<vmem>>, vector<1x400x1xf32>
    %get3A_11 = vector.shape_cast %get3A_10 : vector<1x400x1xf32> to vector<400x1xf32>
    %broadcast_in_dim3A = vector.shape_cast %get3A_11 : vector<400x1xf32> to vector<400x1x1xf32>
    %broadcast_in_dim3A_12 = vector.broadcast %broadcast_in_dim3A : vector<400x1x1xf32> to vector<400x1x64xf32>
    %reshape3A = vector.shape_cast %broadcast_in_dim3A_12 : vector<400x1x64xf32> to vector<400x64xf32>
    %gt3A = arith.constant 0.000000e+00 : f32
    %gt3A_13 = vector.broadcast %gt3A : f32 to vector<400x64xf32>
    %gt3A_14 = arith.cmpf ogt, %reshape3A, %gt3A_13 : vector<400x64xf32>
    %div3A = arith.divf %get3A_6, %reshape3A : vector<400x64xf32>
    %jit3A = arith.constant 0.000000e+00 : f32
    %broadcast_in_dim3A_15 = vector.broadcast %jit3A : f32 to vector<400x64xf32>
    %select_n3A = arith.select %gt3A_14, %div3A, %broadcast_in_dim3A_15 : vector<400x64xi1>, vector<400x64xf32>
    %slice3A = vector.extract_strided_slice %get3A_1 {offsets = [0, 0], sizes = [1, 64], strides = [1, 1]} : vector<1x256xf32> to vector<1x64xf32>
    %add3A = vector.broadcast %slice3A : vector<1x64xf32> to vector<400x64xf32>
    %add3A_16 = arith.addf %select_n3A, %add3A : vector<400x64xf32>
    %gt3A_17 = arith.constant 0.000000e+00 : f32
    %gt3A_18 = vector.broadcast %gt3A_17 : f32 to vector<400x64xf32>
    %gt3A_19 = arith.cmpf ogt, %add3A_16, %gt3A_18 : vector<400x64xf32>
    %exp3A = math.exp %add3A_16 : vector<400x64xf32>
    %sub3A = arith.constant 1.000000e+00 : f32
    %sub3A_20 = vector.broadcast %sub3A : f32 to vector<400x64xf32>
    %sub3A_21 = arith.subf %exp3A, %sub3A_20 : vector<400x64xf32>
    %select_n3A_22 = arith.select %gt3A_19, %add3A_16, %sub3A_21 : vector<400x64xi1>, vector<400x64xf32>
    %get3A_23 = arith.constant 1 : index
    %get3A_24 = arith.constant 0 : index
    %get3A_25 = arith.constant 0 : index
    %get3A_26 = vector.load %arg1[%get3A_23, %get3A_24, %get3A_25] : memref<4x400x64xf32, #tpu.memory_space<vmem>>, vector<1x400x64xf32>
    %get3A_27 = vector.shape_cast %get3A_26 : vector<1x400x64xf32> to vector<400x64xf32>
    %get3A_28 = arith.constant 1 : index
    %get3A_29 = arith.constant 0 : index
    %get3A_30 = arith.constant 0 : index
    %get3A_31 = vector.load %arg2[%get3A_28, %get3A_29, %get3A_30] : memref<4x400x8xf32, #tpu.memory_space<vmem>>, vector<1x400x1xf32>
    %get3A_32 = vector.shape_cast %get3A_31 : vector<1x400x1xf32> to vector<400x1xf32>
    %broadcast_in_dim3A_33 = vector.shape_cast %get3A_32 : vector<400x1xf32> to vector<400x1x1xf32>
    %broadcast_in_dim3A_34 = vector.broadcast %broadcast_in_dim3A_33 : vector<400x1x1xf32> to vector<400x1x64xf32>
    %reshape3A_35 = vector.shape_cast %broadcast_in_dim3A_34 : vector<400x1x64xf32> to vector<400x64xf32>
    %gt3A_36 = arith.constant 0.000000e+00 : f32
    %gt3A_37 = vector.broadcast %gt3A_36 : f32 to vector<400x64xf32>
    %gt3A_38 = arith.cmpf ogt, %reshape3A_35, %gt3A_37 : vector<400x64xf32>
    %div3A_39 = arith.divf %get3A_27, %reshape3A_35 : vector<400x64xf32>
    %jit3A_40 = arith.constant 0.000000e+00 : f32
    %broadcast_in_dim3A_41 = vector.broadcast %jit3A_40 : f32 to vector<400x64xf32>
    %select_n3A_42 = arith.select %gt3A_38, %div3A_39, %broadcast_in_dim3A_41 : vector<400x64xi1>, vector<400x64xf32>
    %slice3A_43 = vector.extract_strided_slice %get3A_1 {offsets = [0, 64], sizes = [1, 64], strides = [1, 1]} : vector<1x256xf32> to vector<1x64xf32>
    %add3A_44 = vector.broadcast %slice3A_43 : vector<1x64xf32> to vector<400x64xf32>
    %add3A_45 = arith.addf %select_n3A_42, %add3A_44 : vector<400x64xf32>
    %gt3A_46 = arith.constant 0.000000e+00 : f32
    %gt3A_47 = vector.broadcast %gt3A_46 : f32 to vector<400x64xf32>
    %gt3A_48 = arith.cmpf ogt, %add3A_45, %gt3A_47 : vector<400x64xf32>
    %exp3A_49 = math.exp %add3A_45 : vector<400x64xf32>
    %sub3A_50 = arith.constant 1.000000e+00 : f32
    %sub3A_51 = vector.broadcast %sub3A_50 : f32 to vector<400x64xf32>
    %sub3A_52 = arith.subf %exp3A_49, %sub3A_51 : vector<400x64xf32>
    %select_n3A_53 = arith.select %gt3A_48, %add3A_45, %sub3A_52 : vector<400x64xi1>, vector<400x64xf32>
    %get3A_54 = arith.constant 2 : index
    %get3A_55 = arith.constant 0 : index
    %get3A_56 = arith.constant 0 : index
    %get3A_57 = vector.load %arg1[%get3A_54, %get3A_55, %get3A_56] : memref<4x400x64xf32, #tpu.memory_space<vmem>>, vector<1x400x64xf32>
    %get3A_58 = vector.shape_cast %get3A_57 : vector<1x400x64xf32> to vector<400x64xf32>
    %get3A_59 = arith.constant 2 : index
    %get3A_60 = arith.constant 0 : index
    %get3A_61 = arith.constant 0 : index
    %get3A_62 = vector.load %arg2[%get3A_59, %get3A_60, %get3A_61] : memref<4x400x8xf32, #tpu.memory_space<vmem>>, vector<1x400x1xf32>
    %get3A_63 = vector.shape_cast %get3A_62 : vector<1x400x1xf32> to vector<400x1xf32>
    %broadcast_in_dim3A_64 = vector.shape_cast %get3A_63 : vector<400x1xf32> to vector<400x1x1xf32>
    %broadcast_in_dim3A_65 = vector.broadcast %broadcast_in_dim3A_64 : vector<400x1x1xf32> to vector<400x1x64xf32>
    %reshape3A_66 = vector.shape_cast %broadcast_in_dim3A_65 : vector<400x1x64xf32> to vector<400x64xf32>
    %gt3A_67 = arith.constant 0.000000e+00 : f32
    %gt3A_68 = vector.broadcast %gt3A_67 : f32 to vector<400x64xf32>
    %gt3A_69 = arith.cmpf ogt, %reshape3A_66, %gt3A_68 : vector<400x64xf32>
    %div3A_70 = arith.divf %get3A_58, %reshape3A_66 : vector<400x64xf32>
    %jit3A_71 = arith.constant 0.000000e+00 : f32
    %broadcast_in_dim3A_72 = vector.broadcast %jit3A_71 : f32 to vector<400x64xf32>
    %select_n3A_73 = arith.select %gt3A_69, %div3A_70, %broadcast_in_dim3A_72 : vector<400x64xi1>, vector<400x64xf32>
    %slice3A_74 = vector.extract_strided_slice %get3A_1 {offsets = [0, 128], sizes = [1, 64], strides = [1, 1]} : vector<1x256xf32> to vector<1x64xf32>
    %add3A_75 = vector.broadcast %slice3A_74 : vector<1x64xf32> to vector<400x64xf32>
    %add3A_76 = arith.addf %select_n3A_73, %add3A_75 : vector<400x64xf32>
    %gt3A_77 = arith.constant 0.000000e+00 : f32
    %gt3A_78 = vector.broadcast %gt3A_77 : f32 to vector<400x64xf32>
    %gt3A_79 = arith.cmpf ogt, %add3A_76, %gt3A_78 : vector<400x64xf32>
    %exp3A_80 = math.exp %add3A_76 : vector<400x64xf32>
    %sub3A_81 = arith.constant 1.000000e+00 : f32
    %sub3A_82 = vector.broadcast %sub3A_81 : f32 to vector<400x64xf32>
    %sub3A_83 = arith.subf %exp3A_80, %sub3A_82 : vector<400x64xf32>
    %select_n3A_84 = arith.select %gt3A_79, %add3A_76, %sub3A_83 : vector<400x64xi1>, vector<400x64xf32>
    %get3A_85 = arith.constant 3 : index
    %get3A_86 = arith.constant 0 : index
    %get3A_87 = arith.constant 0 : index
    %get3A_88 = vector.load %arg1[%get3A_85, %get3A_86, %get3A_87] : memref<4x400x64xf32, #tpu.memory_space<vmem>>, vector<1x400x64xf32>
    %get3A_89 = vector.shape_cast %get3A_88 : vector<1x400x64xf32> to vector<400x64xf32>
    %get3A_90 = arith.constant 3 : index
    %get3A_91 = arith.constant 0 : index
    %get3A_92 = arith.constant 0 : index
    %get3A_93 = vector.load %arg2[%get3A_90, %get3A_91, %get3A_92] : memref<4x400x8xf32, #tpu.memory_space<vmem>>, vector<1x400x1xf32>
    %get3A_94 = vector.shape_cast %get3A_93 : vector<1x400x1xf32> to vector<400x1xf32>
    %broadcast_in_dim3A_95 = vector.shape_cast %get3A_94 : vector<400x1xf32> to vector<400x1x1xf32>
    %broadcast_in_dim3A_96 = vector.broadcast %broadcast_in_dim3A_95 : vector<400x1x1xf32> to vector<400x1x64xf32>
    %reshape3A_97 = vector.shape_cast %broadcast_in_dim3A_96 : vector<400x1x64xf32> to vector<400x64xf32>
    %gt3A_98 = arith.constant 0.000000e+00 : f32
    %gt3A_99 = vector.broadcast %gt3A_98 : f32 to vector<400x64xf32>
    %gt3A_100 = arith.cmpf ogt, %reshape3A_97, %gt3A_99 : vector<400x64xf32>
    %div3A_101 = arith.divf %get3A_89, %reshape3A_97 : vector<400x64xf32>
    %jit3A_102 = arith.constant 0.000000e+00 : f32
    %broadcast_in_dim3A_103 = vector.broadcast %jit3A_102 : f32 to vector<400x64xf32>
    %select_n3A_104 = arith.select %gt3A_100, %div3A_101, %broadcast_in_dim3A_103 : vector<400x64xi1>, vector<400x64xf32>
    %slice3A_105 = vector.extract_strided_slice %get3A_1 {offsets = [0, 192], sizes = [1, 64], strides = [1, 1]} : vector<1x256xf32> to vector<1x64xf32>
    %add3A_106 = vector.broadcast %slice3A_105 : vector<1x64xf32> to vector<400x64xf32>
    %add3A_107 = arith.addf %select_n3A_104, %add3A_106 : vector<400x64xf32>
    %gt3A_108 = arith.constant 0.000000e+00 : f32
    %gt3A_109 = vector.broadcast %gt3A_108 : f32 to vector<400x64xf32>
    %gt3A_110 = arith.cmpf ogt, %add3A_107, %gt3A_109 : vector<400x64xf32>
    %exp3A_111 = math.exp %add3A_107 : vector<400x64xf32>
    %sub3A_112 = arith.constant 1.000000e+00 : f32
    %sub3A_113 = vector.broadcast %sub3A_112 : f32 to vector<400x64xf32>
    %sub3A_114 = arith.subf %exp3A_111, %sub3A_113 : vector<400x64xf32>
    %select_n3A_115 = arith.select %gt3A_110, %add3A_107, %sub3A_114 : vector<400x64xi1>, vector<400x64xf32>
    %concatenate3A = tpu.concatenate %select_n3A_22, %select_n3A_53, %select_n3A_84, %select_n3A_115 in 1 : vector<400x64xf32>, vector<400x64xf32>, vector<400x64xf32>, vector<400x64xf32> -> vector<400x256xf32>
    %get3A_116 = arith.constant 0 : index
    %get3A_117 = arith.constant 0 : index
    %get3A_118 = vector.load %arg4[%get3A_116, %get3A_117] : memref<256x64xf32, #tpu.memory_space<vmem>>, vector<256x64xf32>
    %dot_general3A = arith.constant dense<0.000000e+00> : vector<400x64xf32>
    %dot_general3A_119 = tpu.matmul %concatenate3A, %get3A_118, %dot_general3A {dimension_numbers = #tpu.dot_dimension_numbers<[1], [0], [0], [1], [0, 0, 1, 1], [], []>, precision = #tpu.contract_precision<fp32>, transpose_lhs_hint = false} : vector<400x256xf32>, vector<256x64xf32>, vector<400x64xf32> -> vector<400x64xf32>
    %swap3A = arith.constant 0 : index
    %swap3A_120 = arith.constant 0 : index
    %swap3A_121 = vector.load %arg6[%swap3A, %swap3A_120] : memref<400x64xf32, #tpu.memory_space<vmem>>, vector<400x64xf32>
    tpu.vector_store %arg6[%swap3A, %swap3A_120], %dot_general3A_119 {strides = array<i32>} : memref<400x64xf32, #tpu.memory_space<vmem>>, vector<400x64xf32>,
    %get3A_122 = arith.constant 0 : index
    %get3A_123 = arith.constant 0 : index
    %get3A_124 = vector.load %arg4[%get3A_122, %get3A_123] : memref<256x64xf32, #tpu.memory_space<vmem>>, vector<256x64xf32>
    %get3A_125 = arith.constant 0 : index
    %get3A_126 = arith.constant 0 : index
    %get3A_127 = vector.load %arg5[%get3A_125, %get3A_126] : memref<64x2xf32, #tpu.memory_space<vmem>>, vector<64x2xf32>
    %dot_general3A_128 = arith.constant dense<0.000000e+00> : vector<256x2xf32>
    %dot_general3A_129 = tpu.matmul %get3A_124, %get3A_127, %dot_general3A_128 {dimension_numbers = #tpu.dot_dimension_numbers<[1], [0], [0], [1], [0, 0, 1, 1], [], []>, precision = #tpu.contract_precision<fp32>, transpose_lhs_hint = false} : vector<256x64xf32>, vector<64x2xf32>, vector<256x2xf32> -> vector<256x2xf32>
    %dot_general3A_130 = arith.constant dense<0.000000e+00> : vector<400x2xf32>
    %dot_general3A_131 = tpu.matmul %concatenate3A, %dot_general3A_129, %dot_general3A_130 {dimension_numbers = #tpu.dot_dimension_numbers<[1], [0], [0], [1], [0, 0, 1, 1], [], []>, precision = #tpu.contract_precision<fp32>, transpose_lhs_hint = false} : vector<400x256xf32>, vector<256x2xf32>, vector<400x2xf32> -> vector<400x2xf32>
    %swap3A_132 = arith.constant 0 : index
    %swap3A_133 = arith.constant 0 : index
    %swap3A_134 = vector.load %arg7[%swap3A_132, %swap3A_133] : memref<400x2xf32, #tpu.memory_space<vmem>>, vector<400x2xf32>
    tpu.vector_store %arg7[%swap3A_132, %swap3A_133], %dot_general3A_131 {strides = array<i32>} : memref<400x2xf32, #tpu.memory_space<vmem>>, vector<400x2xf32>,
    return
  }
  func.func @transform_0(%arg0: i32) -> (i32, i32, i32) {
    %c0_i32 = arith.constant 0 : i32
    %c0_i32_0 = arith.constant 0 : i32
    %c0_i32_1 = arith.constant 0 : i32
    return %c0_i32, %arg0, %c0_i32_0 : i32, i32, i32
  }
  func.func @transform_1(%arg0: i32) -> (i32, i32, i32) {
    %c0_i32 = arith.constant 0 : i32
    %c0_i32_0 = arith.constant 0 : i32
    %c0_i32_1 = arith.constant 0 : i32
    return %c0_i32, %arg0, %c0_i32_0 : i32, i32, i32
  }
  func.func @transform_2(%arg0: i32) -> (i32, i32) {
    %c0_i32 = arith.constant 0 : i32
    %c0_i32_0 = arith.constant 0 : i32
    %c0_i32_1 = arith.constant 0 : i32
    return %c0_i32, %c0_i32_0 : i32, i32
  }
  func.func @transform_3(%arg0: i32) -> (i32, i32) {
    %c0_i32 = arith.constant 0 : i32
    %c0_i32_0 = arith.constant 0 : i32
    %c0_i32_1 = arith.constant 0 : i32
    return %c0_i32, %c0_i32_0 : i32, i32
  }
  func.func @transform_4(%arg0: i32) -> (i32, i32) {
    %c0_i32 = arith.constant 0 : i32
    %c0_i32_0 = arith.constant 0 : i32
    %c0_i32_1 = arith.constant 0 : i32
    return %c0_i32, %c0_i32_0 : i32, i32
  }
  func.func @transform_5(%arg0: i32) -> (i32, i32) {
    %c0_i32 = arith.constant 0 : i32
    %c0_i32_0 = arith.constant 0 : i32
    return %arg0, %c0_i32 : i32, i32
  }
  func.func @transform_6(%arg0: i32) -> (i32, i32) {
    %c0_i32 = arith.constant 0 : i32
    %c0_i32_0 = arith.constant 0 : i32
    return %arg0, %c0_i32 : i32, i32
  }
}

module attributes {stable_mosaic.version = 14 : i64} {
  func.func @_tc3_body(%arg0: memref<10000x64xf32, #tpu.memory_space<vmem>>, %arg1: memref<2x10000xf32, #tpu.memory_space<vmem>>, %arg2: memref<1x64xf32, #tpu.memory_space<vmem>>, %arg3: memref<1x32xf32, #tpu.memory_space<vmem>>, %arg4: memref<96x128xf32, #tpu.memory_space<vmem>>, %arg5: memref<1x128xf32, #tpu.memory_space<vmem>>, %arg6: memref<128x64xf32, #tpu.memory_space<vmem>>, %arg7: memref<1x64xf32, #tpu.memory_space<vmem>>, %arg8: memref<64x1xf32, #tpu.memory_space<vmem>>, %arg9: memref<1x1xf32, #tpu.memory_space<vmem>>, %arg10: memref<1x1xf32, #tpu.memory_space<vmem>>) attributes {dimension_semantics = [], scalar_prefetch = 0 : i64, scratch_operands = 0 : i64, tpu.core_type = #tpu.core_type<tc>} {
    %get3A = arith.constant 0 : index
    %get3A_0 = arith.constant 0 : index
    %get3A_1 = vector.load %arg1[%get3A, %get3A_0] : memref<2x10000xf32, #tpu.memory_space<vmem>>, vector<1x10000xf32>
    %get3A_2 = arith.constant 1 : index
    %get3A_3 = arith.constant 0 : index
    %get3A_4 = vector.load %arg1[%get3A_2, %get3A_3] : memref<2x10000xf32, #tpu.memory_space<vmem>>, vector<1x10000xf32>
    %add3A = arith.addf %get3A_1, %get3A_4 : vector<1x10000xf32>
    %get3A_5 = arith.constant 0 : index
    %get3A_6 = arith.constant 0 : index
    %get3A_7 = vector.load %arg0[%get3A_5, %get3A_6] : memref<10000x64xf32, #tpu.memory_space<vmem>>, vector<10000x64xf32>
    %dot_general3A = arith.constant dense<0.000000e+00> : vector<1x64xf32>
    %dot_general3A_8 = tpu.matmul %add3A, %get3A_7, %dot_general3A {dimension_numbers = #tpu.dot_dimension_numbers<[1], [0], [0], [1], [0, 0, 1, 1], [], []>, precision = #tpu.contract_precision<fp32>, transpose_lhs_hint = false} : vector<1x10000xf32>, vector<10000x64xf32>, vector<1x64xf32> -> vector<1x64xf32>
    %div3A = arith.constant 1.000000e+04 : f32
    %div3A_9 = vector.broadcast %div3A : f32 to vector<1x64xf32>
    %div3A_10 = arith.divf %dot_general3A_8, %div3A_9 : vector<1x64xf32>
    %get3A_11 = arith.constant 0 : index
    %get3A_12 = arith.constant 0 : index
    %get3A_13 = vector.load %arg2[%get3A_11, %get3A_12] : memref<1x64xf32, #tpu.memory_space<vmem>>, vector<1x64xf32>
    %add3A_14 = arith.addf %div3A_10, %get3A_13 : vector<1x64xf32>
    %get3A_15 = arith.constant 0 : index
    %get3A_16 = arith.constant 0 : index
    %get3A_17 = vector.load %arg3[%get3A_15, %get3A_16] : memref<1x32xf32, #tpu.memory_space<vmem>>, vector<1x32xf32>
    %concatenate3A = tpu.concatenate %add3A_14, %get3A_17 in 1 : vector<1x64xf32>, vector<1x32xf32> -> vector<1x96xf32>
    %get3A_18 = arith.constant 0 : index
    %get3A_19 = arith.constant 0 : index
    %get3A_20 = vector.load %arg4[%get3A_18, %get3A_19] : memref<96x128xf32, #tpu.memory_space<vmem>>, vector<96x128xf32>
    %dot_general3A_21 = arith.constant dense<0.000000e+00> : vector<1x128xf32>
    %dot_general3A_22 = tpu.matmul %concatenate3A, %get3A_20, %dot_general3A_21 {dimension_numbers = #tpu.dot_dimension_numbers<[1], [0], [0], [1], [0, 0, 1, 1], [], []>, precision = #tpu.contract_precision<fp32>, transpose_lhs_hint = false} : vector<1x96xf32>, vector<96x128xf32>, vector<1x128xf32> -> vector<1x128xf32>
    %get3A_23 = arith.constant 0 : index
    %get3A_24 = arith.constant 0 : index
    %get3A_25 = vector.load %arg5[%get3A_23, %get3A_24] : memref<1x128xf32, #tpu.memory_space<vmem>>, vector<1x128xf32>
    %add3A_26 = arith.addf %dot_general3A_22, %get3A_25 : vector<1x128xf32>
    %max3A = arith.constant 0.000000e+00 : f32
    %max3A_27 = vector.broadcast %max3A : f32 to vector<1x128xf32>
    %max3A_28 = arith.maximumf %add3A_26, %max3A_27 : vector<1x128xf32>
    %get3A_29 = arith.constant 0 : index
    %get3A_30 = arith.constant 0 : index
    %get3A_31 = vector.load %arg6[%get3A_29, %get3A_30] : memref<128x64xf32, #tpu.memory_space<vmem>>, vector<128x64xf32>
    %dot_general3A_32 = arith.constant dense<0.000000e+00> : vector<1x64xf32>
    %dot_general3A_33 = tpu.matmul %max3A_28, %get3A_31, %dot_general3A_32 {dimension_numbers = #tpu.dot_dimension_numbers<[1], [0], [0], [1], [0, 0, 1, 1], [], []>, precision = #tpu.contract_precision<fp32>, transpose_lhs_hint = false} : vector<1x128xf32>, vector<128x64xf32>, vector<1x64xf32> -> vector<1x64xf32>
    %get3A_34 = arith.constant 0 : index
    %get3A_35 = arith.constant 0 : index
    %get3A_36 = vector.load %arg7[%get3A_34, %get3A_35] : memref<1x64xf32, #tpu.memory_space<vmem>>, vector<1x64xf32>
    %add3A_37 = arith.addf %dot_general3A_33, %get3A_36 : vector<1x64xf32>
    %max3A_38 = arith.constant 0.000000e+00 : f32
    %max3A_39 = vector.broadcast %max3A_38 : f32 to vector<1x64xf32>
    %max3A_40 = arith.maximumf %add3A_37, %max3A_39 : vector<1x64xf32>
    %get3A_41 = arith.constant 0 : index
    %get3A_42 = arith.constant 0 : index
    %get3A_43 = vector.load %arg8[%get3A_41, %get3A_42] : memref<64x1xf32, #tpu.memory_space<vmem>>, vector<64x1xf32>
    %dot_general3A_44 = arith.constant dense<0.000000e+00> : vector<1x1xf32>
    %dot_general3A_45 = tpu.matmul %max3A_40, %get3A_43, %dot_general3A_44 {dimension_numbers = #tpu.dot_dimension_numbers<[1], [0], [0], [1], [0, 0, 1, 1], [], []>, precision = #tpu.contract_precision<fp32>, transpose_lhs_hint = false} : vector<1x64xf32>, vector<64x1xf32>, vector<1x1xf32> -> vector<1x1xf32>
    %get3A_46 = arith.constant 0 : index
    %get3A_47 = arith.constant 0 : index
    %get3A_48 = vector.load %arg9[%get3A_46, %get3A_47] : memref<1x1xf32, #tpu.memory_space<vmem>>, vector<1x1xf32>
    %add3A_49 = arith.addf %dot_general3A_45, %get3A_48 : vector<1x1xf32>
    %neg3A = arith.constant 0.000000e+00 : f32
    %neg3A_50 = vector.broadcast %neg3A : f32 to vector<1x1xf32>
    %neg3A_51 = arith.subf %neg3A_50, %add3A_49 : vector<1x1xf32>
    %exp3A = math.exp %neg3A_51 : vector<1x1xf32>
    %add3A_52 = arith.constant 1.000000e+00 : f32
    %add3A_53 = vector.broadcast %add3A_52 : f32 to vector<1x1xf32>
    %add3A_54 = arith.addf %add3A_53, %exp3A : vector<1x1xf32>
    %div3A_55 = arith.constant 1.000000e+00 : f32
    %div3A_56 = vector.broadcast %div3A_55 : f32 to vector<1x1xf32>
    %div3A_57 = arith.divf %div3A_56, %add3A_54 : vector<1x1xf32>
    %swap3A = arith.constant 0 : index
    %swap3A_58 = arith.constant 0 : index
    %swap3A_59 = vector.load %arg10[%swap3A, %swap3A_58] : memref<1x1xf32, #tpu.memory_space<vmem>>, vector<1x1xf32>
    tpu.vector_store %arg10[%swap3A, %swap3A_58], %div3A_57 {strides = array<i32>} : memref<1x1xf32, #tpu.memory_space<vmem>>, vector<1x1xf32>,
    return
  }
}

</mosaic_0001>

<sc_bundles>
// kernel: kernel.11.cloned.1.call-start
scs
__scs_entry_jumppad:
0x0: {  	(pc) =	sbr.rel $0x88, $3  }
0x1: {  	(tag) =	ssettag $0x0;
	lr =	simm.s32 $0x1  }
0x2: {  	[smem:$0x3F8F] =	sst lr;
	_ =	strace $0xD0000000  }
0x3: {  	_ = 	snop  }
0x4: {  	_ = 	snop  }
0x5: {  	_ = 	snop  }
0x6: {  	_ = 	snop  }
0x7: {  	_ = 	snop  }
__scs_overlays_trampoline_lowered:
0x8: {  	[smem:$0x3F9E] =	sst s0  }
0x9: {  	[smem:$0x3F9F] =	sst s1  }
0xa: {  	[smem:$0x3FA0] =	sst s2  }
0xb: {  	[smem:$0x3FA1] =	sst s3  }
0xc: {  	[smem:$0x3FA2] =	sst s4  }
0xd: {  	[smem:$0x3FA3] =	sst s5  }
0xe: {  	[smem:$0x3FA4] =	sst s6  }
0xf: {  	[smem:$0x3FA5] =	sst s7  }
0x10: {  	[smem:$0x3FA6] =	sst s8  }
0x11: {  	[smem:$0x3FA7] =	sst s9;
	s0 =	simm.s32 @!p0 $0x0  }
0x12: {  	s1 =	sld [smem:$0x3F8D];
	s0 =	simm.s32 @p0 $0x1  }
0x13: {  	[smem:$0x3FA8] =	sst s0;
	s0 =	simm.s32 @!p1 $0x0  }
0x14: {  	s2 =	sld [smem:$0x3F8C];
	s0 =	simm.s32 @p1 $0x1  }
0x15: {  	[smem:$0x3FA9] =	sst s0;
	s0 =	simm.s32 @!p2 $0x0  }
0x16: {  	s3 =	sld [smem:$0x3FDB];
	s0 =	simm.s32 @p2 $0x1  }
0x17: {  	s4 =	simm.s32 $0x1BF5;
	[smem:$0x3FAB] =	sst s0  }
0x18: {  	s0 =	sld [smem:$0x3F8E];
	_ =	swait.ge [sflag:s4], $0x0  }
0x19: {  	s7 =	sld [smem:$0x3F8F]  }
0x1a: {  	s8 =	sadd.s32 $0xFFFFE003, lr  }
0x1b: {  	s9 =	sadd.s32 $0xFFFFFEF7, lr;
	s5 =	simm.s32 $0xFFFFFFFF;
	p2 =	slt.u32 s8, $0xFFFFF086  }
0x1c: {  	p1 =	slt.u32 s9, $0xF7A;
	s5 =	simm.s32 @!p2 $0x0  }
0x1d: {  	s5 =	simm.s32 @p1 $0x1;
	p0 =	seq.s32 s7, s2  }
0x1e: {  	s7 =	smul.u32 @!p0 $0xF7A, s2;
	p2 =	seq.s32 @!p0 s5, $0x0  }
0x1f: {  	s9 =	smul.u32 $0xF7A, s1;
	s8 =	simm.s32 @!p0 $0x1BF5;
	p2 =	por !p2, p0  }
0x20: {  	[sflag:s8] =	ssyncset.s32 @!p0 $0xFFFFF086;
	s6 =	sadd.s32 @!p0 s3, s7;
	s7 =	simm.s32 @!p0 $0x108  }
0x21: {  	s3 =	sadd.s32 s3, s9;
	s6 =	sadd.s32 @!p0 $0x88, s6;
	s7 =	simm.s32 @p2 $0x1082  }
0x22: {  	[simem:s7], [sflag:s8] =	dma.local @!p0 [hbm:s6], $0xF7A  }
0x23: {  	s9 =	sor.u32 $0xD0000000, s2;
	s6 =	simm.s32 $0x108;
	_ =	swait.ge @!p0 [sflag:s8], $0x0  }
0x24: {  	s3 =	sadd.s32 $0x88, s3;
	s6 =	simm.s32 @!p1 $0x1082;
	[sflag:s4] =	ssyncset.s32 $0xFFFFF086  }
0x25: {  	[simem:s6], [sflag:s4] =	dma.local [hbm:s3], $0xF7A  }
0x26: {  	[smem:$0x3F8F] =	sst s1;
	(tag) =	ssettag s2;
	_ =	strace s9  }
0x27: {  	s1 =	sld [smem:$0x3F9F]  }
0x28: {  	s2 =	sld [smem:$0x3FA0]  }
0x29: {  	s4 =	sld [smem:$0x3FA2]  }
0x2a: {  	p0 =	seq.s32 s5, $0x0;
	s5 =	sld [smem:$0x3FA3]  }
0x2b: {  	s6 =	sld [smem:$0x3FA4]  }
0x2c: {  	s7 =	sld [smem:$0x3FA5]  }
0x2d: {  	s3 =	simm.s32 $0x108;
	s8 =	sld [smem:$0x3FA6]  }
0x2e: {  	s3 =	simm.s32 @!p0 $0x1082;
	s9 =	sld [smem:$0x3FA7]  }
0x2f: {  	lr =	sadd.s32 s0, s3;
	s0 =	sld [smem:$0x3F9E]  }
0x30: {  	s3 =	sld [smem:$0x3FA1]  }
0x31: {  	[smem:$0x3FAA] =	sst s10  }
0x32: {  	s10 =	sld [smem:$0x3FA8];
	_ =	sdelay $0x3  }
0x33: {  	p0 =	seq.s32 s10, $0x1;
	s10 =	sld [smem:$0x3FAA];
	_ =	sdelay $0x3  }
0x34: {  	[smem:$0x3FAA] =	sst s10  }
0x35: {  	s10 =	sld [smem:$0x3FA9];
	_ =	sdelay $0x3  }
0x36: {  	p1 =	seq.s32 s10, $0x1;
	s10 =	sld [smem:$0x3FAA];
	_ =	sdelay $0x3  }
0x37: {  	[smem:$0x3FAA] =	sst s10  }
0x38: {  	s10 =	sld [smem:$0x3FAB]  }
0x39: {  	_ = 	snop;
	(pc) =	sbr.ind lr, $3  }
0x3a: {  	_ = 	snop  }
0x3b: {  	_ = 	snop  }
0x3c: {  	p2 =	seq.s32 s10, $0x1;
	s10 =	sld [smem:$0x3FAA]  }
0x3d: {  	_ =	shalt  }
0x3e: {  	_ =	shalt  }
0x3f: {  	_ =	shalt  }
0x40: {  	_ =	shalt  }
0x41: {  	_ =	shalt  }
0x42: {  	_ =	shalt  }
0x43: {  	_ =	shalt  }
0x44: {  	_ =	shalt  }
0x45: {  	_ =	shalt  }
0x46: {  	_ =	shalt  }
0x47: {  	_ =	shalt  }
0x48: {  	_ =	shalt  }
0x49: {  	_ =	shalt  }
0x4a: {  	_ =	shalt  }
0x4b: {  	_ =	shalt  }
0x4c: {  	_ =	shalt  }
0x4d: {  	_ =	shalt  }
0x4e: {  	_ =	shalt  }
0x4f: {  	_ =	shalt  }
0x50: {  	_ =	shalt  }
0x51: {  	_ =	shalt  }
0x52: {  	_ =	shalt  }
0x53: {  	_ =	shalt  }
0x54: {  	_ =	shalt  }
0x55: {  	_ =	shalt  }
0x56: {  	_ =	shalt  }
0x57: {  	_ =	shalt  }
0x58: {  	_ =	shalt  }
0x59: {  	_ =	shalt  }
0x5a: {  	_ =	shalt  }
0x5b: {  	_ =	shalt  }
0x5c: {  	_ =	shalt  }
0x5d: {  	_ =	shalt  }
0x5e: {  	_ =	shalt  }
0x5f: {  	_ =	shalt  }
0x60: {  	_ =	shalt  }
0x61: {  	_ =	shalt  }
0x62: {  	_ =	shalt  }
0x63: {  	_ =	shalt  }
0x64: {  	_ =	shalt  }
0x65: {  	_ =	shalt  }
0x66: {  	_ =	shalt  }
0x67: {  	_ =	shalt  }
0x68: {  	_ =	shalt  }
0x69: {  	_ =	shalt  }
0x6a: {  	_ =	shalt  }
0x6b: {  	_ =	shalt  }
0x6c: {  	_ =	shalt  }
0x6d: {  	_ =	shalt  }
0x6e: {  	_ =	shalt  }
0x6f: {  	_ =	shalt  }
0x70: {  	_ =	shalt  }
0x71: {  	_ =	shalt  }
0x72: {  	_ =	shalt  }
0x73: {  	_ =	shalt  }
0x74: {  	_ =	shalt  }
0x75: {  	_ =	shalt  }
0x76: {  	_ =	shalt  }
0x77: {  	_ =	shalt  }
0x78: {  	_ =	shalt  }
0x79: {  	_ =	shalt  }
0x7a: {  	_ =	shalt  }
0x7b: {  	_ =	shalt  }
0x7c: {  	_ =	shalt  }
0x7d: {  	_ =	shalt  }
0x7e: {  	_ =	shalt  }
0x7f: {  	_ =	shalt  }
0x80: {  	_ =	shalt  }
0x81: {  	_ =	shalt  }
0x82: {  	_ =	shalt  }
0x83: {  	_ =	shalt  }
0x84: {  	_ =	shalt  }
0x85: {  	_ =	shalt  }
0x86: {  	_ =	shalt  }
0x87: {  	_ =	shalt  }
.Lfunc_end0:
.L_simem_size_0:
called_computation.1_lowered:
.L_overlay_start_0:
0x88: {  	s2 =	sld [smem:$0x3FD9]  }
0x89: {  	s3 =	sld [smem:$0x3FFE];
	_ =	sdelay $0x1  }
0x8a: {  	s1 =	srdreg.scid  }
0x8b: {  	s0 =	sand.u32 $0x1, s1  }
0x8c: {  	s16 =	sshll.u32 s0, $0xA;
	s2 =	sadd.s32 s3, s2  }
0x8d: {  	s2 =	sadd.s32 s2, s16  }
0x8e: {  	[smem:$0x3FB6] =	sst s2  }
0x8f: {  	_ = 	snop  }
0x90: {  	(tm) =	ssettm $0x1  }
0x91: {  	s17 =	sld [smem:$0x3FFB];
	_ =	sdelay $0x3  }
0x92: {  	_ =	strace s17  }
0x93: {  	s2 =	sld [smem:$0x3FFC];
	_ =	sdelay $0x3  }
0x94: {  	_ =	strace s2  }
0x95: {  	s2 =	sld [smem:$0x3FFD];
	_ =	sdelay $0x3  }
0x96: {  	_ =	strace s2  }
0x97: {  	_ =	strace $0x8FFFFFFF  }
0x98: {  	s18 =	sld [smem:$0x3FDB];
	_ =	sdelay $0x1  }
0x99: {  	s19 =	simm.s32 $_scs_section_size  }
0x9a: {  	s4 =	simm.s32 $_size__tile_overlayer_lowered;
	s5 =	simm.s32 $_tile_overlayer_lowered  }
0x9b: {  	s22 =	simm.s32 $0x1BFF;
	s21 =	sshll.u32 s5, $0x1;
	s2 =	sadd.s32 s19, s18  }
0x9c: {  	s6 =	simm.s32 $0x0;
	s20 =	sshll.u32 s4, $0x1;
	s4 =	sadd.s32 s21, s2  }
0x9d: {  	[timem:s6], [sflag:s22] =	dma.local [hbm:s4], s20  }
0x9e: {  	_ =	swait.ge [sflag:s22], s20  }
0x9f: {  	s3 =	ssub.s32 $0x0, s20;
	[sflag:s22] =	ssyncset.done $0x0  }
0xa0: {  	[sflag:s22] =	ssyncadd.s32 s3;
	_ =	sdelay $0x1  }
0xa1: {  	s23 =	simm.s32 $0x1B8B  }
0xa2: {  	_ =	swait.ge [sflag:s23], $0x1  }
0xa3: {  	[sflag:s23] =	ssyncset.done $0x0  }
0xa4: {  	s25 =	simm.s32 $0x1B8E;
	s24 =	sld [smem:$0x3FFE];
	[sflag:s23] =	ssyncadd.s32 $0xFFFFFFFF  }
0xa5: {  	s26 =	simm.s32 $execute0_lowered;
	[smem:$0x3FD2] =	sst s25  }
0xa6: {  	s4 =	sshll.u32 s26, $0x1;
	_ =	strace $0x80000049;
	[dreg:$0x1] =	wrdreg $0xFFFFFFFF  }
0xa7: {  	s28 =	simm.s32 $_size_execute0_lowered;
	s2 =	sadd.s32 s2, s4;
	[dreg:$0x0] =	wrdreg $0x0  }
0xa8: {  	s4 =	sshll.u32 s28, $0x1;
	[dreg:$0x2] =	wrdreg s2  }
0xa9: {  	[dreg:$0x3] =	wrdreg s4  }
0xaa: {  	[dreg:$0x4] =	wrdreg $0xC0  }
0xab: {  	_ =	task [dreg:s6], $0x5FFFF  }
0xac: {  	[dreg:$0x1] =	wrdreg $0xFFFFFFFF  }
0xad: {  	[dreg:$0x0] =	wrdreg $0x60  }
0xae: {  	[dreg:$0x2] =	wrdreg s24  }
0xaf: {  	[dreg:$0x3] =	wrdreg $0x144480  }
0xb0: {  	[dreg:$0x4] =	wrdreg $0x9  }
0xb1: {  	_ =	task.clear_ibuf [dreg:s6], $0x5FFFF;
	_ =	strace $0x90000049  }
0xb2: {  	s29 =	simm.s32 $0x9;
	_ =	strace $0x8000004B  }
0xb3: {  	_ =	swait.ge [sflag:s29], $0x1  }
0xb4: {  	[sflag:s29] =	ssyncadd.s32 $0xFFFFFFFF  }
0xb5: {  	_ =	strace $0x9000004B  }
0xb6: {  	_ =	sfence  }
0xb7: {  	s30 =	sld [smem:$0x0];
	_ =	sdelay $0x2  }
0xb8: {  	s31 =	sshll.u32 s1, $0xD;
	s1 =	sshrl.u32 s1, $0x2  }
0xb9: {  	s3 =	sand.u32 $0x4000, s31;
	s1 =	sadd.s32 s1, s30  }
0xba: {  	s0 =	sor.u32 s3, s0;
	s1 =	sshll.u32 s1, $0x11  }
0xbb: {  	s0 =	sor.u32 s1, s0  }
0xbc: {  	s0 =	sadd.s32 $0x8F2B, s0  }
0xbd: {  	[sflag:s0] =	ssyncadd.remote.s32 $0x1  }
0xbe: {  	_ =	sfence.sel $0xFFFF  }
0xbf: {  	[dreg:$0x0] =	wrdreg $0xFFFFFFFF;
	(pc) =	sbr.abs _section_cstart, $3  }
0xc0: {  	[dreg:$0x1] =	wrdreg $0xFFFFFFFF  }
0xc1: {  	_ =	task.clear_ibuf [dreg:s6], $0x2FFFF;
	_ =	strace $0x9FFFFFFF  }
0xc2: {  	(tm) =	ssettm $0x7FFFFFFF  }
0xc3: {  	_ =	shalt  }
tec
execute0_lowered:
.L_overlay_start_1:
0x0: {  	(tag) =	ssettag $0x1  }
0x1: {  	s7 =	rddreg [dreg:$0x0]  }
0x2: {  	s2 =	rddreg [dreg:$0x1];
	v0 =	vimm.s32 $0xEFCDAB89;
	v1 =	vimm.s32 $0x67452301;
	v2 =	vimm.s32 $0xDCFE98BA  }
0x3: {  	s0 =	rddreg [dreg:$0x2];
	s4 =	srdreg.scid;
	v3 =	vimm.s32 $0x54761032;
	v4 =	vimm.s32 $0xBA98FEDC;
	v5 =	vimm.s32 $0x32107654  }
0x4: {  	s1 =	stileid.u32;
	s3 =	simm.s32 $0x0;
	v6 =	vimm.s32 $0xFEDCBA98;
	v7 =	vimm.s32 $0x76543210;
	s14 =	simm.s32 $0x14050  }
0x5: {  	s15 =	simm.s32 $0x13880;
	vm0 =	vcmask $0x3F20;
	s16 =	simm.s32 $0x13C68;
	s17 =	simm.s32 $0x3E8;
	v0 =	vunpack.c.l.s4.s8 v0  }
0x6: {  	s18 =	simm.s32 $0x0;
	s8 =	sand.u32 $0x1, s4;
	s9 =	smul.u32 $0x3E8, s1;
	v1 =	vunpack.c.l.s4.s8 v1;
	v2 =	vunpack.c.l.s4.s8 v2;
	v3 =	vunpack.c.l.s4.s8 v3  }
0x7: {  	[smem:$0x7FF] =	sst s3;
	s4 =	sadd.s32 $0x2A00, s7;
	s11 =	smul.u32 $0xFA0, s1;
	v4 =	vunpack.c.l.s4.s8 v4;
	v5 =	vunpack.c.l.s4.s8 v5;
	v0 =	vunpack.c.0.s8.s32 v0  }
0x8: {  	s13 =	sshll.u32 s1, $0x1;
	p0 =	sgt.u32 s1, $0x9;
	s5 =	smul.u32 $0x2710, s8;
	v1 =	vunpack.c.0.s8.s32 v1;
	v2 =	vunpack.c.0.s8.s32 v2;
	v3 =	vunpack.c.0.s8.s32 v3  }
0x9: {  	v6 =	vunpack.c.l.s4.s8 v6;
	_ =	strace $0x8000004A;
	s31 =	ssub.s32 $0x2, s8;
	s8 =	sor.u32 s8, s13;
	v4 =	vunpack.c.0.s8.s32 v4;
	v5 =	vunpack.c.0.s8.s32 v5  }
0xa: {  	v7 =	vunpack.c.l.s4.s8 v7;
	s13 =	simm.s32 $0x14438;
	s12 =	sshrl.u32 s31, $0x1;
	s11 =	sshrl.u32 s11, $0x2;
	v1 =	vcombine.low v1, v0;
	v2 =	vcombine.low v3, v2  }
0xb: {  	s8 =	smul.u32 $0x1388, s8;
	s6 =	sadd.s32 s9, s5;
	s5 =	sadd.s32 $0xA200, s7;
	v3 =	vunpack.c.0.s8.s32 v6;
	v6 =	vlaneseq.u32;
	v4 =	vcombine.low v5, v4  }
0xc: {  	s12 =	ssub.s32 s31, s12;
	s9 =	sadd.s32 s9, s2;
	s10 =	sshrl.u32 s6, $0x3;
	v5 =	vunpack.c.0.s8.s32 v7;
	v0 =	vmul.u32 $0x8, v6;
	v6 =	vadd.s32 $0x3D8, v6  }
0xd: {  	s6 =	sadd.s32 $0x5200, s7;
	s10 =	sadd.s32 s10, s7;
	s7 =	sadd.s32 s11, s2;
	v1 =	vand.u32 $0xF, v1;
	v7 =	vand.u32 $0xF, v3;
	v2 =	vand.u32 $0xF, v2  }
0xe: {  	s11 =	smax.u32 s12, $0x1;
	s12 =	simm.s32 $0x1;
	s10 =	sadd.s32 $0xF200, s10;
	v3 =	vand.u32 $0xF, v4;
	v4 =	vcombine.low v7, v5;
	v5 =	vimm.f32 $0.0e+00  }
.LBB2_1:
0xf: {  	v7 =	vmov s3  }
0x10: {  	v7 =	vshll.u32 v7, $0x3  }
0x11: {  	v8 =	vor.u32 v0, v7  }
0x12: {  	[tilespmem:s3], [sflag:$0x1] =	stream.linear.gather [hbm4b:s4+s3], $0x13880, $0x38;
	[tilespmem:$0x146C0] =	vst v63  }
0x13: {  	s19 =	simm.s32 $0x10;
	_ =	swait.ge [sflag:s12], $0x13880  }
0x14: {  	[sflag:s12] =	ssyncset.done $0x0;
	v7 =	vmov s19  }
0x15: {  	[sflag:s12] =	ssyncadd.s32 $0xFFFEC780;
	v9 =	vshll.u32 v7, $0x3  }
0x16: {  	s19 =	simm.s32 $0x20;
	v7 =	vimm.f32 $-Inf;
	v9 =	vor.u32 v0, v9;
	v8 =	vld.idx.msk [tilespmem:v8+s3+$0x0], $0xffff  }
.LBB2_2:
0x17: {  	p1 =	sne.s32 s19, $0x2700  }
.Ltmp0:
0x18: {  	_ = 	snop;
	(pc) =	sbr.rel @p1 .LBB2_2-.Ltmp0, $4  }
0x19: {  	_ = 	snop  }
0x1a: {  	v10 =	vmov s19;
	s19 =	sadd.s32 $0x10, s19  }
0x1b: {  	v10 =	vshll.u32 v10, $0x3;
	v7 =	vmax.f32 v7, v8;
	v8 =	vld.idx.msk [tilespmem:v9+s3+$0x0], $0xffff  }
0x1c: {  	v9 =	vor.u32 v0, v10  }
0x1d: {  	_ =	sdelay $0x3  }
0x1e: {  	v9 =	vld.idx.msk [tilespmem:v9+s3+$0x0], $0xffff;
	_ =	sdelay $0x3  }
0x1f: {  	v7 =	vmax.f32 v7, v8  }
0x20: {  	v7 =	vmax.f32 v7, v9  }
0x21: {  	[tilespmem:$0x14438] =	vst v7  }
0x22: {  	v8 =	vld.idx.msk [tilespmem:v1+s13+$0x0], $0xffff;
	_ =	sdelay $0x4  }
0x23: {  	v7 =	vmax.f32 v7, v8  }
0x24: {  	[tilespmem:$0x14438] =	vst v7  }
0x25: {  	v8 =	vld.idx.msk [tilespmem:v2+s13+$0x0], $0xffff;
	_ =	sdelay $0x4  }
0x26: {  	v7 =	vmax.f32 v7, v8  }
0x27: {  	s19 =	simm.s32 $0x0;
	[tilespmem:$0x14438] =	vst v7  }
0x28: {  	v9 =	vmov s19;
	v8 =	vld.idx.msk [tilespmem:v3+s13+$0x0], $0xffff  }
0x29: {  	v9 =	vshll.u32 v9, $0x3  }
0x2a: {  	v9 =	vor.u32 v0, v9  }
0x2b: {  	v10 =	vor.u32 $0x1, v9  }
0x2c: {  	s31 =	simm.s32 $0x10  }
0x2d: {  	v7 =	vmax.f32 v7, v8;
	v8 =	vmov s31  }
0x2e: {  	[tilespmem:$0x14438] =	vst v7;
	v9 =	vshll.u32 v8, $0x3  }
0x2f: {  	v8 =	vld.idx.msk [tilespmem:v4+s13+$0x0], $0xffff;
	v11 =	vor.u32 v0, v9  }
0x30: {  	s19 =	simm.s32 $0x20;
	v9 =	vimm.f32 $-Inf;
	v10 =	vld.idx.msk [tilespmem:v10+s3+$0x0], $0xffff;
	v11 =	vor.u32 $0x1, v11  }
.LBB2_4:
0x31: {  	p1 =	sne.s32 s19, $0x2700  }
.Ltmp1:
0x32: {  	_ = 	snop;
	(pc) =	sbr.rel @p1 .LBB2_4-.Ltmp1, $4  }
0x33: {  	v12 =	vmov s19  }
0x34: {  	v12 =	vshll.u32 v12, $0x3  }
0x35: {  	v12 =	vor.u32 v0, v12  }
0x36: {  	s19 =	sadd.s32 $0x10, s19;
	v9 =	vmax.f32 v9, v10;
	v10 =	vld.idx.msk [tilespmem:v11+s3+$0x0], $0xffff;
	v11 =	vor.u32 $0x1, v12  }
0x37: {  	_ =	sdelay $0x3  }
0x38: {  	v11 =	vld.idx.msk [tilespmem:v11+s3+$0x0], $0xffff;
	_ =	sdelay $0x3  }
0x39: {  	v9 =	vmax.f32 v9, v10  }
0x3a: {  	v9 =	vmax.f32 v9, v11  }
0x3b: {  	[tilespmem:$0x14438] =	vst v9  }
0x3c: {  	v10 =	vld.idx.msk [tilespmem:v1+s13+$0x0], $0xffff;
	_ =	sdelay $0x4  }
0x3d: {  	v9 =	vmax.f32 v9, v10  }
0x3e: {  	[tilespmem:$0x14438] =	vst v9  }
0x3f: {  	v10 =	vld.idx.msk [tilespmem:v2+s13+$0x0], $0xffff;
	_ =	sdelay $0x4  }
0x40: {  	v9 =	vmax.f32 v9, v10  }
0x41: {  	[tilespmem:$0x14438] =	vst v9  }
0x42: {  	v10 =	vld.idx.msk [tilespmem:v3+s13+$0x0], $0xffff;
	_ =	sdelay $0x4  }
0x43: {  	v9 =	vmax.f32 v9, v10  }
0x44: {  	[tilespmem:$0x14438] =	vst v9  }
0x45: {  	s19 =	simm.s32 $0x40;
	s20 =	simm.s32 $0x0;
	v10 =	vld.idx.msk [tilespmem:v4+s13+$0x0], $0xffff  }
.LBB2_6:
0x46: {  	p1 =	sne.s32 s19, $0xF40;
	[tilespmem:s20+$0x14050] =	vst v5;
	s20 =	smov.u32 s19;
	s19 =	sadd.s32 $0x40, s19  }
.Ltmp2:
0x47: {  	(pc) =	sbr.rel @p1 .LBB2_6-.Ltmp2, $2  }
0x48: {  	_ =	sdelay $0x2  }
0x49: {  	s20 =	sshra.s32 s20, $0x2  }
0x4a: {  	_ =	sdelay $0x3  }
0x4b: {  	[tilespmem:s20+$0x14050] =	vst v5  }
0x4c: {  	s19 =	simm.s32 @!p0 $0x14050;
	[tilespmem:v6+s14+$0x0] =	vst.idx.msk vm0, v5  }
0x4d: {  	v7 =	vmax.f32 v7, v8;
	v8 =	vmax.f32 v9, v10;
	[spmem:s7] =	stream.linear.scatter @!p0 [tilespmem:s19], [sflag:$0x1], $0x3E8, $0x38;
	[tilespmem:$0x146C0] =	vst v63  }
0x4e: {  	v7 =	vadd.f32 v8, v7;
	s19 =	simm.s32 @!p0 $0x1  }
0x4f: {  	_ =	swait.ge @!p0 [sflag:s19], $0x3E8  }
0x50: {  	v8 =	vmul.f32 $2.000000030e-01, v7;
	[sflag:s19] =	ssyncset.done @!p0 $0x0  }
0x51: {  	vm1 =	vgt.f32 v7, $0.0e+00;
	[sflag:s19] =	ssyncadd.s32 @!p0 $0xFFFFFC18  }
0x52: {  	s20 =	simm.s32 $0x0;
	v7 =	vsel vm1, v7, v8;
	s19 =	simm.s32 $0x0;
	[bflag:$0x0] =	sbarrier.arrive $0xFFFF  }
.LBB2_8:
0x53: {  	s21 =	smul.u32 $0x3E8, s20;
	_ =	sdelay $0x1  }
0x54: {  	s21 =	sadd.s32 s8, s21  }
0x55: {  	s21 =	sshrl.u32 s21, $0x3  }
0x56: {  	s22 =	sadd.s32 s5, s21  }
0x57: {  	[tilespmem:s15], [sflag:$0x1] =	stream.linear.gather [hbm4b:s22+s19], $0x3E8, $0x38;
	[tilespmem:$0x146C0] =	vst v63  }
0x58: {  	_ =	swait.ge [sflag:s12], $0x3E8  }
0x59: {  	[sflag:s12] =	ssyncset.done $0x0  }
0x5a: {  	s21 =	sadd.s32 s6, s21;
	[sflag:s12] =	ssyncadd.s32 $0xFFFFFC18  }
0x5b: {  	[tilespmem:s16], [sflag:$0x1] =	stream.linear.gather [hbm4b:s21+s19], $0x3E8, $0x38;
	[tilespmem:$0x146C0] =	vst v63  }
0x5c: {  	_ =	swait.ge [sflag:s12], $0x3E8  }
0x5d: {  	[sflag:s12] =	ssyncset.done $0x0  }
0x5e: {  	s21 =	simm.s32 $0x0;
	[sflag:s12] =	ssyncadd.s32 $0xFFFFFC18  }
0x5f: {  	v8 =	vld [tilespmem:s21+$0x13C68]  }
0x60: {  	v9 =	vld [tilespmem:s21+$0x13880];
	_ =	sdelay $0x4  }
0x61: {  	v8 =	vshll.u32 v8, $0x3;
	v9 =	vshll.u32 v9, $0x3  }
0x62: {  	v8 =	vor.u32 $0x1, v8;
	_ =	sdelay $0x3  }
0x63: {  	v9 =	vld.idx.msk [tilespmem:v9+s3+$0x0], $0xffff  }
0x64: {  	v8 =	vld.idx.msk [tilespmem:v8+s3+$0x0], $0xffff;
	_ =	sdelay $0x4  }
0x65: {  	v8 =	vadd.f32 v8, v9;
	_ =	sdelay $0x1  }
0x66: {  	v9 =	vmul.f32 $2.000000030e-01, v8  }
0x67: {  	vm1 =	vgt.f32 v8, $0.0e+00  }
0x68: {  	v8 =	vsel vm1, v8, v9  }
0x69: {  	v8 =	vsub.f32 v8, v7;
	_ =	sdelay $0x1  }
0x6a: {  	v9 =	vmul.f32 $1.442695020e+00, v8  }
0x6b: {  	s23 =	simm.s32 $0x10  }
0x6c: {  	s22 =	simm.s32 $0x80;
	v8 =	vld [tilespmem:s23+$0x13C68];
	(erf) = vpow2.f32 v9  }
.LBB2_9:
0x6d: {  	p1 =	sne.s32 s22, $0xF40  }
0x6e: {  	v9 =	vld [tilespmem:s23+$0x13880];
	_ =	sdelay $0x2  }
0x6f: {  	v8 =	vshll.u32 v8, $0x3  }
0x70: {  	v8 =	vor.u32 $0x1, v8  }
0x71: {  	v9 =	vshll.u32 v9, $0x3;
	_ =	sdelay $0x1  }
0x72: {  	v10 =	vpop (erf)  }
0x73: {  	[tilespmem:s21+$0x14050] =	vst v10;
	s21 =	smov.u32 s23  }
0x74: {  	v8 =	vld.idx.msk [tilespmem:v8+s3+$0x0], $0xffff  }
0x75: {  	v9 =	vld.idx.msk [tilespmem:v9+s3+$0x0], $0xffff;
	_ =	sdelay $0x5  }
0x76: {  	v8 =	vadd.f32 v8, v9;
	_ =	sdelay $0x1  }
0x77: {  	v9 =	vmul.f32 $2.000000030e-01, v8  }
0x78: {  	vm1 =	vgt.f32 v8, $0.0e+00  }
0x79: {  	v8 =	vsel vm1, v8, v9  }
.Ltmp3:
0x7a: {  	v8 =	vsub.f32 v8, v7;
	(pc) =	sbr.rel @p1 .LBB2_9-.Ltmp3, $4  }
0x7b: {  	_ = 	snop  }
0x7c: {  	v9 =	vmul.f32 $1.442695020e+00, v8  }
0x7d: {  	s23 =	sshra.s32 s22, $0x2  }
0x7e: {  	s22 =	sadd.s32 $0x40, s22;
	v8 =	vld [tilespmem:s23+$0x13C68];
	(erf) = vpow2.f32 v9  }
0x7f: {  	_ = 	snop  }
0x80: {  	v9 =	vld [tilespmem:s23+$0x13880];
	_ =	sdelay $0x2  }
0x81: {  	v8 =	vshll.u32 v8, $0x3  }
0x82: {  	v8 =	vor.u32 $0x1, v8  }
0x83: {  	v9 =	vshll.u32 v9, $0x3;
	_ =	sdelay $0x1  }
0x84: {  	v10 =	vpop (erf)  }
0x85: {  	[tilespmem:s21+$0x14050] =	vst v10  }
0x86: {  	v8 =	vld.idx.msk [tilespmem:v8+s3+$0x0], $0xffff  }
0x87: {  	v9 =	vld.idx.msk [tilespmem:v9+s3+$0x0], $0xffff;
	_ =	sdelay $0x4  }
0x88: {  	v8 =	vadd.f32 v8, v9;
	_ =	sdelay $0x1  }
0x89: {  	v9 =	vmul.f32 $2.000000030e-01, v8  }
0x8a: {  	vm1 =	vgt.f32 v8, $0.0e+00  }
0x8b: {  	v8 =	vsel vm1, v8, v9  }
0x8c: {  	v8 =	vsub.f32 v8, v7;
	_ =	sdelay $0x1  }
0x8d: {  	v8 =	vmul.f32 $1.442695020e+00, v8;
	_ =	sdelay $0x1  }
0x8e: {  	(erf) = vpow2.f32 v8;
	_ =	sdelay $0x8  }
0x8f: {  	v8 =	vpop (erf)  }
0x90: {  	[tilespmem:s23+$0x14050] =	vst v8  }
0x91: {  	v8 =	vld.idx.msk [tilespmem:v6+s15+$0x0], $0xffff  }
0x92: {  	v63 =	vld.idx.msk [tilespmem:v6+s16+$0x0], $0xffff;
	_ =	sdelay $0x4  }
0x93: {  	v8 =	vshll.u32 v8, $0x3;
	v9 =	vshll.u32 v63, $0x3  }
0x94: {  	v9 =	vor.u32 $0x1, v9;
	_ =	sdelay $0x3  }
0x95: {  	v8 =	vld.idx.msk [tilespmem:v8+s3+$0x0], $0xffff  }
0x96: {  	v9 =	vld.idx.msk [tilespmem:v9+s3+$0x0], $0xffff;
	_ =	sdelay $0x4  }
0x97: {  	v8 =	vadd.f32 v9, v8;
	_ =	sdelay $0x1  }
0x98: {  	v9 =	vmul.f32 $2.000000030e-01, v8  }
0x99: {  	vm1 =	vgt.f32 v8, $0.0e+00  }
0x9a: {  	v8 =	vsel vm1, v8, v9  }
0x9b: {  	v8 =	vsub.f32 v8, v7;
	_ =	sdelay $0x1  }
0x9c: {  	v8 =	vmul.f32 $1.442695020e+00, v8;
	_ =	sdelay $0x1  }
0x9d: {  	(erf) = vpow2.f32 v8;
	_ =	sdelay $0x7  }
0x9e: {  	s20 =	sadd.s32 $0x1, s20  }
0x9f: {  	p1 =	sne.s32 s20, $0x5;
	v8 =	vpop (erf)  }
.Ltmp4:
0xa0: {  	[tilespmem:v6+s14+$0x0] =	vst.idx.msk vm0, v8;
	(pc) =	sbr.rel @p1 .LBB2_8-.Ltmp4, $4  }
0xa1: {  	[spmem:s2] =	stream.indirect.scatter.add.f32 [tilespmem:s14], [sflag:$0x1], $0x1, s16, s17, $0xb8;
	[tilespmem:$0x146C0] =	vst v63  }
0xa2: {  	_ =	swait.ge [sflag:s12], $0x3E8  }
0xa3: {  	[sflag:s12] =	ssyncset.done $0x0  }
0xa4: {  	[sflag:s12] =	ssyncadd.s32 $0xFFFFFC18  }
0xa5: {  	[bflag:$0x0] =	sbarrier.arrive $0xFFFF;
	s19 =	simm.s32 @!p0 $0x14050;
	s20 =	simm.s32 @!p0 $0x1  }
0xa6: {  	[tilespmem:s19], [sflag:$0x1] =	stream.linear.gather @!p0 [spmem:s9], $0x3E8, $0x38;
	[tilespmem:$0x146C0] =	vst v63  }
0xa7: {  	s18 =	sadd.s32 $0x1, s18;
	_ =	swait.ge @!p0 [sflag:s20], $0x3E8  }
0xa8: {  	p1 =	sne.s32 s18, s11;
	[sflag:s20] =	ssyncset.done @!p0 $0x0  }
.Ltmp5:
0xa9: {  	s21 =	simm.s32 @!p0 $0x0;
	[sflag:s20] =	ssyncadd.s32 @!p0 $0xFFFFFC18;
	(pc) =	sbr.rel @p1 .LBB2_1-.Ltmp5, $4  }
0xaa: {  	[hbm4b:s10+s21] =	stream.linear.scatter @!p0 [tilespmem:s19], [sflag:$0x1], $0x3E8, $0x38;
	[tilespmem:$0x146C0] =	vst v63  }
0xab: {  	_ =	swait.ge @!p0 [sflag:s20], $0x3E8  }
0xac: {  	[sflag:s20] =	ssyncset.done @!p0 $0x0  }
0xad: {  	[sflag:s20] =	ssyncadd.s32 @!p0 $0xFFFFFC18  }
0xae: {  	_ =	sfence.sel $0x180000  }
0xaf: {  	[bflag:$0x0] =	sbarrier.arrive $0xFFFF  }
0xb0: {  	p0 =	sne.s32 s1, $0x0;
	_ =	strace $0x9000004A  }
0xb1: {  	s0 =	sadd.s32 @!p0 $0x100000, s0;
	[bflag:$0x2] =	sbarrier.arrive $0xFFFF  }
0xb2: {  	[sflag:s0] =	ssyncadd.tile.s32 @!p0 $0x1;
	_ =	shalt  }
.Lfunc_end2:
_tile_overlayer_lowered:
.L_overlay_start_2:
0xb3: {  	(tag) =	ssettag $0x2  }
0xb4: {  	s0 =	rddreg [dreg:$0x0];
	s2 =	stileid.u32  }
0xb5: {  	s1 =	rddreg [dreg:$0x1];
	p0 =	sne.s32 s2, $0x0  }
0xb6: {  	s3 =	rddreg [dreg:$0x2];
	[bflag:$0x3] =	sbarrier.arrive $0xFFFF;
	s2 =	simm.s32 @!p0 $0x1C01  }
0xb7: {  	[timem:s3], [sflag:s2] =	dma.local @!p0 [hbm:s0], s1  }
0xb8: {  	s0 =	simm.s32 @!p0 $0x1  }
0xb9: {  	_ =	swait.ge @!p0 [sflag:s0], s1  }
0xba: {  	s1 =	ssub.s32 @!p0 $0x0, s1;
	[sflag:s0] =	ssyncset.done @!p0 $0x0  }
0xbb: {  	[sflag:s0] =	ssyncadd.s32 @!p0 s1  }
0xbc: {  	[bflag:$0x3] =	sbarrier.arrive $0xFFFF  }
0xbd: {  	_ =	shalt  }

// kernel: kernel.14.cloned.1.call-start
scs
__scs_entry_jumppad:
0x0: {  	(pc) =	sbr.rel $0x88, $3  }
0x1: {  	(tag) =	ssettag $0x0;
	lr =	simm.s32 $0x1  }
0x2: {  	[smem:$0x3F8F] =	sst lr;
	_ =	strace $0xD0000000  }
0x3: {  	_ = 	snop  }
0x4: {  	_ = 	snop  }
0x5: {  	_ = 	snop  }
0x6: {  	_ = 	snop  }
0x7: {  	_ = 	snop  }
__scs_overlays_trampoline_lowered:
0x8: {  	[smem:$0x3F9E] =	sst s0  }
0x9: {  	[smem:$0x3F9F] =	sst s1  }
0xa: {  	[smem:$0x3FA0] =	sst s2  }
0xb: {  	[smem:$0x3FA1] =	sst s3  }
0xc: {  	[smem:$0x3FA2] =	sst s4  }
0xd: {  	[smem:$0x3FA3] =	sst s5  }
0xe: {  	[smem:$0x3FA4] =	sst s6  }
0xf: {  	[smem:$0x3FA5] =	sst s7  }
0x10: {  	[smem:$0x3FA6] =	sst s8  }
0x11: {  	[smem:$0x3FA7] =	sst s9;
	s0 =	simm.s32 @!p0 $0x0  }
0x12: {  	s1 =	sld [smem:$0x3F8D];
	s0 =	simm.s32 @p0 $0x1  }
0x13: {  	[smem:$0x3FA8] =	sst s0;
	s0 =	simm.s32 @!p1 $0x0  }
0x14: {  	s2 =	sld [smem:$0x3F8C];
	s0 =	simm.s32 @p1 $0x1  }
0x15: {  	[smem:$0x3FA9] =	sst s0;
	s0 =	simm.s32 @!p2 $0x0  }
0x16: {  	s3 =	sld [smem:$0x3FDB];
	s0 =	simm.s32 @p2 $0x1  }
0x17: {  	s4 =	simm.s32 $0x1BF5;
	[smem:$0x3FAB] =	sst s0  }
0x18: {  	s0 =	sld [smem:$0x3F8E];
	_ =	swait.ge [sflag:s4], $0x0  }
0x19: {  	s7 =	sld [smem:$0x3F8F]  }
0x1a: {  	s8 =	sadd.s32 $0xFFFFE003, lr  }
0x1b: {  	s9 =	sadd.s32 $0xFFFFFEF7, lr;
	s5 =	simm.s32 $0xFFFFFFFF;
	p2 =	slt.u32 s8, $0xFFFFF086  }
0x1c: {  	p1 =	slt.u32 s9, $0xF7A;
	s5 =	simm.s32 @!p2 $0x0  }
0x1d: {  	s5 =	simm.s32 @p1 $0x1;
	p0 =	seq.s32 s7, s2  }
0x1e: {  	s7 =	smul.u32 @!p0 $0xF7A, s2;
	p2 =	seq.s32 @!p0 s5, $0x0  }
0x1f: {  	s9 =	smul.u32 $0xF7A, s1;
	s8 =	simm.s32 @!p0 $0x1BF5;
	p2 =	por !p2, p0  }
0x20: {  	[sflag:s8] =	ssyncset.s32 @!p0 $0xFFFFF086;
	s6 =	sadd.s32 @!p0 s3, s7;
	s7 =	simm.s32 @!p0 $0x108  }
0x21: {  	s3 =	sadd.s32 s3, s9;
	s6 =	sadd.s32 @!p0 $0x88, s6;
	s7 =	simm.s32 @p2 $0x1082  }
0x22: {  	[simem:s7], [sflag:s8] =	dma.local @!p0 [hbm:s6], $0xF7A  }
0x23: {  	s9 =	sor.u32 $0xD0000000, s2;
	s6 =	simm.s32 $0x108;
	_ =	swait.ge @!p0 [sflag:s8], $0x0  }
0x24: {  	s3 =	sadd.s32 $0x88, s3;
	s6 =	simm.s32 @!p1 $0x1082;
	[sflag:s4] =	ssyncset.s32 $0xFFFFF086  }
0x25: {  	[simem:s6], [sflag:s4] =	dma.local [hbm:s3], $0xF7A  }
0x26: {  	[smem:$0x3F8F] =	sst s1;
	(tag) =	ssettag s2;
	_ =	strace s9  }
0x27: {  	s1 =	sld [smem:$0x3F9F]  }
0x28: {  	s2 =	sld [smem:$0x3FA0]  }
0x29: {  	s4 =	sld [smem:$0x3FA2]  }
0x2a: {  	p0 =	seq.s32 s5, $0x0;
	s5 =	sld [smem:$0x3FA3]  }
0x2b: {  	s6 =	sld [smem:$0x3FA4]  }
0x2c: {  	s7 =	sld [smem:$0x3FA5]  }
0x2d: {  	s3 =	simm.s32 $0x108;
	s8 =	sld [smem:$0x3FA6]  }
0x2e: {  	s3 =	simm.s32 @!p0 $0x1082;
	s9 =	sld [smem:$0x3FA7]  }
0x2f: {  	lr =	sadd.s32 s0, s3;
	s0 =	sld [smem:$0x3F9E]  }
0x30: {  	s3 =	sld [smem:$0x3FA1]  }
0x31: {  	[smem:$0x3FAA] =	sst s10  }
0x32: {  	s10 =	sld [smem:$0x3FA8];
	_ =	sdelay $0x3  }
0x33: {  	p0 =	seq.s32 s10, $0x1;
	s10 =	sld [smem:$0x3FAA];
	_ =	sdelay $0x3  }
0x34: {  	[smem:$0x3FAA] =	sst s10  }
0x35: {  	s10 =	sld [smem:$0x3FA9];
	_ =	sdelay $0x3  }
0x36: {  	p1 =	seq.s32 s10, $0x1;
	s10 =	sld [smem:$0x3FAA];
	_ =	sdelay $0x3  }
0x37: {  	[smem:$0x3FAA] =	sst s10  }
0x38: {  	s10 =	sld [smem:$0x3FAB]  }
0x39: {  	_ = 	snop;
	(pc) =	sbr.ind lr, $3  }
0x3a: {  	_ = 	snop  }
0x3b: {  	_ = 	snop  }
0x3c: {  	p2 =	seq.s32 s10, $0x1;
	s10 =	sld [smem:$0x3FAA]  }
0x3d: {  	_ =	shalt  }
0x3e: {  	_ =	shalt  }
0x3f: {  	_ =	shalt  }
0x40: {  	_ =	shalt  }
0x41: {  	_ =	shalt  }
0x42: {  	_ =	shalt  }
0x43: {  	_ =	shalt  }
0x44: {  	_ =	shalt  }
0x45: {  	_ =	shalt  }
0x46: {  	_ =	shalt  }
0x47: {  	_ =	shalt  }
0x48: {  	_ =	shalt  }
0x49: {  	_ =	shalt  }
0x4a: {  	_ =	shalt  }
0x4b: {  	_ =	shalt  }
0x4c: {  	_ =	shalt  }
0x4d: {  	_ =	shalt  }
0x4e: {  	_ =	shalt  }
0x4f: {  	_ =	shalt  }
0x50: {  	_ =	shalt  }
0x51: {  	_ =	shalt  }
0x52: {  	_ =	shalt  }
0x53: {  	_ =	shalt  }
0x54: {  	_ =	shalt  }
0x55: {  	_ =	shalt  }
0x56: {  	_ =	shalt  }
0x57: {  	_ =	shalt  }
0x58: {  	_ =	shalt  }
0x59: {  	_ =	shalt  }
0x5a: {  	_ =	shalt  }
0x5b: {  	_ =	shalt  }
0x5c: {  	_ =	shalt  }
0x5d: {  	_ =	shalt  }
0x5e: {  	_ =	shalt  }
0x5f: {  	_ =	shalt  }
0x60: {  	_ =	shalt  }
0x61: {  	_ =	shalt  }
0x62: {  	_ =	shalt  }
0x63: {  	_ =	shalt  }
0x64: {  	_ =	shalt  }
0x65: {  	_ =	shalt  }
0x66: {  	_ =	shalt  }
0x67: {  	_ =	shalt  }
0x68: {  	_ =	shalt  }
0x69: {  	_ =	shalt  }
0x6a: {  	_ =	shalt  }
0x6b: {  	_ =	shalt  }
0x6c: {  	_ =	shalt  }
0x6d: {  	_ =	shalt  }
0x6e: {  	_ =	shalt  }
0x6f: {  	_ =	shalt  }
0x70: {  	_ =	shalt  }
0x71: {  	_ =	shalt  }
0x72: {  	_ =	shalt  }
0x73: {  	_ =	shalt  }
0x74: {  	_ =	shalt  }
0x75: {  	_ =	shalt  }
0x76: {  	_ =	shalt  }
0x77: {  	_ =	shalt  }
0x78: {  	_ =	shalt  }
0x79: {  	_ =	shalt  }
0x7a: {  	_ =	shalt  }
0x7b: {  	_ =	shalt  }
0x7c: {  	_ =	shalt  }
0x7d: {  	_ =	shalt  }
0x7e: {  	_ =	shalt  }
0x7f: {  	_ =	shalt  }
0x80: {  	_ =	shalt  }
0x81: {  	_ =	shalt  }
0x82: {  	_ =	shalt  }
0x83: {  	_ =	shalt  }
0x84: {  	_ =	shalt  }
0x85: {  	_ =	shalt  }
0x86: {  	_ =	shalt  }
0x87: {  	_ =	shalt  }
.Lfunc_end0:
.L_simem_size_0:
called_computation.2_lowered:
.L_overlay_start_0:
0x88: {  	s2 =	sld [smem:$0x3FD9]  }
0x89: {  	s3 =	sld [smem:$0x3FFE];
	_ =	sdelay $0x1  }
0x8a: {  	s1 =	srdreg.scid  }
0x8b: {  	s0 =	sand.u32 $0x1, s1  }
0x8c: {  	s16 =	sshll.u32 s0, $0xA;
	s2 =	sadd.s32 s3, s2  }
0x8d: {  	s2 =	sadd.s32 s2, s16  }
0x8e: {  	[smem:$0x3FB6] =	sst s2  }
0x8f: {  	_ = 	snop  }
0x90: {  	(tm) =	ssettm $0x1  }
0x91: {  	s17 =	sld [smem:$0x3FFB];
	_ =	sdelay $0x3  }
0x92: {  	_ =	strace s17  }
0x93: {  	s2 =	sld [smem:$0x3FFC];
	_ =	sdelay $0x3  }
0x94: {  	_ =	strace s2  }
0x95: {  	s2 =	sld [smem:$0x3FFD];
	_ =	sdelay $0x3  }
0x96: {  	_ =	strace s2  }
0x97: {  	_ =	strace $0x8FFFFFFF  }
0x98: {  	s18 =	sld [smem:$0x3FDB];
	_ =	sdelay $0x1  }
0x99: {  	s19 =	simm.s32 $_scs_section_size  }
0x9a: {  	s4 =	simm.s32 $_size__tile_overlayer_lowered;
	s5 =	simm.s32 $_tile_overlayer_lowered  }
0x9b: {  	s22 =	simm.s32 $0x1BFF;
	s21 =	sshll.u32 s5, $0x1;
	s2 =	sadd.s32 s19, s18  }
0x9c: {  	s6 =	simm.s32 $0x0;
	s20 =	sshll.u32 s4, $0x1;
	s4 =	sadd.s32 s21, s2  }
0x9d: {  	[timem:s6], [sflag:s22] =	dma.local [hbm:s4], s20  }
0x9e: {  	_ =	swait.ge [sflag:s22], s20  }
0x9f: {  	s3 =	ssub.s32 $0x0, s20;
	[sflag:s22] =	ssyncset.done $0x0  }
0xa0: {  	[sflag:s22] =	ssyncadd.s32 s3;
	_ =	sdelay $0x1  }
0xa1: {  	s23 =	simm.s32 $0x1B8B  }
0xa2: {  	_ =	swait.ge [sflag:s23], $0x1  }
0xa3: {  	[sflag:s23] =	ssyncset.done $0x0  }
0xa4: {  	s25 =	simm.s32 $0x1B8E;
	s24 =	sld [smem:$0x3FFE];
	[sflag:s23] =	ssyncadd.s32 $0xFFFFFFFF  }
0xa5: {  	s26 =	simm.s32 $execute0_lowered;
	[smem:$0x3FD2] =	sst s25  }
0xa6: {  	s4 =	sshll.u32 s26, $0x1;
	_ =	strace $0x8000004C;
	[dreg:$0x1] =	wrdreg $0xFFFFFFFF  }
0xa7: {  	s28 =	simm.s32 $_size_execute0_lowered;
	s2 =	sadd.s32 s2, s4;
	[dreg:$0x0] =	wrdreg $0x0  }
0xa8: {  	s4 =	sshll.u32 s28, $0x1;
	[dreg:$0x2] =	wrdreg s2  }
0xa9: {  	[dreg:$0x3] =	wrdreg s4  }
0xaa: {  	[dreg:$0x4] =	wrdreg $0xC0  }
0xab: {  	_ =	task [dreg:s6], $0x5FFFF  }
0xac: {  	[dreg:$0x1] =	wrdreg $0xFFFFFFFF  }
0xad: {  	[dreg:$0x0] =	wrdreg $0x60  }
0xae: {  	[dreg:$0x2] =	wrdreg s24  }
0xaf: {  	[dreg:$0x3] =	wrdreg $0x192680  }
0xb0: {  	[dreg:$0x4] =	wrdreg $0x9  }
0xb1: {  	_ =	task.clear_ibuf [dreg:s6], $0x5FFFF;
	_ =	strace $0x9000004C  }
0xb2: {  	s29 =	simm.s32 $0x9;
	_ =	strace $0x8000004E  }
0xb3: {  	_ =	swait.ge [sflag:s29], $0x1  }
0xb4: {  	[sflag:s29] =	ssyncadd.s32 $0xFFFFFFFF  }
0xb5: {  	_ =	strace $0x9000004E  }
0xb6: {  	_ =	sfence  }
0xb7: {  	s30 =	sld [smem:$0x0];
	_ =	sdelay $0x2  }
0xb8: {  	s31 =	sshll.u32 s1, $0xD;
	s1 =	sshrl.u32 s1, $0x2  }
0xb9: {  	s3 =	sand.u32 $0x4000, s31;
	s1 =	sadd.s32 s1, s30  }
0xba: {  	s0 =	sor.u32 s3, s0;
	s1 =	sshll.u32 s1, $0x11  }
0xbb: {  	s0 =	sor.u32 s1, s0  }
0xbc: {  	s0 =	sadd.s32 $0x8F2B, s0  }
0xbd: {  	[sflag:s0] =	ssyncadd.remote.s32 $0x1  }
0xbe: {  	_ =	sfence.sel $0xFFFF  }
0xbf: {  	[dreg:$0x0] =	wrdreg $0xFFFFFFFF;
	(pc) =	sbr.abs _section_cstart, $3  }
0xc0: {  	[dreg:$0x1] =	wrdreg $0xFFFFFFFF  }
0xc1: {  	_ =	task.clear_ibuf [dreg:s6], $0x2FFFF;
	_ =	strace $0x9FFFFFFF  }
0xc2: {  	(tm) =	ssettm $0x7FFFFFFF  }
0xc3: {  	_ =	shalt  }
tec
execute0_lowered:
.L_overlay_start_1:
0x0: {  	(tag) =	ssettag $0x1  }
0x1: {  	s8 =	rddreg [dreg:$0x0]  }
0x2: {  	s1 =	rddreg [dreg:$0x1];
	v0 =	vimm.s32 $0xEFCDAB89  }
0x3: {  	s0 =	rddreg [dreg:$0x2];
	s3 =	simm.s32 $0x0;
	s4 =	srdreg.scid;
	v1 =	vimm.s32 $0x67452301;
	v2 =	vimm.s32 $0xDCFE98BA;
	v3 =	vimm.s32 $0x54761032  }
0x4: {  	s2 =	stileid.u32;
	v4 =	vimm.s32 $0xBA98FEDC;
	v5 =	vimm.s32 $0x32107654;
	s16 =	simm.s32 $0x13880;
	s17 =	simm.s32 $0x15F90  }
0x5: {  	v6 =	vimm.s32 $0xFEDCBA98;
	s18 =	simm.s32 $0x18E70;
	s19 =	simm.s32 $0x186A0;
	s20 =	simm.s32 $0x18A88  }
0x6: {  	v7 =	vimm.s32 $0x76543210;
	vm0 =	vcmask $0x3F20;
	s21 =	simm.s32 $0x3E8;
	s22 =	simm.s32 $0x0;
	v0 =	vunpack.c.l.s4.s8 v0;
	[smem:$0x7FF] =	sst s3  }
0x7: {  	s9 =	sand.u32 $0x1, s4;
	s11 =	smul.u32 $0x3E8, s2;
	v1 =	vunpack.c.l.s4.s8 v1;
	v2 =	vunpack.c.l.s4.s8 v2;
	s4 =	sadd.s32 $0x2A00, s8;
	v3 =	vunpack.c.l.s4.s8 v3  }
0x8: {  	s5 =	sadd.s32 $0xF200, s8;
	s6 =	sadd.s32 $0xA200, s8;
	s14 =	smul.u32 $0xFA0, s2;
	v4 =	vunpack.c.l.s4.s8 v4;
	v5 =	vunpack.c.l.s4.s8 v5;
	v0 =	vunpack.c.0.s8.s32 v0  }
0x9: {  	s7 =	sadd.s32 $0x5200, s8;
	s30 =	sshll.u32 s2, $0x1;
	s10 =	smul.u32 $0x2710, s9;
	v1 =	vunpack.c.0.s8.s32 v1;
	v2 =	vunpack.c.0.s8.s32 v2;
	v3 =	vunpack.c.0.s8.s32 v3  }
0xa: {  	v6 =	vunpack.c.l.s4.s8 v6;
	p0 =	sgt.u32 s2, $0x9;
	_ =	strace $0x8000004D;
	s12 =	ssub.s32 $0x2, s9;
	v4 =	vunpack.c.0.s8.s32 v4;
	v5 =	vunpack.c.0.s8.s32 v5  }
0xb: {  	v7 =	vunpack.c.l.s4.s8 v7;
	s13 =	sshrl.u32 s12, $0x1;
	s31 =	sshrl.u32 s14, $0x2;
	s10 =	sadd.s32 s11, s10;
	v1 =	vcombine.low v1, v0;
	v2 =	vcombine.low v3, v2  }
0xc: {  	s14 =	simm.s32 $0x1;
	s13 =	ssub.s32 s12, s13;
	s10 =	sshrl.u32 s10, $0x3;
	v3 =	vunpack.c.0.s8.s32 v6;
	v6 =	vlaneseq.u32;
	v4 =	vcombine.low v5, v4  }
0xd: {  	s11 =	sadd.s32 s11, s1;
	s13 =	smax.u32 s13, $0x1;
	v5 =	vunpack.c.0.s8.s32 v7;
	s15 =	sadd.s32 s10, s8;
	v0 =	vmul.u32 $0x8, v6;
	v6 =	vadd.s32 $0x3D8, v6  }
0xe: {  	s8 =	sadd.s32 $0xF6E2, s8;
	s10 =	sor.u32 s9, s30;
	s9 =	sadd.s32 s31, s1;
	v1 =	vand.u32 $0xF, v1;
	v7 =	vand.u32 $0xF, v3;
	v2 =	vand.u32 $0xF, v2  }
0xf: {  	s10 =	smul.u32 $0x1388, s10;
	s12 =	sadd.s32 $0xFC00, s15;
	s15 =	simm.s32 $0x19258;
	v3 =	vand.u32 $0xF, v4;
	v4 =	vcombine.low v7, v5;
	v5 =	vimm.f32 $0.0e+00  }
.LBB2_1:
0x10: {  	v7 =	vmov s3  }
0x11: {  	v7 =	vshll.u32 v7, $0x3  }
0x12: {  	v8 =	vor.u32 v0, v7  }
0x13: {  	[tilespmem:s3], [sflag:$0x1] =	stream.linear.gather [hbm4b:s4+s3], $0x13880, $0x38;
	[tilespmem:$0x194E0] =	vst v63  }
0x14: {  	s23 =	simm.s32 $0x10;
	_ =	swait.ge [sflag:s14], $0x13880  }
0x15: {  	[sflag:s14] =	ssyncset.done $0x0;
	v7 =	vmov s23  }
0x16: {  	[sflag:s14] =	ssyncadd.s32 $0xFFFEC780;
	v9 =	vshll.u32 v7, $0x3  }
0x17: {  	s23 =	simm.s32 $0x20;
	v7 =	vimm.f32 $-Inf;
	v9 =	vor.u32 v0, v9;
	v8 =	vld.idx.msk [tilespmem:v8+s3+$0x0], $0xffff  }
.LBB2_2:
0x18: {  	p1 =	sne.s32 s23, $0x2700  }
.Ltmp0:
0x19: {  	_ = 	snop;
	(pc) =	sbr.rel @p1 .LBB2_2-.Ltmp0, $4  }
0x1a: {  	_ = 	snop  }
0x1b: {  	v10 =	vmov s23;
	s23 =	sadd.s32 $0x10, s23  }
0x1c: {  	v10 =	vshll.u32 v10, $0x3;
	v7 =	vmax.f32 v7, v8;
	v8 =	vld.idx.msk [tilespmem:v9+s3+$0x0], $0xffff  }
0x1d: {  	v9 =	vor.u32 v0, v10  }
0x1e: {  	_ =	sdelay $0x3  }
0x1f: {  	v9 =	vld.idx.msk [tilespmem:v9+s3+$0x0], $0xffff;
	_ =	sdelay $0x3  }
0x20: {  	v7 =	vmax.f32 v7, v8  }
0x21: {  	v7 =	vmax.f32 v7, v9  }
0x22: {  	[tilespmem:$0x19258] =	vst v7  }
0x23: {  	v8 =	vld.idx.msk [tilespmem:v1+s15+$0x0], $0xffff;
	_ =	sdelay $0x4  }
0x24: {  	v7 =	vmax.f32 v7, v8  }
0x25: {  	[tilespmem:$0x19258] =	vst v7  }
0x26: {  	v8 =	vld.idx.msk [tilespmem:v2+s15+$0x0], $0xffff;
	_ =	sdelay $0x4  }
0x27: {  	v7 =	vmax.f32 v7, v8  }
0x28: {  	s23 =	simm.s32 $0x0;
	[tilespmem:$0x19258] =	vst v7  }
0x29: {  	v9 =	vmov s23;
	v8 =	vld.idx.msk [tilespmem:v3+s15+$0x0], $0xffff  }
0x2a: {  	v9 =	vshll.u32 v9, $0x3  }
0x2b: {  	v9 =	vor.u32 v0, v9  }
0x2c: {  	v10 =	vor.u32 $0x1, v9  }
0x2d: {  	s31 =	simm.s32 $0x10  }
0x2e: {  	v7 =	vmax.f32 v7, v8;
	v8 =	vmov s31  }
0x2f: {  	[tilespmem:$0x19258] =	vst v7;
	v9 =	vshll.u32 v8, $0x3  }
0x30: {  	v8 =	vld.idx.msk [tilespmem:v4+s15+$0x0], $0xffff;
	v11 =	vor.u32 v0, v9  }
0x31: {  	s23 =	simm.s32 $0x20;
	v9 =	vimm.f32 $-Inf;
	v10 =	vld.idx.msk [tilespmem:v10+s3+$0x0], $0xffff;
	v11 =	vor.u32 $0x1, v11  }
.LBB2_4:
0x32: {  	p1 =	sne.s32 s23, $0x2700  }
.Ltmp1:
0x33: {  	_ = 	snop;
	(pc) =	sbr.rel @p1 .LBB2_4-.Ltmp1, $4  }
0x34: {  	v12 =	vmov s23  }
0x35: {  	v12 =	vshll.u32 v12, $0x3  }
0x36: {  	v12 =	vor.u32 v0, v12  }
0x37: {  	s23 =	sadd.s32 $0x10, s23;
	v9 =	vmax.f32 v9, v10;
	v10 =	vld.idx.msk [tilespmem:v11+s3+$0x0], $0xffff;
	v11 =	vor.u32 $0x1, v12  }
0x38: {  	_ =	sdelay $0x3  }
0x39: {  	v11 =	vld.idx.msk [tilespmem:v11+s3+$0x0], $0xffff;
	_ =	sdelay $0x3  }
0x3a: {  	v9 =	vmax.f32 v9, v10  }
0x3b: {  	v9 =	vmax.f32 v9, v11  }
0x3c: {  	[tilespmem:$0x19258] =	vst v9  }
0x3d: {  	v10 =	vld.idx.msk [tilespmem:v1+s15+$0x0], $0xffff;
	_ =	sdelay $0x4  }
0x3e: {  	v9 =	vmax.f32 v9, v10  }
0x3f: {  	[tilespmem:$0x19258] =	vst v9  }
0x40: {  	v10 =	vld.idx.msk [tilespmem:v2+s15+$0x0], $0xffff;
	_ =	sdelay $0x4  }
0x41: {  	v9 =	vmax.f32 v9, v10  }
0x42: {  	[tilespmem:$0x19258] =	vst v9  }
0x43: {  	v10 =	vld.idx.msk [tilespmem:v3+s15+$0x0], $0xffff;
	_ =	sdelay $0x4  }
0x44: {  	v9 =	vmax.f32 v9, v10  }
0x45: {  	s23 =	simm.s32 $0x0;
	[tilespmem:$0x19258] =	vst v9  }
0x46: {  	v10 =	vld.idx.msk [tilespmem:v4+s15+$0x0], $0xffff;
	[tilespmem:s16], [sflag:$0x1] =	stream.linear.gather [hbm4b:s5+s23], $0x2710, $0x38  }
0x47: {  	_ =	swait.ge [sflag:s14], $0x2710  }
0x48: {  	[sflag:s14] =	ssyncset.done $0x0  }
0x49: {  	[sflag:s14] =	ssyncadd.s32 $0xFFFFD8F0  }
0x4a: {  	[tilespmem:s17], [sflag:$0x1] =	stream.linear.gather [hbm4b:s8+s23], $0x2710, $0x38;
	[tilespmem:$0x194E0] =	vst v63  }
0x4b: {  	_ =	swait.ge [sflag:s14], $0x2710  }
0x4c: {  	[sflag:s14] =	ssyncset.done $0x0  }
0x4d: {  	s23 =	simm.s32 $0x0;
	[sflag:s14] =	ssyncadd.s32 $0xFFFFD8F0  }
0x4e: {  	s24 =	simm.s32 $0x40;
	v11 =	vld [tilespmem:s23+$0x15F90]  }
.LBB2_6:
0x4f: {  	p1 =	sne.s32 s24, $0x9C00;
	v12 =	vld [tilespmem:s23+$0x13880];
	_ =	sdelay $0x2  }
.Ltmp2:
0x50: {  	(pc) =	sbr.rel @p1 .LBB2_6-.Ltmp2, $4  }
0x51: {  	_ = 	snop  }
0x52: {  	v12 =	vadd.f32 v11, v12  }
0x53: {  	s25 =	sshra.s32 s24, $0x2  }
0x54: {  	s24 =	sadd.s32 $0x40, s24;
	v11 =	vld [tilespmem:s25+$0x15F90];
	[tilespmem:s23+$0x13880] =	vst v12;
	s23 =	smov.u32 s25  }
0x55: {  	v12 =	vld [tilespmem:s23+$0x13880];
	_ =	sdelay $0x4  }
0x56: {  	v11 =	vadd.f32 v11, v12;
	_ =	sdelay $0x1  }
0x57: {  	s24 =	simm.s32 $0x0;
	[tilespmem:s23+$0x13880] =	vst v11;
	s23 =	simm.s32 $0x40  }
.LBB2_8:
0x58: {  	p1 =	sne.s32 s23, $0xF40;
	[tilespmem:s24+$0x18E70] =	vst v5;
	s24 =	smov.u32 s23;
	s23 =	sadd.s32 $0x40, s23  }
.Ltmp3:
0x59: {  	(pc) =	sbr.rel @p1 .LBB2_8-.Ltmp3, $2  }
0x5a: {  	_ =	sdelay $0x2  }
0x5b: {  	s24 =	sshra.s32 s24, $0x2  }
0x5c: {  	_ =	sdelay $0x3  }
0x5d: {  	[tilespmem:s24+$0x18E70] =	vst v5  }
0x5e: {  	s23 =	simm.s32 @!p0 $0x18E70;
	[tilespmem:v6+s18+$0x0] =	vst.idx.msk vm0, v5  }
0x5f: {  	v7 =	vmax.f32 v7, v8;
	v8 =	vmax.f32 v9, v10;
	[spmem:s9] =	stream.linear.scatter @!p0 [tilespmem:s23], [sflag:$0x1], $0x3E8, $0x38;
	[tilespmem:$0x194E0] =	vst v63  }
0x60: {  	v7 =	vadd.f32 v8, v7;
	s23 =	simm.s32 @!p0 $0x1  }
0x61: {  	_ =	swait.ge @!p0 [sflag:s23], $0x3E8  }
0x62: {  	v8 =	vmul.f32 $2.000000030e-01, v7;
	[sflag:s23] =	ssyncset.done @!p0 $0x0  }
0x63: {  	vm1 =	vgt.f32 v7, $0.0e+00;
	[sflag:s23] =	ssyncadd.s32 @!p0 $0xFFFFFC18  }
0x64: {  	s24 =	simm.s32 $0x0;
	v7 =	vsel vm1, v7, v8;
	s23 =	simm.s32 $0x0;
	[bflag:$0x0] =	sbarrier.arrive $0xFFFF  }
.LBB2_10:
0x65: {  	s25 =	smul.u32 $0x3E8, s24;
	_ =	sdelay $0x1  }
0x66: {  	s25 =	sadd.s32 s10, s25  }
0x67: {  	s25 =	sshrl.u32 s25, $0x3  }
0x68: {  	s26 =	sadd.s32 s6, s25  }
0x69: {  	[tilespmem:s19], [sflag:$0x1] =	stream.linear.gather [hbm4b:s26+s23], $0x3E8, $0x38;
	[tilespmem:$0x194E0] =	vst v63  }
0x6a: {  	_ =	swait.ge [sflag:s14], $0x3E8  }
0x6b: {  	[sflag:s14] =	ssyncset.done $0x0  }
0x6c: {  	s25 =	sadd.s32 s7, s25;
	[sflag:s14] =	ssyncadd.s32 $0xFFFFFC18  }
0x6d: {  	[tilespmem:s20], [sflag:$0x1] =	stream.linear.gather [hbm4b:s25+s23], $0x3E8, $0x38;
	[tilespmem:$0x194E0] =	vst v63  }
0x6e: {  	_ =	swait.ge [sflag:s14], $0x3E8  }
0x6f: {  	[sflag:s14] =	ssyncset.done $0x0  }
0x70: {  	s25 =	simm.s32 $0x0;
	[sflag:s14] =	ssyncadd.s32 $0xFFFFFC18  }
0x71: {  	v8 =	vld [tilespmem:s25+$0x18A88]  }
0x72: {  	v9 =	vld [tilespmem:s25+$0x186A0];
	_ =	sdelay $0x4  }
0x73: {  	v10 =	vshll.u32 v8, $0x3;
	v9 =	vshll.u32 v9, $0x3  }
0x74: {  	v10 =	vor.u32 $0x1, v10;
	_ =	sdelay $0x3  }
0x75: {  	v9 =	vld.idx.msk [tilespmem:v9+s3+$0x0], $0xffff  }
0x76: {  	v10 =	vld.idx.msk [tilespmem:v10+s3+$0x0], $0xffff;
	_ =	sdelay $0x4  }
0x77: {  	v9 =	vadd.f32 v10, v9;
	_ =	sdelay $0x1  }
0x78: {  	v10 =	vmul.f32 $2.000000030e-01, v9  }
0x79: {  	v8 =	vld.idx.msk [tilespmem:v8+s16+$0x0], $0xffff;
	vm1 =	vgt.f32 v9, $0.0e+00  }
0x7a: {  	v9 =	vsel vm1, v9, v10  }
0x7b: {  	v9 =	vsub.f32 v9, v7;
	_ =	sdelay $0x1  }
0x7c: {  	v9 =	vmul.f32 $1.442695020e+00, v9  }
0x7d: {  	(erf) = vrcp.f32 v8  }
0x7e: {  	(erf) = vpow2.f32 v9  }
0x7f: {  	s28 =	simm.s32 $0x10  }
0x80: {  	s26 =	simm.s32 $0x80;
	v8 =	vld [tilespmem:s28+$0x18A88]  }
.LBB2_11:
0x81: {  	p1 =	sne.s32 s26, $0xF40  }
0x82: {  	v9 =	vld [tilespmem:s28+$0x186A0];
	_ =	sdelay $0x2  }
0x83: {  	v10 =	vshll.u32 v8, $0x3  }
0x84: {  	v10 =	vor.u32 $0x1, v10;
	v11 =	vpop (erf)  }
0x85: {  	v9 =	vshll.u32 v9, $0x3;
	v12 =	vpop (erf)  }
0x86: {  	v11 =	vmul.f32 v12, v11;
	_ =	sdelay $0x1  }
0x87: {  	[tilespmem:s25+$0x18E70] =	vst v11;
	s25 =	smov.u32 s28  }
0x88: {  	v10 =	vld.idx.msk [tilespmem:v10+s3+$0x0], $0xffff  }
0x89: {  	v9 =	vld.idx.msk [tilespmem:v9+s3+$0x0], $0xffff;
	_ =	sdelay $0x5  }
0x8a: {  	v9 =	vadd.f32 v10, v9;
	_ =	sdelay $0x1  }
0x8b: {  	v10 =	vmul.f32 $2.000000030e-01, v9;
	v8 =	vld.idx.msk [tilespmem:v8+s16+$0x0], $0xffff  }
0x8c: {  	vm1 =	vgt.f32 v9, $0.0e+00  }
0x8d: {  	v9 =	vsel vm1, v9, v10  }
0x8e: {  	v9 =	vsub.f32 v9, v7;
	_ =	sdelay $0x1  }
.Ltmp4:
0x8f: {  	v9 =	vmul.f32 $1.442695020e+00, v9;
	(pc) =	sbr.rel @p1 .LBB2_11-.Ltmp4, $4  }
0x90: {  	(erf) = vrcp.f32 v8  }
0x91: {  	(erf) = vpow2.f32 v9  }
0x92: {  	s28 =	sshra.s32 s26, $0x2  }
0x93: {  	s26 =	sadd.s32 $0x40, s26;
	v8 =	vld [tilespmem:s28+$0x18A88]  }
0x94: {  	_ = 	snop  }
0x95: {  	v9 =	vld [tilespmem:s28+$0x186A0];
	_ =	sdelay $0x2  }
0x96: {  	v10 =	vshll.u32 v8, $0x3  }
0x97: {  	v10 =	vor.u32 $0x1, v10;
	v11 =	vpop (erf)  }
0x98: {  	v9 =	vshll.u32 v9, $0x3;
	v12 =	vpop (erf)  }
0x99: {  	v11 =	vmul.f32 v12, v11;
	_ =	sdelay $0x1  }
0x9a: {  	[tilespmem:s25+$0x18E70] =	vst v11  }
0x9b: {  	v10 =	vld.idx.msk [tilespmem:v10+s3+$0x0], $0xffff  }
0x9c: {  	v9 =	vld.idx.msk [tilespmem:v9+s3+$0x0], $0xffff;
	_ =	sdelay $0x4  }
0x9d: {  	v9 =	vadd.f32 v10, v9;
	_ =	sdelay $0x1  }
0x9e: {  	v10 =	vmul.f32 $2.000000030e-01, v9  }
0x9f: {  	v8 =	vld.idx.msk [tilespmem:v8+s16+$0x0], $0xffff;
	vm1 =	vgt.f32 v9, $0.0e+00  }
0xa0: {  	v9 =	vsel vm1, v9, v10  }
0xa1: {  	v9 =	vsub.f32 v9, v7;
	_ =	sdelay $0x1  }
0xa2: {  	v9 =	vmul.f32 $1.442695020e+00, v9  }
0xa3: {  	(erf) = vrcp.f32 v8  }
0xa4: {  	(erf) = vpow2.f32 v9;
	_ =	sdelay $0x7  }
0xa5: {  	v8 =	vpop (erf)  }
0xa6: {  	v9 =	vpop (erf)  }
0xa7: {  	v8 =	vmul.f32 v9, v8;
	_ =	sdelay $0x1  }
0xa8: {  	[tilespmem:s28+$0x18E70] =	vst v8  }
0xa9: {  	v8 =	vld.idx.msk [tilespmem:v6+s19+$0x0], $0xffff  }
0xaa: {  	v62 =	vld.idx.msk [tilespmem:v6+s20+$0x0], $0xffff;
	_ =	sdelay $0x4  }
0xab: {  	v8 =	vshll.u32 v8, $0x3;
	v63 =	vshll.u32 v62, $0x3  }
0xac: {  	v10 =	vor.u32 $0x1, v63;
	_ =	sdelay $0x3  }
0xad: {  	v8 =	vld.idx.msk [tilespmem:v8+s3+$0x0], $0xffff  }
0xae: {  	v10 =	vld.idx.msk [tilespmem:v10+s3+$0x0], $0xffff;
	_ =	sdelay $0x4  }
0xaf: {  	v8 =	vadd.f32 v10, v8;
	_ =	sdelay $0x1  }
0xb0: {  	v10 =	vmul.f32 $2.000000030e-01, v8  }
0xb1: {  	vm1 =	vgt.f32 v8, $0.0e+00  }
0xb2: {  	v8 =	vsel vm1, v8, v10  }
0xb3: {  	v9 =	vld.idx.msk [tilespmem:v62+s16+$0x0], $0xffff;
	v8 =	vsub.f32 v8, v7;
	_ =	sdelay $0x1  }
0xb4: {  	v8 =	vmul.f32 $1.442695020e+00, v8;
	_ =	sdelay $0x1  }
0xb5: {  	(erf) = vpow2.f32 v8  }
0xb6: {  	(erf) = vrcp.f32 v9;
	_ =	sdelay $0x7  }
0xb7: {  	v8 =	vpop (erf)  }
0xb8: {  	v9 =	vpop (erf)  }
0xb9: {  	s24 =	sadd.s32 $0x1, s24;
	v8 =	vmul.f32 v8, v9  }
0xba: {  	p1 =	sne.s32 s24, $0x5  }
.Ltmp5:
0xbb: {  	[tilespmem:v6+s18+$0x0] =	vst.idx.msk vm0, v8;
	(pc) =	sbr.rel @p1 .LBB2_10-.Ltmp5, $4  }
0xbc: {  	[spmem:s1] =	stream.indirect.scatter.add.f32 [tilespmem:s18], [sflag:$0x1], $0x1, s19, s21, $0xb8;
	[tilespmem:$0x194E0] =	vst v63  }
0xbd: {  	_ =	swait.ge [sflag:s14], $0x3E8  }
0xbe: {  	[sflag:s14] =	ssyncset.done $0x0  }
0xbf: {  	[sflag:s14] =	ssyncadd.s32 $0xFFFFFC18  }
0xc0: {  	[bflag:$0x0] =	sbarrier.arrive $0xFFFF;
	s23 =	simm.s32 @!p0 $0x18E70;
	s24 =	simm.s32 @!p0 $0x1  }
0xc1: {  	[tilespmem:s23], [sflag:$0x1] =	stream.linear.gather @!p0 [spmem:s11], $0x3E8, $0x38;
	[tilespmem:$0x194E0] =	vst v63  }
0xc2: {  	s22 =	sadd.s32 $0x1, s22;
	_ =	swait.ge @!p0 [sflag:s24], $0x3E8  }
0xc3: {  	p1 =	sne.s32 s22, s13;
	[sflag:s24] =	ssyncset.done @!p0 $0x0  }
.Ltmp6:
0xc4: {  	s25 =	simm.s32 @!p0 $0x0;
	[sflag:s24] =	ssyncadd.s32 @!p0 $0xFFFFFC18;
	(pc) =	sbr.rel @p1 .LBB2_1-.Ltmp6, $4  }
0xc5: {  	[hbm4b:s12+s25] =	stream.linear.scatter @!p0 [tilespmem:s23], [sflag:$0x1], $0x3E8, $0x38;
	[tilespmem:$0x194E0] =	vst v63  }
0xc6: {  	_ =	swait.ge @!p0 [sflag:s24], $0x3E8  }
0xc7: {  	[sflag:s24] =	ssyncset.done @!p0 $0x0  }
0xc8: {  	[sflag:s24] =	ssyncadd.s32 @!p0 $0xFFFFFC18  }
0xc9: {  	_ =	sfence.sel $0x180000  }
0xca: {  	[bflag:$0x0] =	sbarrier.arrive $0xFFFF  }
0xcb: {  	p0 =	sne.s32 s2, $0x0;
	_ =	strace $0x9000004D  }
0xcc: {  	s0 =	sadd.s32 @!p0 $0x100000, s0;
	[bflag:$0x2] =	sbarrier.arrive $0xFFFF  }
0xcd: {  	[sflag:s0] =	ssyncadd.tile.s32 @!p0 $0x1;
	_ =	shalt  }
.Lfunc_end2:
_tile_overlayer_lowered:
.L_overlay_start_2:
0xce: {  	(tag) =	ssettag $0x2  }
0xcf: {  	s0 =	rddreg [dreg:$0x0];
	s2 =	stileid.u32  }
0xd0: {  	s1 =	rddreg [dreg:$0x1];
	p0 =	sne.s32 s2, $0x0  }
0xd1: {  	s3 =	rddreg [dreg:$0x2];
	[bflag:$0x3] =	sbarrier.arrive $0xFFFF;
	s2 =	simm.s32 @!p0 $0x1C01  }
0xd2: {  	[timem:s3], [sflag:s2] =	dma.local @!p0 [hbm:s0], s1  }
0xd3: {  	s0 =	simm.s32 @!p0 $0x1  }
0xd4: {  	_ =	swait.ge @!p0 [sflag:s0], s1  }
0xd5: {  	s1 =	ssub.s32 @!p0 $0x0, s1;
	[sflag:s0] =	ssyncset.done @!p0 $0x0  }
0xd6: {  	[sflag:s0] =	ssyncadd.s32 @!p0 s1  }
0xd7: {  	[bflag:$0x3] =	sbarrier.arrive $0xFFFF  }
0xd8: {  	_ =	shalt  }

// kernel: kernel.8.cloned.1.call-start
scs
__scs_entry_jumppad:
0x0: {  	(pc) =	sbr.rel $0x88, $3  }
0x1: {  	(tag) =	ssettag $0x0;
	lr =	simm.s32 $0x1  }
0x2: {  	[smem:$0x3F8F] =	sst lr;
	_ =	strace $0xD0000000  }
0x3: {  	_ = 	snop  }
0x4: {  	_ = 	snop  }
0x5: {  	_ = 	snop  }
0x6: {  	_ = 	snop  }
0x7: {  	_ = 	snop  }
__scs_overlays_trampoline_lowered:
0x8: {  	[smem:$0x3F9E] =	sst s0  }
0x9: {  	[smem:$0x3F9F] =	sst s1  }
0xa: {  	[smem:$0x3FA0] =	sst s2  }
0xb: {  	[smem:$0x3FA1] =	sst s3  }
0xc: {  	[smem:$0x3FA2] =	sst s4  }
0xd: {  	[smem:$0x3FA3] =	sst s5  }
0xe: {  	[smem:$0x3FA4] =	sst s6  }
0xf: {  	[smem:$0x3FA5] =	sst s7  }
0x10: {  	[smem:$0x3FA6] =	sst s8  }
0x11: {  	[smem:$0x3FA7] =	sst s9;
	s0 =	simm.s32 @!p0 $0x0  }
0x12: {  	s1 =	sld [smem:$0x3F8D];
	s0 =	simm.s32 @p0 $0x1  }
0x13: {  	[smem:$0x3FA8] =	sst s0;
	s0 =	simm.s32 @!p1 $0x0  }
0x14: {  	s2 =	sld [smem:$0x3F8C];
	s0 =	simm.s32 @p1 $0x1  }
0x15: {  	[smem:$0x3FA9] =	sst s0;
	s0 =	simm.s32 @!p2 $0x0  }
0x16: {  	s3 =	sld [smem:$0x3FDB];
	s0 =	simm.s32 @p2 $0x1  }
0x17: {  	s4 =	simm.s32 $0x1BF5;
	[smem:$0x3FAB] =	sst s0  }
0x18: {  	s0 =	sld [smem:$0x3F8E];
	_ =	swait.ge [sflag:s4], $0x0  }
0x19: {  	s7 =	sld [smem:$0x3F8F]  }
0x1a: {  	s8 =	sadd.s32 $0xFFFFE003, lr  }
0x1b: {  	s9 =	sadd.s32 $0xFFFFFEF7, lr;
	s5 =	simm.s32 $0xFFFFFFFF;
	p2 =	slt.u32 s8, $0xFFFFF086  }
0x1c: {  	p1 =	slt.u32 s9, $0xF7A;
	s5 =	simm.s32 @!p2 $0x0  }
0x1d: {  	s5 =	simm.s32 @p1 $0x1;
	p0 =	seq.s32 s7, s2  }
0x1e: {  	s7 =	smul.u32 @!p0 $0xF7A, s2;
	p2 =	seq.s32 @!p0 s5, $0x0  }
0x1f: {  	s9 =	smul.u32 $0xF7A, s1;
	s8 =	simm.s32 @!p0 $0x1BF5;
	p2 =	por !p2, p0  }
0x20: {  	[sflag:s8] =	ssyncset.s32 @!p0 $0xFFFFF086;
	s6 =	sadd.s32 @!p0 s3, s7;
	s7 =	simm.s32 @!p0 $0x108  }
0x21: {  	s3 =	sadd.s32 s3, s9;
	s6 =	sadd.s32 @!p0 $0x88, s6;
	s7 =	simm.s32 @p2 $0x1082  }
0x22: {  	[simem:s7], [sflag:s8] =	dma.local @!p0 [hbm:s6], $0xF7A  }
0x23: {  	s9 =	sor.u32 $0xD0000000, s2;
	s6 =	simm.s32 $0x108;
	_ =	swait.ge @!p0 [sflag:s8], $0x0  }
0x24: {  	s3 =	sadd.s32 $0x88, s3;
	s6 =	simm.s32 @!p1 $0x1082;
	[sflag:s4] =	ssyncset.s32 $0xFFFFF086  }
0x25: {  	[simem:s6], [sflag:s4] =	dma.local [hbm:s3], $0xF7A  }
0x26: {  	[smem:$0x3F8F] =	sst s1;
	(tag) =	ssettag s2;
	_ =	strace s9  }
0x27: {  	s1 =	sld [smem:$0x3F9F]  }
0x28: {  	s2 =	sld [smem:$0x3FA0]  }
0x29: {  	s4 =	sld [smem:$0x3FA2]  }
0x2a: {  	p0 =	seq.s32 s5, $0x0;
	s5 =	sld [smem:$0x3FA3]  }
0x2b: {  	s6 =	sld [smem:$0x3FA4]  }
0x2c: {  	s7 =	sld [smem:$0x3FA5]  }
0x2d: {  	s3 =	simm.s32 $0x108;
	s8 =	sld [smem:$0x3FA6]  }
0x2e: {  	s3 =	simm.s32 @!p0 $0x1082;
	s9 =	sld [smem:$0x3FA7]  }
0x2f: {  	lr =	sadd.s32 s0, s3;
	s0 =	sld [smem:$0x3F9E]  }
0x30: {  	s3 =	sld [smem:$0x3FA1]  }
0x31: {  	[smem:$0x3FAA] =	sst s10  }
0x32: {  	s10 =	sld [smem:$0x3FA8];
	_ =	sdelay $0x3  }
0x33: {  	p0 =	seq.s32 s10, $0x1;
	s10 =	sld [smem:$0x3FAA];
	_ =	sdelay $0x3  }
0x34: {  	[smem:$0x3FAA] =	sst s10  }
0x35: {  	s10 =	sld [smem:$0x3FA9];
	_ =	sdelay $0x3  }
0x36: {  	p1 =	seq.s32 s10, $0x1;
	s10 =	sld [smem:$0x3FAA];
	_ =	sdelay $0x3  }
0x37: {  	[smem:$0x3FAA] =	sst s10  }
0x38: {  	s10 =	sld [smem:$0x3FAB]  }
0x39: {  	_ = 	snop;
	(pc) =	sbr.ind lr, $3  }
0x3a: {  	_ = 	snop  }
0x3b: {  	_ = 	snop  }
0x3c: {  	p2 =	seq.s32 s10, $0x1;
	s10 =	sld [smem:$0x3FAA]  }
0x3d: {  	_ =	shalt  }
0x3e: {  	_ =	shalt  }
0x3f: {  	_ =	shalt  }
0x40: {  	_ =	shalt  }
0x41: {  	_ =	shalt  }
0x42: {  	_ =	shalt  }
0x43: {  	_ =	shalt  }
0x44: {  	_ =	shalt  }
0x45: {  	_ =	shalt  }
0x46: {  	_ =	shalt  }
0x47: {  	_ =	shalt  }
0x48: {  	_ =	shalt  }
0x49: {  	_ =	shalt  }
0x4a: {  	_ =	shalt  }
0x4b: {  	_ =	shalt  }
0x4c: {  	_ =	shalt  }
0x4d: {  	_ =	shalt  }
0x4e: {  	_ =	shalt  }
0x4f: {  	_ =	shalt  }
0x50: {  	_ =	shalt  }
0x51: {  	_ =	shalt  }
0x52: {  	_ =	shalt  }
0x53: {  	_ =	shalt  }
0x54: {  	_ =	shalt  }
0x55: {  	_ =	shalt  }
0x56: {  	_ =	shalt  }
0x57: {  	_ =	shalt  }
0x58: {  	_ =	shalt  }
0x59: {  	_ =	shalt  }
0x5a: {  	_ =	shalt  }
0x5b: {  	_ =	shalt  }
0x5c: {  	_ =	shalt  }
0x5d: {  	_ =	shalt  }
0x5e: {  	_ =	shalt  }
0x5f: {  	_ =	shalt  }
0x60: {  	_ =	shalt  }
0x61: {  	_ =	shalt  }
0x62: {  	_ =	shalt  }
0x63: {  	_ =	shalt  }
0x64: {  	_ =	shalt  }
0x65: {  	_ =	shalt  }
0x66: {  	_ =	shalt  }
0x67: {  	_ =	shalt  }
0x68: {  	_ =	shalt  }
0x69: {  	_ =	shalt  }
0x6a: {  	_ =	shalt  }
0x6b: {  	_ =	shalt  }
0x6c: {  	_ =	shalt  }
0x6d: {  	_ =	shalt  }
0x6e: {  	_ =	shalt  }
0x6f: {  	_ =	shalt  }
0x70: {  	_ =	shalt  }
0x71: {  	_ =	shalt  }
0x72: {  	_ =	shalt  }
0x73: {  	_ =	shalt  }
0x74: {  	_ =	shalt  }
0x75: {  	_ =	shalt  }
0x76: {  	_ =	shalt  }
0x77: {  	_ =	shalt  }
0x78: {  	_ =	shalt  }
0x79: {  	_ =	shalt  }
0x7a: {  	_ =	shalt  }
0x7b: {  	_ =	shalt  }
0x7c: {  	_ =	shalt  }
0x7d: {  	_ =	shalt  }
0x7e: {  	_ =	shalt  }
0x7f: {  	_ =	shalt  }
0x80: {  	_ =	shalt  }
0x81: {  	_ =	shalt  }
0x82: {  	_ =	shalt  }
0x83: {  	_ =	shalt  }
0x84: {  	_ =	shalt  }
0x85: {  	_ =	shalt  }
0x86: {  	_ =	shalt  }
0x87: {  	_ =	shalt  }
.Lfunc_end0:
.L_simem_size_0:
called_computation_lowered:
.L_overlay_start_0:
0x88: {  	s2 =	sld [smem:$0x3FD9]  }
0x89: {  	s3 =	sld [smem:$0x3FFE];
	_ =	sdelay $0x1  }
0x8a: {  	s1 =	srdreg.scid  }
0x8b: {  	s0 =	sand.u32 $0x1, s1  }
0x8c: {  	s16 =	sshll.u32 s0, $0xA;
	s2 =	sadd.s32 s3, s2  }
0x8d: {  	s2 =	sadd.s32 s2, s16  }
0x8e: {  	[smem:$0x3FB6] =	sst s2  }
0x8f: {  	_ = 	snop  }
0x90: {  	(tm) =	ssettm $0x1  }
0x91: {  	s17 =	sld [smem:$0x3FFB];
	_ =	sdelay $0x3  }
0x92: {  	_ =	strace s17  }
0x93: {  	s2 =	sld [smem:$0x3FFC];
	_ =	sdelay $0x3  }
0x94: {  	_ =	strace s2  }
0x95: {  	s2 =	sld [smem:$0x3FFD];
	_ =	sdelay $0x3  }
0x96: {  	_ =	strace s2  }
0x97: {  	_ =	strace $0x8FFFFFFF  }
0x98: {  	s18 =	sld [smem:$0x3FDB];
	_ =	sdelay $0x1  }
0x99: {  	s19 =	simm.s32 $_scs_section_size  }
0x9a: {  	s4 =	simm.s32 $_size__tile_overlayer_lowered;
	s5 =	simm.s32 $_tile_overlayer_lowered  }
0x9b: {  	s22 =	simm.s32 $0x1BFF;
	s21 =	sshll.u32 s5, $0x1;
	s2 =	sadd.s32 s19, s18  }
0x9c: {  	s6 =	simm.s32 $0x0;
	s20 =	sshll.u32 s4, $0x1;
	s4 =	sadd.s32 s21, s2  }
0x9d: {  	[timem:s6], [sflag:s22] =	dma.local [hbm:s4], s20  }
0x9e: {  	_ =	swait.ge [sflag:s22], s20  }
0x9f: {  	s3 =	ssub.s32 $0x0, s20;
	[sflag:s22] =	ssyncset.done $0x0  }
0xa0: {  	[sflag:s22] =	ssyncadd.s32 s3;
	_ =	sdelay $0x1  }
0xa1: {  	s23 =	simm.s32 $0x1B8B  }
0xa2: {  	_ =	swait.ge [sflag:s23], $0x1  }
0xa3: {  	[sflag:s23] =	ssyncset.done $0x0  }
0xa4: {  	s25 =	simm.s32 $0x1B8E;
	s24 =	sld [smem:$0x3FFE];
	[sflag:s23] =	ssyncadd.s32 $0xFFFFFFFF  }
0xa5: {  	s26 =	simm.s32 $execute0_lowered;
	[smem:$0x3FD2] =	sst s25  }
0xa6: {  	s4 =	sshll.u32 s26, $0x1;
	_ =	strace $0x80000046;
	[dreg:$0x1] =	wrdreg $0xFFFFFFFF  }
0xa7: {  	s28 =	simm.s32 $_size_execute0_lowered;
	s2 =	sadd.s32 s2, s4;
	[dreg:$0x0] =	wrdreg $0x0  }
0xa8: {  	s4 =	sshll.u32 s28, $0x1;
	[dreg:$0x2] =	wrdreg s2  }
0xa9: {  	[dreg:$0x3] =	wrdreg s4  }
0xaa: {  	[dreg:$0x4] =	wrdreg $0xC0  }
0xab: {  	_ =	task [dreg:s6], $0x5FFFF  }
0xac: {  	[dreg:$0x1] =	wrdreg $0xFFFFFFFF  }
0xad: {  	[dreg:$0x0] =	wrdreg $0x60  }
0xae: {  	[dreg:$0x2] =	wrdreg s24  }
0xaf: {  	[dreg:$0x3] =	wrdreg $0x111800  }
0xb0: {  	[dreg:$0x4] =	wrdreg $0x1ADC00  }
0xb1: {  	[dreg:$0x5] =	wrdreg $0x9  }
0xb2: {  	_ =	task.clear_ibuf [dreg:s6], $0x6FFFF;
	_ =	strace $0x90000046  }
0xb3: {  	s29 =	simm.s32 $0x9;
	_ =	strace $0x80000048  }
0xb4: {  	_ =	swait.ge [sflag:s29], $0x1  }
0xb5: {  	[sflag:s29] =	ssyncadd.s32 $0xFFFFFFFF  }
0xb6: {  	_ =	strace $0x90000048  }
0xb7: {  	_ =	sfence  }
0xb8: {  	s30 =	sld [smem:$0x0];
	_ =	sdelay $0x2  }
0xb9: {  	s31 =	sshll.u32 s1, $0xD;
	s1 =	sshrl.u32 s1, $0x2  }
0xba: {  	s3 =	sand.u32 $0x4000, s31;
	s1 =	sadd.s32 s1, s30  }
0xbb: {  	s0 =	sor.u32 s3, s0;
	s1 =	sshll.u32 s1, $0x11  }
0xbc: {  	s0 =	sor.u32 s1, s0  }
0xbd: {  	s0 =	sadd.s32 $0x8F2B, s0  }
0xbe: {  	[sflag:s0] =	ssyncadd.remote.s32 $0x1  }
0xbf: {  	_ =	sfence.sel $0xFFFF  }
0xc0: {  	[dreg:$0x0] =	wrdreg $0xFFFFFFFF;
	(pc) =	sbr.abs _section_cstart, $3  }
0xc1: {  	[dreg:$0x1] =	wrdreg $0xFFFFFFFF  }
0xc2: {  	_ =	task.clear_ibuf [dreg:s6], $0x2FFFF;
	_ =	strace $0x9FFFFFFF  }
0xc3: {  	(tm) =	ssettm $0x7FFFFFFF  }
tec
execute0_lowered:
.L_overlay_start_1:
0x0: {  	(tag) =	ssettag $0x1  }
0x1: {  	s7 =	rddreg [dreg:$0x0]  }
0x2: {  	s1 =	rddreg [dreg:$0x1];
	s0 =	srdreg.scid  }
0x3: {  	s2 =	rddreg [dreg:$0x2];
	s3 =	simm.s32 $0x0;
	s21 =	stileid.u32  }
0x4: {  	s0 =	sand.u32 $0x1, s0;
	[smem:$0x7FF] =	sst s3;
	s5 =	sadd.s32 $0x9EE00, s7  }
0x5: {  	s9 =	smul.u32 $0x3E8, s21;
	s10 =	sadd.s32 $0x22C00, s7;
	s11 =	sadd.s32 $0x70E00, s7  }
0x6: {  	p0 =	sgt.u32 s21, $0x9;
	s4 =	smul.u32 $0x4E20, s0;
	s19 =	ssub.s32 $0x2, s0  }
0x7: {  	_ =	strace $0x80000047;
	s29 =	smul.u32 $0x4E200, s0;
	s12 =	sshrl.u32 s19, $0x1  }
0x8: {  	s6 =	sshrl.u32 s4, $0x3;
	s13 =	sadd.s32 s9, s4;
	s4 =	sshllo.u32 s0, $0x1  }
0x9: {  	s8 =	sadd.s32 s6, s7;
	s14 =	sshll.u32 s13, $0x3;
	s16 =	smul.u32 $0x2710, s4  }
0xa: {  	s15 =	sadd.s32 $0x190, s13;
	s6 =	ssub.s32 s19, s12;
	s31 =	smul.u32 $0x27100, s4  }
0xb: {  	s23 =	sadd.s32 $0x320, s13;
	s13 =	sadd.s32 s11, s13;
	s4 =	smul.u32 $0x2710, s21  }
0xc: {  	s20 =	sadd.s32 s10, s14;
	s22 =	sshll.u32 s15, $0x3;
	[dreg:$0xa] =	wrdreg s13  }
0xd: {  	s25 =	sshll.u32 s23, $0x3;
	s14 =	sadd.s32 $0x190, s9;
	[dreg:$0x4] =	wrdreg s20  }
0xe: {  	s12 =	sadd.s32 s10, s22;
	s24 =	sadd.s32 s9, s16;
	s16 =	sadd.s32 s10, s25  }
0xf: {  	s22 =	sadd.s32 s11, s15;
	s25 =	smul.u32 $0x7D00, s21;
	s15 =	sshll.u32 s14, $0x6  }
0x10: {  	s9 =	sadd.s32 $0x320, s9;
	[dreg:$0x5] =	wrdreg s12;
	s17 =	sadd.s32 $0x190, s24  }
0x11: {  	s18 =	sadd.s32 $0x320, s24;
	[dreg:$0x6] =	wrdreg s16;
	s20 =	sshll.u32 s24, $0x3  }
0x12: {  	[dreg:$0xb] =	wrdreg s22;
	s12 =	sadd.s32 s11, s23;
	s23 =	sadd.s32 s11, s24  }
0x13: {  	s22 =	smax.u32 s6, $0x1;
	s6 =	simm.s32 $0x2;
	s26 =	sshll.u32 s17, $0x3  }
0x14: {  	s19 =	sshll.u32 s18, $0x3;
	s20 =	sadd.s32 s10, s20;
	[dreg:$0xc] =	wrdreg s12  }
0x15: {  	[dreg:$0xd] =	wrdreg s23;
	s24 =	sadd.s32 s11, s17;
	s11 =	sadd.s32 s11, s18  }
0x16: {  	v0 =	vimm.s32 $0xEFCDAB89;
	v1 =	vimm.s32 $0x67452301;
	s18 =	sadd.s32 $0xA200, s7;
	s13 =	sshrl.u32 s25, $0x2;
	[dreg:$0x13] =	wrdreg s22  }
0x17: {  	v2 =	vimm.s32 $0xDCFE98BA;
	v3 =	vimm.s32 $0x54761032;
	v4 =	vimm.s32 $0xBA98FEDC;
	s25 =	sadd.s32 s15, s1;
	s17 =	sshll.u32 s9, $0x3;
	[dreg:$0x7] =	wrdreg s20  }
0x18: {  	v5 =	vimm.s32 $0x32107654;
	v6 =	vimm.s32 $0xFEDCBA98;
	s15 =	simm.s32 $0x0;
	s16 =	sand.u32 $0x1FFFFFC0, s26;
	[dreg:$0xe] =	wrdreg s24  }
0x19: {  	v7 =	vimm.s32 $0x76543210;
	v0 =	vunpack.c.l.s4.s8 v0;
	s19 =	sand.u32 $0x1FFFFFC0, s19;
	[dreg:$0xf] =	wrdreg s11;
	s20 =	sadd.s32 $0xF200, s7  }
0x1a: {  	v1 =	vunpack.c.l.s4.s8 v1;
	v2 =	vunpack.c.l.s4.s8 v2;
	v3 =	vunpack.c.l.s4.s8 v3;
	s26 =	sadd.s32 $0x3E00, s8;
	s8 =	sadd.s32 $0x2A00, s8;
	s24 =	sadd.s32 s13, s2  }
0x1b: {  	v4 =	vunpack.c.l.s4.s8 v4;
	v5 =	vunpack.c.l.s4.s8 v5;
	v0 =	vunpack.c.0.s8.s32 v0;
	s30 =	sadd.s32 s17, s2;
	s11 =	simm.s32 $0xA0F0;
	s13 =	simm.s32 $0x104F0  }
0x1c: {  	v1 =	vunpack.c.0.s8.s32 v1;
	v2 =	vunpack.c.0.s8.s32 v2;
	v3 =	vunpack.c.0.s8.s32 v3;
	s16 =	sadd.s32 s10, s16;
	s10 =	sadd.s32 s10, s19;
	[dreg:$0x10] =	wrdreg s26  }
0x1d: {  	v6 =	vunpack.c.l.s4.s8 v6;
	v4 =	vunpack.c.0.s8.s32 v4;
	v5 =	vunpack.c.0.s8.s32 v5;
	s19 =	sadd.s32 $0x5200, s7;
	[dreg:$0x11] =	wrdreg s8;
	s7 =	sshll.u32 s14, $0x3  }
0x1e: {  	v0 =	vcombine.low v1, v0;
	v1 =	vcombine.low v3, v2;
	v2 =	vunpack.c.l.s4.s8 v7;
	s8 =	simm.s32 $0x11170;
	[dreg:$0x8] =	wrdreg s16;
	s16 =	smul.u32 $0x3E800, s21  }
0x1f: {  	v3 =	vcombine.low v5, v4;
	v4 =	vunpack.c.0.s8.s32 v6;
	s14 =	simm.s32 $0x9DD0;
	[dreg:$0x9] =	wrdreg s10;
	s26 =	sadd.s32 s7, s2  }
0x20: {  	v6 =	vlaneseq.u32;
	v0 =	vand.u32 $0xF, v0;
	v5 =	vunpack.c.0.s8.s32 v2;
	s7 =	simm.s32 $0x4E20;
	s10 =	simm.s32 $0x190;
	s12 =	sshrl.u32 s16, $0x2  }
0x21: {  	v1 =	vand.u32 $0xF, v1;
	v2 =	vand.u32 $0xF, v3;
	v3 =	vand.u32 $0xF, v4;
	s16 =	sshll.u32 s9, $0x6;
	s9 =	simm.s32 $0x9F60;
	s23 =	sadd.s32 s12, s1  }
0x22: {  	v4 =	vimm.f32 $0.0e+00;
	v3 =	vcombine.low v3, v5;
	v5 =	vmul.u32 $0x8, v6;
	s28 =	sadd.s32 s16, s1;
	s12 =	simm.s32 $0x1;
	[dreg:$0x12] =	wrdreg s23  }
.LBB2_1:
0x23: {  	s0 =	rddreg [dreg:$0x10]  }
0x24: {  	[tilespmem:s3], [sflag:$0x2] =	stream.linear.gather [hbm4b:s0+s3], $0x4E20, $0x38;
	[tilespmem:$0x1C148] =	vst v63  }
0x25: {  	_ =	swait.ge [sflag:s6], $0x4E20  }
0x26: {  	[sflag:s6] =	ssyncset.done $0x0  }
0x27: {  	s22 =	rddreg [dreg:$0x11];
	[sflag:s6] =	ssyncadd.s32 $0xFFFFB1E0  }
0x28: {  	[tilespmem:s7], [sflag:$0x2] =	stream.linear.gather [hbm4b:s22+s3], $0x4E20, $0x38;
	[tilespmem:$0x1C148] =	vst v63  }
0x29: {  	_ =	swait.ge [sflag:s6], $0x4E20  }
0x2a: {  	[sflag:s6] =	ssyncset.done $0x0  }
0x2b: {  	s16 =	simm.s32 $0x0;
	[sflag:s6] =	ssyncadd.s32 $0xFFFFB1E0  }
0x2c: {  	v6 =	vimm.f32 $-Inf;
	s0 =	simm.s32 $0x40;
	v7 =	vld [tilespmem:s16+$0x0]  }
.LBB2_2:
0x2d: {  	p1 =	sne.s32 s0, $0x9C00  }
.Ltmp0:
0x2e: {  	_ = 	snop;
	(pc) =	sbr.rel @p1 .LBB2_2-.Ltmp0, $3  }
0x2f: {  	_ =	sdelay $0x1  }
0x30: {  	s16 =	sshra.s32 s0, $0x2;
	s0 =	sadd.s32 $0x40, s0;
	v6 =	vmax.f32 v6, v7  }
0x31: {  	v7 =	vld [tilespmem:s16+$0x0]  }
0x32: {  	_ =	sdelay $0x3  }
0x33: {  	v6 =	vmax.f32 v6, v7  }
0x34: {  	[tilespmem:$0x11170] =	vst v6  }
0x35: {  	v7 =	vld.idx.msk [tilespmem:v0+s8+$0x0], $0xffff;
	_ =	sdelay $0x4  }
0x36: {  	v6 =	vmax.f32 v6, v7  }
0x37: {  	[tilespmem:$0x11170] =	vst v6  }
0x38: {  	v7 =	vld.idx.msk [tilespmem:v1+s8+$0x0], $0xffff;
	_ =	sdelay $0x4  }
0x39: {  	v6 =	vmax.f32 v6, v7  }
0x3a: {  	[tilespmem:$0x11170] =	vst v6  }
0x3b: {  	v7 =	vld.idx.msk [tilespmem:v2+s8+$0x0], $0xffff;
	_ =	sdelay $0x4  }
0x3c: {  	v6 =	vmax.f32 v6, v7  }
0x3d: {  	[tilespmem:$0x11170] =	vst v6  }
0x3e: {  	s16 =	simm.s32 $0x0;
	v7 =	vld.idx.msk [tilespmem:v3+s8+$0x0], $0xffff  }
0x3f: {  	v8 =	vimm.f32 $-Inf;
	s0 =	simm.s32 $0x40;
	v9 =	vld [tilespmem:s16+$0x4E20]  }
.LBB2_4:
0x40: {  	p1 =	sne.s32 s0, $0x9C00  }
.Ltmp1:
0x41: {  	_ = 	snop;
	(pc) =	sbr.rel @p1 .LBB2_4-.Ltmp1, $3  }
0x42: {  	_ =	sdelay $0x1  }
0x43: {  	s16 =	sshra.s32 s0, $0x2;
	s0 =	sadd.s32 $0x40, s0;
	v8 =	vmax.f32 v8, v9  }
0x44: {  	v9 =	vld [tilespmem:s16+$0x4E20]  }
0x45: {  	_ =	sdelay $0x3  }
0x46: {  	v8 =	vmax.f32 v8, v9  }
0x47: {  	[tilespmem:$0x11170] =	vst v8  }
0x48: {  	v9 =	vld.idx.msk [tilespmem:v0+s8+$0x0], $0xffff;
	_ =	sdelay $0x4  }
0x49: {  	v8 =	vmax.f32 v8, v9  }
0x4a: {  	[tilespmem:$0x11170] =	vst v8  }
0x4b: {  	v9 =	vld.idx.msk [tilespmem:v1+s8+$0x0], $0xffff;
	_ =	sdelay $0x4  }
0x4c: {  	v8 =	vmax.f32 v8, v9  }
0x4d: {  	[tilespmem:$0x11170] =	vst v8  }
0x4e: {  	v9 =	vld.idx.msk [tilespmem:v2+s8+$0x0], $0xffff;
	_ =	sdelay $0x4  }
0x4f: {  	v8 =	vmax.f32 v8, v9  }
0x50: {  	[tilespmem:$0x11170] =	vst v8  }
0x51: {  	s16 =	simm.s32 $0x100;
	s0 =	simm.s32 $0x0;
	v9 =	vld.idx.msk [tilespmem:v3+s8+$0x0], $0xffff  }
.LBB2_6:
0x52: {  	p1 =	sne.s32 s16, $0x18F00;
	[tilespmem:s0+$0xA120] =	vst v4;
	s17 =	smov.u32 s16;
	s16 =	sadd.s32 $0x100, s16  }
.Ltmp2:
0x53: {  	[tilespmem:s0+$0xA110] =	vst v4;
	(pc) =	sbr.rel @p1 .LBB2_6-.Ltmp2, $3  }
0x54: {  	[tilespmem:s0+$0xA0F0] =	vst v4  }
0x55: {  	[tilespmem:s0+$0xA100] =	vst v4;
	_ =	sdelay $0x1  }
0x56: {  	s0 =	sshra.s32 s17, $0x2  }
0x57: {  	[tilespmem:s0+$0xA120] =	vst v4  }
0x58: {  	[tilespmem:s0+$0xA110] =	vst v4  }
0x59: {  	[tilespmem:s0+$0xA0F0] =	vst v4  }
0x5a: {  	[tilespmem:s0+$0xA100] =	vst v4;
	s0 =	simm.s32 @!p0 $0xA0F0;
	s16 =	simm.s32 @!p0 $0x2  }
0x5b: {  	[spmem:s23] =	stream.linear.scatter @!p0 [tilespmem:s0], [sflag:$0x2], $0x6400, $0x38;
	[tilespmem:$0x1C148] =	vst v63  }
0x5c: {  	_ =	swait.ge @!p0 [sflag:s16], $0x6400  }
0x5d: {  	[sflag:s16] =	ssyncset.done @!p0 $0x0  }
0x5e: {  	s17 =	simm.s32 @!p0 $0x104F0;
	[sflag:s16] =	ssyncadd.s32 @!p0 $0xFFFF9C00  }
0x5f: {  	[spmem:s24] =	stream.linear.scatter @!p0 [tilespmem:s17], [sflag:$0x2], $0xC80, $0x38;
	[tilespmem:$0x1C148] =	vst v63  }
0x60: {  	_ =	swait.ge @!p0 [sflag:s16], $0xC80  }
0x61: {  	[sflag:s16] =	ssyncset.done @!p0 $0x0  }
0x62: {  	[sflag:s16] =	ssyncadd.s32 @!p0 $0xFFFFF380  }
0x63: {  	[spmem:s25] =	stream.linear.scatter @!p0 [tilespmem:s0], [sflag:$0x2], $0x6400, $0x38;
	[tilespmem:$0x1C148] =	vst v63  }
0x64: {  	_ =	swait.ge @!p0 [sflag:s16], $0x6400  }
0x65: {  	[sflag:s16] =	ssyncset.done @!p0 $0x0  }
0x66: {  	[sflag:s16] =	ssyncadd.s32 @!p0 $0xFFFF9C00  }
0x67: {  	[spmem:s26] =	stream.linear.scatter @!p0 [tilespmem:s17], [sflag:$0x2], $0xC80, $0x38;
	[tilespmem:$0x1C148] =	vst v63  }
0x68: {  	_ =	swait.ge @!p0 [sflag:s16], $0xC80  }
0x69: {  	[sflag:s16] =	ssyncset.done @!p0 $0x0  }
0x6a: {  	[sflag:s16] =	ssyncadd.s32 @!p0 $0xFFFFF380  }
0x6b: {  	[spmem:s28] =	stream.linear.scatter @!p0 [tilespmem:s0], [sflag:$0x2], $0x3200, $0x38;
	[tilespmem:$0x1C148] =	vst v63  }
0x6c: {  	_ =	swait.ge @!p0 [sflag:s16], $0x3200  }
0x6d: {  	[sflag:s16] =	ssyncset.done @!p0 $0x0  }
0x6e: {  	v6 =	vmax.f32 v6, v7;
	v7 =	vmax.f32 v8, v9;
	[sflag:s16] =	ssyncadd.s32 @!p0 $0xFFFFCE00  }
0x6f: {  	v6 =	vadd.f32 v7, v6;
	[spmem:s30] =	stream.linear.scatter @!p0 [tilespmem:s17], [sflag:$0x2], $0x640, $0x38;
	[tilespmem:$0x1C148] =	vst v63  }
0x70: {  	_ =	swait.ge @!p0 [sflag:s16], $0x640  }
0x71: {  	v7 =	vmul.f32 $2.000000030e-01, v6;
	[sflag:s16] =	ssyncset.done @!p0 $0x0  }
0x72: {  	vm0 =	vgt.f32 v6, $0.0e+00;
	[sflag:s16] =	ssyncadd.s32 @!p0 $0xFFFFF9C0  }
0x73: {  	v6 =	vsel vm0, v6, v7;
	s17 =	simm.s32 $0x0;
	s16 =	simm.s32 $0x0;
	[bflag:$0x0] =	sbarrier.arrive $0xFFFF  }
.LBB2_8:
0x74: {  	s0 =	smul.u32 $0x190, s17;
	_ =	sdelay $0x1  }
0x75: {  	s0 =	sadd.s32 s4, s0  }
0x76: {  	s22 =	sshrl.u32 s0, $0x3  }
0x77: {  	s21 =	simm.s32 $0x9C40;
	s23 =	sadd.s32 s18, s22  }
0x78: {  	[tilespmem:s21], [sflag:$0x2] =	stream.linear.gather [hbm4b:s23+s16], $0x190, $0x38;
	[tilespmem:$0x1C148] =	vst v63  }
0x79: {  	_ =	swait.ge [sflag:s6], $0x190  }
0x7a: {  	[sflag:s6] =	ssyncset.done $0x0  }
0x7b: {  	s23 =	sadd.s32 s19, s22;
	s22 =	simm.s32 $0x9DD0;
	[sflag:s6] =	ssyncadd.s32 $0xFFFFFE70  }
0x7c: {  	[tilespmem:s22], [sflag:$0x2] =	stream.linear.gather [hbm4b:s23+s16], $0x190, $0x38;
	[tilespmem:$0x1C148] =	vst v63  }
0x7d: {  	s0 =	sadd.s32 s29, s0;
	_ =	swait.ge [sflag:s6], $0x190  }
0x7e: {  	s0 =	sshrl.u32 s0, $0x3;
	[sflag:s6] =	ssyncset.done $0x0  }
0x7f: {  	s0 =	sadd.s32 s20, s0;
	[sflag:s6] =	ssyncadd.s32 $0xFFFFFE70  }
0x80: {  	[tilespmem:s9], [sflag:$0x2] =	stream.linear.gather [hbm4b:s0+s16], $0x190, $0x38;
	[tilespmem:$0x1C148] =	vst v63  }
0x81: {  	_ =	swait.ge [sflag:s6], $0x190  }
0x82: {  	[sflag:s6] =	ssyncset.done $0x0  }
0x83: {  	[sflag:s6] =	ssyncadd.s32 $0xFFFFFE70  }
0x84: {  	[tilespmem:s11], [sflag:$0x1] =	stream.indirect.gather [hbm4b:s5+s10], $0x40, s9, s10, $0xb8;
	[tilespmem:$0x1C148] =	vst v63  }
0x85: {  	_ =	swait.ge [sflag:s12], $0x6400  }
0x86: {  	[sflag:s12] =	ssyncset.done $0x0  }
0x87: {  	s23 =	simm.s32 $0x0;
	s0 =	simm.s32 $0xA2F0;
	[sflag:s12] =	ssyncadd.s32 $0xFFFF9C00  }
.LBB2_9:
0x88: {  	v7 =	vld [tilespmem:s21+$0x0]  }
0x89: {  	v8 =	vld [tilespmem:s22+$0x0];
	_ =	sdelay $0x6  }
0x8a: {  	v7 =	vld.idx.msk [tilespmem:v7+s3+$0x0], $0xffff  }
0x8b: {  	v8 =	vld.idx.msk [tilespmem:v8+s7+$0x0], $0xffff;
	_ =	sdelay $0x4  }
0x8c: {  	v7 =	vadd.f32 v8, v7;
	_ =	sdelay $0x1  }
0x8d: {  	v8 =	vmul.f32 $2.000000030e-01, v7  }
0x8e: {  	vm0 =	vgt.f32 v7, $0.0e+00  }
0x8f: {  	v7 =	vsel vm0, v7, v8  }
0x90: {  	v7 =	vsub.f32 v7, v6;
	_ =	sdelay $0x1  }
0x91: {  	v7 =	vmul.f32 $1.442695020e+00, v7;
	_ =	sdelay $0x1  }
0x92: {  	(erf) = vpow2.f32 v7;
	_ =	sdelay $0x2  }
0x93: {  	v7 =	vmov s23  }
0x94: {  	v7 =	vshll.u32 v7, $0x3  }
0x95: {  	v8 =	vor.u32 v5, v7;
	_ =	sdelay $0x3  }
0x96: {  	v7 =	vpop (erf)  }
0x97: {  	[tilespmem:v8+s13+$0x0] =	vst.idx.msk $0xffff, v7  }
0x98: {  	v8 =	vld [tilespmem:s0+$0xFFFFFE00];
	_ =	sdelay $0x2  }
0x99: {  	v9 =	vbroadcast v7, $0x0;
	_ =	sdelay $0x1  }
0x9a: {  	v8 =	vmul.f32 v9, v8;
	_ =	sdelay $0x1  }
0x9b: {  	[tilespmem:s0+$0xFFFFFE00] =	vst v8;
	v8 =	vld [tilespmem:s0+$0xFFFFFE10];
	_ =	sdelay $0x4  }
0x9c: {  	v8 =	vmul.f32 v9, v8;
	_ =	sdelay $0x1  }
0x9d: {  	[tilespmem:s0+$0xFFFFFE10] =	vst v8;
	v8 =	vld [tilespmem:s0+$0xFFFFFE20];
	_ =	sdelay $0x4  }
0x9e: {  	v8 =	vmul.f32 v9, v8;
	_ =	sdelay $0x1  }
0x9f: {  	[tilespmem:s0+$0xFFFFFE20] =	vst v8;
	v8 =	vld [tilespmem:s0+$0xFFFFFE30];
	_ =	sdelay $0x4  }
0xa0: {  	v8 =	vmul.f32 v8, v9;
	_ =	sdelay $0x1  }
0xa1: {  	[tilespmem:s0+$0xFFFFFE30] =	vst v8;
	v8 =	vld [tilespmem:s0+$0xFFFFFE40];
	_ =	sdelay $0x2  }
0xa2: {  	v50 =	vbroadcast v7, $0x1;
	_ =	sdelay $0x1  }
0xa3: {  	v8 =	vmul.f32 v8, v50;
	_ =	sdelay $0x1  }
0xa4: {  	[tilespmem:s0+$0xFFFFFE40] =	vst v8;
	v8 =	vld [tilespmem:s0+$0xFFFFFE50];
	_ =	sdelay $0x4  }
0xa5: {  	v8 =	vmul.f32 v8, v50;
	_ =	sdelay $0x1  }
0xa6: {  	[tilespmem:s0+$0xFFFFFE50] =	vst v8;
	v8 =	vld [tilespmem:s0+$0xFFFFFE60];
	_ =	sdelay $0x4  }
0xa7: {  	v8 =	vmul.f32 v8, v50;
	_ =	sdelay $0x1  }
0xa8: {  	[tilespmem:s0+$0xFFFFFE60] =	vst v8;
	v8 =	vld [tilespmem:s0+$0xFFFFFE70];
	_ =	sdelay $0x4  }
0xa9: {  	v8 =	vmul.f32 v8, v50;
	_ =	sdelay $0x1  }
0xaa: {  	[tilespmem:s0+$0xFFFFFE70] =	vst v8;
	v8 =	vld [tilespmem:s0+$0xFFFFFE80];
	_ =	sdelay $0x2  }
0xab: {  	v51 =	vbroadcast v7, $0x2;
	_ =	sdelay $0x1  }
0xac: {  	v8 =	vmul.f32 v8, v51;
	_ =	sdelay $0x1  }
0xad: {  	[tilespmem:s0+$0xFFFFFE80] =	vst v8;
	v8 =	vld [tilespmem:s0+$0xFFFFFE90];
	_ =	sdelay $0x4  }
0xae: {  	v8 =	vmul.f32 v8, v51;
	_ =	sdelay $0x1  }
0xaf: {  	[tilespmem:s0+$0xFFFFFE90] =	vst v8;
	v8 =	vld [tilespmem:s0+$0xFFFFFEA0];
	_ =	sdelay $0x4  }
0xb0: {  	v8 =	vmul.f32 v8, v51;
	_ =	sdelay $0x1  }
0xb1: {  	[tilespmem:s0+$0xFFFFFEA0] =	vst v8;
	v8 =	vld [tilespmem:s0+$0xFFFFFEB0];
	_ =	sdelay $0x4  }
0xb2: {  	v8 =	vmul.f32 v8, v51;
	_ =	sdelay $0x1  }
0xb3: {  	[tilespmem:s0+$0xFFFFFEB0] =	vst v8;
	v8 =	vld [tilespmem:s0+$0xFFFFFEC0];
	_ =	sdelay $0x2  }
0xb4: {  	v52 =	vbroadcast v7, $0x3;
	_ =	sdelay $0x1  }
0xb5: {  	v8 =	vmul.f32 v8, v52;
	_ =	sdelay $0x1  }
0xb6: {  	[tilespmem:s0+$0xFFFFFEC0] =	vst v8;
	v8 =	vld [tilespmem:s0+$0xFFFFFED0];
	_ =	sdelay $0x4  }
0xb7: {  	v8 =	vmul.f32 v8, v52;
	_ =	sdelay $0x1  }
0xb8: {  	[tilespmem:s0+$0xFFFFFED0] =	vst v8;
	v8 =	vld [tilespmem:s0+$0xFFFFFEE0];
	_ =	sdelay $0x4  }
0xb9: {  	v8 =	vmul.f32 v8, v52;
	_ =	sdelay $0x1  }
0xba: {  	[tilespmem:s0+$0xFFFFFEE0] =	vst v8;
	v8 =	vld [tilespmem:s0+$0xFFFFFEF0];
	_ =	sdelay $0x4  }
0xbb: {  	v8 =	vmul.f32 v8, v52;
	_ =	sdelay $0x1  }
0xbc: {  	[tilespmem:s0+$0xFFFFFEF0] =	vst v8;
	v8 =	vld [tilespmem:s0+$0xFFFFFF00];
	_ =	sdelay $0x2  }
0xbd: {  	v53 =	vbroadcast v7, $0x4;
	_ =	sdelay $0x1  }
0xbe: {  	v8 =	vmul.f32 v8, v53;
	_ =	sdelay $0x1  }
0xbf: {  	[tilespmem:s0+$0xFFFFFF00] =	vst v8;
	v8 =	vld [tilespmem:s0+$0xFFFFFF10];
	_ =	sdelay $0x4  }
0xc0: {  	v8 =	vmul.f32 v8, v53;
	_ =	sdelay $0x1  }
0xc1: {  	[tilespmem:s0+$0xFFFFFF10] =	vst v8;
	v8 =	vld [tilespmem:s0+$0xFFFFFF20];
	_ =	sdelay $0x4  }
0xc2: {  	v8 =	vmul.f32 v8, v53;
	_ =	sdelay $0x1  }
0xc3: {  	[tilespmem:s0+$0xFFFFFF20] =	vst v8;
	v8 =	vld [tilespmem:s0+$0xFFFFFF30];
	_ =	sdelay $0x4  }
0xc4: {  	v8 =	vmul.f32 v8, v53;
	_ =	sdelay $0x1  }
0xc5: {  	[tilespmem:s0+$0xFFFFFF30] =	vst v8;
	v8 =	vld [tilespmem:s0+$0xFFFFFF40];
	_ =	sdelay $0x2  }
0xc6: {  	v54 =	vbroadcast v7, $0x5;
	_ =	sdelay $0x1  }
0xc7: {  	v8 =	vmul.f32 v8, v54;
	_ =	sdelay $0x1  }
0xc8: {  	[tilespmem:s0+$0xFFFFFF40] =	vst v8;
	v8 =	vld [tilespmem:s0+$0xFFFFFF50];
	_ =	sdelay $0x4  }
0xc9: {  	v8 =	vmul.f32 v8, v54;
	_ =	sdelay $0x1  }
0xca: {  	[tilespmem:s0+$0xFFFFFF50] =	vst v8;
	v8 =	vld [tilespmem:s0+$0xFFFFFF60];
	_ =	sdelay $0x4  }
0xcb: {  	v8 =	vmul.f32 v8, v54;
	_ =	sdelay $0x1  }
0xcc: {  	[tilespmem:s0+$0xFFFFFF60] =	vst v8;
	v8 =	vld [tilespmem:s0+$0xFFFFFF70];
	_ =	sdelay $0x4  }
0xcd: {  	v8 =	vmul.f32 v8, v54;
	_ =	sdelay $0x1  }
0xce: {  	[tilespmem:s0+$0xFFFFFF70] =	vst v8;
	v8 =	vld [tilespmem:s0+$0xFFFFFF80];
	_ =	sdelay $0x2  }
0xcf: {  	v55 =	vbroadcast v7, $0x6;
	_ =	sdelay $0x1  }
0xd0: {  	v8 =	vmul.f32 v8, v55;
	_ =	sdelay $0x1  }
0xd1: {  	[tilespmem:s0+$0xFFFFFF80] =	vst v8;
	v8 =	vld [tilespmem:s0+$0xFFFFFF90];
	_ =	sdelay $0x4  }
0xd2: {  	v8 =	vmul.f32 v8, v55;
	_ =	sdelay $0x1  }
0xd3: {  	[tilespmem:s0+$0xFFFFFF90] =	vst v8;
	v8 =	vld [tilespmem:s0+$0xFFFFFFA0];
	_ =	sdelay $0x4  }
0xd4: {  	v8 =	vmul.f32 v8, v55;
	_ =	sdelay $0x1  }
0xd5: {  	[tilespmem:s0+$0xFFFFFFA0] =	vst v8;
	v8 =	vld [tilespmem:s0+$0xFFFFFFB0];
	_ =	sdelay $0x4  }
0xd6: {  	v8 =	vmul.f32 v8, v55;
	_ =	sdelay $0x1  }
0xd7: {  	[tilespmem:s0+$0xFFFFFFB0] =	vst v8;
	v8 =	vld [tilespmem:s0+$0xFFFFFFC0];
	_ =	sdelay $0x2  }
0xd8: {  	v56 =	vbroadcast v7, $0x7;
	_ =	sdelay $0x1  }
0xd9: {  	v8 =	vmul.f32 v8, v56;
	_ =	sdelay $0x1  }
0xda: {  	[tilespmem:s0+$0xFFFFFFC0] =	vst v8;
	v8 =	vld [tilespmem:s0+$0xFFFFFFD0];
	_ =	sdelay $0x4  }
0xdb: {  	v8 =	vmul.f32 v8, v56;
	_ =	sdelay $0x1  }
0xdc: {  	[tilespmem:s0+$0xFFFFFFD0] =	vst v8;
	v8 =	vld [tilespmem:s0+$0xFFFFFFE0];
	_ =	sdelay $0x4  }
0xdd: {  	v8 =	vmul.f32 v8, v56;
	_ =	sdelay $0x1  }
0xde: {  	[tilespmem:s0+$0xFFFFFFE0] =	vst v8;
	v8 =	vld [tilespmem:s0+$0xFFFFFFF0];
	_ =	sdelay $0x4  }
0xdf: {  	v8 =	vmul.f32 v8, v56;
	_ =	sdelay $0x1  }
0xe0: {  	[tilespmem:s0+$0xFFFFFFF0] =	vst v8;
	v8 =	vld [tilespmem:s0+$0x0];
	_ =	sdelay $0x2  }
0xe1: {  	v57 =	vbroadcast v7, $0x8;
	_ =	sdelay $0x1  }
0xe2: {  	v8 =	vmul.f32 v8, v57;
	_ =	sdelay $0x1  }
0xe3: {  	[tilespmem:s0+$0x0] =	vst v8;
	v8 =	vld [tilespmem:s0+$0x10];
	_ =	sdelay $0x4  }
0xe4: {  	v8 =	vmul.f32 v8, v57;
	_ =	sdelay $0x1  }
0xe5: {  	[tilespmem:s0+$0x10] =	vst v8;
	v8 =	vld [tilespmem:s0+$0x20];
	_ =	sdelay $0x4  }
0xe6: {  	v8 =	vmul.f32 v8, v57;
	_ =	sdelay $0x1  }
0xe7: {  	[tilespmem:s0+$0x20] =	vst v8;
	v8 =	vld [tilespmem:s0+$0x30];
	_ =	sdelay $0x4  }
0xe8: {  	v8 =	vmul.f32 v8, v57;
	_ =	sdelay $0x1  }
0xe9: {  	[tilespmem:s0+$0x30] =	vst v8;
	v8 =	vld [tilespmem:s0+$0x40];
	_ =	sdelay $0x2  }
0xea: {  	v58 =	vbroadcast v7, $0x9;
	_ =	sdelay $0x1  }
0xeb: {  	v8 =	vmul.f32 v8, v58;
	_ =	sdelay $0x1  }
0xec: {  	[tilespmem:s0+$0x40] =	vst v8;
	v8 =	vld [tilespmem:s0+$0x50];
	_ =	sdelay $0x4  }
0xed: {  	v8 =	vmul.f32 v8, v58;
	_ =	sdelay $0x1  }
0xee: {  	[tilespmem:s0+$0x50] =	vst v8;
	v8 =	vld [tilespmem:s0+$0x60];
	_ =	sdelay $0x4  }
0xef: {  	v8 =	vmul.f32 v8, v58;
	_ =	sdelay $0x1  }
0xf0: {  	[tilespmem:s0+$0x60] =	vst v8;
	v8 =	vld [tilespmem:s0+$0x70];
	_ =	sdelay $0x4  }
0xf1: {  	v8 =	vmul.f32 v8, v58;
	_ =	sdelay $0x1  }
0xf2: {  	[tilespmem:s0+$0x70] =	vst v8;
	v8 =	vld [tilespmem:s0+$0x80];
	_ =	sdelay $0x2  }
0xf3: {  	v59 =	vbroadcast v7, $0xA;
	_ =	sdelay $0x1  }
0xf4: {  	v8 =	vmul.f32 v8, v59;
	_ =	sdelay $0x1  }
0xf5: {  	[tilespmem:s0+$0x80] =	vst v8;
	v8 =	vld [tilespmem:s0+$0x90];
	_ =	sdelay $0x4  }
0xf6: {  	v8 =	vmul.f32 v8, v59;
	_ =	sdelay $0x1  }
0xf7: {  	[tilespmem:s0+$0x90] =	vst v8;
	v8 =	vld [tilespmem:s0+$0xA0];
	_ =	sdelay $0x4  }
0xf8: {  	v8 =	vmul.f32 v8, v59;
	_ =	sdelay $0x1  }
0xf9: {  	[tilespmem:s0+$0xA0] =	vst v8;
	v8 =	vld [tilespmem:s0+$0xB0];
	_ =	sdelay $0x4  }
0xfa: {  	v8 =	vmul.f32 v8, v59;
	_ =	sdelay $0x1  }
0xfb: {  	[tilespmem:s0+$0xB0] =	vst v8;
	v8 =	vld [tilespmem:s0+$0xC0];
	_ =	sdelay $0x2  }
0xfc: {  	v60 =	vbroadcast v7, $0xB;
	_ =	sdelay $0x1  }
0xfd: {  	v8 =	vmul.f32 v8, v60;
	_ =	sdelay $0x1  }
0xfe: {  	[tilespmem:s0+$0xC0] =	vst v8;
	v8 =	vld [tilespmem:s0+$0xD0];
	_ =	sdelay $0x4  }
0xff: {  	v8 =	vmul.f32 v8, v60;
	_ =	sdelay $0x1  }
0x100: {  	[tilespmem:s0+$0xD0] =	vst v8;
	v8 =	vld [tilespmem:s0+$0xE0];
	_ =	sdelay $0x4  }
0x101: {  	v8 =	vmul.f32 v8, v60;
	_ =	sdelay $0x1  }
0x102: {  	[tilespmem:s0+$0xE0] =	vst v8;
	v8 =	vld [tilespmem:s0+$0xF0];
	_ =	sdelay $0x4  }
0x103: {  	v8 =	vmul.f32 v8, v60;
	_ =	sdelay $0x1  }
0x104: {  	[tilespmem:s0+$0xF0] =	vst v8;
	v8 =	vld [tilespmem:s0+$0x100];
	_ =	sdelay $0x2  }
0x105: {  	v61 =	vbroadcast v7, $0xC;
	_ =	sdelay $0x1  }
0x106: {  	v8 =	vmul.f32 v8, v61;
	_ =	sdelay $0x1  }
0x107: {  	[tilespmem:s0+$0x100] =	vst v8;
	v8 =	vld [tilespmem:s0+$0x110];
	_ =	sdelay $0x4  }
0x108: {  	v8 =	vmul.f32 v8, v61;
	_ =	sdelay $0x1  }
0x109: {  	[tilespmem:s0+$0x110] =	vst v8;
	v8 =	vld [tilespmem:s0+$0x120];
	_ =	sdelay $0x4  }
0x10a: {  	v8 =	vmul.f32 v8, v61;
	_ =	sdelay $0x1  }
0x10b: {  	[tilespmem:s0+$0x120] =	vst v8;
	v8 =	vld [tilespmem:s0+$0x130];
	_ =	sdelay $0x4  }
0x10c: {  	v8 =	vmul.f32 v8, v61;
	_ =	sdelay $0x1  }
0x10d: {  	[tilespmem:s0+$0x130] =	vst v8;
	v8 =	vld [tilespmem:s0+$0x140];
	_ =	sdelay $0x2  }
0x10e: {  	v62 =	vbroadcast v7, $0xD;
	_ =	sdelay $0x1  }
0x10f: {  	v8 =	vmul.f32 v8, v62;
	_ =	sdelay $0x1  }
0x110: {  	[tilespmem:s0+$0x140] =	vst v8;
	v8 =	vld [tilespmem:s0+$0x150];
	_ =	sdelay $0x4  }
0x111: {  	v8 =	vmul.f32 v8, v62;
	_ =	sdelay $0x1  }
0x112: {  	[tilespmem:s0+$0x150] =	vst v8;
	v8 =	vld [tilespmem:s0+$0x160];
	_ =	sdelay $0x4  }
0x113: {  	v8 =	vmul.f32 v8, v62;
	_ =	sdelay $0x1  }
0x114: {  	[tilespmem:s0+$0x160] =	vst v8;
	v8 =	vld [tilespmem:s0+$0x170];
	_ =	sdelay $0x4  }
0x115: {  	v8 =	vmul.f32 v8, v62;
	_ =	sdelay $0x1  }
0x116: {  	[tilespmem:s0+$0x170] =	vst v8;
	v8 =	vld [tilespmem:s0+$0x180];
	_ =	sdelay $0x2  }
0x117: {  	v63 =	vbroadcast v7, $0xE;
	_ =	sdelay $0x1  }
0x118: {  	v8 =	vmul.f32 v8, v63;
	_ =	sdelay $0x1  }
0x119: {  	[tilespmem:s0+$0x180] =	vst v8;
	v8 =	vld [tilespmem:s0+$0x190];
	_ =	sdelay $0x4  }
0x11a: {  	v8 =	vmul.f32 v8, v63;
	_ =	sdelay $0x1  }
0x11b: {  	[tilespmem:s0+$0x190] =	vst v8;
	v8 =	vld [tilespmem:s0+$0x1A0];
	_ =	sdelay $0x4  }
0x11c: {  	v8 =	vmul.f32 v8, v63;
	_ =	sdelay $0x1  }
0x11d: {  	[tilespmem:s0+$0x1A0] =	vst v8;
	v8 =	vld [tilespmem:s0+$0x1B0];
	_ =	sdelay $0x4  }
0x11e: {  	v8 =	vmul.f32 v8, v63;
	_ =	sdelay $0x1  }
0x11f: {  	[tilespmem:s0+$0x1B0] =	vst v8;
	v8 =	vld [tilespmem:s0+$0x1C0];
	_ =	sdelay $0x2  }
0x120: {  	v7 =	vbroadcast v7, $0xF;
	_ =	sdelay $0x1  }
0x121: {  	v8 =	vmul.f32 v8, v7;
	_ =	sdelay $0x1  }
0x122: {  	[tilespmem:s0+$0x1C0] =	vst v8;
	v8 =	vld [tilespmem:s0+$0x1D0];
	_ =	sdelay $0x4  }
0x123: {  	v8 =	vmul.f32 v8, v7;
	_ =	sdelay $0x1  }
0x124: {  	[tilespmem:s0+$0x1D0] =	vst v8;
	v8 =	vld [tilespmem:s0+$0x1E0];
	_ =	sdelay $0x4  }
0x125: {  	v8 =	vmul.f32 v8, v7;
	_ =	sdelay $0x1  }
0x126: {  	[tilespmem:s0+$0x1E0] =	vst v8;
	v8 =	vld [tilespmem:s0+$0x1F0];
	_ =	sdelay $0x1  }
0x127: {  	p1 =	sne.s32 s23, $0x180  }
.Ltmp3:
0x128: {  	_ = 	snop;
	(pc) =	sbr.rel @p1 .LBB2_9-.Ltmp3, $4  }
0x129: {  	_ = 	snop  }
0x12a: {  	v7 =	vmul.f32 v8, v7  }
0x12b: {  	s21 =	sadd.s32 $0x10, s21  }
0x12c: {  	s22 =	sadd.s32 $0x10, s22;
	s23 =	sadd.s32 $0x10, s23;
	[tilespmem:s0+$0x1F0] =	vst v7;
	s0 =	sadd.s32 $0x400, s0  }
0x12d: {  	[spmem:s1] =	stream.indirect.scatter.add.f32 [tilespmem:s11], [sflag:$0x2], $0x40, s14, s10, $0xb8;
	[tilespmem:$0x1C148] =	vst v63  }
0x12e: {  	s17 =	sadd.s32 $0x1, s17;
	_ =	swait.ge [sflag:s6], $0x6400  }
0x12f: {  	p1 =	sne.s32 s17, $0x19;
	[sflag:s6] =	ssyncset.done $0x0  }
.Ltmp4:
0x130: {  	[sflag:s6] =	ssyncadd.s32 $0xFFFF9C00;
	(pc) =	sbr.rel @p1 .LBB2_8-.Ltmp4, $4  }
0x131: {  	[spmem:s2] =	stream.indirect.scatter.add.f32 [tilespmem:s13], [sflag:$0x2], $0x8, s14, s10, $0xb8;
	[tilespmem:$0x1C148] =	vst v63  }
0x132: {  	_ =	swait.ge [sflag:s6], $0xC80  }
0x133: {  	[sflag:s6] =	ssyncset.done $0x0  }
0x134: {  	[sflag:s6] =	ssyncadd.s32 $0xFFFFF380  }
0x135: {  	[bflag:$0x0] =	sbarrier.arrive $0xFFFF  }
0x136: {  	s0 =	simm.s32 @!p0 $0xA0F0;
	s16 =	simm.s32 @!p0 $0x2;
	s23 =	rddreg [dreg:$0x12]  }
0x137: {  	[tilespmem:s0], [sflag:$0x2] =	stream.linear.gather @!p0 [spmem:s23], $0x6400, $0x38;
	[tilespmem:$0x1C148] =	vst v63  }
0x138: {  	_ =	swait.ge @!p0 [sflag:s16], $0x6400  }
0x139: {  	[sflag:s16] =	ssyncset.done @!p0 $0x0  }
0x13a: {  	s17 =	simm.s32 @!p0 $0x0;
	s21 =	rddreg [dreg:$0x4];
	[sflag:s16] =	ssyncadd.s32 @!p0 $0xFFFF9C00  }
0x13b: {  	[hbm4b:s21+s17] =	stream.linear.scatter @!p0 [tilespmem:s0], [sflag:$0x2], $0x6400, $0x38;
	[tilespmem:$0x1C148] =	vst v63  }
0x13c: {  	_ =	swait.ge @!p0 [sflag:s16], $0x6400  }
0x13d: {  	[sflag:s16] =	ssyncset.done @!p0 $0x0  }
0x13e: {  	s21 =	simm.s32 @!p0 $0x104F0;
	[sflag:s16] =	ssyncadd.s32 @!p0 $0xFFFF9C00  }
0x13f: {  	[tilespmem:s21], [sflag:$0x2] =	stream.linear.gather @!p0 [spmem:s24], $0xC80, $0x38;
	[tilespmem:$0x1C148] =	vst v63  }
0x140: {  	_ =	swait.ge @!p0 [sflag:s16], $0xC80  }
0x141: {  	[sflag:s16] =	ssyncset.done @!p0 $0x0  }
0x142: {  	s22 =	rddreg [dreg:$0xa];
	[sflag:s16] =	ssyncadd.s32 @!p0 $0xFFFFF380  }
0x143: {  	[hbm4b:s22+s17] =	stream.linear.scatter @!p0 [tilespmem:s21], [sflag:$0x2], $0xC80, $0x38;
	[tilespmem:$0x1C148] =	vst v63  }
0x144: {  	_ =	swait.ge @!p0 [sflag:s16], $0xC80  }
0x145: {  	[sflag:s16] =	ssyncset.done @!p0 $0x0  }
0x146: {  	[sflag:s16] =	ssyncadd.s32 @!p0 $0xFFFFF380  }
0x147: {  	[tilespmem:s0], [sflag:$0x2] =	stream.linear.gather @!p0 [spmem:s25], $0x6400, $0x38;
	[tilespmem:$0x1C148] =	vst v63  }
0x148: {  	_ =	swait.ge @!p0 [sflag:s16], $0x6400  }
0x149: {  	[sflag:s16] =	ssyncset.done @!p0 $0x0  }
0x14a: {  	s22 =	rddreg [dreg:$0x5];
	[sflag:s16] =	ssyncadd.s32 @!p0 $0xFFFF9C00  }
0x14b: {  	[hbm4b:s22+s17] =	stream.linear.scatter @!p0 [tilespmem:s0], [sflag:$0x2], $0x6400, $0x38;
	[tilespmem:$0x1C148] =	vst v63  }
0x14c: {  	_ =	swait.ge @!p0 [sflag:s16], $0x6400  }
0x14d: {  	[sflag:s16] =	ssyncset.done @!p0 $0x0  }
0x14e: {  	[sflag:s16] =	ssyncadd.s32 @!p0 $0xFFFF9C00  }
0x14f: {  	[tilespmem:s21], [sflag:$0x2] =	stream.linear.gather @!p0 [spmem:s26], $0xC80, $0x38;
	[tilespmem:$0x1C148] =	vst v63  }
0x150: {  	_ =	swait.ge @!p0 [sflag:s16], $0xC80  }
0x151: {  	[sflag:s16] =	ssyncset.done @!p0 $0x0  }
0x152: {  	s22 =	rddreg [dreg:$0xb];
	[sflag:s16] =	ssyncadd.s32 @!p0 $0xFFFFF380  }
0x153: {  	[hbm4b:s22+s17] =	stream.linear.scatter @!p0 [tilespmem:s21], [sflag:$0x2], $0xC80, $0x38;
	[tilespmem:$0x1C148] =	vst v63  }
0x154: {  	_ =	swait.ge @!p0 [sflag:s16], $0xC80  }
0x155: {  	[sflag:s16] =	ssyncset.done @!p0 $0x0  }
0x156: {  	[sflag:s16] =	ssyncadd.s32 @!p0 $0xFFFFF380  }
0x157: {  	[tilespmem:s0], [sflag:$0x2] =	stream.linear.gather @!p0 [spmem:s28], $0x3200, $0x38;
	[tilespmem:$0x1C148] =	vst v63  }
0x158: {  	_ =	swait.ge @!p0 [sflag:s16], $0x3200  }
0x159: {  	[sflag:s16] =	ssyncset.done @!p0 $0x0  }
0x15a: {  	s22 =	rddreg [dreg:$0x6];
	[sflag:s16] =	ssyncadd.s32 @!p0 $0xFFFFCE00  }
0x15b: {  	[hbm4b:s22+s17] =	stream.linear.scatter @!p0 [tilespmem:s0], [sflag:$0x2], $0x3200, $0x38;
	[tilespmem:$0x1C148] =	vst v63  }
0x15c: {  	_ =	swait.ge @!p0 [sflag:s16], $0x3200  }
0x15d: {  	[sflag:s16] =	ssyncset.done @!p0 $0x0  }
0x15e: {  	[sflag:s16] =	ssyncadd.s32 @!p0 $0xFFFFCE00  }
0x15f: {  	[tilespmem:s21], [sflag:$0x2] =	stream.linear.gather @!p0 [spmem:s30], $0x640, $0x38;
	[tilespmem:$0x1C148] =	vst v63  }
0x160: {  	_ =	swait.ge @!p0 [sflag:s16], $0x640  }
0x161: {  	[sflag:s16] =	ssyncset.done @!p0 $0x0  }
0x162: {  	s0 =	rddreg [dreg:$0xc];
	[sflag:s16] =	ssyncadd.s32 @!p0 $0xFFFFF9C0  }
0x163: {  	[hbm4b:s0+s17] =	stream.linear.scatter @!p0 [tilespmem:s21], [sflag:$0x2], $0x640, $0x38;
	[tilespmem:$0x1C148] =	vst v63  }
0x164: {  	_ =	swait.ge @!p0 [sflag:s16], $0x640  }
0x165: {  	[sflag:s16] =	ssyncset.done @!p0 $0x0  }
0x166: {  	[sflag:s16] =	ssyncadd.s32 @!p0 $0xFFFFF9C0  }
0x167: {  	s22 =	simm.s32 $0x0;
	[bflag:$0x0] =	sbarrier.arrive $0xFFFF  }
0x168: {  	v6 =	vimm.f32 $-Inf;
	s0 =	simm.s32 $0x40;
	v7 =	vld [tilespmem:s22+$0x2710]  }
.LBB2_12:
0x169: {  	p1 =	sne.s32 s0, $0x9C00  }
.Ltmp5:
0x16a: {  	_ = 	snop;
	(pc) =	sbr.rel @p1 .LBB2_12-.Ltmp5, $3  }
0x16b: {  	_ =	sdelay $0x1  }
0x16c: {  	s16 =	sshra.s32 s0, $0x2;
	s0 =	sadd.s32 $0x40, s0;
	v6 =	vmax.f32 v6, v7  }
0x16d: {  	v7 =	vld [tilespmem:s16+$0x2710]  }
0x16e: {  	_ =	sdelay $0x3  }
0x16f: {  	v6 =	vmax.f32 v6, v7  }
0x170: {  	[tilespmem:$0x11170] =	vst v6  }
0x171: {  	v7 =	vld.idx.msk [tilespmem:v0+s8+$0x0], $0xffff;
	_ =	sdelay $0x4  }
0x172: {  	v6 =	vmax.f32 v6, v7  }
0x173: {  	[tilespmem:$0x11170] =	vst v6  }
0x174: {  	v7 =	vld.idx.msk [tilespmem:v1+s8+$0x0], $0xffff;
	_ =	sdelay $0x4  }
0x175: {  	v6 =	vmax.f32 v6, v7  }
0x176: {  	[tilespmem:$0x11170] =	vst v6  }
0x177: {  	v7 =	vld.idx.msk [tilespmem:v2+s8+$0x0], $0xffff;
	_ =	sdelay $0x4  }
0x178: {  	v6 =	vmax.f32 v6, v7  }
0x179: {  	[tilespmem:$0x11170] =	vst v6  }
0x17a: {  	s16 =	simm.s32 $0x0;
	v7 =	vld.idx.msk [tilespmem:v3+s8+$0x0], $0xffff  }
0x17b: {  	v8 =	vimm.f32 $-Inf;
	s0 =	simm.s32 $0x40;
	v9 =	vld [tilespmem:s16+$0x7530]  }
.LBB2_14:
0x17c: {  	p1 =	sne.s32 s0, $0x9C00  }
.Ltmp6:
0x17d: {  	_ = 	snop;
	(pc) =	sbr.rel @p1 .LBB2_14-.Ltmp6, $3  }
0x17e: {  	_ =	sdelay $0x1  }
0x17f: {  	s16 =	sshra.s32 s0, $0x2;
	s0 =	sadd.s32 $0x40, s0;
	v8 =	vmax.f32 v8, v9  }
0x180: {  	v9 =	vld [tilespmem:s16+$0x7530]  }
0x181: {  	_ =	sdelay $0x3  }
0x182: {  	v8 =	vmax.f32 v8, v9  }
0x183: {  	[tilespmem:$0x11170] =	vst v8  }
0x184: {  	v9 =	vld.idx.msk [tilespmem:v0+s8+$0x0], $0xffff;
	_ =	sdelay $0x4  }
0x185: {  	v8 =	vmax.f32 v8, v9  }
0x186: {  	[tilespmem:$0x11170] =	vst v8  }
0x187: {  	v9 =	vld.idx.msk [tilespmem:v1+s8+$0x0], $0xffff;
	_ =	sdelay $0x4  }
0x188: {  	v8 =	vmax.f32 v8, v9  }
0x189: {  	[tilespmem:$0x11170] =	vst v8  }
0x18a: {  	v9 =	vld.idx.msk [tilespmem:v2+s8+$0x0], $0xffff;
	_ =	sdelay $0x4  }
0x18b: {  	v8 =	vmax.f32 v8, v9  }
0x18c: {  	[tilespmem:$0x11170] =	vst v8  }
0x18d: {  	s16 =	simm.s32 $0x100;
	s0 =	simm.s32 $0x0;
	v9 =	vld.idx.msk [tilespmem:v3+s8+$0x0], $0xffff  }
.LBB2_16:
0x18e: {  	p1 =	sne.s32 s16, $0x18F00;
	[tilespmem:s0+$0xA120] =	vst v4;
	s17 =	smov.u32 s16;
	s16 =	sadd.s32 $0x100, s16  }
.Ltmp7:
0x18f: {  	[tilespmem:s0+$0xA110] =	vst v4;
	(pc) =	sbr.rel @p1 .LBB2_16-.Ltmp7, $3  }
0x190: {  	[tilespmem:s0+$0xA0F0] =	vst v4  }
0x191: {  	[tilespmem:s0+$0xA100] =	vst v4;
	_ =	sdelay $0x1  }
0x192: {  	s0 =	sshra.s32 s17, $0x2  }
0x193: {  	[tilespmem:s0+$0xA120] =	vst v4  }
0x194: {  	[tilespmem:s0+$0xA110] =	vst v4  }
0x195: {  	[tilespmem:s0+$0xA0F0] =	vst v4  }
0x196: {  	[tilespmem:s0+$0xA100] =	vst v4;
	s0 =	simm.s32 @!p0 $0xA0F0;
	s16 =	simm.s32 @!p0 $0x2  }
0x197: {  	[spmem:s23] =	stream.linear.scatter @!p0 [tilespmem:s0], [sflag:$0x2], $0x6400, $0x38;
	[tilespmem:$0x1C148] =	vst v63  }
0x198: {  	_ =	swait.ge @!p0 [sflag:s16], $0x6400  }
0x199: {  	[sflag:s16] =	ssyncset.done @!p0 $0x0  }
0x19a: {  	s17 =	simm.s32 @!p0 $0x104F0;
	[sflag:s16] =	ssyncadd.s32 @!p0 $0xFFFF9C00  }
0x19b: {  	[spmem:s24] =	stream.linear.scatter @!p0 [tilespmem:s17], [sflag:$0x2], $0xC80, $0x38;
	[tilespmem:$0x1C148] =	vst v63  }
0x19c: {  	_ =	swait.ge @!p0 [sflag:s16], $0xC80  }
0x19d: {  	[sflag:s16] =	ssyncset.done @!p0 $0x0  }
0x19e: {  	[sflag:s16] =	ssyncadd.s32 @!p0 $0xFFFFF380  }
0x19f: {  	[spmem:s25] =	stream.linear.scatter @!p0 [tilespmem:s0], [sflag:$0x2], $0x6400, $0x38;
	[tilespmem:$0x1C148] =	vst v63  }
0x1a0: {  	_ =	swait.ge @!p0 [sflag:s16], $0x6400  }
0x1a1: {  	[sflag:s16] =	ssyncset.done @!p0 $0x0  }
0x1a2: {  	[sflag:s16] =	ssyncadd.s32 @!p0 $0xFFFF9C00  }
0x1a3: {  	[spmem:s26] =	stream.linear.scatter @!p0 [tilespmem:s17], [sflag:$0x2], $0xC80, $0x38;
	[tilespmem:$0x1C148] =	vst v63  }
0x1a4: {  	_ =	swait.ge @!p0 [sflag:s16], $0xC80  }
0x1a5: {  	[sflag:s16] =	ssyncset.done @!p0 $0x0  }
0x1a6: {  	[sflag:s16] =	ssyncadd.s32 @!p0 $0xFFFFF380  }
0x1a7: {  	[spmem:s28] =	stream.linear.scatter @!p0 [tilespmem:s0], [sflag:$0x2], $0x3200, $0x38;
	[tilespmem:$0x1C148] =	vst v63  }
0x1a8: {  	_ =	swait.ge @!p0 [sflag:s16], $0x3200  }
0x1a9: {  	[sflag:s16] =	ssyncset.done @!p0 $0x0  }
0x1aa: {  	v6 =	vmax.f32 v6, v7;
	v7 =	vmax.f32 v8, v9;
	[sflag:s16] =	ssyncadd.s32 @!p0 $0xFFFFCE00  }
0x1ab: {  	v6 =	vadd.f32 v7, v6;
	[spmem:s30] =	stream.linear.scatter @!p0 [tilespmem:s17], [sflag:$0x2], $0x640, $0x38;
	[tilespmem:$0x1C148] =	vst v63  }
0x1ac: {  	_ =	swait.ge @!p0 [sflag:s16], $0x640  }
0x1ad: {  	v7 =	vmul.f32 $2.000000030e-01, v6;
	[sflag:s16] =	ssyncset.done @!p0 $0x0  }
0x1ae: {  	vm0 =	vgt.f32 v6, $0.0e+00;
	[sflag:s16] =	ssyncadd.s32 @!p0 $0xFFFFF9C0  }
0x1af: {  	v6 =	vsel vm0, v6, v7;
	s17 =	simm.s32 $0x0;
	s16 =	simm.s32 $0x0;
	[bflag:$0x0] =	sbarrier.arrive $0xFFFF  }
.LBB2_18:
0x1b0: {  	s0 =	smul.u32 $0x190, s17;
	_ =	sdelay $0x1  }
0x1b1: {  	s0 =	sadd.s32 s4, s0  }
0x1b2: {  	s22 =	sshrl.u32 s0, $0x3  }
0x1b3: {  	s21 =	simm.s32 $0x9C40;
	s23 =	sadd.s32 s18, s22  }
0x1b4: {  	[tilespmem:s21], [sflag:$0x2] =	stream.linear.gather [hbm4b:s23+s16], $0x190, $0x38;
	[tilespmem:$0x1C148] =	vst v63  }
0x1b5: {  	_ =	swait.ge [sflag:s6], $0x190  }
0x1b6: {  	[sflag:s6] =	ssyncset.done $0x0  }
0x1b7: {  	s23 =	sadd.s32 s19, s22;
	s22 =	simm.s32 $0x9DD0;
	[sflag:s6] =	ssyncadd.s32 $0xFFFFFE70  }
0x1b8: {  	[tilespmem:s22], [sflag:$0x2] =	stream.linear.gather [hbm4b:s23+s16], $0x190, $0x38;
	[tilespmem:$0x1C148] =	vst v63  }
0x1b9: {  	s0 =	sadd.s32 s31, s0;
	_ =	swait.ge [sflag:s6], $0x190  }
0x1ba: {  	s0 =	sshrl.u32 s0, $0x3;
	[sflag:s6] =	ssyncset.done $0x0  }
0x1bb: {  	s0 =	sadd.s32 s20, s0;
	[sflag:s6] =	ssyncadd.s32 $0xFFFFFE70  }
0x1bc: {  	[tilespmem:s9], [sflag:$0x2] =	stream.linear.gather [hbm4b:s0+s16], $0x190, $0x38;
	[tilespmem:$0x1C148] =	vst v63  }
0x1bd: {  	_ =	swait.ge [sflag:s6], $0x190  }
0x1be: {  	[sflag:s6] =	ssyncset.done $0x0  }
0x1bf: {  	[sflag:s6] =	ssyncadd.s32 $0xFFFFFE70  }
0x1c0: {  	[tilespmem:s11], [sflag:$0x1] =	stream.indirect.gather [hbm4b:s5+s10], $0x40, s9, s10, $0xb8;
	[tilespmem:$0x1C148] =	vst v63  }
0x1c1: {  	_ =	swait.ge [sflag:s12], $0x6400  }
0x1c2: {  	[sflag:s12] =	ssyncset.done $0x0  }
0x1c3: {  	s23 =	simm.s32 $0x0;
	s0 =	simm.s32 $0xA2F0;
	[sflag:s12] =	ssyncadd.s32 $0xFFFF9C00  }
.LBB2_19:
0x1c4: {  	v7 =	vld [tilespmem:s21+$0x0]  }
0x1c5: {  	v8 =	vld [tilespmem:s22+$0x0];
	_ =	sdelay $0x3  }
0x1c6: {  	v7 =	vadd.s32 $0x2710, v7  }
0x1c7: {  	v8 =	vadd.s32 $0x2710, v8;
	_ =	sdelay $0x3  }
0x1c8: {  	v7 =	vld.idx.msk [tilespmem:v7+s3+$0x0], $0xffff  }
0x1c9: {  	v8 =	vld.idx.msk [tilespmem:v8+s7+$0x0], $0xffff;
	_ =	sdelay $0x4  }
0x1ca: {  	v7 =	vadd.f32 v8, v7;
	_ =	sdelay $0x1  }
0x1cb: {  	v8 =	vmul.f32 $2.000000030e-01, v7  }
0x1cc: {  	vm0 =	vgt.f32 v7, $0.0e+00  }
0x1cd: {  	v7 =	vsel vm0, v7, v8  }
0x1ce: {  	v7 =	vsub.f32 v7, v6;
	_ =	sdelay $0x1  }
0x1cf: {  	v7 =	vmul.f32 $1.442695020e+00, v7;
	_ =	sdelay $0x1  }
0x1d0: {  	(erf) = vpow2.f32 v7;
	_ =	sdelay $0x2  }
0x1d1: {  	v7 =	vmov s23  }
0x1d2: {  	v7 =	vshll.u32 v7, $0x3  }
0x1d3: {  	v8 =	vor.u32 v5, v7;
	_ =	sdelay $0x3  }
0x1d4: {  	v7 =	vpop (erf)  }
0x1d5: {  	[tilespmem:v8+s13+$0x0] =	vst.idx.msk $0xffff, v7  }
0x1d6: {  	v8 =	vld [tilespmem:s0+$0xFFFFFE00];
	_ =	sdelay $0x2  }
0x1d7: {  	v9 =	vbroadcast v7, $0x0;
	_ =	sdelay $0x1  }
0x1d8: {  	v8 =	vmul.f32 v9, v8;
	_ =	sdelay $0x1  }
0x1d9: {  	[tilespmem:s0+$0xFFFFFE00] =	vst v8;
	v8 =	vld [tilespmem:s0+$0xFFFFFE10];
	_ =	sdelay $0x4  }
0x1da: {  	v8 =	vmul.f32 v9, v8;
	_ =	sdelay $0x1  }
0x1db: {  	[tilespmem:s0+$0xFFFFFE10] =	vst v8;
	v8 =	vld [tilespmem:s0+$0xFFFFFE20];
	_ =	sdelay $0x4  }
0x1dc: {  	v8 =	vmul.f32 v9, v8;
	_ =	sdelay $0x1  }
0x1dd: {  	[tilespmem:s0+$0xFFFFFE20] =	vst v8;
	v8 =	vld [tilespmem:s0+$0xFFFFFE30];
	_ =	sdelay $0x4  }
0x1de: {  	v8 =	vmul.f32 v8, v9;
	_ =	sdelay $0x1  }
0x1df: {  	[tilespmem:s0+$0xFFFFFE30] =	vst v8;
	v8 =	vld [tilespmem:s0+$0xFFFFFE40];
	_ =	sdelay $0x2  }
0x1e0: {  	v50 =	vbroadcast v7, $0x1;
	_ =	sdelay $0x1  }
0x1e1: {  	v8 =	vmul.f32 v8, v50;
	_ =	sdelay $0x1  }
0x1e2: {  	[tilespmem:s0+$0xFFFFFE40] =	vst v8;
	v8 =	vld [tilespmem:s0+$0xFFFFFE50];
	_ =	sdelay $0x4  }
0x1e3: {  	v8 =	vmul.f32 v8, v50;
	_ =	sdelay $0x1  }
0x1e4: {  	[tilespmem:s0+$0xFFFFFE50] =	vst v8;
	v8 =	vld [tilespmem:s0+$0xFFFFFE60];
	_ =	sdelay $0x4  }
0x1e5: {  	v8 =	vmul.f32 v8, v50;
	_ =	sdelay $0x1  }
0x1e6: {  	[tilespmem:s0+$0xFFFFFE60] =	vst v8;
	v8 =	vld [tilespmem:s0+$0xFFFFFE70];
	_ =	sdelay $0x4  }
0x1e7: {  	v8 =	vmul.f32 v8, v50;
	_ =	sdelay $0x1  }
0x1e8: {  	[tilespmem:s0+$0xFFFFFE70] =	vst v8;
	v8 =	vld [tilespmem:s0+$0xFFFFFE80];
	_ =	sdelay $0x2  }
0x1e9: {  	v51 =	vbroadcast v7, $0x2;
	_ =	sdelay $0x1  }
0x1ea: {  	v8 =	vmul.f32 v8, v51;
	_ =	sdelay $0x1  }
0x1eb: {  	[tilespmem:s0+$0xFFFFFE80] =	vst v8;
	v8 =	vld [tilespmem:s0+$0xFFFFFE90];
	_ =	sdelay $0x4  }
0x1ec: {  	v8 =	vmul.f32 v8, v51;
	_ =	sdelay $0x1  }
0x1ed: {  	[tilespmem:s0+$0xFFFFFE90] =	vst v8;
	v8 =	vld [tilespmem:s0+$0xFFFFFEA0];
	_ =	sdelay $0x4  }
0x1ee: {  	v8 =	vmul.f32 v8, v51;
	_ =	sdelay $0x1  }
0x1ef: {  	[tilespmem:s0+$0xFFFFFEA0] =	vst v8;
	v8 =	vld [tilespmem:s0+$0xFFFFFEB0];
	_ =	sdelay $0x4  }
0x1f0: {  	v8 =	vmul.f32 v8, v51;
	_ =	sdelay $0x1  }
0x1f1: {  	[tilespmem:s0+$0xFFFFFEB0] =	vst v8;
	v8 =	vld [tilespmem:s0+$0xFFFFFEC0];
	_ =	sdelay $0x2  }
0x1f2: {  	v52 =	vbroadcast v7, $0x3;
	_ =	sdelay $0x1  }
0x1f3: {  	v8 =	vmul.f32 v8, v52;
	_ =	sdelay $0x1  }
0x1f4: {  	[tilespmem:s0+$0xFFFFFEC0] =	vst v8;
	v8 =	vld [tilespmem:s0+$0xFFFFFED0];
	_ =	sdelay $0x4  }
0x1f5: {  	v8 =	vmul.f32 v8, v52;
	_ =	sdelay $0x1  }
0x1f6: {  	[tilespmem:s0+$0xFFFFFED0] =	vst v8;
	v8 =	vld [tilespmem:s0+$0xFFFFFEE0];
	_ =	sdelay $0x4  }
0x1f7: {  	v8 =	vmul.f32 v8, v52;
	_ =	sdelay $0x1  }
0x1f8: {  	[tilespmem:s0+$0xFFFFFEE0] =	vst v8;
	v8 =	vld [tilespmem:s0+$0xFFFFFEF0];
	_ =	sdelay $0x4  }
0x1f9: {  	v8 =	vmul.f32 v8, v52;
	_ =	sdelay $0x1  }
0x1fa: {  	[tilespmem:s0+$0xFFFFFEF0] =	vst v8;
	v8 =	vld [tilespmem:s0+$0xFFFFFF00];
	_ =	sdelay $0x2  }
0x1fb: {  	v53 =	vbroadcast v7, $0x4;
	_ =	sdelay $0x1  }
0x1fc: {  	v8 =	vmul.f32 v8, v53;
	_ =	sdelay $0x1  }
0x1fd: {  	[tilespmem:s0+$0xFFFFFF00] =	vst v8;
	v8 =	vld [tilespmem:s0+$0xFFFFFF10];
	_ =	sdelay $0x4  }
0x1fe: {  	v8 =	vmul.f32 v8, v53;
	_ =	sdelay $0x1  }
0x1ff: {  	[tilespmem:s0+$0xFFFFFF10] =	vst v8;
	v8 =	vld [tilespmem:s0+$0xFFFFFF20];
	_ =	sdelay $0x4  }
0x200: {  	v8 =	vmul.f32 v8, v53;
	_ =	sdelay $0x1  }
0x201: {  	[tilespmem:s0+$0xFFFFFF20] =	vst v8;
	v8 =	vld [tilespmem:s0+$0xFFFFFF30];
	_ =	sdelay $0x4  }
0x202: {  	v8 =	vmul.f32 v8, v53;
	_ =	sdelay $0x1  }
0x203: {  	[tilespmem:s0+$0xFFFFFF30] =	vst v8;
	v8 =	vld [tilespmem:s0+$0xFFFFFF40];
	_ =	sdelay $0x2  }
0x204: {  	v54 =	vbroadcast v7, $0x5;
	_ =	sdelay $0x1  }
0x205: {  	v8 =	vmul.f32 v8, v54;
	_ =	sdelay $0x1  }
0x206: {  	[tilespmem:s0+$0xFFFFFF40] =	vst v8;
	v8 =	vld [tilespmem:s0+$0xFFFFFF50];
	_ =	sdelay $0x4  }
0x207: {  	v8 =	vmul.f32 v8, v54;
	_ =	sdelay $0x1  }
0x208: {  	[tilespmem:s0+$0xFFFFFF50] =	vst v8;
	v8 =	vld [tilespmem:s0+$0xFFFFFF60];
	_ =	sdelay $0x4  }
0x209: {  	v8 =	vmul.f32 v8, v54;
	_ =	sdelay $0x1  }
0x20a: {  	[tilespmem:s0+$0xFFFFFF60] =	vst v8;
	v8 =	vld [tilespmem:s0+$0xFFFFFF70];
	_ =	sdelay $0x4  }
0x20b: {  	v8 =	vmul.f32 v8, v54;
	_ =	sdelay $0x1  }
0x20c: {  	[tilespmem:s0+$0xFFFFFF70] =	vst v8;
	v8 =	vld [tilespmem:s0+$0xFFFFFF80];
	_ =	sdelay $0x2  }
0x20d: {  	v55 =	vbroadcast v7, $0x6;
	_ =	sdelay $0x1  }
0x20e: {  	v8 =	vmul.f32 v8, v55;
	_ =	sdelay $0x1  }
0x20f: {  	[tilespmem:s0+$0xFFFFFF80] =	vst v8;
	v8 =	vld [tilespmem:s0+$0xFFFFFF90];
	_ =	sdelay $0x4  }
0x210: {  	v8 =	vmul.f32 v8, v55;
	_ =	sdelay $0x1  }
0x211: {  	[tilespmem:s0+$0xFFFFFF90] =	vst v8;
	v8 =	vld [tilespmem:s0+$0xFFFFFFA0];
	_ =	sdelay $0x4  }
0x212: {  	v8 =	vmul.f32 v8, v55;
	_ =	sdelay $0x1  }
0x213: {  	[tilespmem:s0+$0xFFFFFFA0] =	vst v8;
	v8 =	vld [tilespmem:s0+$0xFFFFFFB0];
	_ =	sdelay $0x4  }
0x214: {  	v8 =	vmul.f32 v8, v55;
	_ =	sdelay $0x1  }
0x215: {  	[tilespmem:s0+$0xFFFFFFB0] =	vst v8;
	v8 =	vld [tilespmem:s0+$0xFFFFFFC0];
	_ =	sdelay $0x2  }
0x216: {  	v56 =	vbroadcast v7, $0x7;
	_ =	sdelay $0x1  }
0x217: {  	v8 =	vmul.f32 v8, v56;
	_ =	sdelay $0x1  }
0x218: {  	[tilespmem:s0+$0xFFFFFFC0] =	vst v8;
	v8 =	vld [tilespmem:s0+$0xFFFFFFD0];
	_ =	sdelay $0x4  }
0x219: {  	v8 =	vmul.f32 v8, v56;
	_ =	sdelay $0x1  }
0x21a: {  	[tilespmem:s0+$0xFFFFFFD0] =	vst v8;
	v8 =	vld [tilespmem:s0+$0xFFFFFFE0];
	_ =	sdelay $0x4  }
0x21b: {  	v8 =	vmul.f32 v8, v56;
	_ =	sdelay $0x1  }
0x21c: {  	[tilespmem:s0+$0xFFFFFFE0] =	vst v8;
	v8 =	vld [tilespmem:s0+$0xFFFFFFF0];
	_ =	sdelay $0x4  }
0x21d: {  	v8 =	vmul.f32 v8, v56;
	_ =	sdelay $0x1  }
0x21e: {  	[tilespmem:s0+$0xFFFFFFF0] =	vst v8;
	v8 =	vld [tilespmem:s0+$0x0];
	_ =	sdelay $0x2  }
0x21f: {  	v57 =	vbroadcast v7, $0x8;
	_ =	sdelay $0x1  }
0x220: {  	v8 =	vmul.f32 v8, v57;
	_ =	sdelay $0x1  }
0x221: {  	[tilespmem:s0+$0x0] =	vst v8;
	v8 =	vld [tilespmem:s0+$0x10];
	_ =	sdelay $0x4  }
0x222: {  	v8 =	vmul.f32 v8, v57;
	_ =	sdelay $0x1  }
0x223: {  	[tilespmem:s0+$0x10] =	vst v8;
	v8 =	vld [tilespmem:s0+$0x20];
	_ =	sdelay $0x4  }
0x224: {  	v8 =	vmul.f32 v8, v57;
	_ =	sdelay $0x1  }
0x225: {  	[tilespmem:s0+$0x20] =	vst v8;
	v8 =	vld [tilespmem:s0+$0x30];
	_ =	sdelay $0x4  }
0x226: {  	v8 =	vmul.f32 v8, v57;
	_ =	sdelay $0x1  }
0x227: {  	[tilespmem:s0+$0x30] =	vst v8;
	v8 =	vld [tilespmem:s0+$0x40];
	_ =	sdelay $0x2  }
0x228: {  	v58 =	vbroadcast v7, $0x9;
	_ =	sdelay $0x1  }
0x229: {  	v8 =	vmul.f32 v8, v58;
	_ =	sdelay $0x1  }
0x22a: {  	[tilespmem:s0+$0x40] =	vst v8;
	v8 =	vld [tilespmem:s0+$0x50];
	_ =	sdelay $0x4  }
0x22b: {  	v8 =	vmul.f32 v8, v58;
	_ =	sdelay $0x1  }
0x22c: {  	[tilespmem:s0+$0x50] =	vst v8;
	v8 =	vld [tilespmem:s0+$0x60];
	_ =	sdelay $0x4  }
0x22d: {  	v8 =	vmul.f32 v8, v58;
	_ =	sdelay $0x1  }
0x22e: {  	[tilespmem:s0+$0x60] =	vst v8;
	v8 =	vld [tilespmem:s0+$0x70];
	_ =	sdelay $0x4  }
0x22f: {  	v8 =	vmul.f32 v8, v58;
	_ =	sdelay $0x1  }
0x230: {  	[tilespmem:s0+$0x70] =	vst v8;
	v8 =	vld [tilespmem:s0+$0x80];
	_ =	sdelay $0x2  }
0x231: {  	v59 =	vbroadcast v7, $0xA;
	_ =	sdelay $0x1  }
0x232: {  	v8 =	vmul.f32 v8, v59;
	_ =	sdelay $0x1  }
0x233: {  	[tilespmem:s0+$0x80] =	vst v8;
	v8 =	vld [tilespmem:s0+$0x90];
	_ =	sdelay $0x4  }
0x234: {  	v8 =	vmul.f32 v8, v59;
	_ =	sdelay $0x1  }
0x235: {  	[tilespmem:s0+$0x90] =	vst v8;
	v8 =	vld [tilespmem:s0+$0xA0];
	_ =	sdelay $0x4  }
0x236: {  	v8 =	vmul.f32 v8, v59;
	_ =	sdelay $0x1  }
0x237: {  	[tilespmem:s0+$0xA0] =	vst v8;
	v8 =	vld [tilespmem:s0+$0xB0];
	_ =	sdelay $0x4  }
0x238: {  	v8 =	vmul.f32 v8, v59;
	_ =	sdelay $0x1  }
0x239: {  	[tilespmem:s0+$0xB0] =	vst v8;
	v8 =	vld [tilespmem:s0+$0xC0];
	_ =	sdelay $0x2  }
0x23a: {  	v60 =	vbroadcast v7, $0xB;
	_ =	sdelay $0x1  }
0x23b: {  	v8 =	vmul.f32 v8, v60;
	_ =	sdelay $0x1  }
0x23c: {  	[tilespmem:s0+$0xC0] =	vst v8;
	v8 =	vld [tilespmem:s0+$0xD0];
	_ =	sdelay $0x4  }
0x23d: {  	v8 =	vmul.f32 v8, v60;
	_ =	sdelay $0x1  }
0x23e: {  	[tilespmem:s0+$0xD0] =	vst v8;
	v8 =	vld [tilespmem:s0+$0xE0];
	_ =	sdelay $0x4  }
0x23f: {  	v8 =	vmul.f32 v8, v60;
	_ =	sdelay $0x1  }
0x240: {  	[tilespmem:s0+$0xE0] =	vst v8;
	v8 =	vld [tilespmem:s0+$0xF0];
	_ =	sdelay $0x4  }
0x241: {  	v8 =	vmul.f32 v8, v60;
	_ =	sdelay $0x1  }
0x242: {  	[tilespmem:s0+$0xF0] =	vst v8;
	v8 =	vld [tilespmem:s0+$0x100];
	_ =	sdelay $0x2  }
0x243: {  	v61 =	vbroadcast v7, $0xC;
	_ =	sdelay $0x1  }
0x244: {  	v8 =	vmul.f32 v8, v61;
	_ =	sdelay $0x1  }
0x245: {  	[tilespmem:s0+$0x100] =	vst v8;
	v8 =	vld [tilespmem:s0+$0x110];
	_ =	sdelay $0x4  }
0x246: {  	v8 =	vmul.f32 v8, v61;
	_ =	sdelay $0x1  }
0x247: {  	[tilespmem:s0+$0x110] =	vst v8;
	v8 =	vld [tilespmem:s0+$0x120];
	_ =	sdelay $0x4  }
0x248: {  	v8 =	vmul.f32 v8, v61;
	_ =	sdelay $0x1  }
0x249: {  	[tilespmem:s0+$0x120] =	vst v8;
	v8 =	vld [tilespmem:s0+$0x130];
	_ =	sdelay $0x4  }
0x24a: {  	v8 =	vmul.f32 v8, v61;
	_ =	sdelay $0x1  }
0x24b: {  	[tilespmem:s0+$0x130] =	vst v8;
	v8 =	vld [tilespmem:s0+$0x140];
	_ =	sdelay $0x2  }
0x24c: {  	v62 =	vbroadcast v7, $0xD;
	_ =	sdelay $0x1  }
0x24d: {  	v8 =	vmul.f32 v8, v62;
	_ =	sdelay $0x1  }
0x24e: {  	[tilespmem:s0+$0x140] =	vst v8;
	v8 =	vld [tilespmem:s0+$0x150];
	_ =	sdelay $0x4  }
0x24f: {  	v8 =	vmul.f32 v8, v62;
	_ =	sdelay $0x1  }
0x250: {  	[tilespmem:s0+$0x150] =	vst v8;
	v8 =	vld [tilespmem:s0+$0x160];
	_ =	sdelay $0x4  }
0x251: {  	v8 =	vmul.f32 v8, v62;
	_ =	sdelay $0x1  }
0x252: {  	[tilespmem:s0+$0x160] =	vst v8;
	v8 =	vld [tilespmem:s0+$0x170];
	_ =	sdelay $0x4  }
0x253: {  	v8 =	vmul.f32 v8, v62;
	_ =	sdelay $0x1  }
0x254: {  	[tilespmem:s0+$0x170] =	vst v8;
	v8 =	vld [tilespmem:s0+$0x180];
	_ =	sdelay $0x2  }
0x255: {  	v63 =	vbroadcast v7, $0xE;
	_ =	sdelay $0x1  }
0x256: {  	v8 =	vmul.f32 v8, v63;
	_ =	sdelay $0x1  }
0x257: {  	[tilespmem:s0+$0x180] =	vst v8;
	v8 =	vld [tilespmem:s0+$0x190];
	_ =	sdelay $0x4  }
0x258: {  	v8 =	vmul.f32 v8, v63;
	_ =	sdelay $0x1  }
0x259: {  	[tilespmem:s0+$0x190] =	vst v8;
	v8 =	vld [tilespmem:s0+$0x1A0];
	_ =	sdelay $0x4  }
0x25a: {  	v8 =	vmul.f32 v8, v63;
	_ =	sdelay $0x1  }
0x25b: {  	[tilespmem:s0+$0x1A0] =	vst v8;
	v8 =	vld [tilespmem:s0+$0x1B0];
	_ =	sdelay $0x4  }
0x25c: {  	v8 =	vmul.f32 v8, v63;
	_ =	sdelay $0x1  }
0x25d: {  	[tilespmem:s0+$0x1B0] =	vst v8;
	v8 =	vld [tilespmem:s0+$0x1C0];
	_ =	sdelay $0x2  }
0x25e: {  	v7 =	vbroadcast v7, $0xF;
	_ =	sdelay $0x1  }
0x25f: {  	v8 =	vmul.f32 v8, v7;
	_ =	sdelay $0x1  }
0x260: {  	[tilespmem:s0+$0x1C0] =	vst v8;
	v8 =	vld [tilespmem:s0+$0x1D0];
	_ =	sdelay $0x4  }
0x261: {  	v8 =	vmul.f32 v8, v7;
	_ =	sdelay $0x1  }
0x262: {  	[tilespmem:s0+$0x1D0] =	vst v8;
	v8 =	vld [tilespmem:s0+$0x1E0];
	_ =	sdelay $0x4  }
0x263: {  	v8 =	vmul.f32 v8, v7;
	_ =	sdelay $0x1  }
0x264: {  	[tilespmem:s0+$0x1E0] =	vst v8;
	v8 =	vld [tilespmem:s0+$0x1F0];
	_ =	sdelay $0x1  }
0x265: {  	p1 =	sne.s32 s23, $0x180  }
.Ltmp8:
0x266: {  	_ = 	snop;
	(pc) =	sbr.rel @p1 .LBB2_19-.Ltmp8, $4  }
0x267: {  	_ = 	snop  }
0x268: {  	v7 =	vmul.f32 v8, v7  }
0x269: {  	s21 =	sadd.s32 $0x10, s21  }
0x26a: {  	s22 =	sadd.s32 $0x10, s22;
	s23 =	sadd.s32 $0x10, s23;
	[tilespmem:s0+$0x1F0] =	vst v7;
	s0 =	sadd.s32 $0x400, s0  }
0x26b: {  	[spmem:s1] =	stream.indirect.scatter.add.f32 [tilespmem:s11], [sflag:$0x2], $0x40, s14, s10, $0xb8;
	[tilespmem:$0x1C148] =	vst v63  }
0x26c: {  	s17 =	sadd.s32 $0x1, s17;
	_ =	swait.ge [sflag:s6], $0x6400  }
0x26d: {  	p1 =	sne.s32 s17, $0x19;
	[sflag:s6] =	ssyncset.done $0x0  }
.Ltmp9:
0x26e: {  	[sflag:s6] =	ssyncadd.s32 $0xFFFF9C00;
	(pc) =	sbr.rel @p1 .LBB2_18-.Ltmp9, $4  }
0x26f: {  	[spmem:s2] =	stream.indirect.scatter.add.f32 [tilespmem:s13], [sflag:$0x2], $0x8, s14, s10, $0xb8;
	[tilespmem:$0x1C148] =	vst v63  }
0x270: {  	_ =	swait.ge [sflag:s6], $0xC80  }
0x271: {  	[sflag:s6] =	ssyncset.done $0x0  }
0x272: {  	[sflag:s6] =	ssyncadd.s32 $0xFFFFF380  }
0x273: {  	[bflag:$0x0] =	sbarrier.arrive $0xFFFF  }
0x274: {  	s0 =	simm.s32 @!p0 $0xA0F0;
	s16 =	simm.s32 @!p0 $0x2;
	s23 =	rddreg [dreg:$0x12]  }
0x275: {  	[tilespmem:s0], [sflag:$0x2] =	stream.linear.gather @!p0 [spmem:s23], $0x6400, $0x38;
	[tilespmem:$0x1C148] =	vst v63  }
0x276: {  	_ =	swait.ge @!p0 [sflag:s16], $0x6400  }
0x277: {  	[sflag:s16] =	ssyncset.done @!p0 $0x0  }
0x278: {  	s17 =	simm.s32 @!p0 $0x0;
	s21 =	rddreg [dreg:$0x7];
	[sflag:s16] =	ssyncadd.s32 @!p0 $0xFFFF9C00  }
0x279: {  	[hbm4b:s21+s17] =	stream.linear.scatter @!p0 [tilespmem:s0], [sflag:$0x2], $0x6400, $0x38;
	[tilespmem:$0x1C148] =	vst v63  }
0x27a: {  	_ =	swait.ge @!p0 [sflag:s16], $0x6400  }
0x27b: {  	[sflag:s16] =	ssyncset.done @!p0 $0x0  }
0x27c: {  	s21 =	simm.s32 @!p0 $0x104F0;
	[sflag:s16] =	ssyncadd.s32 @!p0 $0xFFFF9C00  }
0x27d: {  	[tilespmem:s21], [sflag:$0x2] =	stream.linear.gather @!p0 [spmem:s24], $0xC80, $0x38;
	[tilespmem:$0x1C148] =	vst v63  }
0x27e: {  	_ =	swait.ge @!p0 [sflag:s16], $0xC80  }
0x27f: {  	[sflag:s16] =	ssyncset.done @!p0 $0x0  }
0x280: {  	s22 =	rddreg [dreg:$0xd];
	[sflag:s16] =	ssyncadd.s32 @!p0 $0xFFFFF380  }
0x281: {  	[hbm4b:s22+s17] =	stream.linear.scatter @!p0 [tilespmem:s21], [sflag:$0x2], $0xC80, $0x38;
	[tilespmem:$0x1C148] =	vst v63  }
0x282: {  	_ =	swait.ge @!p0 [sflag:s16], $0xC80  }
0x283: {  	[sflag:s16] =	ssyncset.done @!p0 $0x0  }
0x284: {  	[sflag:s16] =	ssyncadd.s32 @!p0 $0xFFFFF380  }
0x285: {  	[tilespmem:s0], [sflag:$0x2] =	stream.linear.gather @!p0 [spmem:s25], $0x6400, $0x38;
	[tilespmem:$0x1C148] =	vst v63  }
0x286: {  	_ =	swait.ge @!p0 [sflag:s16], $0x6400  }
0x287: {  	[sflag:s16] =	ssyncset.done @!p0 $0x0  }
0x288: {  	s22 =	rddreg [dreg:$0x8];
	[sflag:s16] =	ssyncadd.s32 @!p0 $0xFFFF9C00  }
0x289: {  	[hbm4b:s22+s17] =	stream.linear.scatter @!p0 [tilespmem:s0], [sflag:$0x2], $0x6400, $0x38;
	[tilespmem:$0x1C148] =	vst v63  }
0x28a: {  	_ =	swait.ge @!p0 [sflag:s16], $0x6400  }
0x28b: {  	[sflag:s16] =	ssyncset.done @!p0 $0x0  }
0x28c: {  	[sflag:s16] =	ssyncadd.s32 @!p0 $0xFFFF9C00  }
0x28d: {  	[tilespmem:s21], [sflag:$0x2] =	stream.linear.gather @!p0 [spmem:s26], $0xC80, $0x38;
	[tilespmem:$0x1C148] =	vst v63  }
0x28e: {  	_ =	swait.ge @!p0 [sflag:s16], $0xC80  }
0x28f: {  	[sflag:s16] =	ssyncset.done @!p0 $0x0  }
0x290: {  	s22 =	rddreg [dreg:$0xe];
	[sflag:s16] =	ssyncadd.s32 @!p0 $0xFFFFF380  }
0x291: {  	[hbm4b:s22+s17] =	stream.linear.scatter @!p0 [tilespmem:s21], [sflag:$0x2], $0xC80, $0x38;
	[tilespmem:$0x1C148] =	vst v63  }
0x292: {  	_ =	swait.ge @!p0 [sflag:s16], $0xC80  }
0x293: {  	[sflag:s16] =	ssyncset.done @!p0 $0x0  }
0x294: {  	[sflag:s16] =	ssyncadd.s32 @!p0 $0xFFFFF380  }
0x295: {  	[tilespmem:s0], [sflag:$0x2] =	stream.linear.gather @!p0 [spmem:s28], $0x3200, $0x38;
	[tilespmem:$0x1C148] =	vst v63  }
0x296: {  	_ =	swait.ge @!p0 [sflag:s16], $0x3200  }
0x297: {  	[sflag:s16] =	ssyncset.done @!p0 $0x0  }
0x298: {  	s22 =	rddreg [dreg:$0x9];
	[sflag:s16] =	ssyncadd.s32 @!p0 $0xFFFFCE00  }
0x299: {  	[hbm4b:s22+s17] =	stream.linear.scatter @!p0 [tilespmem:s0], [sflag:$0x2], $0x3200, $0x38;
	[tilespmem:$0x1C148] =	vst v63  }
0x29a: {  	_ =	swait.ge @!p0 [sflag:s16], $0x3200  }
0x29b: {  	[sflag:s16] =	ssyncset.done @!p0 $0x0  }
0x29c: {  	[sflag:s16] =	ssyncadd.s32 @!p0 $0xFFFFCE00  }
0x29d: {  	[tilespmem:s21], [sflag:$0x2] =	stream.linear.gather @!p0 [spmem:s30], $0x640, $0x38;
	[tilespmem:$0x1C148] =	vst v63  }
0x29e: {  	_ =	swait.ge @!p0 [sflag:s16], $0x640  }
0x29f: {  	[sflag:s16] =	ssyncset.done @!p0 $0x0  }
0x2a0: {  	s0 =	rddreg [dreg:$0xf];
	[sflag:s16] =	ssyncadd.s32 @!p0 $0xFFFFF9C0  }
0x2a1: {  	[hbm4b:s0+s17] =	stream.linear.scatter @!p0 [tilespmem:s21], [sflag:$0x2], $0x640, $0x38;
	[tilespmem:$0x1C148] =	vst v63  }
0x2a2: {  	_ =	swait.ge @!p0 [sflag:s16], $0x640  }
0x2a3: {  	s15 =	sadd.s32 $0x1, s15;
	s22 =	rddreg [dreg:$0x13]  }
0x2a4: {  	p1 =	sne.s32 s15, s22  }
.Ltmp10:
0x2a5: {  	_ = 	snop;
	(pc) =	sbr.rel @p1 .LBB2_1-.Ltmp10, $3  }
0x2a6: {  	[sflag:s16] =	ssyncset.done @!p0 $0x0  }
0x2a7: {  	[sflag:s16] =	ssyncadd.s32 @!p0 $0xFFFFF9C0  }
0x2a8: {  	[bflag:$0x0] =	sbarrier.arrive $0xFFFF;
	_ =	sdelay $0x1  }
0x2a9: {  	_ =	sfence.sel $0x180000  }
0x2aa: {  	[bflag:$0x0] =	sbarrier.arrive $0xFFFF  }
0x2ab: {  	_ =	strace $0x90000047  }
0x2ac: {  	s0 =	stileid.u32;
	[bflag:$0x2] =	sbarrier.arrive $0xFFFF  }
0x2ad: {  	p0 =	sne.s32 s0, $0x0;
	s0 =	rddreg [dreg:$0x3]  }
0x2ae: {  	s0 =	sadd.s32 @!p0 $0x100000, s0  }
0x2af: {  	[sflag:s0] =	ssyncadd.tile.s32 @!p0 $0x1;
	_ =	shalt  }
.Lfunc_end2:
_tile_overlayer_lowered:
.L_overlay_start_2:
0x2b0: {  	(tag) =	ssettag $0x2  }
0x2b1: {  	s0 =	rddreg [dreg:$0x0];
	s2 =	stileid.u32  }
0x2b2: {  	s1 =	rddreg [dreg:$0x1];
	p0 =	sne.s32 s2, $0x0  }
0x2b3: {  	s3 =	rddreg [dreg:$0x2];
	[bflag:$0x3] =	sbarrier.arrive $0xFFFF;
	s2 =	simm.s32 @!p0 $0x1C02  }
0x2b4: {  	[timem:s3], [sflag:s2] =	dma.local @!p0 [hbm:s0], s1  }
0x2b5: {  	s0 =	simm.s32 @!p0 $0x2  }
0x2b6: {  	_ =	swait.ge @!p0 [sflag:s0], s1  }
0x2b7: {  	s1 =	ssub.s32 @!p0 $0x0, s1;
	[sflag:s0] =	ssyncset.done @!p0 $0x0  }
0x2b8: {  	[sflag:s0] =	ssyncadd.s32 @!p0 s1  }
0x2b9: {  	[bflag:$0x3] =	sbarrier.arrive $0xFFFF  }
0x2ba: {  	_ =	shalt  }

</sc_bundles>
